<compile_context>
chip_gen: v7x
topology: tpu7x:2x2x1
jax: 0.10.2.dev20260603
libtpu: 0.0.44.dev20260713+nightly
codegen_flags: <defaults>
</compile_context>

<pallas_src>
import functools

import jax
import jax.numpy as jnp
from jax import lax
from jax.experimental import pallas as pl
from jax.experimental.pallas import tpu as pltpu
from jax.experimental.pallas import tpu_sc as plsc

N = 50000
E = 800000
G = 512
NPAD = 65536
ND = 51200
EPAD = 819200
EPT = EPAD // 16

_MESH = plsc.VectorSubcoreMesh(core_axis_name="c", subcore_axis_name="s")


def _fast_rsqrt(d):
    bits = lax.bitcast_convert_type(d, jnp.int32)
    y = lax.bitcast_convert_type(jnp.int32(0x5F3759DF) - (bits >> 1), jnp.float32)
    for _ in range(3):
        y = y * (1.5 - 0.5 * d * y * y)
    return y



def _deg_body(dst_hbm, dinv_hbm, degspm, zb, ones, dstbuf, stage, dinvbuf):
    c = lax.axis_index("c")
    s = lax.axis_index("s")
    on0 = c == 0

    @pl.when(on0)
    def _():
        def fz(i, carry):
            zb[pl.ds(i * 16, 16)] = jnp.zeros((16,), jnp.float32)
            return carry
        lax.fori_loop(0, 64, fz, 0)

        def fo(i, carry):
            ones[pl.ds(i * 16, 16)] = jnp.ones((16,), jnp.float32)
            return carry
        lax.fori_loop(0, 128, fo, 0)
        for j in range(4):
            pltpu.sync_copy(zb, degspm.at[pl.ds(s * 4096 + j * 1024, 1024)])

    plsc.subcore_barrier()

    @pl.when(on0)
    def _():
        base_e = s * EPT

        def blk(j, carry):
            pltpu.sync_copy(dst_hbm.at[pl.ds(base_e + j * 2048, 2048)],
                            dstbuf)
            pltpu.sync_copy(ones, degspm.at[dstbuf], add=True)
            return carry
        lax.fori_loop(0, 25, blk, 0)

    plsc.subcore_barrier()

    @pl.when(on0)
    def _():
        for g in range(5):
            base = s * 3200 + g * 640
            pltpu.sync_copy(degspm.at[pl.ds(base, 640)], stage)

            def sub(k, carry):
                ridx = k * 16 + lax.iota(jnp.int32, 16)
                deg = stage[pl.ds(k * 16, 16)] + 1.0
                y = _fast_rsqrt(deg)
                y = jnp.where(base + ridx < N, y, 0.0)
                dinvbuf[pl.ds(k * 16, 16)] = y
                return carry
            lax.fori_loop(0, 40, sub, 0)
            pltpu.sync_copy(dinvbuf, dinv_hbm.at[pl.ds(base, 640)])


_deg_kernel = functools.partial(
    pl.kernel,
    out_type=jax.ShapeDtypeStruct((ND,), jnp.float32),
    mesh=_MESH,
    scratch_types=[
        pltpu.VMEM_SHARED((NPAD,), jnp.float32),
        pltpu.VMEM((1024,), jnp.float32),
        pltpu.VMEM((2048,), jnp.float32),
        pltpu.VMEM((2048,), jnp.int32),
        pltpu.VMEM((640,), jnp.float32),
        pltpu.VMEM((640,), jnp.float32),
    ],
)(_deg_body)



def _make_agg(F, C, K, B, CAP):
    shift = C.bit_length() - 1
    bshift = B.bit_length() - 1
    cc16 = C // 16
    capb = CAP + B + 16
    nbmax = capb // B + 2

    def body(hs_hbm, src_hbm, dst_hbm, out_hbm, chunk, srcblk, dstblk,
             srcbuf, dstl2d, rows0, rows1,
             semg0, semg1, sems0, sems1):
        c = lax.axis_index("c")
        s = lax.axis_index("s")
        base_e = s * EPT

        def do_chunk(ci, carry):
            active = lax.rem(ci, 2) == c
            base_n = ci * C

            @pl.when(active)
            def _():
                pltpu.sync_copy(hs_hbm.at[pl.ds(base_n + s * cc16, cc16)],
                                chunk.at[pl.ds(s * cc16, cc16)])

            plsc.subcore_barrier()

            @pl.when(active)
            def _():
                def pf(i, cy):
                    srcbuf[pl.ds(i * 16, 16)] = jnp.zeros((16,), jnp.int32)
                    return cy
                lax.fori_loop(0, capb // 16, pf, 0)

                def pf2(i, cy):
                    dstl2d[i >> (bshift - 4), pl.ds((i * 16) & (B - 1), 16)] = (
                        jnp.full((16,), C, jnp.int32))
                    return cy
                lax.fori_loop(0, nbmax * (B // 16), pf2, 0)

                def fblk(j, cur):
                    pltpu.sync_copy(
                        src_hbm.at[pl.ds(base_e + j * 2048, 2048)], srcblk)
                    pltpu.sync_copy(
                        dst_hbm.at[pl.ds(base_e + j * 2048, 2048)], dstblk)

                    def fin(k, cur2):
                        d = dstblk[pl.ds(k * 16, 16)]
                        sv = srcblk[pl.ds(k * 16, 16)]
                        m = (d >> shift) == ci
                        mi = jnp.where(m, 1, 0)
                        tgt = cur2 + plsc.cumsum(mi) - mi
                        plsc.store_scatter(srcbuf, [tgt], sv, mask=m)
                        plsc.store_scatter(
                            dstl2d, [tgt >> bshift, tgt & (B - 1)],
                            d & (C - 1), mask=m)
                        cnt = jnp.sum(mi)
                        return jnp.minimum(cur2 + cnt, CAP)
                    return lax.fori_loop(0, 128, fin, cur)

                m_cnt = lax.fori_loop(0, 25, fblk, jnp.int32(0))
                nb = (m_cnt + (B - 1)) // B

                def issue_g(j, rows, semg):
                    pltpu.async_copy(
                        hs_hbm.at[srcbuf.at[pl.ds(j * B, B)]], rows, semg)

                def wait_g(rows, semg):
                    pltpu.make_async_copy(
                        hs_hbm.at[pl.ds(0, B)], rows, semg).wait()

                def fire(j, rows, sems):
                    pltpu.async_copy(
                        rows, chunk.at[dstl2d.at[j]], sems, add=True)

                def drain(rows, sems):
                    pltpu.make_async_copy(
                        rows, chunk.at[pl.ds(0, B)], sems).wait()

                def pair(t, cy):
                    j0 = t * 2
                    j1 = j0 + 1
                    has1 = j1 < nb

                    @pl.when(t > 0)
                    def _():
                        drain(rows0, sems0)
                    issue_g(j0, rows0, semg0)

                    @pl.when(has1)
                    def _():
                        @pl.when(t > 0)
                        def _():
                            drain(rows1, sems1)
                        issue_g(j1, rows1, semg1)
                    wait_g(rows0, semg0)
                    fire(j0, rows0, sems0)

                    @pl.when(has1)
                    def _():
                        wait_g(rows1, semg1)
                        fire(j1, rows1, sems1)
                    return cy
                lax.fori_loop(0, (nb + 1) // 2, pair, 0)

                @pl.when(nb > 0)
                def _():
                    drain(rows0, sems0)

                @pl.when(nb > 1)
                def _():
                    drain(rows1, sems1)

            plsc.subcore_barrier()

            @pl.when(active)
            def _():
                pltpu.sync_copy(chunk.at[pl.ds(s * cc16, cc16)],
                                out_hbm.at[pl.ds(base_n + s * cc16, cc16)])

            plsc.subcore_barrier()
            return carry

        lax.fori_loop(0, K, do_chunk, 0)

    return functools.partial(
        pl.kernel,
        out_type=jax.ShapeDtypeStruct((NPAD, F), jnp.float32),
        mesh=_MESH,
        compiler_params=pltpu.CompilerParams(
            needs_layout_passes=False, use_tc_tiling_on_sc=False),
        scratch_types=[
            pltpu.VMEM_SHARED((C + 16, F), jnp.float32),
            pltpu.VMEM((2048,), jnp.int32),
            pltpu.VMEM((2048,), jnp.int32),
            pltpu.VMEM((capb,), jnp.int32),
            pltpu.VMEM((nbmax, B), jnp.int32),
            pltpu.VMEM((B, F), jnp.float32),
            pltpu.VMEM((B, F), jnp.float32),
            pltpu.SemaphoreType.DMA,
            pltpu.SemaphoreType.DMA,
            pltpu.SemaphoreType.DMA,
            pltpu.SemaphoreType.DMA,
        ],
    )(body)


_agg80 = _make_agg(80, 8192, 7, 256, 10240)
_agg160 = _make_agg(160, 4096, 13, 128, 6144)
_agg320 = _make_agg(320, 2048, 25, 64, 4096)
_agg624 = _make_agg(624, 1024, 49, 64, 2048)



def _pool_body(h5_hbm, batch_hbm, g_hbm, batchv, rows, acc):
    c = lax.axis_index("c")
    s = lax.axis_index("s")
    w = s * 2 + c

    pltpu.sync_copy(batch_hbm, batchv)

    def lower_bound(tgt):
        def step(i, lohi):
            lo, hi = lohi
            mid = (lo + hi) // 2
            big = batchv[pl.ds(mid, 16)][0] >= tgt
            return (jnp.where(big, lo, mid + 1), jnp.where(big, mid, hi))
        lo, _ = lax.fori_loop(0, 16, step,
                              (jnp.int32(0), jnp.int32(N)))
        return lo

    def graph(gi, carry):
        tgt = w * 16 + gi
        sg = lower_bound(tgt)
        eg = lower_bound(tgt + 1)

        def ia(i, cy):
            acc[pl.ds(i * 16, 16)] = jnp.full((16,), -jnp.inf, jnp.float32)
            return cy
        lax.fori_loop(0, 78, ia, 0)

        nblk = (eg - sg + 31) // 32

        def bl(jb, cy):
            pltpu.sync_copy(h5_hbm.at[pl.ds(sg + jb * 32, 32)], rows)

            def rr(r, cy2):
                @pl.when(sg + jb * 32 + r < eg)
                def _():
                    def colmax(q, cy3):
                        sl = pl.ds(q * 16, 16)
                        acc[sl] = jnp.maximum(acc[sl], rows[r, sl])
                        return cy3
                    lax.fori_loop(0, 78, colmax, 0)
                return cy2
            lax.fori_loop(0, 32, rr, 0)
            return cy
        lax.fori_loop(0, nblk, bl, 0)
        pltpu.sync_copy(acc, g_hbm.at[tgt])
        return carry

    lax.fori_loop(0, 16, graph, 0)


_pool_kernel = functools.partial(
    pl.kernel,
    out_type=jax.ShapeDtypeStruct((G, 1248), jnp.float32),
    mesh=_MESH,
    compiler_params=pltpu.CompilerParams(
        needs_layout_passes=False, use_tc_tiling_on_sc=False),
    scratch_types=[
        pltpu.VMEM((50048,), jnp.int32),
        pltpu.VMEM((32, 1248), jnp.float32),
        pltpu.VMEM((1248,), jnp.float32),
    ],
)(_pool_body)



def _scale_body(x_ref, d_ref, o_ref):
    xt = x_ref[...].astype(jnp.bfloat16).astype(jnp.float32)
    o_ref[...] = xt * d_ref[...]


def _scale(x, dcol):
    f = x.shape[1]
    return pl.pallas_call(
        _scale_body,
        grid=(NPAD // 1024,),
        in_specs=[
            pl.BlockSpec((1024, f), lambda i: (i, 0)),
            pl.BlockSpec((1024, 1), lambda i: (i, 0)),
        ],
        out_specs=pl.BlockSpec((1024, f), lambda i: (i, 0)),
        out_shape=jax.ShapeDtypeStruct((NPAD, f), jnp.float32),
    )(x, dcol)


def _make_layer(fin, fout, post_scale):
    def body(a_ref, d_ref, w_ref, b_ref, o_ref):
        xa = a_ref[...] * d_ref[...]
        y = jnp.dot(xa, w_ref[...], preferred_element_type=jnp.float32,
                    precision=lax.Precision.HIGHEST)
        y = jnp.maximum(y + b_ref[...], 0.0)
        if post_scale:
            y = y.astype(jnp.bfloat16).astype(jnp.float32) * d_ref[...]
        o_ref[...] = y

    def run(agg, dcol, w, b):
        return pl.pallas_call(
            body,
            grid=(NPAD // 512,),
            in_specs=[
                pl.BlockSpec((512, fin), lambda i: (i, 0)),
                pl.BlockSpec((512, 1), lambda i: (i, 0)),
                pl.BlockSpec((fin, fout), lambda i: (0, 0)),
                pl.BlockSpec((1, fout), lambda i: (0, 0)),
            ],
            out_specs=pl.BlockSpec((512, fout), lambda i: (i, 0)),
            out_shape=jax.ShapeDtypeStruct((NPAD, fout), jnp.float32),
        )(agg, dcol, w, b)
    return run


_layer1 = _make_layer(80, 80, True)
_layer2 = _make_layer(80, 160, True)
_layer3 = _make_layer(160, 320, True)
_layer4 = _make_layer(320, 624, True)
_layer5 = _make_layer(624, 1248, False)


def _head_body(g_ref, wg1, bg1, wg2, bg2, wf1, bf1, wf2, bf2, wo, bo, o_ref):
    hp = dict(preferred_element_type=jnp.float32)
    a = jnp.maximum(jnp.dot(g_ref[...], wg1[...], **hp) + bg1[...], 0.0)
    a = jnp.dot(a, wg2[...], **hp) + bg2[...]
    a = jnp.maximum(jnp.dot(a, wf1[...], **hp) + bf1[...], 0.0)
    a = jnp.maximum(jnp.dot(a, wf2[...], **hp) + bf2[...], 0.0)
    o_ref[...] = jnp.dot(a, wo[...], **hp) + bo[...]


def _head(g, Wg1, bg1, Wg2, bg2, Wf1, bf1, Wf2, bf2, Wo, bo):
    return pl.pallas_call(
        _head_body,
        out_shape=jax.ShapeDtypeStruct((G, 1), jnp.float32),
    )(g, Wg1, bg1[None, :], Wg2, bg2[None, :], Wf1, bf1[None, :],
      Wf2, bf2[None, :], Wo, bo[None, :])



def kernel(x, edge_index, batch, T, P, W1, b1, W2, b2, W3, b3, W4, b4, W5, b5,
           Wg1, bg1, Wg2, bg2, Wf1, bf1, Wf2, bf2, Wo, bo):
    src = jnp.pad(edge_index[0], (0, EPAD - E))
    dst = jnp.pad(edge_index[1], (0, EPAD - E), constant_values=NPAD - 1)
    batch_pad = jnp.pad(batch, (0, 48), constant_values=G)

    dinv = _deg_kernel(dst)
    dcol = jnp.pad(dinv, (0, NPAD - ND))[:, None]

    def trunc(w):
        return w.astype(jnp.bfloat16).astype(jnp.float32)

    x_pad = jnp.pad(x, ((0, NPAD - N), (0, 2)))
    w1p = trunc(jnp.pad(W1, ((0, 2), (0, 2))))
    b1p = jnp.pad(b1, (0, 2))[None, :]
    w2p = trunc(jnp.pad(W2, ((0, 2), (0, 4))))
    b2p = jnp.pad(b2, (0, 4))[None, :]
    w3p = trunc(jnp.pad(W3, ((0, 4), (0, 8))))
    b3p = jnp.pad(b3, (0, 8))[None, :]
    w4p = trunc(jnp.pad(W4, ((0, 8), (0, 0))))
    b4p = b4[None, :]

    hs = _scale(x_pad, dcol)
    hs = _layer1(_agg80(hs, src, dst), dcol, w1p, b1p)
    hs = _layer2(_agg80(hs, src, dst), dcol, w2p, b2p)
    hs = _layer3(_agg160(hs, src, dst), dcol, w3p, b3p)
    hs = _layer4(_agg320(hs, src, dst), dcol, w4p, b4p)
    h5 = _layer5(_agg624(hs, src, dst), dcol, trunc(W5), b5[None, :])

    g = _pool_kernel(h5, batch_pad)
    return _head(g, Wg1, bg1, Wg2, bg2, Wf1, bf1, Wf2, bf2, Wo, bo)

# --- scband reference (transcript-rebuilt; emitter-appended) ---
"""Pipeline reference for scband-gcnnet-12137577579000 (READ-ONLY COPY).

The authoritative reference and input builder live on the scoring server;
editing this copy changes nothing except your own understanding.
"""

import jax, jax.numpy as jnp
import numpy as np

N = 50000
E = 800000
G = 512

def _glorot(key, fan_in, fan_out):
    lim = np.sqrt(6.0 / (fan_in + fan_out))
    return jax.random.uniform(key, (fan_in, fan_out), jnp.float32, -lim, lim)

def setup_inputs(seed: int = 0):
    key = jax.random.key(seed)
    ks = jax.random.split(key, 24)
    inp = {}
    inp['x'] = jax.random.normal(ks[0], (N, 78), jnp.float32)
    inp['edge_index'] = jax.random.randint(ks[1], (2, E), 0, N)
    inp['batch'] = jnp.sort(jax.random.randint(ks[2], (N,), 0, G))
    inp['T'] = jax.random.normal(ks[3], (G,), jnp.float32)
    inp['P'] = jax.random.normal(ks[4], (G,), jnp.float32)
    dims = [(78, 78), (78, 156), (156, 312), (312, 624), (624, 1248)]
    for i, (fi, fo) in enumerate(dims):
        inp['W%d' % (i + 1)] = _glorot(ks[5 + i], fi, fo)
        inp['b%d' % (i + 1)] = jnp.zeros((fo,), jnp.float32)
    inp['Wg1'] = _glorot(ks[10], 1248, 1024)
    inp['bg1'] = jnp.zeros((1024,), jnp.float32)
    inp['Wg2'] = _glorot(ks[11], 1024, 128)
    inp['bg2'] = jnp.zeros((128,), jnp.float32)
    inp['Wf1'] = _glorot(ks[12], 128, 1024)
    inp['bf1'] = jnp.zeros((1024,), jnp.float32)
    inp['Wf2'] = _glorot(ks[13], 1024, 512)
    inp['bf2'] = jnp.zeros((512,), jnp.float32)
    inp['Wo'] = _glorot(ks[14], 512, 1)
    inp['bo'] = jnp.zeros((1,), jnp.float32)
    return inp

def _gcn_conv(x, src, dst, W, b):
    n = x.shape[0]
    loop = jnp.arange(n, dtype=src.dtype)
    s = jnp.concatenate([src, loop])
    d = jnp.concatenate([dst, loop])
    h = x @ W
    deg = jax.ops.segment_sum(jnp.ones_like(d, dtype=h.dtype), d, num_segments=n)
    dinv = jnp.where(deg > 0, jax.lax.rsqrt(deg), 0.0)
    norm = dinv[s] * dinv[d]
    msg = h[s] * norm[:, None]
    out = jax.ops.segment_sum(msg, d, num_segments=n)
    return out + b

def reference(x, edge_index, batch, T, P, W1, b1, W2, b2, W3, b3, W4, b4, W5, b5, Wg1, bg1, Wg2, bg2, Wf1, bf1, Wf2, bf2, Wo, bo):
    src, dst = edge_index[0], edge_index[1]
    t = T[:, None]
    p = P[:, None]
    h = jax.nn.relu(_gcn_conv(x, src, dst, W1, b1))
    h = jax.nn.relu(_gcn_conv(h, src, dst, W2, b2))
    h = jax.nn.relu(_gcn_conv(h, src, dst, W3, b3))
    h = jax.nn.relu(_gcn_conv(h, src, dst, W4, b4))
    h = jax.nn.relu(_gcn_conv(h, src, dst, W5, b5))
    g = jax.ops.segment_max(h, batch, num_segments=G)
    g = jax.nn.relu(g @ Wg1 + bg1)
    g = g @ Wg2 + bg2
    xc = jax.nn.relu(g @ Wf1 + bf1)
    xc = jax.nn.relu(xc @ Wf2 + bf2)
    out = xc @ Wo + bo
    return out

if __name__ == "__main__":
    import jax
    _d = setup_inputs()
    print(jax.jit(kernel)(*tuple(_d.values())))

</pallas_src>

<mosaic_0001>
#map = affine_map<(d0, d1) -> (0)>
module attributes {stable_mosaic.version = 14 : i64} {
  func.func @_deg_body(%arg0: i32, %arg1: i32, %arg2: memref<819200xi32, #tpu.memory_space<hbm>>, %arg3: memref<51200xf32, #tpu.memory_space<hbm>>, %arg4: memref<65536xf32, #tpu.memory_space<vmem_shared>>, %arg5: memref<1024xf32, #tpu.memory_space<vmem>>, %arg6: memref<2048xf32, #tpu.memory_space<vmem>>, %arg7: memref<2048xi32, #tpu.memory_space<vmem>>, %arg8: memref<640xf32, #tpu.memory_space<vmem>>, %arg9: memref<640xf32, #tpu.memory_space<vmem>>) attributes {dimension_semantics = [#tpu.dimension_semantics<core_parallel>, #tpu.dimension_semantics<subcore_parallel>], iteration_bounds = array<i64: 2, 16>, scalar_prefetch = 0 : i64, scratch_operands = 6 : i64, tpu.core_type = #tpu.core_type<sc_vector_subcore>, window_params = [{transform_indices = #map}, {transform_indices = #map}]} {
    %eq3A = arith.constant 0 : i32
    %eq3A_0 = arith.cmpi eq, %arg0, %eq3A : i32
    %convert_element_type3A = arith.extui %eq3A_0 : i1 to i32
    %cond3A = arith.constant 0 : i32
    %cond3A_1 = arith.cmpi ne, %convert_element_type3A, %cond3A : i32
    scf.if %cond3A_1 {
      %scan3A = arith.constant 0 : i32
      %scan3A_9 = arith.constant 0 : i32
      %scan3A_10 = arith.constant 64 : i32
      %scan3A_11 = arith.addi %scan3A_9, %scan3A_10 : i32
      %scan3A_12 = arith.constant 1 : i32
      scf.for %scan3A_34 = %scan3A_9 to %scan3A_11 step %scan3A_12  : i32 {
        %broadcast_in_dim3A = arith.constant 0.000000e+00 : f32
        %broadcast_in_dim3A_35 = vector.broadcast %broadcast_in_dim3A : f32 to vector<16xf32>
        %mul3A_36 = arith.constant 16 : i32
        %mul3A_37 = arith.muli %scan3A_34, %mul3A_36 : i32
        %swap3A = arith.index_cast %mul3A_37 : i32 to index
        %swap3A_38 = tpu.vector_load %arg5[%swap3A] {strides = array<i32>} : memref<1024xf32, #tpu.memory_space<vmem>>, vector<16xf32>,
        %swap3A_39 = vector.shape_cast %swap3A_38 : vector<16xf32> to vector<16xf32>
        %swap3A_40 = vector.shape_cast %broadcast_in_dim3A_35 : vector<16xf32> to vector<16xf32>
        tpu.vector_store %arg5[%swap3A], %swap3A_40 {strides = array<i32>} : memref<1024xf32, #tpu.memory_space<vmem>>, vector<16xf32>,
      }
      %scan3A_13 = arith.constant 64 : i32
      %scan3A_14 = arith.constant 0 : i32
      %scan3A_15 = arith.constant 0 : i32
      %scan3A_16 = arith.constant 128 : i32
      %scan3A_17 = arith.addi %scan3A_15, %scan3A_16 : i32
      %scan3A_18 = arith.constant 1 : i32
      scf.for %scan3A_34 = %scan3A_15 to %scan3A_17 step %scan3A_18  : i32 {
        %broadcast_in_dim3A = arith.constant 1.000000e+00 : f32
        %broadcast_in_dim3A_35 = vector.broadcast %broadcast_in_dim3A : f32 to vector<16xf32>
        %mul3A_36 = arith.constant 16 : i32
        %mul3A_37 = arith.muli %scan3A_34, %mul3A_36 : i32
        %swap3A = arith.index_cast %mul3A_37 : i32 to index
        %swap3A_38 = tpu.vector_load %arg6[%swap3A] {strides = array<i32>} : memref<2048xf32, #tpu.memory_space<vmem>>, vector<16xf32>,
        %swap3A_39 = vector.shape_cast %swap3A_38 : vector<16xf32> to vector<16xf32>
        %swap3A_40 = vector.shape_cast %broadcast_in_dim3A_35 : vector<16xf32> to vector<16xf32>
        tpu.vector_store %arg6[%swap3A], %swap3A_40 {strides = array<i32>} : memref<2048xf32, #tpu.memory_space<vmem>>, vector<16xf32>,
      }
      %scan3A_19 = arith.constant 128 : i32
      %mul3A = arith.constant 4096 : i32
      %mul3A_20 = arith.muli %arg1, %mul3A : i32
      %add3A = arith.constant 0 : i32
      %add3A_21 = arith.addi %mul3A_20, %add3A : i32
      "tpu.region"() ({
        %run_scoped3A = tpu.sem_alloc : memref<!tpu.dma_semaphore, #tpu.memory_space<semaphore_mem>>
        %dma_start3A = tpu.memref_slice %arg4[%add3A_21] : memref<65536xf32, #tpu.memory_space<vmem_shared>> -> memref<1024xf32, #tpu.memory_space<vmem_shared>>
        %dma_start3A_34 = tpu.memref_slice %arg4[%add3A_21] : memref<65536xf32, #tpu.memory_space<vmem_shared>> -> memref<1024xf32, #tpu.memory_space<vmem_shared>>
        tpu.enqueue_dma source(%arg5 : memref<1024xf32, #tpu.memory_space<vmem>>) target(%dma_start3A_34 : memref<1024xf32, #tpu.memory_space<vmem_shared>>) target_semaphore(%run_scoped3A : memref<!tpu.dma_semaphore, #tpu.memory_space<semaphore_mem>>)
        %dma_wait3A = tpu.memref_slice %arg4[%add3A_21] : memref<65536xf32, #tpu.memory_space<vmem_shared>> -> memref<1024xf32, #tpu.memory_space<vmem_shared>>
        %dma_wait3A_35 = tpu.memref_slice %arg4[%add3A_21] : memref<65536xf32, #tpu.memory_space<vmem_shared>> -> memref<1024xf32, #tpu.memory_space<vmem_shared>>
        tpu.wait_dma2 semaphore(%run_scoped3A : memref<!tpu.dma_semaphore, #tpu.memory_space<semaphore_mem>>) src(%arg5 : memref<1024xf32, #tpu.memory_space<vmem>>) dst(%dma_wait3A_35 : memref<1024xf32, #tpu.memory_space<vmem_shared>>)
        tpu.yield
      }) : () -> ()
      %mul3A_22 = arith.constant 4096 : i32
      %mul3A_23 = arith.muli %arg1, %mul3A_22 : i32
      %add3A_24 = arith.constant 1024 : i32
      %add3A_25 = arith.addi %mul3A_23, %add3A_24 : i32
      "tpu.region"() ({
        %run_scoped3A = tpu.sem_alloc : memref<!tpu.dma_semaphore, #tpu.memory_space<semaphore_mem>>
        %dma_start3A = tpu.memref_slice %arg4[%add3A_25] : memref<65536xf32, #tpu.memory_space<vmem_shared>> -> memref<1024xf32, #tpu.memory_space<vmem_shared>>
        %dma_start3A_34 = tpu.memref_slice %arg4[%add3A_25] : memref<65536xf32, #tpu.memory_space<vmem_shared>> -> memref<1024xf32, #tpu.memory_space<vmem_shared>>
        tpu.enqueue_dma source(%arg5 : memref<1024xf32, #tpu.memory_space<vmem>>) target(%dma_start3A_34 : memref<1024xf32, #tpu.memory_space<vmem_shared>>) target_semaphore(%run_scoped3A : memref<!tpu.dma_semaphore, #tpu.memory_space<semaphore_mem>>)
        %dma_wait3A = tpu.memref_slice %arg4[%add3A_25] : memref<65536xf32, #tpu.memory_space<vmem_shared>> -> memref<1024xf32, #tpu.memory_space<vmem_shared>>
        %dma_wait3A_35 = tpu.memref_slice %arg4[%add3A_25] : memref<65536xf32, #tpu.memory_space<vmem_shared>> -> memref<1024xf32, #tpu.memory_space<vmem_shared>>
        tpu.wait_dma2 semaphore(%run_scoped3A : memref<!tpu.dma_semaphore, #tpu.memory_space<semaphore_mem>>) src(%arg5 : memref<1024xf32, #tpu.memory_space<vmem>>) dst(%dma_wait3A_35 : memref<1024xf32, #tpu.memory_space<vmem_shared>>)
        tpu.yield
      }) : () -> ()
      %mul3A_26 = arith.constant 4096 : i32
      %mul3A_27 = arith.muli %arg1, %mul3A_26 : i32
      %add3A_28 = arith.constant 2048 : i32
      %add3A_29 = arith.addi %mul3A_27, %add3A_28 : i32
      "tpu.region"() ({
        %run_scoped3A = tpu.sem_alloc : memref<!tpu.dma_semaphore, #tpu.memory_space<semaphore_mem>>
        %dma_start3A = tpu.memref_slice %arg4[%add3A_29] : memref<65536xf32, #tpu.memory_space<vmem_shared>> -> memref<1024xf32, #tpu.memory_space<vmem_shared>>
        %dma_start3A_34 = tpu.memref_slice %arg4[%add3A_29] : memref<65536xf32, #tpu.memory_space<vmem_shared>> -> memref<1024xf32, #tpu.memory_space<vmem_shared>>
        tpu.enqueue_dma source(%arg5 : memref<1024xf32, #tpu.memory_space<vmem>>) target(%dma_start3A_34 : memref<1024xf32, #tpu.memory_space<vmem_shared>>) target_semaphore(%run_scoped3A : memref<!tpu.dma_semaphore, #tpu.memory_space<semaphore_mem>>)
        %dma_wait3A = tpu.memref_slice %arg4[%add3A_29] : memref<65536xf32, #tpu.memory_space<vmem_shared>> -> memref<1024xf32, #tpu.memory_space<vmem_shared>>
        %dma_wait3A_35 = tpu.memref_slice %arg4[%add3A_29] : memref<65536xf32, #tpu.memory_space<vmem_shared>> -> memref<1024xf32, #tpu.memory_space<vmem_shared>>
        tpu.wait_dma2 semaphore(%run_scoped3A : memref<!tpu.dma_semaphore, #tpu.memory_space<semaphore_mem>>) src(%arg5 : memref<1024xf32, #tpu.memory_space<vmem>>) dst(%dma_wait3A_35 : memref<1024xf32, #tpu.memory_space<vmem_shared>>)
        tpu.yield
      }) : () -> ()
      %mul3A_30 = arith.constant 4096 : i32
      %mul3A_31 = arith.muli %arg1, %mul3A_30 : i32
      %add3A_32 = arith.constant 3072 : i32
      %add3A_33 = arith.addi %mul3A_31, %add3A_32 : i32
      "tpu.region"() ({
        %run_scoped3A = tpu.sem_alloc : memref<!tpu.dma_semaphore, #tpu.memory_space<semaphore_mem>>
        %dma_start3A = tpu.memref_slice %arg4[%add3A_33] : memref<65536xf32, #tpu.memory_space<vmem_shared>> -> memref<1024xf32, #tpu.memory_space<vmem_shared>>
        %dma_start3A_34 = tpu.memref_slice %arg4[%add3A_33] : memref<65536xf32, #tpu.memory_space<vmem_shared>> -> memref<1024xf32, #tpu.memory_space<vmem_shared>>
        tpu.enqueue_dma source(%arg5 : memref<1024xf32, #tpu.memory_space<vmem>>) target(%dma_start3A_34 : memref<1024xf32, #tpu.memory_space<vmem_shared>>) target_semaphore(%run_scoped3A : memref<!tpu.dma_semaphore, #tpu.memory_space<semaphore_mem>>)
        %dma_wait3A = tpu.memref_slice %arg4[%add3A_33] : memref<65536xf32, #tpu.memory_space<vmem_shared>> -> memref<1024xf32, #tpu.memory_space<vmem_shared>>
        %dma_wait3A_35 = tpu.memref_slice %arg4[%add3A_33] : memref<65536xf32, #tpu.memory_space<vmem_shared>> -> memref<1024xf32, #tpu.memory_space<vmem_shared>>
        tpu.wait_dma2 semaphore(%run_scoped3A : memref<!tpu.dma_semaphore, #tpu.memory_space<semaphore_mem>>) src(%arg5 : memref<1024xf32, #tpu.memory_space<vmem>>) dst(%dma_wait3A_35 : memref<1024xf32, #tpu.memory_space<vmem_shared>>)
        tpu.yield
      }) : () -> ()
    } else {
    }
    %barrier3A = arith.constant 0 : index
    tpu.barrier barrier_id(%barrier3A)
    %convert_element_type3A_2 = arith.extui %eq3A_0 : i1 to i32
    %cond3A_3 = arith.constant 0 : i32
    %cond3A_4 = arith.cmpi ne, %convert_element_type3A_2, %cond3A_3 : i32
    scf.if %cond3A_4 {
      %mul3A = arith.constant 51200 : i32
      %mul3A_9 = arith.muli %arg1, %mul3A : i32
      %scan3A = arith.constant 0 : i32
      %scan3A_10 = arith.constant 0 : i32
      %scan3A_11 = arith.constant 25 : i32
      %scan3A_12 = arith.addi %scan3A_10, %scan3A_11 : i32
      %scan3A_13 = arith.constant 1 : i32
      scf.for %scan3A_15 = %scan3A_10 to %scan3A_12 step %scan3A_13  : i32 {
        %mul3A_16 = arith.constant 2048 : i32
        %mul3A_17 = arith.muli %scan3A_15, %mul3A_16 : i32
        %add3A = arith.addi %mul3A_9, %mul3A_17 : i32
        "tpu.region"() ({
          %run_scoped3A = tpu.sem_alloc : memref<!tpu.dma_semaphore, #tpu.memory_space<semaphore_mem>>
          %dma_start3A = tpu.memref_slice %arg2[%add3A] : memref<819200xi32, #tpu.memory_space<hbm>> -> memref<2048xi32, #tpu.memory_space<hbm>>
          %dma_start3A_18 = tpu.memref_slice %arg2[%add3A] : memref<819200xi32, #tpu.memory_space<hbm>> -> memref<2048xi32, #tpu.memory_space<hbm>>
          tpu.enqueue_dma source(%dma_start3A_18 : memref<2048xi32, #tpu.memory_space<hbm>>) target(%arg7 : memref<2048xi32, #tpu.memory_space<vmem>>) target_semaphore(%run_scoped3A : memref<!tpu.dma_semaphore, #tpu.memory_space<semaphore_mem>>)
          %dma_wait3A = tpu.memref_slice %arg2[%add3A] : memref<819200xi32, #tpu.memory_space<hbm>> -> memref<2048xi32, #tpu.memory_space<hbm>>
          %dma_wait3A_19 = tpu.memref_slice %arg2[%add3A] : memref<819200xi32, #tpu.memory_space<hbm>> -> memref<2048xi32, #tpu.memory_space<hbm>>
          tpu.wait_dma2 semaphore(%run_scoped3A : memref<!tpu.dma_semaphore, #tpu.memory_space<semaphore_mem>>) src(%dma_wait3A_19 : memref<2048xi32, #tpu.memory_space<hbm>>) dst(%arg7 : memref<2048xi32, #tpu.memory_space<vmem>>)
          tpu.yield
        }) : () -> ()
        "tpu.region"() ({
          %run_scoped3A = tpu.sem_alloc : memref<!tpu.dma_semaphore, #tpu.memory_space<semaphore_mem>>
          %dma_start3A = arith.constant 0 : i32
          %dma_start3A_18 = tpu.memref_slice %arg4[%dma_start3A] : memref<65536xf32, #tpu.memory_space<vmem_shared>> -> memref<65536xf32, #tpu.memory_space<vmem_shared>>
          tpu.enqueue_indirect_dma source(%arg6 : memref<2048xf32, #tpu.memory_space<vmem>>) target(%dma_start3A_18 : memref<65536xf32, #tpu.memory_space<vmem_shared>>) offsets(%arg7 : memref<2048xi32, #tpu.memory_space<vmem>>) semaphore(%run_scoped3A : memref<!tpu.dma_semaphore, #tpu.memory_space<semaphore_mem>>) {add = true}
          %dma_wait3A = arith.constant 0 : i32
          %dma_wait3A_19 = tpu.memref_slice %arg4[%dma_wait3A] : memref<65536xf32, #tpu.memory_space<vmem_shared>> -> memref<65536xf32, #tpu.memory_space<vmem_shared>>
          tpu.wait_indirect_dma semaphore(%run_scoped3A : memref<!tpu.dma_semaphore, #tpu.memory_space<semaphore_mem>>) src(%arg6 : memref<2048xf32, #tpu.memory_space<vmem>>) dst(%dma_wait3A_19 : memref<65536xf32, #tpu.memory_space<vmem_shared>>)
          tpu.yield
        }) : () -> ()
      }
      %scan3A_14 = arith.constant 25 : i32
    } else {
    }
    %barrier3A_5 = arith.constant 0 : index
    tpu.barrier barrier_id(%barrier3A_5)
    %convert_element_type3A_6 = arith.extui %eq3A_0 : i1 to i32
    %cond3A_7 = arith.constant 0 : i32
    %cond3A_8 = arith.cmpi ne, %convert_element_type3A_6, %cond3A_7 : i32
    scf.if %cond3A_8 {
      %mul3A = arith.constant 3200 : i32
      %mul3A_9 = arith.muli %arg1, %mul3A : i32
      %add3A = arith.constant 0 : i32
      %add3A_10 = arith.addi %mul3A_9, %add3A : i32
      "tpu.region"() ({
        %run_scoped3A = tpu.sem_alloc : memref<!tpu.dma_semaphore, #tpu.memory_space<semaphore_mem>>
        %dma_start3A = tpu.memref_slice %arg4[%add3A_10] : memref<65536xf32, #tpu.memory_space<vmem_shared>> -> memref<640xf32, #tpu.memory_space<vmem_shared>>
        %dma_start3A_56 = tpu.memref_slice %arg4[%add3A_10] : memref<65536xf32, #tpu.memory_space<vmem_shared>> -> memref<640xf32, #tpu.memory_space<vmem_shared>>
        tpu.enqueue_dma source(%dma_start3A_56 : memref<640xf32, #tpu.memory_space<vmem_shared>>) target(%arg8 : memref<640xf32, #tpu.memory_space<vmem>>) target_semaphore(%run_scoped3A : memref<!tpu.dma_semaphore, #tpu.memory_space<semaphore_mem>>)
        %dma_wait3A = tpu.memref_slice %arg4[%add3A_10] : memref<65536xf32, #tpu.memory_space<vmem_shared>> -> memref<640xf32, #tpu.memory_space<vmem_shared>>
        %dma_wait3A_57 = tpu.memref_slice %arg4[%add3A_10] : memref<65536xf32, #tpu.memory_space<vmem_shared>> -> memref<640xf32, #tpu.memory_space<vmem_shared>>
        tpu.wait_dma2 semaphore(%run_scoped3A : memref<!tpu.dma_semaphore, #tpu.memory_space<semaphore_mem>>) src(%dma_wait3A_57 : memref<640xf32, #tpu.memory_space<vmem_shared>>) dst(%arg8 : memref<640xf32, #tpu.memory_space<vmem>>)
        tpu.yield
      }) : () -> ()
      %scan3A = arith.constant 0 : i32
      %scan3A_11 = arith.constant 0 : i32
      %scan3A_12 = arith.constant 40 : i32
      %scan3A_13 = arith.addi %scan3A_11, %scan3A_12 : i32
      %scan3A_14 = arith.constant 1 : i32
      scf.for %scan3A_56 = %scan3A_11 to %scan3A_13 step %scan3A_14  : i32 {
        %mul3A_57 = arith.constant 16 : i32
        %mul3A_58 = arith.muli %scan3A_56, %mul3A_57 : i32
        %iota3A = tpu.iota {dimensions = array<i32: 0>} : vector<16xi32>
        %add3A_59 = vector.broadcast %mul3A_58 : i32 to vector<16xi32>
        %add3A_60 = arith.addi %add3A_59, %iota3A : vector<16xi32>
        %mul3A_61 = arith.constant 16 : i32
        %mul3A_62 = arith.muli %scan3A_56, %mul3A_61 : i32
        %get3A = arith.index_cast %mul3A_62 : i32 to index
        %get3A_63 = tpu.vector_load %arg8[%get3A] {strides = array<i32>} : memref<640xf32, #tpu.memory_space<vmem>>, vector<16xf32>,
        %get3A_64 = vector.shape_cast %get3A_63 : vector<16xf32> to vector<16xf32>
        %add3A_65 = arith.constant 1.000000e+00 : f32
        %add3A_66 = vector.broadcast %add3A_65 : f32 to vector<16xf32>
        %add3A_67 = arith.addf %get3A_64, %add3A_66 : vector<16xf32>
        %bitcast_convert_type3A = tpu.bitcast %add3A_67 : vector<16xf32> -> vector<16xi32>
        %shift_right_arithmetic3A = arith.constant 1 : i32
        %shift_right_arithmetic3A_68 = vector.broadcast %shift_right_arithmetic3A : i32 to vector<16xi32>
        %shift_right_arithmetic3A_69 = arith.shrsi %bitcast_convert_type3A, %shift_right_arithmetic3A_68 : vector<16xi32>
        %sub3A = arith.constant 1597463007 : i32
        %sub3A_70 = vector.broadcast %sub3A : i32 to vector<16xi32>
        %sub3A_71 = arith.subi %sub3A_70, %shift_right_arithmetic3A_69 : vector<16xi32>
        %bitcast_convert_type3A_72 = tpu.bitcast %sub3A_71 : vector<16xi32> -> vector<16xf32>
        %mul3A_73 = arith.constant 5.000000e-01 : f32
        %mul3A_74 = vector.broadcast %mul3A_73 : f32 to vector<16xf32>
        %mul3A_75 = arith.mulf %mul3A_74, %add3A_67 : vector<16xf32>
        %mul3A_76 = arith.mulf %mul3A_75, %bitcast_convert_type3A_72 : vector<16xf32>
        %mul3A_77 = arith.mulf %mul3A_76, %bitcast_convert_type3A_72 : vector<16xf32>
        %sub3A_78 = arith.constant 1.500000e+00 : f32
        %sub3A_79 = vector.broadcast %sub3A_78 : f32 to vector<16xf32>
        %sub3A_80 = arith.subf %sub3A_79, %mul3A_77 : vector<16xf32>
        %mul3A_81 = arith.mulf %bitcast_convert_type3A_72, %sub3A_80 : vector<16xf32>
        %mul3A_82 = arith.constant 5.000000e-01 : f32
        %mul3A_83 = vector.broadcast %mul3A_82 : f32 to vector<16xf32>
        %mul3A_84 = arith.mulf %mul3A_83, %add3A_67 : vector<16xf32>
        %mul3A_85 = arith.mulf %mul3A_84, %mul3A_81 : vector<16xf32>
        %mul3A_86 = arith.mulf %mul3A_85, %mul3A_81 : vector<16xf32>
        %sub3A_87 = arith.constant 1.500000e+00 : f32
        %sub3A_88 = vector.broadcast %sub3A_87 : f32 to vector<16xf32>
        %sub3A_89 = arith.subf %sub3A_88, %mul3A_86 : vector<16xf32>
        %mul3A_90 = arith.mulf %mul3A_81, %sub3A_89 : vector<16xf32>
        %mul3A_91 = arith.constant 5.000000e-01 : f32
        %mul3A_92 = vector.broadcast %mul3A_91 : f32 to vector<16xf32>
        %mul3A_93 = arith.mulf %mul3A_92, %add3A_67 : vector<16xf32>
        %mul3A_94 = arith.mulf %mul3A_93, %mul3A_90 : vector<16xf32>
        %mul3A_95 = arith.mulf %mul3A_94, %mul3A_90 : vector<16xf32>
        %sub3A_96 = arith.constant 1.500000e+00 : f32
        %sub3A_97 = vector.broadcast %sub3A_96 : f32 to vector<16xf32>
        %sub3A_98 = arith.subf %sub3A_97, %mul3A_95 : vector<16xf32>
        %mul3A_99 = arith.mulf %mul3A_90, %sub3A_98 : vector<16xf32>
        %add3A_100 = vector.broadcast %add3A_10 : i32 to vector<16xi32>
        %add3A_101 = arith.addi %add3A_100, %add3A_60 : vector<16xi32>
        %lt3A = arith.constant 50000 : i32
        %lt3A_102 = vector.broadcast %lt3A : i32 to vector<16xi32>
        %lt3A_103 = arith.cmpi slt, %add3A_101, %lt3A_102 : vector<16xi32>
        %jit3A = arith.constant 0.000000e+00 : f32
        %broadcast_in_dim3A = vector.broadcast %jit3A : f32 to vector<16xf32>
        %select_n3A = arith.select %lt3A_103, %mul3A_99, %broadcast_in_dim3A : vector<16xi1>, vector<16xf32>
        %mul3A_104 = arith.constant 16 : i32
        %mul3A_105 = arith.muli %scan3A_56, %mul3A_104 : i32
        %swap3A = arith.index_cast %mul3A_105 : i32 to index
        %swap3A_106 = tpu.vector_load %arg9[%swap3A] {strides = array<i32>} : memref<640xf32, #tpu.memory_space<vmem>>, vector<16xf32>,
        %swap3A_107 = vector.shape_cast %swap3A_106 : vector<16xf32> to vector<16xf32>
        %swap3A_108 = vector.shape_cast %select_n3A : vector<16xf32> to vector<16xf32>
        tpu.vector_store %arg9[%swap3A], %swap3A_108 {strides = array<i32>} : memref<640xf32, #tpu.memory_space<vmem>>, vector<16xf32>,
      }
      %scan3A_15 = arith.constant 40 : i32
      "tpu.region"() ({
        %run_scoped3A = tpu.sem_alloc : memref<!tpu.dma_semaphore, #tpu.memory_space<semaphore_mem>>
        %dma_start3A = tpu.memref_slice %arg3[%add3A_10] : memref<51200xf32, #tpu.memory_space<hbm>> -> memref<640xf32, #tpu.memory_space<hbm>>
        %dma_start3A_56 = tpu.memref_slice %arg3[%add3A_10] : memref<51200xf32, #tpu.memory_space<hbm>> -> memref<640xf32, #tpu.memory_space<hbm>>
        tpu.enqueue_dma source(%arg9 : memref<640xf32, #tpu.memory_space<vmem>>) target(%dma_start3A_56 : memref<640xf32, #tpu.memory_space<hbm>>) target_semaphore(%run_scoped3A : memref<!tpu.dma_semaphore, #tpu.memory_space<semaphore_mem>>)
        %dma_wait3A = tpu.memref_slice %arg3[%add3A_10] : memref<51200xf32, #tpu.memory_space<hbm>> -> memref<640xf32, #tpu.memory_space<hbm>>
        %dma_wait3A_57 = tpu.memref_slice %arg3[%add3A_10] : memref<51200xf32, #tpu.memory_space<hbm>> -> memref<640xf32, #tpu.memory_space<hbm>>
        tpu.wait_dma2 semaphore(%run_scoped3A : memref<!tpu.dma_semaphore, #tpu.memory_space<semaphore_mem>>) src(%arg9 : memref<640xf32, #tpu.memory_space<vmem>>) dst(%dma_wait3A_57 : memref<640xf32, #tpu.memory_space<hbm>>)
        tpu.yield
      }) : () -> ()
      %mul3A_16 = arith.constant 3200 : i32
      %mul3A_17 = arith.muli %arg1, %mul3A_16 : i32
      %add3A_18 = arith.constant 640 : i32
      %add3A_19 = arith.addi %mul3A_17, %add3A_18 : i32
      "tpu.region"() ({
        %run_scoped3A = tpu.sem_alloc : memref<!tpu.dma_semaphore, #tpu.memory_space<semaphore_mem>>
        %dma_start3A = tpu.memref_slice %arg4[%add3A_19] : memref<65536xf32, #tpu.memory_space<vmem_shared>> -> memref<640xf32, #tpu.memory_space<vmem_shared>>
        %dma_start3A_56 = tpu.memref_slice %arg4[%add3A_19] : memref<65536xf32, #tpu.memory_space<vmem_shared>> -> memref<640xf32, #tpu.memory_space<vmem_shared>>
        tpu.enqueue_dma source(%dma_start3A_56 : memref<640xf32, #tpu.memory_space<vmem_shared>>) target(%arg8 : memref<640xf32, #tpu.memory_space<vmem>>) target_semaphore(%run_scoped3A : memref<!tpu.dma_semaphore, #tpu.memory_space<semaphore_mem>>)
        %dma_wait3A = tpu.memref_slice %arg4[%add3A_19] : memref<65536xf32, #tpu.memory_space<vmem_shared>> -> memref<640xf32, #tpu.memory_space<vmem_shared>>
        %dma_wait3A_57 = tpu.memref_slice %arg4[%add3A_19] : memref<65536xf32, #tpu.memory_space<vmem_shared>> -> memref<640xf32, #tpu.memory_space<vmem_shared>>
        tpu.wait_dma2 semaphore(%run_scoped3A : memref<!tpu.dma_semaphore, #tpu.memory_space<semaphore_mem>>) src(%dma_wait3A_57 : memref<640xf32, #tpu.memory_space<vmem_shared>>) dst(%arg8 : memref<640xf32, #tpu.memory_space<vmem>>)
        tpu.yield
      }) : () -> ()
      %scan3A_20 = arith.constant 0 : i32
      %scan3A_21 = arith.constant 0 : i32
      %scan3A_22 = arith.constant 40 : i32
      %scan3A_23 = arith.addi %scan3A_21, %scan3A_22 : i32
      %scan3A_24 = arith.constant 1 : i32
      scf.for %scan3A_56 = %scan3A_21 to %scan3A_23 step %scan3A_24  : i32 {
        %mul3A_57 = arith.constant 16 : i32
        %mul3A_58 = arith.muli %scan3A_56, %mul3A_57 : i32
        %iota3A = tpu.iota {dimensions = array<i32: 0>} : vector<16xi32>
        %add3A_59 = vector.broadcast %mul3A_58 : i32 to vector<16xi32>
        %add3A_60 = arith.addi %add3A_59, %iota3A : vector<16xi32>
        %mul3A_61 = arith.constant 16 : i32
        %mul3A_62 = arith.muli %scan3A_56, %mul3A_61 : i32
        %get3A = arith.index_cast %mul3A_62 : i32 to index
        %get3A_63 = tpu.vector_load %arg8[%get3A] {strides = array<i32>} : memref<640xf32, #tpu.memory_space<vmem>>, vector<16xf32>,
        %get3A_64 = vector.shape_cast %get3A_63 : vector<16xf32> to vector<16xf32>
        %add3A_65 = arith.constant 1.000000e+00 : f32
        %add3A_66 = vector.broadcast %add3A_65 : f32 to vector<16xf32>
        %add3A_67 = arith.addf %get3A_64, %add3A_66 : vector<16xf32>
        %bitcast_convert_type3A = tpu.bitcast %add3A_67 : vector<16xf32> -> vector<16xi32>
        %shift_right_arithmetic3A = arith.constant 1 : i32
        %shift_right_arithmetic3A_68 = vector.broadcast %shift_right_arithmetic3A : i32 to vector<16xi32>
        %shift_right_arithmetic3A_69 = arith.shrsi %bitcast_convert_type3A, %shift_right_arithmetic3A_68 : vector<16xi32>
        %sub3A = arith.constant 1597463007 : i32
        %sub3A_70 = vector.broadcast %sub3A : i32 to vector<16xi32>
        %sub3A_71 = arith.subi %sub3A_70, %shift_right_arithmetic3A_69 : vector<16xi32>
        %bitcast_convert_type3A_72 = tpu.bitcast %sub3A_71 : vector<16xi32> -> vector<16xf32>
        %mul3A_73 = arith.constant 5.000000e-01 : f32
        %mul3A_74 = vector.broadcast %mul3A_73 : f32 to vector<16xf32>
        %mul3A_75 = arith.mulf %mul3A_74, %add3A_67 : vector<16xf32>
        %mul3A_76 = arith.mulf %mul3A_75, %bitcast_convert_type3A_72 : vector<16xf32>
        %mul3A_77 = arith.mulf %mul3A_76, %bitcast_convert_type3A_72 : vector<16xf32>
        %sub3A_78 = arith.constant 1.500000e+00 : f32
        %sub3A_79 = vector.broadcast %sub3A_78 : f32 to vector<16xf32>
        %sub3A_80 = arith.subf %sub3A_79, %mul3A_77 : vector<16xf32>
        %mul3A_81 = arith.mulf %bitcast_convert_type3A_72, %sub3A_80 : vector<16xf32>
        %mul3A_82 = arith.constant 5.000000e-01 : f32
        %mul3A_83 = vector.broadcast %mul3A_82 : f32 to vector<16xf32>
        %mul3A_84 = arith.mulf %mul3A_83, %add3A_67 : vector<16xf32>
        %mul3A_85 = arith.mulf %mul3A_84, %mul3A_81 : vector<16xf32>
        %mul3A_86 = arith.mulf %mul3A_85, %mul3A_81 : vector<16xf32>
        %sub3A_87 = arith.constant 1.500000e+00 : f32
        %sub3A_88 = vector.broadcast %sub3A_87 : f32 to vector<16xf32>
        %sub3A_89 = arith.subf %sub3A_88, %mul3A_86 : vector<16xf32>
        %mul3A_90 = arith.mulf %mul3A_81, %sub3A_89 : vector<16xf32>
        %mul3A_91 = arith.constant 5.000000e-01 : f32
        %mul3A_92 = vector.broadcast %mul3A_91 : f32 to vector<16xf32>
        %mul3A_93 = arith.mulf %mul3A_92, %add3A_67 : vector<16xf32>
        %mul3A_94 = arith.mulf %mul3A_93, %mul3A_90 : vector<16xf32>
        %mul3A_95 = arith.mulf %mul3A_94, %mul3A_90 : vector<16xf32>
        %sub3A_96 = arith.constant 1.500000e+00 : f32
        %sub3A_97 = vector.broadcast %sub3A_96 : f32 to vector<16xf32>
        %sub3A_98 = arith.subf %sub3A_97, %mul3A_95 : vector<16xf32>
        %mul3A_99 = arith.mulf %mul3A_90, %sub3A_98 : vector<16xf32>
        %add3A_100 = vector.broadcast %add3A_19 : i32 to vector<16xi32>
        %add3A_101 = arith.addi %add3A_100, %add3A_60 : vector<16xi32>
        %lt3A = arith.constant 50000 : i32
        %lt3A_102 = vector.broadcast %lt3A : i32 to vector<16xi32>
        %lt3A_103 = arith.cmpi slt, %add3A_101, %lt3A_102 : vector<16xi32>
        %jit3A = arith.constant 0.000000e+00 : f32
        %broadcast_in_dim3A = vector.broadcast %jit3A : f32 to vector<16xf32>
        %select_n3A = arith.select %lt3A_103, %mul3A_99, %broadcast_in_dim3A : vector<16xi1>, vector<16xf32>
        %mul3A_104 = arith.constant 16 : i32
        %mul3A_105 = arith.muli %scan3A_56, %mul3A_104 : i32
        %swap3A = arith.index_cast %mul3A_105 : i32 to index
        %swap3A_106 = tpu.vector_load %arg9[%swap3A] {strides = array<i32>} : memref<640xf32, #tpu.memory_space<vmem>>, vector<16xf32>,
        %swap3A_107 = vector.shape_cast %swap3A_106 : vector<16xf32> to vector<16xf32>
        %swap3A_108 = vector.shape_cast %select_n3A : vector<16xf32> to vector<16xf32>
        tpu.vector_store %arg9[%swap3A], %swap3A_108 {strides = array<i32>} : memref<640xf32, #tpu.memory_space<vmem>>, vector<16xf32>,
      }
      %scan3A_25 = arith.constant 40 : i32
      "tpu.region"() ({
        %run_scoped3A = tpu.sem_alloc : memref<!tpu.dma_semaphore, #tpu.memory_space<semaphore_mem>>
        %dma_start3A = tpu.memref_slice %arg3[%add3A_19] : memref<51200xf32, #tpu.memory_space<hbm>> -> memref<640xf32, #tpu.memory_space<hbm>>
        %dma_start3A_56 = tpu.memref_slice %arg3[%add3A_19] : memref<51200xf32, #tpu.memory_space<hbm>> -> memref<640xf32, #tpu.memory_space<hbm>>
        tpu.enqueue_dma source(%arg9 : memref<640xf32, #tpu.memory_space<vmem>>) target(%dma_start3A_56 : memref<640xf32, #tpu.memory_space<hbm>>) target_semaphore(%run_scoped3A : memref<!tpu.dma_semaphore, #tpu.memory_space<semaphore_mem>>)
        %dma_wait3A = tpu.memref_slice %arg3[%add3A_19] : memref<51200xf32, #tpu.memory_space<hbm>> -> memref<640xf32, #tpu.memory_space<hbm>>
        %dma_wait3A_57 = tpu.memref_slice %arg3[%add3A_19] : memref<51200xf32, #tpu.memory_space<hbm>> -> memref<640xf32, #tpu.memory_space<hbm>>
        tpu.wait_dma2 semaphore(%run_scoped3A : memref<!tpu.dma_semaphore, #tpu.memory_space<semaphore_mem>>) src(%arg9 : memref<640xf32, #tpu.memory_space<vmem>>) dst(%dma_wait3A_57 : memref<640xf32, #tpu.memory_space<hbm>>)
        tpu.yield
      }) : () -> ()
      %mul3A_26 = arith.constant 3200 : i32
      %mul3A_27 = arith.muli %arg1, %mul3A_26 : i32
      %add3A_28 = arith.constant 1280 : i32
      %add3A_29 = arith.addi %mul3A_27, %add3A_28 : i32
      "tpu.region"() ({
        %run_scoped3A = tpu.sem_alloc : memref<!tpu.dma_semaphore, #tpu.memory_space<semaphore_mem>>
        %dma_start3A = tpu.memref_slice %arg4[%add3A_29] : memref<65536xf32, #tpu.memory_space<vmem_shared>> -> memref<640xf32, #tpu.memory_space<vmem_shared>>
        %dma_start3A_56 = tpu.memref_slice %arg4[%add3A_29] : memref<65536xf32, #tpu.memory_space<vmem_shared>> -> memref<640xf32, #tpu.memory_space<vmem_shared>>
        tpu.enqueue_dma source(%dma_start3A_56 : memref<640xf32, #tpu.memory_space<vmem_shared>>) target(%arg8 : memref<640xf32, #tpu.memory_space<vmem>>) target_semaphore(%run_scoped3A : memref<!tpu.dma_semaphore, #tpu.memory_space<semaphore_mem>>)
        %dma_wait3A = tpu.memref_slice %arg4[%add3A_29] : memref<65536xf32, #tpu.memory_space<vmem_shared>> -> memref<640xf32, #tpu.memory_space<vmem_shared>>
        %dma_wait3A_57 = tpu.memref_slice %arg4[%add3A_29] : memref<65536xf32, #tpu.memory_space<vmem_shared>> -> memref<640xf32, #tpu.memory_space<vmem_shared>>
        tpu.wait_dma2 semaphore(%run_scoped3A : memref<!tpu.dma_semaphore, #tpu.memory_space<semaphore_mem>>) src(%dma_wait3A_57 : memref<640xf32, #tpu.memory_space<vmem_shared>>) dst(%arg8 : memref<640xf32, #tpu.memory_space<vmem>>)
        tpu.yield
      }) : () -> ()
      %scan3A_30 = arith.constant 0 : i32
      %scan3A_31 = arith.constant 0 : i32
      %scan3A_32 = arith.constant 40 : i32
      %scan3A_33 = arith.addi %scan3A_31, %scan3A_32 : i32
      %scan3A_34 = arith.constant 1 : i32
      scf.for %scan3A_56 = %scan3A_31 to %scan3A_33 step %scan3A_34  : i32 {
        %mul3A_57 = arith.constant 16 : i32
        %mul3A_58 = arith.muli %scan3A_56, %mul3A_57 : i32
        %iota3A = tpu.iota {dimensions = array<i32: 0>} : vector<16xi32>
        %add3A_59 = vector.broadcast %mul3A_58 : i32 to vector<16xi32>
        %add3A_60 = arith.addi %add3A_59, %iota3A : vector<16xi32>
        %mul3A_61 = arith.constant 16 : i32
        %mul3A_62 = arith.muli %scan3A_56, %mul3A_61 : i32
        %get3A = arith.index_cast %mul3A_62 : i32 to index
        %get3A_63 = tpu.vector_load %arg8[%get3A] {strides = array<i32>} : memref<640xf32, #tpu.memory_space<vmem>>, vector<16xf32>,
        %get3A_64 = vector.shape_cast %get3A_63 : vector<16xf32> to vector<16xf32>
        %add3A_65 = arith.constant 1.000000e+00 : f32
        %add3A_66 = vector.broadcast %add3A_65 : f32 to vector<16xf32>
        %add3A_67 = arith.addf %get3A_64, %add3A_66 : vector<16xf32>
        %bitcast_convert_type3A = tpu.bitcast %add3A_67 : vector<16xf32> -> vector<16xi32>
        %shift_right_arithmetic3A = arith.constant 1 : i32
        %shift_right_arithmetic3A_68 = vector.broadcast %shift_right_arithmetic3A : i32 to vector<16xi32>
        %shift_right_arithmetic3A_69 = arith.shrsi %bitcast_convert_type3A, %shift_right_arithmetic3A_68 : vector<16xi32>
        %sub3A = arith.constant 1597463007 : i32
        %sub3A_70 = vector.broadcast %sub3A : i32 to vector<16xi32>
        %sub3A_71 = arith.subi %sub3A_70, %shift_right_arithmetic3A_69 : vector<16xi32>
        %bitcast_convert_type3A_72 = tpu.bitcast %sub3A_71 : vector<16xi32> -> vector<16xf32>
        %mul3A_73 = arith.constant 5.000000e-01 : f32
        %mul3A_74 = vector.broadcast %mul3A_73 : f32 to vector<16xf32>
        %mul3A_75 = arith.mulf %mul3A_74, %add3A_67 : vector<16xf32>
        %mul3A_76 = arith.mulf %mul3A_75, %bitcast_convert_type3A_72 : vector<16xf32>
        %mul3A_77 = arith.mulf %mul3A_76, %bitcast_convert_type3A_72 : vector<16xf32>
        %sub3A_78 = arith.constant 1.500000e+00 : f32
        %sub3A_79 = vector.broadcast %sub3A_78 : f32 to vector<16xf32>
        %sub3A_80 = arith.subf %sub3A_79, %mul3A_77 : vector<16xf32>
        %mul3A_81 = arith.mulf %bitcast_convert_type3A_72, %sub3A_80 : vector<16xf32>
        %mul3A_82 = arith.constant 5.000000e-01 : f32
        %mul3A_83 = vector.broadcast %mul3A_82 : f32 to vector<16xf32>
        %mul3A_84 = arith.mulf %mul3A_83, %add3A_67 : vector<16xf32>
        %mul3A_85 = arith.mulf %mul3A_84, %mul3A_81 : vector<16xf32>
        %mul3A_86 = arith.mulf %mul3A_85, %mul3A_81 : vector<16xf32>
        %sub3A_87 = arith.constant 1.500000e+00 : f32
        %sub3A_88 = vector.broadcast %sub3A_87 : f32 to vector<16xf32>
        %sub3A_89 = arith.subf %sub3A_88, %mul3A_86 : vector<16xf32>
        %mul3A_90 = arith.mulf %mul3A_81, %sub3A_89 : vector<16xf32>
        %mul3A_91 = arith.constant 5.000000e-01 : f32
        %mul3A_92 = vector.broadcast %mul3A_91 : f32 to vector<16xf32>
        %mul3A_93 = arith.mulf %mul3A_92, %add3A_67 : vector<16xf32>
        %mul3A_94 = arith.mulf %mul3A_93, %mul3A_90 : vector<16xf32>
        %mul3A_95 = arith.mulf %mul3A_94, %mul3A_90 : vector<16xf32>
        %sub3A_96 = arith.constant 1.500000e+00 : f32
        %sub3A_97 = vector.broadcast %sub3A_96 : f32 to vector<16xf32>
        %sub3A_98 = arith.subf %sub3A_97, %mul3A_95 : vector<16xf32>
        %mul3A_99 = arith.mulf %mul3A_90, %sub3A_98 : vector<16xf32>
        %add3A_100 = vector.broadcast %add3A_29 : i32 to vector<16xi32>
        %add3A_101 = arith.addi %add3A_100, %add3A_60 : vector<16xi32>
        %lt3A = arith.constant 50000 : i32
        %lt3A_102 = vector.broadcast %lt3A : i32 to vector<16xi32>
        %lt3A_103 = arith.cmpi slt, %add3A_101, %lt3A_102 : vector<16xi32>
        %jit3A = arith.constant 0.000000e+00 : f32
        %broadcast_in_dim3A = vector.broadcast %jit3A : f32 to vector<16xf32>
        %select_n3A = arith.select %lt3A_103, %mul3A_99, %broadcast_in_dim3A : vector<16xi1>, vector<16xf32>
        %mul3A_104 = arith.constant 16 : i32
        %mul3A_105 = arith.muli %scan3A_56, %mul3A_104 : i32
        %swap3A = arith.index_cast %mul3A_105 : i32 to index
        %swap3A_106 = tpu.vector_load %arg9[%swap3A] {strides = array<i32>} : memref<640xf32, #tpu.memory_space<vmem>>, vector<16xf32>,
        %swap3A_107 = vector.shape_cast %swap3A_106 : vector<16xf32> to vector<16xf32>
        %swap3A_108 = vector.shape_cast %select_n3A : vector<16xf32> to vector<16xf32>
        tpu.vector_store %arg9[%swap3A], %swap3A_108 {strides = array<i32>} : memref<640xf32, #tpu.memory_space<vmem>>, vector<16xf32>,
      }
      %scan3A_35 = arith.constant 40 : i32
      "tpu.region"() ({
        %run_scoped3A = tpu.sem_alloc : memref<!tpu.dma_semaphore, #tpu.memory_space<semaphore_mem>>
        %dma_start3A = tpu.memref_slice %arg3[%add3A_29] : memref<51200xf32, #tpu.memory_space<hbm>> -> memref<640xf32, #tpu.memory_space<hbm>>
        %dma_start3A_56 = tpu.memref_slice %arg3[%add3A_29] : memref<51200xf32, #tpu.memory_space<hbm>> -> memref<640xf32, #tpu.memory_space<hbm>>
        tpu.enqueue_dma source(%arg9 : memref<640xf32, #tpu.memory_space<vmem>>) target(%dma_start3A_56 : memref<640xf32, #tpu.memory_space<hbm>>) target_semaphore(%run_scoped3A : memref<!tpu.dma_semaphore, #tpu.memory_space<semaphore_mem>>)
        %dma_wait3A = tpu.memref_slice %arg3[%add3A_29] : memref<51200xf32, #tpu.memory_space<hbm>> -> memref<640xf32, #tpu.memory_space<hbm>>
        %dma_wait3A_57 = tpu.memref_slice %arg3[%add3A_29] : memref<51200xf32, #tpu.memory_space<hbm>> -> memref<640xf32, #tpu.memory_space<hbm>>
        tpu.wait_dma2 semaphore(%run_scoped3A : memref<!tpu.dma_semaphore, #tpu.memory_space<semaphore_mem>>) src(%arg9 : memref<640xf32, #tpu.memory_space<vmem>>) dst(%dma_wait3A_57 : memref<640xf32, #tpu.memory_space<hbm>>)
        tpu.yield
      }) : () -> ()
      %mul3A_36 = arith.constant 3200 : i32
      %mul3A_37 = arith.muli %arg1, %mul3A_36 : i32
      %add3A_38 = arith.constant 1920 : i32
      %add3A_39 = arith.addi %mul3A_37, %add3A_38 : i32
      "tpu.region"() ({
        %run_scoped3A = tpu.sem_alloc : memref<!tpu.dma_semaphore, #tpu.memory_space<semaphore_mem>>
        %dma_start3A = tpu.memref_slice %arg4[%add3A_39] : memref<65536xf32, #tpu.memory_space<vmem_shared>> -> memref<640xf32, #tpu.memory_space<vmem_shared>>
        %dma_start3A_56 = tpu.memref_slice %arg4[%add3A_39] : memref<65536xf32, #tpu.memory_space<vmem_shared>> -> memref<640xf32, #tpu.memory_space<vmem_shared>>
        tpu.enqueue_dma source(%dma_start3A_56 : memref<640xf32, #tpu.memory_space<vmem_shared>>) target(%arg8 : memref<640xf32, #tpu.memory_space<vmem>>) target_semaphore(%run_scoped3A : memref<!tpu.dma_semaphore, #tpu.memory_space<semaphore_mem>>)
        %dma_wait3A = tpu.memref_slice %arg4[%add3A_39] : memref<65536xf32, #tpu.memory_space<vmem_shared>> -> memref<640xf32, #tpu.memory_space<vmem_shared>>
        %dma_wait3A_57 = tpu.memref_slice %arg4[%add3A_39] : memref<65536xf32, #tpu.memory_space<vmem_shared>> -> memref<640xf32, #tpu.memory_space<vmem_shared>>
        tpu.wait_dma2 semaphore(%run_scoped3A : memref<!tpu.dma_semaphore, #tpu.memory_space<semaphore_mem>>) src(%dma_wait3A_57 : memref<640xf32, #tpu.memory_space<vmem_shared>>) dst(%arg8 : memref<640xf32, #tpu.memory_space<vmem>>)
        tpu.yield
      }) : () -> ()
      %scan3A_40 = arith.constant 0 : i32
      %scan3A_41 = arith.constant 0 : i32
      %scan3A_42 = arith.constant 40 : i32
      %scan3A_43 = arith.addi %scan3A_41, %scan3A_42 : i32
      %scan3A_44 = arith.constant 1 : i32
      scf.for %scan3A_56 = %scan3A_41 to %scan3A_43 step %scan3A_44  : i32 {
        %mul3A_57 = arith.constant 16 : i32
        %mul3A_58 = arith.muli %scan3A_56, %mul3A_57 : i32
        %iota3A = tpu.iota {dimensions = array<i32: 0>} : vector<16xi32>
        %add3A_59 = vector.broadcast %mul3A_58 : i32 to vector<16xi32>
        %add3A_60 = arith.addi %add3A_59, %iota3A : vector<16xi32>
        %mul3A_61 = arith.constant 16 : i32
        %mul3A_62 = arith.muli %scan3A_56, %mul3A_61 : i32
        %get3A = arith.index_cast %mul3A_62 : i32 to index
        %get3A_63 = tpu.vector_load %arg8[%get3A] {strides = array<i32>} : memref<640xf32, #tpu.memory_space<vmem>>, vector<16xf32>,
        %get3A_64 = vector.shape_cast %get3A_63 : vector<16xf32> to vector<16xf32>
        %add3A_65 = arith.constant 1.000000e+00 : f32
        %add3A_66 = vector.broadcast %add3A_65 : f32 to vector<16xf32>
        %add3A_67 = arith.addf %get3A_64, %add3A_66 : vector<16xf32>
        %bitcast_convert_type3A = tpu.bitcast %add3A_67 : vector<16xf32> -> vector<16xi32>
        %shift_right_arithmetic3A = arith.constant 1 : i32
        %shift_right_arithmetic3A_68 = vector.broadcast %shift_right_arithmetic3A : i32 to vector<16xi32>
        %shift_right_arithmetic3A_69 = arith.shrsi %bitcast_convert_type3A, %shift_right_arithmetic3A_68 : vector<16xi32>
        %sub3A = arith.constant 1597463007 : i32
        %sub3A_70 = vector.broadcast %sub3A : i32 to vector<16xi32>
        %sub3A_71 = arith.subi %sub3A_70, %shift_right_arithmetic3A_69 : vector<16xi32>
        %bitcast_convert_type3A_72 = tpu.bitcast %sub3A_71 : vector<16xi32> -> vector<16xf32>
        %mul3A_73 = arith.constant 5.000000e-01 : f32
        %mul3A_74 = vector.broadcast %mul3A_73 : f32 to vector<16xf32>
        %mul3A_75 = arith.mulf %mul3A_74, %add3A_67 : vector<16xf32>
        %mul3A_76 = arith.mulf %mul3A_75, %bitcast_convert_type3A_72 : vector<16xf32>
        %mul3A_77 = arith.mulf %mul3A_76, %bitcast_convert_type3A_72 : vector<16xf32>
        %sub3A_78 = arith.constant 1.500000e+00 : f32
        %sub3A_79 = vector.broadcast %sub3A_78 : f32 to vector<16xf32>
        %sub3A_80 = arith.subf %sub3A_79, %mul3A_77 : vector<16xf32>
        %mul3A_81 = arith.mulf %bitcast_convert_type3A_72, %sub3A_80 : vector<16xf32>
        %mul3A_82 = arith.constant 5.000000e-01 : f32
        %mul3A_83 = vector.broadcast %mul3A_82 : f32 to vector<16xf32>
        %mul3A_84 = arith.mulf %mul3A_83, %add3A_67 : vector<16xf32>
        %mul3A_85 = arith.mulf %mul3A_84, %mul3A_81 : vector<16xf32>
        %mul3A_86 = arith.mulf %mul3A_85, %mul3A_81 : vector<16xf32>
        %sub3A_87 = arith.constant 1.500000e+00 : f32
        %sub3A_88 = vector.broadcast %sub3A_87 : f32 to vector<16xf32>
        %sub3A_89 = arith.subf %sub3A_88, %mul3A_86 : vector<16xf32>
        %mul3A_90 = arith.mulf %mul3A_81, %sub3A_89 : vector<16xf32>
        %mul3A_91 = arith.constant 5.000000e-01 : f32
        %mul3A_92 = vector.broadcast %mul3A_91 : f32 to vector<16xf32>
        %mul3A_93 = arith.mulf %mul3A_92, %add3A_67 : vector<16xf32>
        %mul3A_94 = arith.mulf %mul3A_93, %mul3A_90 : vector<16xf32>
        %mul3A_95 = arith.mulf %mul3A_94, %mul3A_90 : vector<16xf32>
        %sub3A_96 = arith.constant 1.500000e+00 : f32
        %sub3A_97 = vector.broadcast %sub3A_96 : f32 to vector<16xf32>
        %sub3A_98 = arith.subf %sub3A_97, %mul3A_95 : vector<16xf32>
        %mul3A_99 = arith.mulf %mul3A_90, %sub3A_98 : vector<16xf32>
        %add3A_100 = vector.broadcast %add3A_39 : i32 to vector<16xi32>
        %add3A_101 = arith.addi %add3A_100, %add3A_60 : vector<16xi32>
        %lt3A = arith.constant 50000 : i32
        %lt3A_102 = vector.broadcast %lt3A : i32 to vector<16xi32>
        %lt3A_103 = arith.cmpi slt, %add3A_101, %lt3A_102 : vector<16xi32>
        %jit3A = arith.constant 0.000000e+00 : f32
        %broadcast_in_dim3A = vector.broadcast %jit3A : f32 to vector<16xf32>
        %select_n3A = arith.select %lt3A_103, %mul3A_99, %broadcast_in_dim3A : vector<16xi1>, vector<16xf32>
        %mul3A_104 = arith.constant 16 : i32
        %mul3A_105 = arith.muli %scan3A_56, %mul3A_104 : i32
        %swap3A = arith.index_cast %mul3A_105 : i32 to index
        %swap3A_106 = tpu.vector_load %arg9[%swap3A] {strides = array<i32>} : memref<640xf32, #tpu.memory_space<vmem>>, vector<16xf32>,
        %swap3A_107 = vector.shape_cast %swap3A_106 : vector<16xf32> to vector<16xf32>
        %swap3A_108 = vector.shape_cast %select_n3A : vector<16xf32> to vector<16xf32>
        tpu.vector_store %arg9[%swap3A], %swap3A_108 {strides = array<i32>} : memref<640xf32, #tpu.memory_space<vmem>>, vector<16xf32>,
      }
      %scan3A_45 = arith.constant 40 : i32
      "tpu.region"() ({
        %run_scoped3A = tpu.sem_alloc : memref<!tpu.dma_semaphore, #tpu.memory_space<semaphore_mem>>
        %dma_start3A = tpu.memref_slice %arg3[%add3A_39] : memref<51200xf32, #tpu.memory_space<hbm>> -> memref<640xf32, #tpu.memory_space<hbm>>
        %dma_start3A_56 = tpu.memref_slice %arg3[%add3A_39] : memref<51200xf32, #tpu.memory_space<hbm>> -> memref<640xf32, #tpu.memory_space<hbm>>
        tpu.enqueue_dma source(%arg9 : memref<640xf32, #tpu.memory_space<vmem>>) target(%dma_start3A_56 : memref<640xf32, #tpu.memory_space<hbm>>) target_semaphore(%run_scoped3A : memref<!tpu.dma_semaphore, #tpu.memory_space<semaphore_mem>>)
        %dma_wait3A = tpu.memref_slice %arg3[%add3A_39] : memref<51200xf32, #tpu.memory_space<hbm>> -> memref<640xf32, #tpu.memory_space<hbm>>
        %dma_wait3A_57 = tpu.memref_slice %arg3[%add3A_39] : memref<51200xf32, #tpu.memory_space<hbm>> -> memref<640xf32, #tpu.memory_space<hbm>>
        tpu.wait_dma2 semaphore(%run_scoped3A : memref<!tpu.dma_semaphore, #tpu.memory_space<semaphore_mem>>) src(%arg9 : memref<640xf32, #tpu.memory_space<vmem>>) dst(%dma_wait3A_57 : memref<640xf32, #tpu.memory_space<hbm>>)
        tpu.yield
      }) : () -> ()
      %mul3A_46 = arith.constant 3200 : i32
      %mul3A_47 = arith.muli %arg1, %mul3A_46 : i32
      %add3A_48 = arith.constant 2560 : i32
      %add3A_49 = arith.addi %mul3A_47, %add3A_48 : i32
      "tpu.region"() ({
        %run_scoped3A = tpu.sem_alloc : memref<!tpu.dma_semaphore, #tpu.memory_space<semaphore_mem>>
        %dma_start3A = tpu.memref_slice %arg4[%add3A_49] : memref<65536xf32, #tpu.memory_space<vmem_shared>> -> memref<640xf32, #tpu.memory_space<vmem_shared>>
        %dma_start3A_56 = tpu.memref_slice %arg4[%add3A_49] : memref<65536xf32, #tpu.memory_space<vmem_shared>> -> memref<640xf32, #tpu.memory_space<vmem_shared>>
        tpu.enqueue_dma source(%dma_start3A_56 : memref<640xf32, #tpu.memory_space<vmem_shared>>) target(%arg8 : memref<640xf32, #tpu.memory_space<vmem>>) target_semaphore(%run_scoped3A : memref<!tpu.dma_semaphore, #tpu.memory_space<semaphore_mem>>)
        %dma_wait3A = tpu.memref_slice %arg4[%add3A_49] : memref<65536xf32, #tpu.memory_space<vmem_shared>> -> memref<640xf32, #tpu.memory_space<vmem_shared>>
        %dma_wait3A_57 = tpu.memref_slice %arg4[%add3A_49] : memref<65536xf32, #tpu.memory_space<vmem_shared>> -> memref<640xf32, #tpu.memory_space<vmem_shared>>
        tpu.wait_dma2 semaphore(%run_scoped3A : memref<!tpu.dma_semaphore, #tpu.memory_space<semaphore_mem>>) src(%dma_wait3A_57 : memref<640xf32, #tpu.memory_space<vmem_shared>>) dst(%arg8 : memref<640xf32, #tpu.memory_space<vmem>>)
        tpu.yield
      }) : () -> ()
      %scan3A_50 = arith.constant 0 : i32
      %scan3A_51 = arith.constant 0 : i32
      %scan3A_52 = arith.constant 40 : i32
      %scan3A_53 = arith.addi %scan3A_51, %scan3A_52 : i32
      %scan3A_54 = arith.constant 1 : i32
      scf.for %scan3A_56 = %scan3A_51 to %scan3A_53 step %scan3A_54  : i32 {
        %mul3A_57 = arith.constant 16 : i32
        %mul3A_58 = arith.muli %scan3A_56, %mul3A_57 : i32
        %iota3A = tpu.iota {dimensions = array<i32: 0>} : vector<16xi32>
        %add3A_59 = vector.broadcast %mul3A_58 : i32 to vector<16xi32>
        %add3A_60 = arith.addi %add3A_59, %iota3A : vector<16xi32>
        %mul3A_61 = arith.constant 16 : i32
        %mul3A_62 = arith.muli %scan3A_56, %mul3A_61 : i32
        %get3A = arith.index_cast %mul3A_62 : i32 to index
        %get3A_63 = tpu.vector_load %arg8[%get3A] {strides = array<i32>} : memref<640xf32, #tpu.memory_space<vmem>>, vector<16xf32>,
        %get3A_64 = vector.shape_cast %get3A_63 : vector<16xf32> to vector<16xf32>
        %add3A_65 = arith.constant 1.000000e+00 : f32
        %add3A_66 = vector.broadcast %add3A_65 : f32 to vector<16xf32>
        %add3A_67 = arith.addf %get3A_64, %add3A_66 : vector<16xf32>
        %bitcast_convert_type3A = tpu.bitcast %add3A_67 : vector<16xf32> -> vector<16xi32>
        %shift_right_arithmetic3A = arith.constant 1 : i32
        %shift_right_arithmetic3A_68 = vector.broadcast %shift_right_arithmetic3A : i32 to vector<16xi32>
        %shift_right_arithmetic3A_69 = arith.shrsi %bitcast_convert_type3A, %shift_right_arithmetic3A_68 : vector<16xi32>
        %sub3A = arith.constant 1597463007 : i32
        %sub3A_70 = vector.broadcast %sub3A : i32 to vector<16xi32>
        %sub3A_71 = arith.subi %sub3A_70, %shift_right_arithmetic3A_69 : vector<16xi32>
        %bitcast_convert_type3A_72 = tpu.bitcast %sub3A_71 : vector<16xi32> -> vector<16xf32>
        %mul3A_73 = arith.constant 5.000000e-01 : f32
        %mul3A_74 = vector.broadcast %mul3A_73 : f32 to vector<16xf32>
        %mul3A_75 = arith.mulf %mul3A_74, %add3A_67 : vector<16xf32>
        %mul3A_76 = arith.mulf %mul3A_75, %bitcast_convert_type3A_72 : vector<16xf32>
        %mul3A_77 = arith.mulf %mul3A_76, %bitcast_convert_type3A_72 : vector<16xf32>
        %sub3A_78 = arith.constant 1.500000e+00 : f32
        %sub3A_79 = vector.broadcast %sub3A_78 : f32 to vector<16xf32>
        %sub3A_80 = arith.subf %sub3A_79, %mul3A_77 : vector<16xf32>
        %mul3A_81 = arith.mulf %bitcast_convert_type3A_72, %sub3A_80 : vector<16xf32>
        %mul3A_82 = arith.constant 5.000000e-01 : f32
        %mul3A_83 = vector.broadcast %mul3A_82 : f32 to vector<16xf32>
        %mul3A_84 = arith.mulf %mul3A_83, %add3A_67 : vector<16xf32>
        %mul3A_85 = arith.mulf %mul3A_84, %mul3A_81 : vector<16xf32>
        %mul3A_86 = arith.mulf %mul3A_85, %mul3A_81 : vector<16xf32>
        %sub3A_87 = arith.constant 1.500000e+00 : f32
        %sub3A_88 = vector.broadcast %sub3A_87 : f32 to vector<16xf32>
        %sub3A_89 = arith.subf %sub3A_88, %mul3A_86 : vector<16xf32>
        %mul3A_90 = arith.mulf %mul3A_81, %sub3A_89 : vector<16xf32>
        %mul3A_91 = arith.constant 5.000000e-01 : f32
        %mul3A_92 = vector.broadcast %mul3A_91 : f32 to vector<16xf32>
        %mul3A_93 = arith.mulf %mul3A_92, %add3A_67 : vector<16xf32>
        %mul3A_94 = arith.mulf %mul3A_93, %mul3A_90 : vector<16xf32>
        %mul3A_95 = arith.mulf %mul3A_94, %mul3A_90 : vector<16xf32>
        %sub3A_96 = arith.constant 1.500000e+00 : f32
        %sub3A_97 = vector.broadcast %sub3A_96 : f32 to vector<16xf32>
        %sub3A_98 = arith.subf %sub3A_97, %mul3A_95 : vector<16xf32>
        %mul3A_99 = arith.mulf %mul3A_90, %sub3A_98 : vector<16xf32>
        %add3A_100 = vector.broadcast %add3A_49 : i32 to vector<16xi32>
        %add3A_101 = arith.addi %add3A_100, %add3A_60 : vector<16xi32>
        %lt3A = arith.constant 50000 : i32
        %lt3A_102 = vector.broadcast %lt3A : i32 to vector<16xi32>
        %lt3A_103 = arith.cmpi slt, %add3A_101, %lt3A_102 : vector<16xi32>
        %jit3A = arith.constant 0.000000e+00 : f32
        %broadcast_in_dim3A = vector.broadcast %jit3A : f32 to vector<16xf32>
        %select_n3A = arith.select %lt3A_103, %mul3A_99, %broadcast_in_dim3A : vector<16xi1>, vector<16xf32>
        %mul3A_104 = arith.constant 16 : i32
        %mul3A_105 = arith.muli %scan3A_56, %mul3A_104 : i32
        %swap3A = arith.index_cast %mul3A_105 : i32 to index
        %swap3A_106 = tpu.vector_load %arg9[%swap3A] {strides = array<i32>} : memref<640xf32, #tpu.memory_space<vmem>>, vector<16xf32>,
        %swap3A_107 = vector.shape_cast %swap3A_106 : vector<16xf32> to vector<16xf32>
        %swap3A_108 = vector.shape_cast %select_n3A : vector<16xf32> to vector<16xf32>
        tpu.vector_store %arg9[%swap3A], %swap3A_108 {strides = array<i32>} : memref<640xf32, #tpu.memory_space<vmem>>, vector<16xf32>,
      }
      %scan3A_55 = arith.constant 40 : i32
      "tpu.region"() ({
        %run_scoped3A = tpu.sem_alloc : memref<!tpu.dma_semaphore, #tpu.memory_space<semaphore_mem>>
        %dma_start3A = tpu.memref_slice %arg3[%add3A_49] : memref<51200xf32, #tpu.memory_space<hbm>> -> memref<640xf32, #tpu.memory_space<hbm>>
        %dma_start3A_56 = tpu.memref_slice %arg3[%add3A_49] : memref<51200xf32, #tpu.memory_space<hbm>> -> memref<640xf32, #tpu.memory_space<hbm>>
        tpu.enqueue_dma source(%arg9 : memref<640xf32, #tpu.memory_space<vmem>>) target(%dma_start3A_56 : memref<640xf32, #tpu.memory_space<hbm>>) target_semaphore(%run_scoped3A : memref<!tpu.dma_semaphore, #tpu.memory_space<semaphore_mem>>)
        %dma_wait3A = tpu.memref_slice %arg3[%add3A_49] : memref<51200xf32, #tpu.memory_space<hbm>> -> memref<640xf32, #tpu.memory_space<hbm>>
        %dma_wait3A_57 = tpu.memref_slice %arg3[%add3A_49] : memref<51200xf32, #tpu.memory_space<hbm>> -> memref<640xf32, #tpu.memory_space<hbm>>
        tpu.wait_dma2 semaphore(%run_scoped3A : memref<!tpu.dma_semaphore, #tpu.memory_space<semaphore_mem>>) src(%arg9 : memref<640xf32, #tpu.memory_space<vmem>>) dst(%dma_wait3A_57 : memref<640xf32, #tpu.memory_space<hbm>>)
        tpu.yield
      }) : () -> ()
    } else {
    }
    return
  }
}

#map = affine_map<(d0, d1) -> (0, 0)>
#map1 = affine_map<(d0, d1) -> (0)>
module attributes {stable_mosaic.version = 14 : i64} {
  func.func @body(%arg0: i32, %arg1: i32, %arg2: memref<65536x80xf32, #tpu.memory_space<hbm>>, %arg3: memref<819200xi32, #tpu.memory_space<hbm>>, %arg4: memref<819200xi32, #tpu.memory_space<hbm>>, %arg5: memref<65536x80xf32, #tpu.memory_space<hbm>>, %arg6: memref<8208x80xf32, #tpu.memory_space<vmem_shared>>, %arg7: memref<2048xi32, #tpu.memory_space<vmem>>, %arg8: memref<2048xi32, #tpu.memory_space<vmem>>, %arg9: memref<10512xi32, #tpu.memory_space<vmem>>, %arg10: memref<43x256xi32, #tpu.memory_space<vmem>>, %arg11: memref<256x80xf32, #tpu.memory_space<vmem>>, %arg12: memref<256x80xf32, #tpu.memory_space<vmem>>, %arg13: memref<!tpu.dma_semaphore, #tpu.memory_space<semaphore_mem>>, %arg14: memref<!tpu.dma_semaphore, #tpu.memory_space<semaphore_mem>>, %arg15: memref<!tpu.dma_semaphore, #tpu.memory_space<semaphore_mem>>, %arg16: memref<!tpu.dma_semaphore, #tpu.memory_space<semaphore_mem>>) attributes {dimension_semantics = [#tpu.dimension_semantics<core_parallel>, #tpu.dimension_semantics<subcore_parallel>], iteration_bounds = array<i64: 2, 16>, scalar_prefetch = 0 : i64, scratch_operands = 11 : i64, tpu.core_type = #tpu.core_type<sc_vector_subcore>, window_params = [{transform_indices = #map}, {transform_indices = #map1}, {transform_indices = #map1}, {transform_indices = #map}]} {
    %mul3A = arith.constant 51200 : i32
    %mul3A_0 = arith.muli %arg1, %mul3A : i32
    %scan3A = arith.constant 0 : i32
    %scan3A_1 = arith.constant 0 : i32
    %scan3A_2 = arith.constant 7 : i32
    %scan3A_3 = arith.addi %scan3A_1, %scan3A_2 : i32
    %scan3A_4 = arith.constant 1 : i32
    scf.for %scan3A_6 = %scan3A_1 to %scan3A_3 step %scan3A_4  : i32 {
      %rem3A = arith.constant 2 : i32
      %rem3A_7 = arith.remsi %scan3A_6, %rem3A : i32
      %eq3A = arith.cmpi eq, %rem3A_7, %arg0 : i32
      %mul3A_8 = arith.constant 8192 : i32
      %mul3A_9 = arith.muli %scan3A_6, %mul3A_8 : i32
      %convert_element_type3A = arith.extui %eq3A : i1 to i32
      %cond3A = arith.constant 0 : i32
      %cond3A_10 = arith.cmpi ne, %convert_element_type3A, %cond3A : i32
      scf.if %cond3A_10 {
        %mul3A_19 = arith.constant 512 : i32
        %mul3A_20 = arith.muli %arg1, %mul3A_19 : i32
        %add3A = arith.addi %mul3A_9, %mul3A_20 : i32
        %mul3A_21 = arith.constant 512 : i32
        %mul3A_22 = arith.muli %arg1, %mul3A_21 : i32
        "tpu.region"() ({
          %run_scoped3A = tpu.sem_alloc : memref<!tpu.dma_semaphore, #tpu.memory_space<semaphore_mem>>
          %dma_start3A = arith.constant 0 : i32
          %dma_start3A_23 = tpu.memref_slice %arg6[%mul3A_22, %dma_start3A] : memref<8208x80xf32, #tpu.memory_space<vmem_shared>> -> memref<512x80xf32, #tpu.memory_space<vmem_shared>>
          %dma_start3A_24 = arith.constant 0 : i32
          %dma_start3A_25 = tpu.memref_slice %arg2[%add3A, %dma_start3A_24] : memref<65536x80xf32, #tpu.memory_space<hbm>> -> memref<512x80xf32, #tpu.memory_space<hbm>>
          tpu.enqueue_dma source(%dma_start3A_25 : memref<512x80xf32, #tpu.memory_space<hbm>>) target(%dma_start3A_23 : memref<512x80xf32, #tpu.memory_space<vmem_shared>>) target_semaphore(%run_scoped3A : memref<!tpu.dma_semaphore, #tpu.memory_space<semaphore_mem>>)
          %dma_wait3A = arith.constant 0 : i32
          %dma_wait3A_26 = tpu.memref_slice %arg6[%mul3A_22, %dma_wait3A] : memref<8208x80xf32, #tpu.memory_space<vmem_shared>> -> memref<512x80xf32, #tpu.memory_space<vmem_shared>>
          %dma_wait3A_27 = arith.constant 0 : i32
          %dma_wait3A_28 = tpu.memref_slice %arg2[%add3A, %dma_wait3A_27] : memref<65536x80xf32, #tpu.memory_space<hbm>> -> memref<512x80xf32, #tpu.memory_space<hbm>>
          tpu.wait_dma2 semaphore(%run_scoped3A : memref<!tpu.dma_semaphore, #tpu.memory_space<semaphore_mem>>) src(%dma_wait3A_28 : memref<512x80xf32, #tpu.memory_space<hbm>>) dst(%dma_wait3A_26 : memref<512x80xf32, #tpu.memory_space<vmem_shared>>)
          tpu.yield
        }) : () -> ()
      } else {
      }
      %barrier3A = arith.constant 0 : index
      tpu.barrier barrier_id(%barrier3A)
      %convert_element_type3A_11 = arith.extui %eq3A : i1 to i32
      %cond3A_12 = arith.constant 0 : i32
      %cond3A_13 = arith.cmpi ne, %convert_element_type3A_11, %cond3A_12 : i32
      scf.if %cond3A_13 {
        %scan3A_19 = arith.constant 0 : i32
        %scan3A_20 = arith.constant 0 : i32
        %scan3A_21 = arith.constant 657 : i32
        %scan3A_22 = arith.addi %scan3A_20, %scan3A_21 : i32
        %scan3A_23 = arith.constant 1 : i32
        scf.for %scan3A_100 = %scan3A_20 to %scan3A_22 step %scan3A_23  : i32 {
          %broadcast_in_dim3A = arith.constant 0 : i32
          %broadcast_in_dim3A_101 = vector.broadcast %broadcast_in_dim3A : i32 to vector<16xi32>
          %mul3A_102 = arith.constant 16 : i32
          %mul3A_103 = arith.muli %scan3A_100, %mul3A_102 : i32
          %swap3A = arith.index_cast %mul3A_103 : i32 to index
          %swap3A_104 = tpu.vector_load %arg9[%swap3A] {strides = array<i32>} : memref<10512xi32, #tpu.memory_space<vmem>>, vector<16xi32>,
          tpu.vector_store %arg9[%swap3A], %broadcast_in_dim3A_101 {strides = array<i32>} : memref<10512xi32, #tpu.memory_space<vmem>>, vector<16xi32>,
        }
        %scan3A_24 = arith.constant 657 : i32
        %scan3A_25 = arith.constant 0 : i32
        %scan3A_26 = arith.constant 0 : i32
        %scan3A_27 = arith.constant 688 : i32
        %scan3A_28 = arith.addi %scan3A_26, %scan3A_27 : i32
        %scan3A_29 = arith.constant 1 : i32
        scf.for %scan3A_100 = %scan3A_26 to %scan3A_28 step %scan3A_29  : i32 {
          %broadcast_in_dim3A = arith.constant 8192 : i32
          %broadcast_in_dim3A_101 = vector.broadcast %broadcast_in_dim3A : i32 to vector<16xi32>
          %shift_right_arithmetic3A = arith.constant 4 : i32
          %shift_right_arithmetic3A_102 = arith.shrsi %scan3A_100, %shift_right_arithmetic3A : i32
          %mul3A_103 = arith.constant 16 : i32
          %mul3A_104 = arith.muli %scan3A_100, %mul3A_103 : i32
          %and3A_105 = arith.constant 255 : i32
          %and3A_106 = arith.andi %mul3A_104, %and3A_105 : i32
          %swap3A = arith.index_cast %shift_right_arithmetic3A_102 : i32 to index
          %swap3A_107 = arith.index_cast %and3A_106 : i32 to index
          %swap3A_108 = tpu.vector_load %arg10[%swap3A, %swap3A_107] {strides = array<i32>} : memref<43x256xi32, #tpu.memory_space<vmem>>, vector<16xi32>,
          tpu.vector_store %arg10[%swap3A, %swap3A_107], %broadcast_in_dim3A_101 {strides = array<i32>} : memref<43x256xi32, #tpu.memory_space<vmem>>, vector<16xi32>,
        }
        %scan3A_30 = arith.constant 688 : i32
        %scan3A_31 = arith.constant 0 : i32
        %scan3A_32 = arith.constant 0 : i32
        %scan3A_33 = arith.constant 25 : i32
        %scan3A_34 = arith.addi %scan3A_32, %scan3A_33 : i32
        %scan3A_35 = arith.constant 1 : i32
        %scan3A_36 = scf.for %scan3A_100 = %scan3A_32 to %scan3A_34 step %scan3A_35 iter_args(%scan3A_101 = %scan3A_31) -> (i32)  : i32 {
          %mul3A_102 = arith.constant 2048 : i32
          %mul3A_103 = arith.muli %scan3A_100, %mul3A_102 : i32
          %add3A_104 = arith.addi %mul3A_0, %mul3A_103 : i32
          "tpu.region"() ({
            %run_scoped3A = tpu.sem_alloc : memref<!tpu.dma_semaphore, #tpu.memory_space<semaphore_mem>>
            %dma_start3A = tpu.memref_slice %arg3[%add3A_104] : memref<819200xi32, #tpu.memory_space<hbm>> -> memref<2048xi32, #tpu.memory_space<hbm>>
            %dma_start3A_114 = tpu.memref_slice %arg3[%add3A_104] : memref<819200xi32, #tpu.memory_space<hbm>> -> memref<2048xi32, #tpu.memory_space<hbm>>
            tpu.enqueue_dma source(%dma_start3A_114 : memref<2048xi32, #tpu.memory_space<hbm>>) target(%arg7 : memref<2048xi32, #tpu.memory_space<vmem>>) target_semaphore(%run_scoped3A : memref<!tpu.dma_semaphore, #tpu.memory_space<semaphore_mem>>)
            %dma_wait3A = tpu.memref_slice %arg3[%add3A_104] : memref<819200xi32, #tpu.memory_space<hbm>> -> memref<2048xi32, #tpu.memory_space<hbm>>
            %dma_wait3A_115 = tpu.memref_slice %arg3[%add3A_104] : memref<819200xi32, #tpu.memory_space<hbm>> -> memref<2048xi32, #tpu.memory_space<hbm>>
            tpu.wait_dma2 semaphore(%run_scoped3A : memref<!tpu.dma_semaphore, #tpu.memory_space<semaphore_mem>>) src(%dma_wait3A_115 : memref<2048xi32, #tpu.memory_space<hbm>>) dst(%arg7 : memref<2048xi32, #tpu.memory_space<vmem>>)
            tpu.yield
          }) : () -> ()
          %mul3A_105 = arith.constant 2048 : i32
          %mul3A_106 = arith.muli %scan3A_100, %mul3A_105 : i32
          %add3A_107 = arith.addi %mul3A_0, %mul3A_106 : i32
          "tpu.region"() ({
            %run_scoped3A = tpu.sem_alloc : memref<!tpu.dma_semaphore, #tpu.memory_space<semaphore_mem>>
            %dma_start3A = tpu.memref_slice %arg4[%add3A_107] : memref<819200xi32, #tpu.memory_space<hbm>> -> memref<2048xi32, #tpu.memory_space<hbm>>
            %dma_start3A_114 = tpu.memref_slice %arg4[%add3A_107] : memref<819200xi32, #tpu.memory_space<hbm>> -> memref<2048xi32, #tpu.memory_space<hbm>>
            tpu.enqueue_dma source(%dma_start3A_114 : memref<2048xi32, #tpu.memory_space<hbm>>) target(%arg8 : memref<2048xi32, #tpu.memory_space<vmem>>) target_semaphore(%run_scoped3A : memref<!tpu.dma_semaphore, #tpu.memory_space<semaphore_mem>>)
            %dma_wait3A = tpu.memref_slice %arg4[%add3A_107] : memref<819200xi32, #tpu.memory_space<hbm>> -> memref<2048xi32, #tpu.memory_space<hbm>>
            %dma_wait3A_115 = tpu.memref_slice %arg4[%add3A_107] : memref<819200xi32, #tpu.memory_space<hbm>> -> memref<2048xi32, #tpu.memory_space<hbm>>
            tpu.wait_dma2 semaphore(%run_scoped3A : memref<!tpu.dma_semaphore, #tpu.memory_space<semaphore_mem>>) src(%dma_wait3A_115 : memref<2048xi32, #tpu.memory_space<hbm>>) dst(%arg8 : memref<2048xi32, #tpu.memory_space<vmem>>)
            tpu.yield
          }) : () -> ()
          %scan3A_108 = arith.constant 0 : i32
          %scan3A_109 = arith.constant 128 : i32
          %scan3A_110 = arith.addi %scan3A_108, %scan3A_109 : i32
          %scan3A_111 = arith.constant 1 : i32
          %scan3A_112 = scf.for %scan3A_114 = %scan3A_108 to %scan3A_110 step %scan3A_111 iter_args(%scan3A_115 = %scan3A_101) -> (i32)  : i32 {
            %mul3A_116 = arith.constant 16 : i32
            %mul3A_117 = arith.muli %scan3A_114, %mul3A_116 : i32
            %get3A = arith.index_cast %mul3A_117 : i32 to index
            %get3A_118 = tpu.vector_load %arg8[%get3A] {strides = array<i32>} : memref<2048xi32, #tpu.memory_space<vmem>>, vector<16xi32>,
            %mul3A_119 = arith.constant 16 : i32
            %mul3A_120 = arith.muli %scan3A_114, %mul3A_119 : i32
            %get3A_121 = arith.index_cast %mul3A_120 : i32 to index
            %get3A_122 = tpu.vector_load %arg7[%get3A_121] {strides = array<i32>} : memref<2048xi32, #tpu.memory_space<vmem>>, vector<16xi32>,
            %shift_right_arithmetic3A = arith.constant 13 : i32
            %shift_right_arithmetic3A_123 = vector.broadcast %shift_right_arithmetic3A : i32 to vector<16xi32>
            %shift_right_arithmetic3A_124 = arith.shrsi %get3A_118, %shift_right_arithmetic3A_123 : vector<16xi32>
            %eq3A_125 = vector.broadcast %scan3A_6 : i32 to vector<16xi32>
            %eq3A_126 = arith.cmpi eq, %shift_right_arithmetic3A_124, %eq3A_125 : vector<16xi32>
            %jit3A_127 = arith.constant 1 : i32
            %jit3A_128 = arith.constant 0 : i32
            %broadcast_in_dim3A = vector.broadcast %jit3A_127 : i32 to vector<16xi32>
            %broadcast_in_dim3A_129 = vector.broadcast %jit3A_128 : i32 to vector<16xi32>
            %select_n3A_130 = arith.select %eq3A_126, %broadcast_in_dim3A, %broadcast_in_dim3A_129 : vector<16xi1>, vector<16xi32>
            %broadcast_in_dim3A_131 = arith.constant true
            %broadcast_in_dim3A_132 = vector.broadcast %broadcast_in_dim3A_131 : i1 to vector<16xi1>
            %masked_cumsum3A = tpu.scan <sum>, %select_n3A_130 masked %broadcast_in_dim3A_132 : vector<16xi32>, vector<16xi1> -> vector<16xi32>
            %add3A_133 = vector.broadcast %scan3A_115 : i32 to vector<16xi32>
            %add3A_134 = arith.addi %add3A_133, %masked_cumsum3A : vector<16xi32>
            %sub3A_135 = arith.subi %add3A_134, %select_n3A_130 : vector<16xi32>
            tpu.vector_store_idx %arg9[%sub3A_135], %get3A_122 masked %eq3A_126 : memref<10512xi32, #tpu.memory_space<vmem>>[vector<16xi32>], vector<16xi32>, vector<16xi1>
            %shift_right_arithmetic3A_136 = arith.constant 8 : i32
            %shift_right_arithmetic3A_137 = vector.broadcast %shift_right_arithmetic3A_136 : i32 to vector<16xi32>
            %shift_right_arithmetic3A_138 = arith.shrsi %sub3A_135, %shift_right_arithmetic3A_137 : vector<16xi32>
            %and3A_139 = arith.constant 255 : i32
            %and3A_140 = vector.broadcast %and3A_139 : i32 to vector<16xi32>
            %and3A_141 = arith.andi %sub3A_135, %and3A_140 : vector<16xi32>
            %and3A_142 = arith.constant 8191 : i32
            %and3A_143 = vector.broadcast %and3A_142 : i32 to vector<16xi32>
            %and3A_144 = arith.andi %get3A_118, %and3A_143 : vector<16xi32>
            tpu.vector_store_idx %arg10[%shift_right_arithmetic3A_138, %and3A_141], %and3A_144 masked %eq3A_126 : memref<43x256xi32, #tpu.memory_space<vmem>>[vector<16xi32>, vector<16xi32>], vector<16xi32>, vector<16xi1>
            %reduce_sum3A = arith.constant true
            %reduce_sum3A_145 = vector.broadcast %reduce_sum3A : i1 to vector<16xi1>
            %reduce_sum3A_146 = tpu.scan <sum>, %select_n3A_130 masked %reduce_sum3A_145 : vector<16xi32>, vector<16xi1> -> vector<16xi32>
            %reduce_sum3A_147 = vector.extract %reduce_sum3A_146[15] : i32 from vector<16xi32>
            %add3A_148 = arith.addi %scan3A_115, %reduce_sum3A_147 : i32
            %min3A = arith.constant 10240 : i32
            %min3A_149 = arith.minsi %add3A_148, %min3A : i32
            scf.yield %min3A_149 : i32
          }
          %scan3A_113 = arith.constant 128 : i32
          scf.yield %scan3A_112 : i32
        }
        %scan3A_37 = arith.constant 25 : i32
        %add3A = arith.constant 255 : i32
        %add3A_38 = arith.addi %scan3A_36, %add3A : i32
        %jit3A = arith.constant 256 : i32
        %div3A = arith.divsi %add3A_38, %jit3A : i32
        %sign3A = arith.constant 0 : i32
        %sign3A_39 = arith.cmpi sgt, %add3A_38, %sign3A : i32
        %sign3A_40 = arith.extui %sign3A_39 : i1 to i32
        %sign3A_41 = arith.constant 0 : i32
        %sign3A_42 = arith.cmpi slt, %add3A_38, %sign3A_41 : i32
        %sign3A_43 = arith.extui %sign3A_42 : i1 to i32
        %sign3A_44 = arith.subi %sign3A_40, %sign3A_43 : i32
        %sign3A_45 = arith.constant 0 : i32
        %sign3A_46 = arith.cmpi sgt, %jit3A, %sign3A_45 : i32
        %sign3A_47 = arith.extui %sign3A_46 : i1 to i32
        %sign3A_48 = arith.constant 0 : i32
        %sign3A_49 = arith.cmpi slt, %jit3A, %sign3A_48 : i32
        %sign3A_50 = arith.extui %sign3A_49 : i1 to i32
        %sign3A_51 = arith.subi %sign3A_47, %sign3A_50 : i32
        %ne3A = arith.cmpi ne, %sign3A_44, %sign3A_51 : i32
        %rem3A_52 = arith.remsi %add3A_38, %jit3A : i32
        %ne3A_53 = arith.constant 0 : i32
        %ne3A_54 = arith.cmpi ne, %rem3A_52, %ne3A_53 : i32
        %and3A = arith.andi %ne3A, %ne3A_54 : i1
        %sub3A = arith.constant 1 : i32
        %sub3A_55 = arith.subi %div3A, %sub3A : i32
        %select_n3A = arith.select %and3A, %sub3A_55, %div3A : i32
        %add3A_56 = arith.constant 1 : i32
        %add3A_57 = arith.addi %select_n3A, %add3A_56 : i32
        %jit3A_58 = arith.constant 2 : i32
        %div3A_59 = arith.divsi %add3A_57, %jit3A_58 : i32
        %sign3A_60 = arith.constant 0 : i32
        %sign3A_61 = arith.cmpi sgt, %add3A_57, %sign3A_60 : i32
        %sign3A_62 = arith.extui %sign3A_61 : i1 to i32
        %sign3A_63 = arith.constant 0 : i32
        %sign3A_64 = arith.cmpi slt, %add3A_57, %sign3A_63 : i32
        %sign3A_65 = arith.extui %sign3A_64 : i1 to i32
        %sign3A_66 = arith.subi %sign3A_62, %sign3A_65 : i32
        %sign3A_67 = arith.constant 0 : i32
        %sign3A_68 = arith.cmpi sgt, %jit3A_58, %sign3A_67 : i32
        %sign3A_69 = arith.extui %sign3A_68 : i1 to i32
        %sign3A_70 = arith.constant 0 : i32
        %sign3A_71 = arith.cmpi slt, %jit3A_58, %sign3A_70 : i32
        %sign3A_72 = arith.extui %sign3A_71 : i1 to i32
        %sign3A_73 = arith.subi %sign3A_69, %sign3A_72 : i32
        %ne3A_74 = arith.cmpi ne, %sign3A_66, %sign3A_73 : i32
        %rem3A_75 = arith.remsi %add3A_57, %jit3A_58 : i32
        %ne3A_76 = arith.constant 0 : i32
        %ne3A_77 = arith.cmpi ne, %rem3A_75, %ne3A_76 : i32
        %and3A_78 = arith.andi %ne3A_74, %ne3A_77 : i1
        %sub3A_79 = arith.constant 1 : i32
        %sub3A_80 = arith.subi %div3A_59, %sub3A_79 : i32
        %select_n3A_81 = arith.select %and3A_78, %sub3A_80, %div3A_59 : i32
        %while3A = arith.constant 0 : i32
        %while3A_82 = arith.constant 0 : i32
        %while3A_83 = arith.subi %select_n3A_81, %while3A_82 : i32
        %while3A_84 = arith.addi %while3A_82, %while3A_83 : i32
        %while3A_85 = arith.constant 1 : i32
        %while3A_86 = arith.divsi %while3A_83, %while3A_85 : i32
        %while3A_87 = arith.muli %while3A_86, %while3A_85 : i32
        %while3A_88 = arith.addi %while3A_82, %while3A_87 : i32
        %while3A_89 = arith.constant 1 : i32
        scf.for %while3A_100 = %while3A_82 to %while3A_88 step %while3A_89  : i32 {
          %mul3A_101 = arith.constant 2 : i32
          %mul3A_102 = arith.muli %while3A_100, %mul3A_101 : i32
          %add3A_103 = arith.constant 1 : i32
          %add3A_104 = arith.addi %mul3A_102, %add3A_103 : i32
          %lt3A = arith.cmpi slt, %add3A_104, %select_n3A : i32
          %gt3A_105 = arith.constant 0 : i32
          %gt3A_106 = arith.cmpi sgt, %while3A_100, %gt3A_105 : i32
          %convert_element_type3A_107 = arith.extui %gt3A_106 : i1 to i32
          %cond3A_108 = arith.constant 0 : i32
          %cond3A_109 = arith.cmpi ne, %convert_element_type3A_107, %cond3A_108 : i32
          scf.if %cond3A_109 {
            %dma_wait3A_132 = arith.constant 0 : i32
            %dma_wait3A_133 = arith.constant 0 : i32
            %dma_wait3A_134 = tpu.memref_slice %arg6[%dma_wait3A_132, %dma_wait3A_133] : memref<8208x80xf32, #tpu.memory_space<vmem_shared>> -> memref<256x80xf32, #tpu.memory_space<vmem_shared>>
            %dma_wait3A_135 = arith.constant 0 : i32
            %dma_wait3A_136 = arith.constant 0 : i32
            %dma_wait3A_137 = tpu.memref_slice %arg6[%dma_wait3A_135, %dma_wait3A_136] : memref<8208x80xf32, #tpu.memory_space<vmem_shared>> -> memref<256x80xf32, #tpu.memory_space<vmem_shared>>
            tpu.wait_dma2 semaphore(%arg15 : memref<!tpu.dma_semaphore, #tpu.memory_space<semaphore_mem>>) src(%arg11 : memref<256x80xf32, #tpu.memory_space<vmem>>) dst(%dma_wait3A_137 : memref<256x80xf32, #tpu.memory_space<vmem_shared>>)
          } else {
          }
          %mul3A_110 = arith.constant 256 : i32
          %mul3A_111 = arith.muli %mul3A_102, %mul3A_110 : i32
          %dma_start3A = tpu.memref_slice %arg9[%mul3A_111] : memref<10512xi32, #tpu.memory_space<vmem>> -> memref<256xi32, #tpu.memory_space<vmem>>
          %dma_start3A_112 = arith.constant 0 : i32
          %dma_start3A_113 = arith.constant 0 : i32
          %dma_start3A_114 = tpu.memref_slice %arg2[%dma_start3A_112, %dma_start3A_113] : memref<65536x80xf32, #tpu.memory_space<hbm>> -> memref<65536x80xf32, #tpu.memory_space<hbm>>
          tpu.enqueue_indirect_dma source(%dma_start3A_114 : memref<65536x80xf32, #tpu.memory_space<hbm>>) target(%arg11 : memref<256x80xf32, #tpu.memory_space<vmem>>) offsets(%dma_start3A : memref<256xi32, #tpu.memory_space<vmem>>) semaphore(%arg13 : memref<!tpu.dma_semaphore, #tpu.memory_space<semaphore_mem>>)
          %convert_element_type3A_115 = arith.extui %lt3A : i1 to i32
          %cond3A_116 = arith.constant 0 : i32
          %cond3A_117 = arith.cmpi ne, %convert_element_type3A_115, %cond3A_116 : i32
          scf.if %cond3A_117 {
            %gt3A_132 = arith.constant 0 : i32
            %gt3A_133 = arith.cmpi sgt, %while3A_100, %gt3A_132 : i32
            %convert_element_type3A_134 = arith.extui %gt3A_133 : i1 to i32
            %cond3A_135 = arith.constant 0 : i32
            %cond3A_136 = arith.cmpi ne, %convert_element_type3A_134, %cond3A_135 : i32
            scf.if %cond3A_136 {
              %dma_wait3A_143 = arith.constant 0 : i32
              %dma_wait3A_144 = arith.constant 0 : i32
              %dma_wait3A_145 = tpu.memref_slice %arg6[%dma_wait3A_143, %dma_wait3A_144] : memref<8208x80xf32, #tpu.memory_space<vmem_shared>> -> memref<256x80xf32, #tpu.memory_space<vmem_shared>>
              %dma_wait3A_146 = arith.constant 0 : i32
              %dma_wait3A_147 = arith.constant 0 : i32
              %dma_wait3A_148 = tpu.memref_slice %arg6[%dma_wait3A_146, %dma_wait3A_147] : memref<8208x80xf32, #tpu.memory_space<vmem_shared>> -> memref<256x80xf32, #tpu.memory_space<vmem_shared>>
              tpu.wait_dma2 semaphore(%arg16 : memref<!tpu.dma_semaphore, #tpu.memory_space<semaphore_mem>>) src(%arg12 : memref<256x80xf32, #tpu.memory_space<vmem>>) dst(%dma_wait3A_148 : memref<256x80xf32, #tpu.memory_space<vmem_shared>>)
            } else {
            }
            %mul3A_137 = arith.constant 256 : i32
            %mul3A_138 = arith.muli %add3A_104, %mul3A_137 : i32
            %dma_start3A_139 = tpu.memref_slice %arg9[%mul3A_138] : memref<10512xi32, #tpu.memory_space<vmem>> -> memref<256xi32, #tpu.memory_space<vmem>>
            %dma_start3A_140 = arith.constant 0 : i32
            %dma_start3A_141 = arith.constant 0 : i32
            %dma_start3A_142 = tpu.memref_slice %arg2[%dma_start3A_140, %dma_start3A_141] : memref<65536x80xf32, #tpu.memory_space<hbm>> -> memref<65536x80xf32, #tpu.memory_space<hbm>>
            tpu.enqueue_indirect_dma source(%dma_start3A_142 : memref<65536x80xf32, #tpu.memory_space<hbm>>) target(%arg12 : memref<256x80xf32, #tpu.memory_space<vmem>>) offsets(%dma_start3A_139 : memref<256xi32, #tpu.memory_space<vmem>>) semaphore(%arg14 : memref<!tpu.dma_semaphore, #tpu.memory_space<semaphore_mem>>)
          } else {
          }
          %dma_wait3A = arith.constant 0 : i32
          %dma_wait3A_118 = arith.constant 0 : i32
          %dma_wait3A_119 = tpu.memref_slice %arg2[%dma_wait3A, %dma_wait3A_118] : memref<65536x80xf32, #tpu.memory_space<hbm>> -> memref<256x80xf32, #tpu.memory_space<hbm>>
          %dma_wait3A_120 = arith.constant 0 : i32
          %dma_wait3A_121 = arith.constant 0 : i32
          %dma_wait3A_122 = tpu.memref_slice %arg2[%dma_wait3A_120, %dma_wait3A_121] : memref<65536x80xf32, #tpu.memory_space<hbm>> -> memref<256x80xf32, #tpu.memory_space<hbm>>
          tpu.wait_dma2 semaphore(%arg13 : memref<!tpu.dma_semaphore, #tpu.memory_space<semaphore_mem>>) src(%dma_wait3A_122 : memref<256x80xf32, #tpu.memory_space<hbm>>) dst(%arg11 : memref<256x80xf32, #tpu.memory_space<vmem>>)
          %dma_start3A_123 = arith.constant 0 : i32
          %dma_start3A_124 = tpu.memref_slice %arg10[%mul3A_102, %dma_start3A_123] : memref<43x256xi32, #tpu.memory_space<vmem>> -> memref<1x256xi32, #tpu.memory_space<vmem>>
          %dma_start3A_125 = tpu.memref_squeeze %dma_start3A_124 : memref<1x256xi32, #tpu.memory_space<vmem>> -> memref<256xi32, #tpu.memory_space<vmem>>
          %dma_start3A_126 = arith.constant 0 : i32
          %dma_start3A_127 = arith.constant 0 : i32
          %dma_start3A_128 = tpu.memref_slice %arg6[%dma_start3A_126, %dma_start3A_127] : memref<8208x80xf32, #tpu.memory_space<vmem_shared>> -> memref<8208x80xf32, #tpu.memory_space<vmem_shared>>
          tpu.enqueue_indirect_dma source(%arg11 : memref<256x80xf32, #tpu.memory_space<vmem>>) target(%dma_start3A_128 : memref<8208x80xf32, #tpu.memory_space<vmem_shared>>) offsets(%dma_start3A_125 : memref<256xi32, #tpu.memory_space<vmem>>) semaphore(%arg15 : memref<!tpu.dma_semaphore, #tpu.memory_space<semaphore_mem>>) {add = true}
          %convert_element_type3A_129 = arith.extui %lt3A : i1 to i32
          %cond3A_130 = arith.constant 0 : i32
          %cond3A_131 = arith.cmpi ne, %convert_element_type3A_129, %cond3A_130 : i32
          scf.if %cond3A_131 {
            %dma_wait3A_132 = arith.constant 0 : i32
            %dma_wait3A_133 = arith.constant 0 : i32
            %dma_wait3A_134 = tpu.memref_slice %arg2[%dma_wait3A_132, %dma_wait3A_133] : memref<65536x80xf32, #tpu.memory_space<hbm>> -> memref<256x80xf32, #tpu.memory_space<hbm>>
            %dma_wait3A_135 = arith.constant 0 : i32
            %dma_wait3A_136 = arith.constant 0 : i32
            %dma_wait3A_137 = tpu.memref_slice %arg2[%dma_wait3A_135, %dma_wait3A_136] : memref<65536x80xf32, #tpu.memory_space<hbm>> -> memref<256x80xf32, #tpu.memory_space<hbm>>
            tpu.wait_dma2 semaphore(%arg14 : memref<!tpu.dma_semaphore, #tpu.memory_space<semaphore_mem>>) src(%dma_wait3A_137 : memref<256x80xf32, #tpu.memory_space<hbm>>) dst(%arg12 : memref<256x80xf32, #tpu.memory_space<vmem>>)
            %dma_start3A_138 = arith.constant 0 : i32
            %dma_start3A_139 = tpu.memref_slice %arg10[%add3A_104, %dma_start3A_138] : memref<43x256xi32, #tpu.memory_space<vmem>> -> memref<1x256xi32, #tpu.memory_space<vmem>>
            %dma_start3A_140 = tpu.memref_squeeze %dma_start3A_139 : memref<1x256xi32, #tpu.memory_space<vmem>> -> memref<256xi32, #tpu.memory_space<vmem>>
            %dma_start3A_141 = arith.constant 0 : i32
            %dma_start3A_142 = arith.constant 0 : i32
            %dma_start3A_143 = tpu.memref_slice %arg6[%dma_start3A_141, %dma_start3A_142] : memref<8208x80xf32, #tpu.memory_space<vmem_shared>> -> memref<8208x80xf32, #tpu.memory_space<vmem_shared>>
            tpu.enqueue_indirect_dma source(%arg12 : memref<256x80xf32, #tpu.memory_space<vmem>>) target(%dma_start3A_143 : memref<8208x80xf32, #tpu.memory_space<vmem_shared>>) offsets(%dma_start3A_140 : memref<256xi32, #tpu.memory_space<vmem>>) semaphore(%arg16 : memref<!tpu.dma_semaphore, #tpu.memory_space<semaphore_mem>>) {add = true}
          } else {
          }
        }
        %while3A_90 = arith.constant 1 : i32
        scf.for %while3A_100 = %while3A_88 to %while3A_84 step %while3A_90  : i32 {
          %mul3A_101 = arith.constant 2 : i32
          %mul3A_102 = arith.muli %while3A_100, %mul3A_101 : i32
          %add3A_103 = arith.constant 1 : i32
          %add3A_104 = arith.addi %mul3A_102, %add3A_103 : i32
          %lt3A = arith.cmpi slt, %add3A_104, %select_n3A : i32
          %gt3A_105 = arith.constant 0 : i32
          %gt3A_106 = arith.cmpi sgt, %while3A_100, %gt3A_105 : i32
          %convert_element_type3A_107 = arith.extui %gt3A_106 : i1 to i32
          %cond3A_108 = arith.constant 0 : i32
          %cond3A_109 = arith.cmpi ne, %convert_element_type3A_107, %cond3A_108 : i32
          scf.if %cond3A_109 {
            %dma_wait3A_132 = arith.constant 0 : i32
            %dma_wait3A_133 = arith.constant 0 : i32
            %dma_wait3A_134 = tpu.memref_slice %arg6[%dma_wait3A_132, %dma_wait3A_133] : memref<8208x80xf32, #tpu.memory_space<vmem_shared>> -> memref<256x80xf32, #tpu.memory_space<vmem_shared>>
            %dma_wait3A_135 = arith.constant 0 : i32
            %dma_wait3A_136 = arith.constant 0 : i32
            %dma_wait3A_137 = tpu.memref_slice %arg6[%dma_wait3A_135, %dma_wait3A_136] : memref<8208x80xf32, #tpu.memory_space<vmem_shared>> -> memref<256x80xf32, #tpu.memory_space<vmem_shared>>
            tpu.wait_dma2 semaphore(%arg15 : memref<!tpu.dma_semaphore, #tpu.memory_space<semaphore_mem>>) src(%arg11 : memref<256x80xf32, #tpu.memory_space<vmem>>) dst(%dma_wait3A_137 : memref<256x80xf32, #tpu.memory_space<vmem_shared>>)
          } else {
          }
          %mul3A_110 = arith.constant 256 : i32
          %mul3A_111 = arith.muli %mul3A_102, %mul3A_110 : i32
          %dma_start3A = tpu.memref_slice %arg9[%mul3A_111] : memref<10512xi32, #tpu.memory_space<vmem>> -> memref<256xi32, #tpu.memory_space<vmem>>
          %dma_start3A_112 = arith.constant 0 : i32
          %dma_start3A_113 = arith.constant 0 : i32
          %dma_start3A_114 = tpu.memref_slice %arg2[%dma_start3A_112, %dma_start3A_113] : memref<65536x80xf32, #tpu.memory_space<hbm>> -> memref<65536x80xf32, #tpu.memory_space<hbm>>
          tpu.enqueue_indirect_dma source(%dma_start3A_114 : memref<65536x80xf32, #tpu.memory_space<hbm>>) target(%arg11 : memref<256x80xf32, #tpu.memory_space<vmem>>) offsets(%dma_start3A : memref<256xi32, #tpu.memory_space<vmem>>) semaphore(%arg13 : memref<!tpu.dma_semaphore, #tpu.memory_space<semaphore_mem>>)
          %convert_element_type3A_115 = arith.extui %lt3A : i1 to i32
          %cond3A_116 = arith.constant 0 : i32
          %cond3A_117 = arith.cmpi ne, %convert_element_type3A_115, %cond3A_116 : i32
          scf.if %cond3A_117 {
            %gt3A_132 = arith.constant 0 : i32
            %gt3A_133 = arith.cmpi sgt, %while3A_100, %gt3A_132 : i32
            %convert_element_type3A_134 = arith.extui %gt3A_133 : i1 to i32
            %cond3A_135 = arith.constant 0 : i32
            %cond3A_136 = arith.cmpi ne, %convert_element_type3A_134, %cond3A_135 : i32
            scf.if %cond3A_136 {
              %dma_wait3A_143 = arith.constant 0 : i32
              %dma_wait3A_144 = arith.constant 0 : i32
              %dma_wait3A_145 = tpu.memref_slice %arg6[%dma_wait3A_143, %dma_wait3A_144] : memref<8208x80xf32, #tpu.memory_space<vmem_shared>> -> memref<256x80xf32, #tpu.memory_space<vmem_shared>>
              %dma_wait3A_146 = arith.constant 0 : i32
              %dma_wait3A_147 = arith.constant 0 : i32
              %dma_wait3A_148 = tpu.memref_slice %arg6[%dma_wait3A_146, %dma_wait3A_147] : memref<8208x80xf32, #tpu.memory_space<vmem_shared>> -> memref<256x80xf32, #tpu.memory_space<vmem_shared>>
              tpu.wait_dma2 semaphore(%arg16 : memref<!tpu.dma_semaphore, #tpu.memory_space<semaphore_mem>>) src(%arg12 : memref<256x80xf32, #tpu.memory_space<vmem>>) dst(%dma_wait3A_148 : memref<256x80xf32, #tpu.memory_space<vmem_shared>>)
            } else {
            }
            %mul3A_137 = arith.constant 256 : i32
            %mul3A_138 = arith.muli %add3A_104, %mul3A_137 : i32
            %dma_start3A_139 = tpu.memref_slice %arg9[%mul3A_138] : memref<10512xi32, #tpu.memory_space<vmem>> -> memref<256xi32, #tpu.memory_space<vmem>>
            %dma_start3A_140 = arith.constant 0 : i32
            %dma_start3A_141 = arith.constant 0 : i32
            %dma_start3A_142 = tpu.memref_slice %arg2[%dma_start3A_140, %dma_start3A_141] : memref<65536x80xf32, #tpu.memory_space<hbm>> -> memref<65536x80xf32, #tpu.memory_space<hbm>>
            tpu.enqueue_indirect_dma source(%dma_start3A_142 : memref<65536x80xf32, #tpu.memory_space<hbm>>) target(%arg12 : memref<256x80xf32, #tpu.memory_space<vmem>>) offsets(%dma_start3A_139 : memref<256xi32, #tpu.memory_space<vmem>>) semaphore(%arg14 : memref<!tpu.dma_semaphore, #tpu.memory_space<semaphore_mem>>)
          } else {
          }
          %dma_wait3A = arith.constant 0 : i32
          %dma_wait3A_118 = arith.constant 0 : i32
          %dma_wait3A_119 = tpu.memref_slice %arg2[%dma_wait3A, %dma_wait3A_118] : memref<65536x80xf32, #tpu.memory_space<hbm>> -> memref<256x80xf32, #tpu.memory_space<hbm>>
          %dma_wait3A_120 = arith.constant 0 : i32
          %dma_wait3A_121 = arith.constant 0 : i32
          %dma_wait3A_122 = tpu.memref_slice %arg2[%dma_wait3A_120, %dma_wait3A_121] : memref<65536x80xf32, #tpu.memory_space<hbm>> -> memref<256x80xf32, #tpu.memory_space<hbm>>
          tpu.wait_dma2 semaphore(%arg13 : memref<!tpu.dma_semaphore, #tpu.memory_space<semaphore_mem>>) src(%dma_wait3A_122 : memref<256x80xf32, #tpu.memory_space<hbm>>) dst(%arg11 : memref<256x80xf32, #tpu.memory_space<vmem>>)
          %dma_start3A_123 = arith.constant 0 : i32
          %dma_start3A_124 = tpu.memref_slice %arg10[%mul3A_102, %dma_start3A_123] : memref<43x256xi32, #tpu.memory_space<vmem>> -> memref<1x256xi32, #tpu.memory_space<vmem>>
          %dma_start3A_125 = tpu.memref_squeeze %dma_start3A_124 : memref<1x256xi32, #tpu.memory_space<vmem>> -> memref<256xi32, #tpu.memory_space<vmem>>
          %dma_start3A_126 = arith.constant 0 : i32
          %dma_start3A_127 = arith.constant 0 : i32
          %dma_start3A_128 = tpu.memref_slice %arg6[%dma_start3A_126, %dma_start3A_127] : memref<8208x80xf32, #tpu.memory_space<vmem_shared>> -> memref<8208x80xf32, #tpu.memory_space<vmem_shared>>
          tpu.enqueue_indirect_dma source(%arg11 : memref<256x80xf32, #tpu.memory_space<vmem>>) target(%dma_start3A_128 : memref<8208x80xf32, #tpu.memory_space<vmem_shared>>) offsets(%dma_start3A_125 : memref<256xi32, #tpu.memory_space<vmem>>) semaphore(%arg15 : memref<!tpu.dma_semaphore, #tpu.memory_space<semaphore_mem>>) {add = true}
          %convert_element_type3A_129 = arith.extui %lt3A : i1 to i32
          %cond3A_130 = arith.constant 0 : i32
          %cond3A_131 = arith.cmpi ne, %convert_element_type3A_129, %cond3A_130 : i32
          scf.if %cond3A_131 {
            %dma_wait3A_132 = arith.constant 0 : i32
            %dma_wait3A_133 = arith.constant 0 : i32
            %dma_wait3A_134 = tpu.memref_slice %arg2[%dma_wait3A_132, %dma_wait3A_133] : memref<65536x80xf32, #tpu.memory_space<hbm>> -> memref<256x80xf32, #tpu.memory_space<hbm>>
            %dma_wait3A_135 = arith.constant 0 : i32
            %dma_wait3A_136 = arith.constant 0 : i32
            %dma_wait3A_137 = tpu.memref_slice %arg2[%dma_wait3A_135, %dma_wait3A_136] : memref<65536x80xf32, #tpu.memory_space<hbm>> -> memref<256x80xf32, #tpu.memory_space<hbm>>
            tpu.wait_dma2 semaphore(%arg14 : memref<!tpu.dma_semaphore, #tpu.memory_space<semaphore_mem>>) src(%dma_wait3A_137 : memref<256x80xf32, #tpu.memory_space<hbm>>) dst(%arg12 : memref<256x80xf32, #tpu.memory_space<vmem>>)
            %dma_start3A_138 = arith.constant 0 : i32
            %dma_start3A_139 = tpu.memref_slice %arg10[%add3A_104, %dma_start3A_138] : memref<43x256xi32, #tpu.memory_space<vmem>> -> memref<1x256xi32, #tpu.memory_space<vmem>>
            %dma_start3A_140 = tpu.memref_squeeze %dma_start3A_139 : memref<1x256xi32, #tpu.memory_space<vmem>> -> memref<256xi32, #tpu.memory_space<vmem>>
            %dma_start3A_141 = arith.constant 0 : i32
            %dma_start3A_142 = arith.constant 0 : i32
            %dma_start3A_143 = tpu.memref_slice %arg6[%dma_start3A_141, %dma_start3A_142] : memref<8208x80xf32, #tpu.memory_space<vmem_shared>> -> memref<8208x80xf32, #tpu.memory_space<vmem_shared>>
            tpu.enqueue_indirect_dma source(%arg12 : memref<256x80xf32, #tpu.memory_space<vmem>>) target(%dma_start3A_143 : memref<8208x80xf32, #tpu.memory_space<vmem_shared>>) offsets(%dma_start3A_140 : memref<256xi32, #tpu.memory_space<vmem>>) semaphore(%arg16 : memref<!tpu.dma_semaphore, #tpu.memory_space<semaphore_mem>>) {add = true}
          } else {
          }
        }
        %gt3A = arith.constant 0 : i32
        %gt3A_91 = arith.cmpi sgt, %select_n3A, %gt3A : i32
        %convert_element_type3A_92 = arith.extui %gt3A_91 : i1 to i32
        %cond3A_93 = arith.constant 0 : i32
        %cond3A_94 = arith.cmpi ne, %convert_element_type3A_92, %cond3A_93 : i32
        scf.if %cond3A_94 {
          %dma_wait3A = arith.constant 0 : i32
          %dma_wait3A_100 = arith.constant 0 : i32
          %dma_wait3A_101 = tpu.memref_slice %arg6[%dma_wait3A, %dma_wait3A_100] : memref<8208x80xf32, #tpu.memory_space<vmem_shared>> -> memref<256x80xf32, #tpu.memory_space<vmem_shared>>
          %dma_wait3A_102 = arith.constant 0 : i32
          %dma_wait3A_103 = arith.constant 0 : i32
          %dma_wait3A_104 = tpu.memref_slice %arg6[%dma_wait3A_102, %dma_wait3A_103] : memref<8208x80xf32, #tpu.memory_space<vmem_shared>> -> memref<256x80xf32, #tpu.memory_space<vmem_shared>>
          tpu.wait_dma2 semaphore(%arg15 : memref<!tpu.dma_semaphore, #tpu.memory_space<semaphore_mem>>) src(%arg11 : memref<256x80xf32, #tpu.memory_space<vmem>>) dst(%dma_wait3A_104 : memref<256x80xf32, #tpu.memory_space<vmem_shared>>)
        } else {
        }
        %gt3A_95 = arith.constant 1 : i32
        %gt3A_96 = arith.cmpi sgt, %select_n3A, %gt3A_95 : i32
        %convert_element_type3A_97 = arith.extui %gt3A_96 : i1 to i32
        %cond3A_98 = arith.constant 0 : i32
        %cond3A_99 = arith.cmpi ne, %convert_element_type3A_97, %cond3A_98 : i32
        scf.if %cond3A_99 {
          %dma_wait3A = arith.constant 0 : i32
          %dma_wait3A_100 = arith.constant 0 : i32
          %dma_wait3A_101 = tpu.memref_slice %arg6[%dma_wait3A, %dma_wait3A_100] : memref<8208x80xf32, #tpu.memory_space<vmem_shared>> -> memref<256x80xf32, #tpu.memory_space<vmem_shared>>
          %dma_wait3A_102 = arith.constant 0 : i32
          %dma_wait3A_103 = arith.constant 0 : i32
          %dma_wait3A_104 = tpu.memref_slice %arg6[%dma_wait3A_102, %dma_wait3A_103] : memref<8208x80xf32, #tpu.memory_space<vmem_shared>> -> memref<256x80xf32, #tpu.memory_space<vmem_shared>>
          tpu.wait_dma2 semaphore(%arg16 : memref<!tpu.dma_semaphore, #tpu.memory_space<semaphore_mem>>) src(%arg12 : memref<256x80xf32, #tpu.memory_space<vmem>>) dst(%dma_wait3A_104 : memref<256x80xf32, #tpu.memory_space<vmem_shared>>)
        } else {
        }
      } else {
      }
      %barrier3A_14 = arith.constant 0 : index
      tpu.barrier barrier_id(%barrier3A_14)
      %convert_element_type3A_15 = arith.extui %eq3A : i1 to i32
      %cond3A_16 = arith.constant 0 : i32
      %cond3A_17 = arith.cmpi ne, %convert_element_type3A_15, %cond3A_16 : i32
      scf.if %cond3A_17 {
        %mul3A_19 = arith.constant 512 : i32
        %mul3A_20 = arith.muli %arg1, %mul3A_19 : i32
        %mul3A_21 = arith.constant 512 : i32
        %mul3A_22 = arith.muli %arg1, %mul3A_21 : i32
        %add3A = arith.addi %mul3A_9, %mul3A_22 : i32
        "tpu.region"() ({
          %run_scoped3A = tpu.sem_alloc : memref<!tpu.dma_semaphore, #tpu.memory_space<semaphore_mem>>
          %dma_start3A = arith.constant 0 : i32
          %dma_start3A_23 = tpu.memref_slice %arg5[%add3A, %dma_start3A] : memref<65536x80xf32, #tpu.memory_space<hbm>> -> memref<512x80xf32, #tpu.memory_space<hbm>>
          %dma_start3A_24 = arith.constant 0 : i32
          %dma_start3A_25 = tpu.memref_slice %arg6[%mul3A_20, %dma_start3A_24] : memref<8208x80xf32, #tpu.memory_space<vmem_shared>> -> memref<512x80xf32, #tpu.memory_space<vmem_shared>>
          tpu.enqueue_dma source(%dma_start3A_25 : memref<512x80xf32, #tpu.memory_space<vmem_shared>>) target(%dma_start3A_23 : memref<512x80xf32, #tpu.memory_space<hbm>>) target_semaphore(%run_scoped3A : memref<!tpu.dma_semaphore, #tpu.memory_space<semaphore_mem>>)
          %dma_wait3A = arith.constant 0 : i32
          %dma_wait3A_26 = tpu.memref_slice %arg5[%add3A, %dma_wait3A] : memref<65536x80xf32, #tpu.memory_space<hbm>> -> memref<512x80xf32, #tpu.memory_space<hbm>>
          %dma_wait3A_27 = arith.constant 0 : i32
          %dma_wait3A_28 = tpu.memref_slice %arg6[%mul3A_20, %dma_wait3A_27] : memref<8208x80xf32, #tpu.memory_space<vmem_shared>> -> memref<512x80xf32, #tpu.memory_space<vmem_shared>>
          tpu.wait_dma2 semaphore(%run_scoped3A : memref<!tpu.dma_semaphore, #tpu.memory_space<semaphore_mem>>) src(%dma_wait3A_28 : memref<512x80xf32, #tpu.memory_space<vmem_shared>>) dst(%dma_wait3A_26 : memref<512x80xf32, #tpu.memory_space<hbm>>)
          tpu.yield
        }) : () -> ()
      } else {
      }
      %barrier3A_18 = arith.constant 0 : index
      tpu.barrier barrier_id(%barrier3A_18)
    }
    %scan3A_5 = arith.constant 7 : i32
    return
  }
}

#map = affine_map<(d0, d1) -> (0, 0)>
#map1 = affine_map<(d0, d1) -> (0)>
module attributes {stable_mosaic.version = 14 : i64} {
  func.func @body(%arg0: i32, %arg1: i32, %arg2: memref<65536x80xf32, #tpu.memory_space<hbm>>, %arg3: memref<819200xi32, #tpu.memory_space<hbm>>, %arg4: memref<819200xi32, #tpu.memory_space<hbm>>, %arg5: memref<65536x80xf32, #tpu.memory_space<hbm>>, %arg6: memref<8208x80xf32, #tpu.memory_space<vmem_shared>>, %arg7: memref<2048xi32, #tpu.memory_space<vmem>>, %arg8: memref<2048xi32, #tpu.memory_space<vmem>>, %arg9: memref<10512xi32, #tpu.memory_space<vmem>>, %arg10: memref<43x256xi32, #tpu.memory_space<vmem>>, %arg11: memref<256x80xf32, #tpu.memory_space<vmem>>, %arg12: memref<256x80xf32, #tpu.memory_space<vmem>>, %arg13: memref<!tpu.dma_semaphore, #tpu.memory_space<semaphore_mem>>, %arg14: memref<!tpu.dma_semaphore, #tpu.memory_space<semaphore_mem>>, %arg15: memref<!tpu.dma_semaphore, #tpu.memory_space<semaphore_mem>>, %arg16: memref<!tpu.dma_semaphore, #tpu.memory_space<semaphore_mem>>) attributes {dimension_semantics = [#tpu.dimension_semantics<core_parallel>, #tpu.dimension_semantics<subcore_parallel>], iteration_bounds = array<i64: 2, 16>, scalar_prefetch = 0 : i64, scratch_operands = 11 : i64, tpu.core_type = #tpu.core_type<sc_vector_subcore>, window_params = [{transform_indices = #map}, {transform_indices = #map1}, {transform_indices = #map1}, {transform_indices = #map}]} {
    %mul3A = arith.constant 51200 : i32
    %mul3A_0 = arith.muli %arg1, %mul3A : i32
    %scan3A = arith.constant 0 : i32
    %scan3A_1 = arith.constant 0 : i32
    %scan3A_2 = arith.constant 7 : i32
    %scan3A_3 = arith.addi %scan3A_1, %scan3A_2 : i32
    %scan3A_4 = arith.constant 1 : i32
    scf.for %scan3A_6 = %scan3A_1 to %scan3A_3 step %scan3A_4  : i32 {
      %rem3A = arith.constant 2 : i32
      %rem3A_7 = arith.remsi %scan3A_6, %rem3A : i32
      %eq3A = arith.cmpi eq, %rem3A_7, %arg0 : i32
      %mul3A_8 = arith.constant 8192 : i32
      %mul3A_9 = arith.muli %scan3A_6, %mul3A_8 : i32
      %convert_element_type3A = arith.extui %eq3A : i1 to i32
      %cond3A = arith.constant 0 : i32
      %cond3A_10 = arith.cmpi ne, %convert_element_type3A, %cond3A : i32
      scf.if %cond3A_10 {
        %mul3A_19 = arith.constant 512 : i32
        %mul3A_20 = arith.muli %arg1, %mul3A_19 : i32
        %add3A = arith.addi %mul3A_9, %mul3A_20 : i32
        %mul3A_21 = arith.constant 512 : i32
        %mul3A_22 = arith.muli %arg1, %mul3A_21 : i32
        "tpu.region"() ({
          %run_scoped3A = tpu.sem_alloc : memref<!tpu.dma_semaphore, #tpu.memory_space<semaphore_mem>>
          %dma_start3A = arith.constant 0 : i32
          %dma_start3A_23 = tpu.memref_slice %arg6[%mul3A_22, %dma_start3A] : memref<8208x80xf32, #tpu.memory_space<vmem_shared>> -> memref<512x80xf32, #tpu.memory_space<vmem_shared>>
          %dma_start3A_24 = arith.constant 0 : i32
          %dma_start3A_25 = tpu.memref_slice %arg2[%add3A, %dma_start3A_24] : memref<65536x80xf32, #tpu.memory_space<hbm>> -> memref<512x80xf32, #tpu.memory_space<hbm>>
          tpu.enqueue_dma source(%dma_start3A_25 : memref<512x80xf32, #tpu.memory_space<hbm>>) target(%dma_start3A_23 : memref<512x80xf32, #tpu.memory_space<vmem_shared>>) target_semaphore(%run_scoped3A : memref<!tpu.dma_semaphore, #tpu.memory_space<semaphore_mem>>)
          %dma_wait3A = arith.constant 0 : i32
          %dma_wait3A_26 = tpu.memref_slice %arg6[%mul3A_22, %dma_wait3A] : memref<8208x80xf32, #tpu.memory_space<vmem_shared>> -> memref<512x80xf32, #tpu.memory_space<vmem_shared>>
          %dma_wait3A_27 = arith.constant 0 : i32
          %dma_wait3A_28 = tpu.memref_slice %arg2[%add3A, %dma_wait3A_27] : memref<65536x80xf32, #tpu.memory_space<hbm>> -> memref<512x80xf32, #tpu.memory_space<hbm>>
          tpu.wait_dma2 semaphore(%run_scoped3A : memref<!tpu.dma_semaphore, #tpu.memory_space<semaphore_mem>>) src(%dma_wait3A_28 : memref<512x80xf32, #tpu.memory_space<hbm>>) dst(%dma_wait3A_26 : memref<512x80xf32, #tpu.memory_space<vmem_shared>>)
          tpu.yield
        }) : () -> ()
      } else {
      }
      %barrier3A = arith.constant 0 : index
      tpu.barrier barrier_id(%barrier3A)
      %convert_element_type3A_11 = arith.extui %eq3A : i1 to i32
      %cond3A_12 = arith.constant 0 : i32
      %cond3A_13 = arith.cmpi ne, %convert_element_type3A_11, %cond3A_12 : i32
      scf.if %cond3A_13 {
        %scan3A_19 = arith.constant 0 : i32
        %scan3A_20 = arith.constant 0 : i32
        %scan3A_21 = arith.constant 657 : i32
        %scan3A_22 = arith.addi %scan3A_20, %scan3A_21 : i32
        %scan3A_23 = arith.constant 1 : i32
        scf.for %scan3A_100 = %scan3A_20 to %scan3A_22 step %scan3A_23  : i32 {
          %broadcast_in_dim3A = arith.constant 0 : i32
          %broadcast_in_dim3A_101 = vector.broadcast %broadcast_in_dim3A : i32 to vector<16xi32>
          %mul3A_102 = arith.constant 16 : i32
          %mul3A_103 = arith.muli %scan3A_100, %mul3A_102 : i32
          %swap3A = arith.index_cast %mul3A_103 : i32 to index
          %swap3A_104 = tpu.vector_load %arg9[%swap3A] {strides = array<i32>} : memref<10512xi32, #tpu.memory_space<vmem>>, vector<16xi32>,
          tpu.vector_store %arg9[%swap3A], %broadcast_in_dim3A_101 {strides = array<i32>} : memref<10512xi32, #tpu.memory_space<vmem>>, vector<16xi32>,
        }
        %scan3A_24 = arith.constant 657 : i32
        %scan3A_25 = arith.constant 0 : i32
        %scan3A_26 = arith.constant 0 : i32
        %scan3A_27 = arith.constant 688 : i32
        %scan3A_28 = arith.addi %scan3A_26, %scan3A_27 : i32
        %scan3A_29 = arith.constant 1 : i32
        scf.for %scan3A_100 = %scan3A_26 to %scan3A_28 step %scan3A_29  : i32 {
          %broadcast_in_dim3A = arith.constant 8192 : i32
          %broadcast_in_dim3A_101 = vector.broadcast %broadcast_in_dim3A : i32 to vector<16xi32>
          %shift_right_arithmetic3A = arith.constant 4 : i32
          %shift_right_arithmetic3A_102 = arith.shrsi %scan3A_100, %shift_right_arithmetic3A : i32
          %mul3A_103 = arith.constant 16 : i32
          %mul3A_104 = arith.muli %scan3A_100, %mul3A_103 : i32
          %and3A_105 = arith.constant 255 : i32
          %and3A_106 = arith.andi %mul3A_104, %and3A_105 : i32
          %swap3A = arith.index_cast %shift_right_arithmetic3A_102 : i32 to index
          %swap3A_107 = arith.index_cast %and3A_106 : i32 to index
          %swap3A_108 = tpu.vector_load %arg10[%swap3A, %swap3A_107] {strides = array<i32>} : memref<43x256xi32, #tpu.memory_space<vmem>>, vector<16xi32>,
          tpu.vector_store %arg10[%swap3A, %swap3A_107], %broadcast_in_dim3A_101 {strides = array<i32>} : memref<43x256xi32, #tpu.memory_space<vmem>>, vector<16xi32>,
        }
        %scan3A_30 = arith.constant 688 : i32
        %scan3A_31 = arith.constant 0 : i32
        %scan3A_32 = arith.constant 0 : i32
        %scan3A_33 = arith.constant 25 : i32
        %scan3A_34 = arith.addi %scan3A_32, %scan3A_33 : i32
        %scan3A_35 = arith.constant 1 : i32
        %scan3A_36 = scf.for %scan3A_100 = %scan3A_32 to %scan3A_34 step %scan3A_35 iter_args(%scan3A_101 = %scan3A_31) -> (i32)  : i32 {
          %mul3A_102 = arith.constant 2048 : i32
          %mul3A_103 = arith.muli %scan3A_100, %mul3A_102 : i32
          %add3A_104 = arith.addi %mul3A_0, %mul3A_103 : i32
          "tpu.region"() ({
            %run_scoped3A = tpu.sem_alloc : memref<!tpu.dma_semaphore, #tpu.memory_space<semaphore_mem>>
            %dma_start3A = tpu.memref_slice %arg3[%add3A_104] : memref<819200xi32, #tpu.memory_space<hbm>> -> memref<2048xi32, #tpu.memory_space<hbm>>
            %dma_start3A_114 = tpu.memref_slice %arg3[%add3A_104] : memref<819200xi32, #tpu.memory_space<hbm>> -> memref<2048xi32, #tpu.memory_space<hbm>>
            tpu.enqueue_dma source(%dma_start3A_114 : memref<2048xi32, #tpu.memory_space<hbm>>) target(%arg7 : memref<2048xi32, #tpu.memory_space<vmem>>) target_semaphore(%run_scoped3A : memref<!tpu.dma_semaphore, #tpu.memory_space<semaphore_mem>>)
            %dma_wait3A = tpu.memref_slice %arg3[%add3A_104] : memref<819200xi32, #tpu.memory_space<hbm>> -> memref<2048xi32, #tpu.memory_space<hbm>>
            %dma_wait3A_115 = tpu.memref_slice %arg3[%add3A_104] : memref<819200xi32, #tpu.memory_space<hbm>> -> memref<2048xi32, #tpu.memory_space<hbm>>
            tpu.wait_dma2 semaphore(%run_scoped3A : memref<!tpu.dma_semaphore, #tpu.memory_space<semaphore_mem>>) src(%dma_wait3A_115 : memref<2048xi32, #tpu.memory_space<hbm>>) dst(%arg7 : memref<2048xi32, #tpu.memory_space<vmem>>)
            tpu.yield
          }) : () -> ()
          %mul3A_105 = arith.constant 2048 : i32
          %mul3A_106 = arith.muli %scan3A_100, %mul3A_105 : i32
          %add3A_107 = arith.addi %mul3A_0, %mul3A_106 : i32
          "tpu.region"() ({
            %run_scoped3A = tpu.sem_alloc : memref<!tpu.dma_semaphore, #tpu.memory_space<semaphore_mem>>
            %dma_start3A = tpu.memref_slice %arg4[%add3A_107] : memref<819200xi32, #tpu.memory_space<hbm>> -> memref<2048xi32, #tpu.memory_space<hbm>>
            %dma_start3A_114 = tpu.memref_slice %arg4[%add3A_107] : memref<819200xi32, #tpu.memory_space<hbm>> -> memref<2048xi32, #tpu.memory_space<hbm>>
            tpu.enqueue_dma source(%dma_start3A_114 : memref<2048xi32, #tpu.memory_space<hbm>>) target(%arg8 : memref<2048xi32, #tpu.memory_space<vmem>>) target_semaphore(%run_scoped3A : memref<!tpu.dma_semaphore, #tpu.memory_space<semaphore_mem>>)
            %dma_wait3A = tpu.memref_slice %arg4[%add3A_107] : memref<819200xi32, #tpu.memory_space<hbm>> -> memref<2048xi32, #tpu.memory_space<hbm>>
            %dma_wait3A_115 = tpu.memref_slice %arg4[%add3A_107] : memref<819200xi32, #tpu.memory_space<hbm>> -> memref<2048xi32, #tpu.memory_space<hbm>>
            tpu.wait_dma2 semaphore(%run_scoped3A : memref<!tpu.dma_semaphore, #tpu.memory_space<semaphore_mem>>) src(%dma_wait3A_115 : memref<2048xi32, #tpu.memory_space<hbm>>) dst(%arg8 : memref<2048xi32, #tpu.memory_space<vmem>>)
            tpu.yield
          }) : () -> ()
          %scan3A_108 = arith.constant 0 : i32
          %scan3A_109 = arith.constant 128 : i32
          %scan3A_110 = arith.addi %scan3A_108, %scan3A_109 : i32
          %scan3A_111 = arith.constant 1 : i32
          %scan3A_112 = scf.for %scan3A_114 = %scan3A_108 to %scan3A_110 step %scan3A_111 iter_args(%scan3A_115 = %scan3A_101) -> (i32)  : i32 {
            %mul3A_116 = arith.constant 16 : i32
            %mul3A_117 = arith.muli %scan3A_114, %mul3A_116 : i32
            %get3A = arith.index_cast %mul3A_117 : i32 to index
            %get3A_118 = tpu.vector_load %arg8[%get3A] {strides = array<i32>} : memref<2048xi32, #tpu.memory_space<vmem>>, vector<16xi32>,
            %mul3A_119 = arith.constant 16 : i32
            %mul3A_120 = arith.muli %scan3A_114, %mul3A_119 : i32
            %get3A_121 = arith.index_cast %mul3A_120 : i32 to index
            %get3A_122 = tpu.vector_load %arg7[%get3A_121] {strides = array<i32>} : memref<2048xi32, #tpu.memory_space<vmem>>, vector<16xi32>,
            %shift_right_arithmetic3A = arith.constant 13 : i32
            %shift_right_arithmetic3A_123 = vector.broadcast %shift_right_arithmetic3A : i32 to vector<16xi32>
            %shift_right_arithmetic3A_124 = arith.shrsi %get3A_118, %shift_right_arithmetic3A_123 : vector<16xi32>
            %eq3A_125 = vector.broadcast %scan3A_6 : i32 to vector<16xi32>
            %eq3A_126 = arith.cmpi eq, %shift_right_arithmetic3A_124, %eq3A_125 : vector<16xi32>
            %jit3A_127 = arith.constant 1 : i32
            %jit3A_128 = arith.constant 0 : i32
            %broadcast_in_dim3A = vector.broadcast %jit3A_127 : i32 to vector<16xi32>
            %broadcast_in_dim3A_129 = vector.broadcast %jit3A_128 : i32 to vector<16xi32>
            %select_n3A_130 = arith.select %eq3A_126, %broadcast_in_dim3A, %broadcast_in_dim3A_129 : vector<16xi1>, vector<16xi32>
            %broadcast_in_dim3A_131 = arith.constant true
            %broadcast_in_dim3A_132 = vector.broadcast %broadcast_in_dim3A_131 : i1 to vector<16xi1>
            %masked_cumsum3A = tpu.scan <sum>, %select_n3A_130 masked %broadcast_in_dim3A_132 : vector<16xi32>, vector<16xi1> -> vector<16xi32>
            %add3A_133 = vector.broadcast %scan3A_115 : i32 to vector<16xi32>
            %add3A_134 = arith.addi %add3A_133, %masked_cumsum3A : vector<16xi32>
            %sub3A_135 = arith.subi %add3A_134, %select_n3A_130 : vector<16xi32>
            tpu.vector_store_idx %arg9[%sub3A_135], %get3A_122 masked %eq3A_126 : memref<10512xi32, #tpu.memory_space<vmem>>[vector<16xi32>], vector<16xi32>, vector<16xi1>
            %shift_right_arithmetic3A_136 = arith.constant 8 : i32
            %shift_right_arithmetic3A_137 = vector.broadcast %shift_right_arithmetic3A_136 : i32 to vector<16xi32>
            %shift_right_arithmetic3A_138 = arith.shrsi %sub3A_135, %shift_right_arithmetic3A_137 : vector<16xi32>
            %and3A_139 = arith.constant 255 : i32
            %and3A_140 = vector.broadcast %and3A_139 : i32 to vector<16xi32>
            %and3A_141 = arith.andi %sub3A_135, %and3A_140 : vector<16xi32>
            %and3A_142 = arith.constant 8191 : i32
            %and3A_143 = vector.broadcast %and3A_142 : i32 to vector<16xi32>
            %and3A_144 = arith.andi %get3A_118, %and3A_143 : vector<16xi32>
            tpu.vector_store_idx %arg10[%shift_right_arithmetic3A_138, %and3A_141], %and3A_144 masked %eq3A_126 : memref<43x256xi32, #tpu.memory_space<vmem>>[vector<16xi32>, vector<16xi32>], vector<16xi32>, vector<16xi1>
            %reduce_sum3A = arith.constant true
            %reduce_sum3A_145 = vector.broadcast %reduce_sum3A : i1 to vector<16xi1>
            %reduce_sum3A_146 = tpu.scan <sum>, %select_n3A_130 masked %reduce_sum3A_145 : vector<16xi32>, vector<16xi1> -> vector<16xi32>
            %reduce_sum3A_147 = vector.extract %reduce_sum3A_146[15] : i32 from vector<16xi32>
            %add3A_148 = arith.addi %scan3A_115, %reduce_sum3A_147 : i32
            %min3A = arith.constant 10240 : i32
            %min3A_149 = arith.minsi %add3A_148, %min3A : i32
            scf.yield %min3A_149 : i32
          }
          %scan3A_113 = arith.constant 128 : i32
          scf.yield %scan3A_112 : i32
        }
        %scan3A_37 = arith.constant 25 : i32
        %add3A = arith.constant 255 : i32
        %add3A_38 = arith.addi %scan3A_36, %add3A : i32
        %jit3A = arith.constant 256 : i32
        %div3A = arith.divsi %add3A_38, %jit3A : i32
        %sign3A = arith.constant 0 : i32
        %sign3A_39 = arith.cmpi sgt, %add3A_38, %sign3A : i32
        %sign3A_40 = arith.extui %sign3A_39 : i1 to i32
        %sign3A_41 = arith.constant 0 : i32
        %sign3A_42 = arith.cmpi slt, %add3A_38, %sign3A_41 : i32
        %sign3A_43 = arith.extui %sign3A_42 : i1 to i32
        %sign3A_44 = arith.subi %sign3A_40, %sign3A_43 : i32
        %sign3A_45 = arith.constant 0 : i32
        %sign3A_46 = arith.cmpi sgt, %jit3A, %sign3A_45 : i32
        %sign3A_47 = arith.extui %sign3A_46 : i1 to i32
        %sign3A_48 = arith.constant 0 : i32
        %sign3A_49 = arith.cmpi slt, %jit3A, %sign3A_48 : i32
        %sign3A_50 = arith.extui %sign3A_49 : i1 to i32
        %sign3A_51 = arith.subi %sign3A_47, %sign3A_50 : i32
        %ne3A = arith.cmpi ne, %sign3A_44, %sign3A_51 : i32
        %rem3A_52 = arith.remsi %add3A_38, %jit3A : i32
        %ne3A_53 = arith.constant 0 : i32
        %ne3A_54 = arith.cmpi ne, %rem3A_52, %ne3A_53 : i32
        %and3A = arith.andi %ne3A, %ne3A_54 : i1
        %sub3A = arith.constant 1 : i32
        %sub3A_55 = arith.subi %div3A, %sub3A : i32
        %select_n3A = arith.select %and3A, %sub3A_55, %div3A : i32
        %add3A_56 = arith.constant 1 : i32
        %add3A_57 = arith.addi %select_n3A, %add3A_56 : i32
        %jit3A_58 = arith.constant 2 : i32
        %div3A_59 = arith.divsi %add3A_57, %jit3A_58 : i32
        %sign3A_60 = arith.constant 0 : i32
        %sign3A_61 = arith.cmpi sgt, %add3A_57, %sign3A_60 : i32
        %sign3A_62 = arith.extui %sign3A_61 : i1 to i32
        %sign3A_63 = arith.constant 0 : i32
        %sign3A_64 = arith.cmpi slt, %add3A_57, %sign3A_63 : i32
        %sign3A_65 = arith.extui %sign3A_64 : i1 to i32
        %sign3A_66 = arith.subi %sign3A_62, %sign3A_65 : i32
        %sign3A_67 = arith.constant 0 : i32
        %sign3A_68 = arith.cmpi sgt, %jit3A_58, %sign3A_67 : i32
        %sign3A_69 = arith.extui %sign3A_68 : i1 to i32
        %sign3A_70 = arith.constant 0 : i32
        %sign3A_71 = arith.cmpi slt, %jit3A_58, %sign3A_70 : i32
        %sign3A_72 = arith.extui %sign3A_71 : i1 to i32
        %sign3A_73 = arith.subi %sign3A_69, %sign3A_72 : i32
        %ne3A_74 = arith.cmpi ne, %sign3A_66, %sign3A_73 : i32
        %rem3A_75 = arith.remsi %add3A_57, %jit3A_58 : i32
        %ne3A_76 = arith.constant 0 : i32
        %ne3A_77 = arith.cmpi ne, %rem3A_75, %ne3A_76 : i32
        %and3A_78 = arith.andi %ne3A_74, %ne3A_77 : i1
        %sub3A_79 = arith.constant 1 : i32
        %sub3A_80 = arith.subi %div3A_59, %sub3A_79 : i32
        %select_n3A_81 = arith.select %and3A_78, %sub3A_80, %div3A_59 : i32
        %while3A = arith.constant 0 : i32
        %while3A_82 = arith.constant 0 : i32
        %while3A_83 = arith.subi %select_n3A_81, %while3A_82 : i32
        %while3A_84 = arith.addi %while3A_82, %while3A_83 : i32
        %while3A_85 = arith.constant 1 : i32
        %while3A_86 = arith.divsi %while3A_83, %while3A_85 : i32
        %while3A_87 = arith.muli %while3A_86, %while3A_85 : i32
        %while3A_88 = arith.addi %while3A_82, %while3A_87 : i32
        %while3A_89 = arith.constant 1 : i32
        scf.for %while3A_100 = %while3A_82 to %while3A_88 step %while3A_89  : i32 {
          %mul3A_101 = arith.constant 2 : i32
          %mul3A_102 = arith.muli %while3A_100, %mul3A_101 : i32
          %add3A_103 = arith.constant 1 : i32
          %add3A_104 = arith.addi %mul3A_102, %add3A_103 : i32
          %lt3A = arith.cmpi slt, %add3A_104, %select_n3A : i32
          %gt3A_105 = arith.constant 0 : i32
          %gt3A_106 = arith.cmpi sgt, %while3A_100, %gt3A_105 : i32
          %convert_element_type3A_107 = arith.extui %gt3A_106 : i1 to i32
          %cond3A_108 = arith.constant 0 : i32
          %cond3A_109 = arith.cmpi ne, %convert_element_type3A_107, %cond3A_108 : i32
          scf.if %cond3A_109 {
            %dma_wait3A_132 = arith.constant 0 : i32
            %dma_wait3A_133 = arith.constant 0 : i32
            %dma_wait3A_134 = tpu.memref_slice %arg6[%dma_wait3A_132, %dma_wait3A_133] : memref<8208x80xf32, #tpu.memory_space<vmem_shared>> -> memref<256x80xf32, #tpu.memory_space<vmem_shared>>
            %dma_wait3A_135 = arith.constant 0 : i32
            %dma_wait3A_136 = arith.constant 0 : i32
            %dma_wait3A_137 = tpu.memref_slice %arg6[%dma_wait3A_135, %dma_wait3A_136] : memref<8208x80xf32, #tpu.memory_space<vmem_shared>> -> memref<256x80xf32, #tpu.memory_space<vmem_shared>>
            tpu.wait_dma2 semaphore(%arg15 : memref<!tpu.dma_semaphore, #tpu.memory_space<semaphore_mem>>) src(%arg11 : memref<256x80xf32, #tpu.memory_space<vmem>>) dst(%dma_wait3A_137 : memref<256x80xf32, #tpu.memory_space<vmem_shared>>)
          } else {
          }
          %mul3A_110 = arith.constant 256 : i32
          %mul3A_111 = arith.muli %mul3A_102, %mul3A_110 : i32
          %dma_start3A = tpu.memref_slice %arg9[%mul3A_111] : memref<10512xi32, #tpu.memory_space<vmem>> -> memref<256xi32, #tpu.memory_space<vmem>>
          %dma_start3A_112 = arith.constant 0 : i32
          %dma_start3A_113 = arith.constant 0 : i32
          %dma_start3A_114 = tpu.memref_slice %arg2[%dma_start3A_112, %dma_start3A_113] : memref<65536x80xf32, #tpu.memory_space<hbm>> -> memref<65536x80xf32, #tpu.memory_space<hbm>>
          tpu.enqueue_indirect_dma source(%dma_start3A_114 : memref<65536x80xf32, #tpu.memory_space<hbm>>) target(%arg11 : memref<256x80xf32, #tpu.memory_space<vmem>>) offsets(%dma_start3A : memref<256xi32, #tpu.memory_space<vmem>>) semaphore(%arg13 : memref<!tpu.dma_semaphore, #tpu.memory_space<semaphore_mem>>)
          %convert_element_type3A_115 = arith.extui %lt3A : i1 to i32
          %cond3A_116 = arith.constant 0 : i32
          %cond3A_117 = arith.cmpi ne, %convert_element_type3A_115, %cond3A_116 : i32
          scf.if %cond3A_117 {
            %gt3A_132 = arith.constant 0 : i32
            %gt3A_133 = arith.cmpi sgt, %while3A_100, %gt3A_132 : i32
            %convert_element_type3A_134 = arith.extui %gt3A_133 : i1 to i32
            %cond3A_135 = arith.constant 0 : i32
            %cond3A_136 = arith.cmpi ne, %convert_element_type3A_134, %cond3A_135 : i32
            scf.if %cond3A_136 {
              %dma_wait3A_143 = arith.constant 0 : i32
              %dma_wait3A_144 = arith.constant 0 : i32
              %dma_wait3A_145 = tpu.memref_slice %arg6[%dma_wait3A_143, %dma_wait3A_144] : memref<8208x80xf32, #tpu.memory_space<vmem_shared>> -> memref<256x80xf32, #tpu.memory_space<vmem_shared>>
              %dma_wait3A_146 = arith.constant 0 : i32
              %dma_wait3A_147 = arith.constant 0 : i32
              %dma_wait3A_148 = tpu.memref_slice %arg6[%dma_wait3A_146, %dma_wait3A_147] : memref<8208x80xf32, #tpu.memory_space<vmem_shared>> -> memref<256x80xf32, #tpu.memory_space<vmem_shared>>
              tpu.wait_dma2 semaphore(%arg16 : memref<!tpu.dma_semaphore, #tpu.memory_space<semaphore_mem>>) src(%arg12 : memref<256x80xf32, #tpu.memory_space<vmem>>) dst(%dma_wait3A_148 : memref<256x80xf32, #tpu.memory_space<vmem_shared>>)
            } else {
            }
            %mul3A_137 = arith.constant 256 : i32
            %mul3A_138 = arith.muli %add3A_104, %mul3A_137 : i32
            %dma_start3A_139 = tpu.memref_slice %arg9[%mul3A_138] : memref<10512xi32, #tpu.memory_space<vmem>> -> memref<256xi32, #tpu.memory_space<vmem>>
            %dma_start3A_140 = arith.constant 0 : i32
            %dma_start3A_141 = arith.constant 0 : i32
            %dma_start3A_142 = tpu.memref_slice %arg2[%dma_start3A_140, %dma_start3A_141] : memref<65536x80xf32, #tpu.memory_space<hbm>> -> memref<65536x80xf32, #tpu.memory_space<hbm>>
            tpu.enqueue_indirect_dma source(%dma_start3A_142 : memref<65536x80xf32, #tpu.memory_space<hbm>>) target(%arg12 : memref<256x80xf32, #tpu.memory_space<vmem>>) offsets(%dma_start3A_139 : memref<256xi32, #tpu.memory_space<vmem>>) semaphore(%arg14 : memref<!tpu.dma_semaphore, #tpu.memory_space<semaphore_mem>>)
          } else {
          }
          %dma_wait3A = arith.constant 0 : i32
          %dma_wait3A_118 = arith.constant 0 : i32
          %dma_wait3A_119 = tpu.memref_slice %arg2[%dma_wait3A, %dma_wait3A_118] : memref<65536x80xf32, #tpu.memory_space<hbm>> -> memref<256x80xf32, #tpu.memory_space<hbm>>
          %dma_wait3A_120 = arith.constant 0 : i32
          %dma_wait3A_121 = arith.constant 0 : i32
          %dma_wait3A_122 = tpu.memref_slice %arg2[%dma_wait3A_120, %dma_wait3A_121] : memref<65536x80xf32, #tpu.memory_space<hbm>> -> memref<256x80xf32, #tpu.memory_space<hbm>>
          tpu.wait_dma2 semaphore(%arg13 : memref<!tpu.dma_semaphore, #tpu.memory_space<semaphore_mem>>) src(%dma_wait3A_122 : memref<256x80xf32, #tpu.memory_space<hbm>>) dst(%arg11 : memref<256x80xf32, #tpu.memory_space<vmem>>)
          %dma_start3A_123 = arith.constant 0 : i32
          %dma_start3A_124 = tpu.memref_slice %arg10[%mul3A_102, %dma_start3A_123] : memref<43x256xi32, #tpu.memory_space<vmem>> -> memref<1x256xi32, #tpu.memory_space<vmem>>
          %dma_start3A_125 = tpu.memref_squeeze %dma_start3A_124 : memref<1x256xi32, #tpu.memory_space<vmem>> -> memref<256xi32, #tpu.memory_space<vmem>>
          %dma_start3A_126 = arith.constant 0 : i32
          %dma_start3A_127 = arith.constant 0 : i32
          %dma_start3A_128 = tpu.memref_slice %arg6[%dma_start3A_126, %dma_start3A_127] : memref<8208x80xf32, #tpu.memory_space<vmem_shared>> -> memref<8208x80xf32, #tpu.memory_space<vmem_shared>>
          tpu.enqueue_indirect_dma source(%arg11 : memref<256x80xf32, #tpu.memory_space<vmem>>) target(%dma_start3A_128 : memref<8208x80xf32, #tpu.memory_space<vmem_shared>>) offsets(%dma_start3A_125 : memref<256xi32, #tpu.memory_space<vmem>>) semaphore(%arg15 : memref<!tpu.dma_semaphore, #tpu.memory_space<semaphore_mem>>) {add = true}
          %convert_element_type3A_129 = arith.extui %lt3A : i1 to i32
          %cond3A_130 = arith.constant 0 : i32
          %cond3A_131 = arith.cmpi ne, %convert_element_type3A_129, %cond3A_130 : i32
          scf.if %cond3A_131 {
            %dma_wait3A_132 = arith.constant 0 : i32
            %dma_wait3A_133 = arith.constant 0 : i32
            %dma_wait3A_134 = tpu.memref_slice %arg2[%dma_wait3A_132, %dma_wait3A_133] : memref<65536x80xf32, #tpu.memory_space<hbm>> -> memref<256x80xf32, #tpu.memory_space<hbm>>
            %dma_wait3A_135 = arith.constant 0 : i32
            %dma_wait3A_136 = arith.constant 0 : i32
            %dma_wait3A_137 = tpu.memref_slice %arg2[%dma_wait3A_135, %dma_wait3A_136] : memref<65536x80xf32, #tpu.memory_space<hbm>> -> memref<256x80xf32, #tpu.memory_space<hbm>>
            tpu.wait_dma2 semaphore(%arg14 : memref<!tpu.dma_semaphore, #tpu.memory_space<semaphore_mem>>) src(%dma_wait3A_137 : memref<256x80xf32, #tpu.memory_space<hbm>>) dst(%arg12 : memref<256x80xf32, #tpu.memory_space<vmem>>)
            %dma_start3A_138 = arith.constant 0 : i32
            %dma_start3A_139 = tpu.memref_slice %arg10[%add3A_104, %dma_start3A_138] : memref<43x256xi32, #tpu.memory_space<vmem>> -> memref<1x256xi32, #tpu.memory_space<vmem>>
            %dma_start3A_140 = tpu.memref_squeeze %dma_start3A_139 : memref<1x256xi32, #tpu.memory_space<vmem>> -> memref<256xi32, #tpu.memory_space<vmem>>
            %dma_start3A_141 = arith.constant 0 : i32
            %dma_start3A_142 = arith.constant 0 : i32
            %dma_start3A_143 = tpu.memref_slice %arg6[%dma_start3A_141, %dma_start3A_142] : memref<8208x80xf32, #tpu.memory_space<vmem_shared>> -> memref<8208x80xf32, #tpu.memory_space<vmem_shared>>
            tpu.enqueue_indirect_dma source(%arg12 : memref<256x80xf32, #tpu.memory_space<vmem>>) target(%dma_start3A_143 : memref<8208x80xf32, #tpu.memory_space<vmem_shared>>) offsets(%dma_start3A_140 : memref<256xi32, #tpu.memory_space<vmem>>) semaphore(%arg16 : memref<!tpu.dma_semaphore, #tpu.memory_space<semaphore_mem>>) {add = true}
          } else {
          }
        }
        %while3A_90 = arith.constant 1 : i32
        scf.for %while3A_100 = %while3A_88 to %while3A_84 step %while3A_90  : i32 {
          %mul3A_101 = arith.constant 2 : i32
          %mul3A_102 = arith.muli %while3A_100, %mul3A_101 : i32
          %add3A_103 = arith.constant 1 : i32
          %add3A_104 = arith.addi %mul3A_102, %add3A_103 : i32
          %lt3A = arith.cmpi slt, %add3A_104, %select_n3A : i32
          %gt3A_105 = arith.constant 0 : i32
          %gt3A_106 = arith.cmpi sgt, %while3A_100, %gt3A_105 : i32
          %convert_element_type3A_107 = arith.extui %gt3A_106 : i1 to i32
          %cond3A_108 = arith.constant 0 : i32
          %cond3A_109 = arith.cmpi ne, %convert_element_type3A_107, %cond3A_108 : i32
          scf.if %cond3A_109 {
            %dma_wait3A_132 = arith.constant 0 : i32
            %dma_wait3A_133 = arith.constant 0 : i32
            %dma_wait3A_134 = tpu.memref_slice %arg6[%dma_wait3A_132, %dma_wait3A_133] : memref<8208x80xf32, #tpu.memory_space<vmem_shared>> -> memref<256x80xf32, #tpu.memory_space<vmem_shared>>
            %dma_wait3A_135 = arith.constant 0 : i32
            %dma_wait3A_136 = arith.constant 0 : i32
            %dma_wait3A_137 = tpu.memref_slice %arg6[%dma_wait3A_135, %dma_wait3A_136] : memref<8208x80xf32, #tpu.memory_space<vmem_shared>> -> memref<256x80xf32, #tpu.memory_space<vmem_shared>>
            tpu.wait_dma2 semaphore(%arg15 : memref<!tpu.dma_semaphore, #tpu.memory_space<semaphore_mem>>) src(%arg11 : memref<256x80xf32, #tpu.memory_space<vmem>>) dst(%dma_wait3A_137 : memref<256x80xf32, #tpu.memory_space<vmem_shared>>)
          } else {
          }
          %mul3A_110 = arith.constant 256 : i32
          %mul3A_111 = arith.muli %mul3A_102, %mul3A_110 : i32
          %dma_start3A = tpu.memref_slice %arg9[%mul3A_111] : memref<10512xi32, #tpu.memory_space<vmem>> -> memref<256xi32, #tpu.memory_space<vmem>>
          %dma_start3A_112 = arith.constant 0 : i32
          %dma_start3A_113 = arith.constant 0 : i32
          %dma_start3A_114 = tpu.memref_slice %arg2[%dma_start3A_112, %dma_start3A_113] : memref<65536x80xf32, #tpu.memory_space<hbm>> -> memref<65536x80xf32, #tpu.memory_space<hbm>>
          tpu.enqueue_indirect_dma source(%dma_start3A_114 : memref<65536x80xf32, #tpu.memory_space<hbm>>) target(%arg11 : memref<256x80xf32, #tpu.memory_space<vmem>>) offsets(%dma_start3A : memref<256xi32, #tpu.memory_space<vmem>>) semaphore(%arg13 : memref<!tpu.dma_semaphore, #tpu.memory_space<semaphore_mem>>)
          %convert_element_type3A_115 = arith.extui %lt3A : i1 to i32
          %cond3A_116 = arith.constant 0 : i32
          %cond3A_117 = arith.cmpi ne, %convert_element_type3A_115, %cond3A_116 : i32
          scf.if %cond3A_117 {
            %gt3A_132 = arith.constant 0 : i32
            %gt3A_133 = arith.cmpi sgt, %while3A_100, %gt3A_132 : i32
            %convert_element_type3A_134 = arith.extui %gt3A_133 : i1 to i32
            %cond3A_135 = arith.constant 0 : i32
            %cond3A_136 = arith.cmpi ne, %convert_element_type3A_134, %cond3A_135 : i32
            scf.if %cond3A_136 {
              %dma_wait3A_143 = arith.constant 0 : i32
              %dma_wait3A_144 = arith.constant 0 : i32
              %dma_wait3A_145 = tpu.memref_slice %arg6[%dma_wait3A_143, %dma_wait3A_144] : memref<8208x80xf32, #tpu.memory_space<vmem_shared>> -> memref<256x80xf32, #tpu.memory_space<vmem_shared>>
              %dma_wait3A_146 = arith.constant 0 : i32
              %dma_wait3A_147 = arith.constant 0 : i32
              %dma_wait3A_148 = tpu.memref_slice %arg6[%dma_wait3A_146, %dma_wait3A_147] : memref<8208x80xf32, #tpu.memory_space<vmem_shared>> -> memref<256x80xf32, #tpu.memory_space<vmem_shared>>
              tpu.wait_dma2 semaphore(%arg16 : memref<!tpu.dma_semaphore, #tpu.memory_space<semaphore_mem>>) src(%arg12 : memref<256x80xf32, #tpu.memory_space<vmem>>) dst(%dma_wait3A_148 : memref<256x80xf32, #tpu.memory_space<vmem_shared>>)
            } else {
            }
            %mul3A_137 = arith.constant 256 : i32
            %mul3A_138 = arith.muli %add3A_104, %mul3A_137 : i32
            %dma_start3A_139 = tpu.memref_slice %arg9[%mul3A_138] : memref<10512xi32, #tpu.memory_space<vmem>> -> memref<256xi32, #tpu.memory_space<vmem>>
            %dma_start3A_140 = arith.constant 0 : i32
            %dma_start3A_141 = arith.constant 0 : i32
            %dma_start3A_142 = tpu.memref_slice %arg2[%dma_start3A_140, %dma_start3A_141] : memref<65536x80xf32, #tpu.memory_space<hbm>> -> memref<65536x80xf32, #tpu.memory_space<hbm>>
            tpu.enqueue_indirect_dma source(%dma_start3A_142 : memref<65536x80xf32, #tpu.memory_space<hbm>>) target(%arg12 : memref<256x80xf32, #tpu.memory_space<vmem>>) offsets(%dma_start3A_139 : memref<256xi32, #tpu.memory_space<vmem>>) semaphore(%arg14 : memref<!tpu.dma_semaphore, #tpu.memory_space<semaphore_mem>>)
          } else {
          }
          %dma_wait3A = arith.constant 0 : i32
          %dma_wait3A_118 = arith.constant 0 : i32
          %dma_wait3A_119 = tpu.memref_slice %arg2[%dma_wait3A, %dma_wait3A_118] : memref<65536x80xf32, #tpu.memory_space<hbm>> -> memref<256x80xf32, #tpu.memory_space<hbm>>
          %dma_wait3A_120 = arith.constant 0 : i32
          %dma_wait3A_121 = arith.constant 0 : i32
          %dma_wait3A_122 = tpu.memref_slice %arg2[%dma_wait3A_120, %dma_wait3A_121] : memref<65536x80xf32, #tpu.memory_space<hbm>> -> memref<256x80xf32, #tpu.memory_space<hbm>>
          tpu.wait_dma2 semaphore(%arg13 : memref<!tpu.dma_semaphore, #tpu.memory_space<semaphore_mem>>) src(%dma_wait3A_122 : memref<256x80xf32, #tpu.memory_space<hbm>>) dst(%arg11 : memref<256x80xf32, #tpu.memory_space<vmem>>)
          %dma_start3A_123 = arith.constant 0 : i32
          %dma_start3A_124 = tpu.memref_slice %arg10[%mul3A_102, %dma_start3A_123] : memref<43x256xi32, #tpu.memory_space<vmem>> -> memref<1x256xi32, #tpu.memory_space<vmem>>
          %dma_start3A_125 = tpu.memref_squeeze %dma_start3A_124 : memref<1x256xi32, #tpu.memory_space<vmem>> -> memref<256xi32, #tpu.memory_space<vmem>>
          %dma_start3A_126 = arith.constant 0 : i32
          %dma_start3A_127 = arith.constant 0 : i32
          %dma_start3A_128 = tpu.memref_slice %arg6[%dma_start3A_126, %dma_start3A_127] : memref<8208x80xf32, #tpu.memory_space<vmem_shared>> -> memref<8208x80xf32, #tpu.memory_space<vmem_shared>>
          tpu.enqueue_indirect_dma source(%arg11 : memref<256x80xf32, #tpu.memory_space<vmem>>) target(%dma_start3A_128 : memref<8208x80xf32, #tpu.memory_space<vmem_shared>>) offsets(%dma_start3A_125 : memref<256xi32, #tpu.memory_space<vmem>>) semaphore(%arg15 : memref<!tpu.dma_semaphore, #tpu.memory_space<semaphore_mem>>) {add = true}
          %convert_element_type3A_129 = arith.extui %lt3A : i1 to i32
          %cond3A_130 = arith.constant 0 : i32
          %cond3A_131 = arith.cmpi ne, %convert_element_type3A_129, %cond3A_130 : i32
          scf.if %cond3A_131 {
            %dma_wait3A_132 = arith.constant 0 : i32
            %dma_wait3A_133 = arith.constant 0 : i32
            %dma_wait3A_134 = tpu.memref_slice %arg2[%dma_wait3A_132, %dma_wait3A_133] : memref<65536x80xf32, #tpu.memory_space<hbm>> -> memref<256x80xf32, #tpu.memory_space<hbm>>
            %dma_wait3A_135 = arith.constant 0 : i32
            %dma_wait3A_136 = arith.constant 0 : i32
            %dma_wait3A_137 = tpu.memref_slice %arg2[%dma_wait3A_135, %dma_wait3A_136] : memref<65536x80xf32, #tpu.memory_space<hbm>> -> memref<256x80xf32, #tpu.memory_space<hbm>>
            tpu.wait_dma2 semaphore(%arg14 : memref<!tpu.dma_semaphore, #tpu.memory_space<semaphore_mem>>) src(%dma_wait3A_137 : memref<256x80xf32, #tpu.memory_space<hbm>>) dst(%arg12 : memref<256x80xf32, #tpu.memory_space<vmem>>)
            %dma_start3A_138 = arith.constant 0 : i32
            %dma_start3A_139 = tpu.memref_slice %arg10[%add3A_104, %dma_start3A_138] : memref<43x256xi32, #tpu.memory_space<vmem>> -> memref<1x256xi32, #tpu.memory_space<vmem>>
            %dma_start3A_140 = tpu.memref_squeeze %dma_start3A_139 : memref<1x256xi32, #tpu.memory_space<vmem>> -> memref<256xi32, #tpu.memory_space<vmem>>
            %dma_start3A_141 = arith.constant 0 : i32
            %dma_start3A_142 = arith.constant 0 : i32
            %dma_start3A_143 = tpu.memref_slice %arg6[%dma_start3A_141, %dma_start3A_142] : memref<8208x80xf32, #tpu.memory_space<vmem_shared>> -> memref<8208x80xf32, #tpu.memory_space<vmem_shared>>
            tpu.enqueue_indirect_dma source(%arg12 : memref<256x80xf32, #tpu.memory_space<vmem>>) target(%dma_start3A_143 : memref<8208x80xf32, #tpu.memory_space<vmem_shared>>) offsets(%dma_start3A_140 : memref<256xi32, #tpu.memory_space<vmem>>) semaphore(%arg16 : memref<!tpu.dma_semaphore, #tpu.memory_space<semaphore_mem>>) {add = true}
          } else {
          }
        }
        %gt3A = arith.constant 0 : i32
        %gt3A_91 = arith.cmpi sgt, %select_n3A, %gt3A : i32
        %convert_element_type3A_92 = arith.extui %gt3A_91 : i1 to i32
        %cond3A_93 = arith.constant 0 : i32
        %cond3A_94 = arith.cmpi ne, %convert_element_type3A_92, %cond3A_93 : i32
        scf.if %cond3A_94 {
          %dma_wait3A = arith.constant 0 : i32
          %dma_wait3A_100 = arith.constant 0 : i32
          %dma_wait3A_101 = tpu.memref_slice %arg6[%dma_wait3A, %dma_wait3A_100] : memref<8208x80xf32, #tpu.memory_space<vmem_shared>> -> memref<256x80xf32, #tpu.memory_space<vmem_shared>>
          %dma_wait3A_102 = arith.constant 0 : i32
          %dma_wait3A_103 = arith.constant 0 : i32
          %dma_wait3A_104 = tpu.memref_slice %arg6[%dma_wait3A_102, %dma_wait3A_103] : memref<8208x80xf32, #tpu.memory_space<vmem_shared>> -> memref<256x80xf32, #tpu.memory_space<vmem_shared>>
          tpu.wait_dma2 semaphore(%arg15 : memref<!tpu.dma_semaphore, #tpu.memory_space<semaphore_mem>>) src(%arg11 : memref<256x80xf32, #tpu.memory_space<vmem>>) dst(%dma_wait3A_104 : memref<256x80xf32, #tpu.memory_space<vmem_shared>>)
        } else {
        }
        %gt3A_95 = arith.constant 1 : i32
        %gt3A_96 = arith.cmpi sgt, %select_n3A, %gt3A_95 : i32
        %convert_element_type3A_97 = arith.extui %gt3A_96 : i1 to i32
        %cond3A_98 = arith.constant 0 : i32
        %cond3A_99 = arith.cmpi ne, %convert_element_type3A_97, %cond3A_98 : i32
        scf.if %cond3A_99 {
          %dma_wait3A = arith.constant 0 : i32
          %dma_wait3A_100 = arith.constant 0 : i32
          %dma_wait3A_101 = tpu.memref_slice %arg6[%dma_wait3A, %dma_wait3A_100] : memref<8208x80xf32, #tpu.memory_space<vmem_shared>> -> memref<256x80xf32, #tpu.memory_space<vmem_shared>>
          %dma_wait3A_102 = arith.constant 0 : i32
          %dma_wait3A_103 = arith.constant 0 : i32
          %dma_wait3A_104 = tpu.memref_slice %arg6[%dma_wait3A_102, %dma_wait3A_103] : memref<8208x80xf32, #tpu.memory_space<vmem_shared>> -> memref<256x80xf32, #tpu.memory_space<vmem_shared>>
          tpu.wait_dma2 semaphore(%arg16 : memref<!tpu.dma_semaphore, #tpu.memory_space<semaphore_mem>>) src(%arg12 : memref<256x80xf32, #tpu.memory_space<vmem>>) dst(%dma_wait3A_104 : memref<256x80xf32, #tpu.memory_space<vmem_shared>>)
        } else {
        }
      } else {
      }
      %barrier3A_14 = arith.constant 0 : index
      tpu.barrier barrier_id(%barrier3A_14)
      %convert_element_type3A_15 = arith.extui %eq3A : i1 to i32
      %cond3A_16 = arith.constant 0 : i32
      %cond3A_17 = arith.cmpi ne, %convert_element_type3A_15, %cond3A_16 : i32
      scf.if %cond3A_17 {
        %mul3A_19 = arith.constant 512 : i32
        %mul3A_20 = arith.muli %arg1, %mul3A_19 : i32
        %mul3A_21 = arith.constant 512 : i32
        %mul3A_22 = arith.muli %arg1, %mul3A_21 : i32
        %add3A = arith.addi %mul3A_9, %mul3A_22 : i32
        "tpu.region"() ({
          %run_scoped3A = tpu.sem_alloc : memref<!tpu.dma_semaphore, #tpu.memory_space<semaphore_mem>>
          %dma_start3A = arith.constant 0 : i32
          %dma_start3A_23 = tpu.memref_slice %arg5[%add3A, %dma_start3A] : memref<65536x80xf32, #tpu.memory_space<hbm>> -> memref<512x80xf32, #tpu.memory_space<hbm>>
          %dma_start3A_24 = arith.constant 0 : i32
          %dma_start3A_25 = tpu.memref_slice %arg6[%mul3A_20, %dma_start3A_24] : memref<8208x80xf32, #tpu.memory_space<vmem_shared>> -> memref<512x80xf32, #tpu.memory_space<vmem_shared>>
          tpu.enqueue_dma source(%dma_start3A_25 : memref<512x80xf32, #tpu.memory_space<vmem_shared>>) target(%dma_start3A_23 : memref<512x80xf32, #tpu.memory_space<hbm>>) target_semaphore(%run_scoped3A : memref<!tpu.dma_semaphore, #tpu.memory_space<semaphore_mem>>)
          %dma_wait3A = arith.constant 0 : i32
          %dma_wait3A_26 = tpu.memref_slice %arg5[%add3A, %dma_wait3A] : memref<65536x80xf32, #tpu.memory_space<hbm>> -> memref<512x80xf32, #tpu.memory_space<hbm>>
          %dma_wait3A_27 = arith.constant 0 : i32
          %dma_wait3A_28 = tpu.memref_slice %arg6[%mul3A_20, %dma_wait3A_27] : memref<8208x80xf32, #tpu.memory_space<vmem_shared>> -> memref<512x80xf32, #tpu.memory_space<vmem_shared>>
          tpu.wait_dma2 semaphore(%run_scoped3A : memref<!tpu.dma_semaphore, #tpu.memory_space<semaphore_mem>>) src(%dma_wait3A_28 : memref<512x80xf32, #tpu.memory_space<vmem_shared>>) dst(%dma_wait3A_26 : memref<512x80xf32, #tpu.memory_space<hbm>>)
          tpu.yield
        }) : () -> ()
      } else {
      }
      %barrier3A_18 = arith.constant 0 : index
      tpu.barrier barrier_id(%barrier3A_18)
    }
    %scan3A_5 = arith.constant 7 : i32
    return
  }
}

#map = affine_map<(d0, d1) -> (0, 0)>
#map1 = affine_map<(d0, d1) -> (0)>
module attributes {stable_mosaic.version = 14 : i64} {
  func.func @body(%arg0: i32, %arg1: i32, %arg2: memref<65536x160xf32, #tpu.memory_space<hbm>>, %arg3: memref<819200xi32, #tpu.memory_space<hbm>>, %arg4: memref<819200xi32, #tpu.memory_space<hbm>>, %arg5: memref<65536x160xf32, #tpu.memory_space<hbm>>, %arg6: memref<4112x160xf32, #tpu.memory_space<vmem_shared>>, %arg7: memref<2048xi32, #tpu.memory_space<vmem>>, %arg8: memref<2048xi32, #tpu.memory_space<vmem>>, %arg9: memref<6288xi32, #tpu.memory_space<vmem>>, %arg10: memref<51x128xi32, #tpu.memory_space<vmem>>, %arg11: memref<128x160xf32, #tpu.memory_space<vmem>>, %arg12: memref<128x160xf32, #tpu.memory_space<vmem>>, %arg13: memref<!tpu.dma_semaphore, #tpu.memory_space<semaphore_mem>>, %arg14: memref<!tpu.dma_semaphore, #tpu.memory_space<semaphore_mem>>, %arg15: memref<!tpu.dma_semaphore, #tpu.memory_space<semaphore_mem>>, %arg16: memref<!tpu.dma_semaphore, #tpu.memory_space<semaphore_mem>>) attributes {dimension_semantics = [#tpu.dimension_semantics<core_parallel>, #tpu.dimension_semantics<subcore_parallel>], iteration_bounds = array<i64: 2, 16>, scalar_prefetch = 0 : i64, scratch_operands = 11 : i64, tpu.core_type = #tpu.core_type<sc_vector_subcore>, window_params = [{transform_indices = #map}, {transform_indices = #map1}, {transform_indices = #map1}, {transform_indices = #map}]} {
    %mul3A = arith.constant 51200 : i32
    %mul3A_0 = arith.muli %arg1, %mul3A : i32
    %scan3A = arith.constant 0 : i32
    %scan3A_1 = arith.constant 0 : i32
    %scan3A_2 = arith.constant 13 : i32
    %scan3A_3 = arith.addi %scan3A_1, %scan3A_2 : i32
    %scan3A_4 = arith.constant 1 : i32
    scf.for %scan3A_6 = %scan3A_1 to %scan3A_3 step %scan3A_4  : i32 {
      %rem3A = arith.constant 2 : i32
      %rem3A_7 = arith.remsi %scan3A_6, %rem3A : i32
      %eq3A = arith.cmpi eq, %rem3A_7, %arg0 : i32
      %mul3A_8 = arith.constant 4096 : i32
      %mul3A_9 = arith.muli %scan3A_6, %mul3A_8 : i32
      %convert_element_type3A = arith.extui %eq3A : i1 to i32
      %cond3A = arith.constant 0 : i32
      %cond3A_10 = arith.cmpi ne, %convert_element_type3A, %cond3A : i32
      scf.if %cond3A_10 {
        %mul3A_19 = arith.constant 256 : i32
        %mul3A_20 = arith.muli %arg1, %mul3A_19 : i32
        %add3A = arith.addi %mul3A_9, %mul3A_20 : i32
        %mul3A_21 = arith.constant 256 : i32
        %mul3A_22 = arith.muli %arg1, %mul3A_21 : i32
        "tpu.region"() ({
          %run_scoped3A = tpu.sem_alloc : memref<!tpu.dma_semaphore, #tpu.memory_space<semaphore_mem>>
          %dma_start3A = arith.constant 0 : i32
          %dma_start3A_23 = tpu.memref_slice %arg6[%mul3A_22, %dma_start3A] : memref<4112x160xf32, #tpu.memory_space<vmem_shared>> -> memref<256x160xf32, #tpu.memory_space<vmem_shared>>
          %dma_start3A_24 = arith.constant 0 : i32
          %dma_start3A_25 = tpu.memref_slice %arg2[%add3A, %dma_start3A_24] : memref<65536x160xf32, #tpu.memory_space<hbm>> -> memref<256x160xf32, #tpu.memory_space<hbm>>
          tpu.enqueue_dma source(%dma_start3A_25 : memref<256x160xf32, #tpu.memory_space<hbm>>) target(%dma_start3A_23 : memref<256x160xf32, #tpu.memory_space<vmem_shared>>) target_semaphore(%run_scoped3A : memref<!tpu.dma_semaphore, #tpu.memory_space<semaphore_mem>>)
          %dma_wait3A = arith.constant 0 : i32
          %dma_wait3A_26 = tpu.memref_slice %arg6[%mul3A_22, %dma_wait3A] : memref<4112x160xf32, #tpu.memory_space<vmem_shared>> -> memref<256x160xf32, #tpu.memory_space<vmem_shared>>
          %dma_wait3A_27 = arith.constant 0 : i32
          %dma_wait3A_28 = tpu.memref_slice %arg2[%add3A, %dma_wait3A_27] : memref<65536x160xf32, #tpu.memory_space<hbm>> -> memref<256x160xf32, #tpu.memory_space<hbm>>
          tpu.wait_dma2 semaphore(%run_scoped3A : memref<!tpu.dma_semaphore, #tpu.memory_space<semaphore_mem>>) src(%dma_wait3A_28 : memref<256x160xf32, #tpu.memory_space<hbm>>) dst(%dma_wait3A_26 : memref<256x160xf32, #tpu.memory_space<vmem_shared>>)
          tpu.yield
        }) : () -> ()
      } else {
      }
      %barrier3A = arith.constant 0 : index
      tpu.barrier barrier_id(%barrier3A)
      %convert_element_type3A_11 = arith.extui %eq3A : i1 to i32
      %cond3A_12 = arith.constant 0 : i32
      %cond3A_13 = arith.cmpi ne, %convert_element_type3A_11, %cond3A_12 : i32
      scf.if %cond3A_13 {
        %scan3A_19 = arith.constant 0 : i32
        %scan3A_20 = arith.constant 0 : i32
        %scan3A_21 = arith.constant 393 : i32
        %scan3A_22 = arith.addi %scan3A_20, %scan3A_21 : i32
        %scan3A_23 = arith.constant 1 : i32
        scf.for %scan3A_100 = %scan3A_20 to %scan3A_22 step %scan3A_23  : i32 {
          %broadcast_in_dim3A = arith.constant 0 : i32
          %broadcast_in_dim3A_101 = vector.broadcast %broadcast_in_dim3A : i32 to vector<16xi32>
          %mul3A_102 = arith.constant 16 : i32
          %mul3A_103 = arith.muli %scan3A_100, %mul3A_102 : i32
          %swap3A = arith.index_cast %mul3A_103 : i32 to index
          %swap3A_104 = tpu.vector_load %arg9[%swap3A] {strides = array<i32>} : memref<6288xi32, #tpu.memory_space<vmem>>, vector<16xi32>,
          tpu.vector_store %arg9[%swap3A], %broadcast_in_dim3A_101 {strides = array<i32>} : memref<6288xi32, #tpu.memory_space<vmem>>, vector<16xi32>,
        }
        %scan3A_24 = arith.constant 393 : i32
        %scan3A_25 = arith.constant 0 : i32
        %scan3A_26 = arith.constant 0 : i32
        %scan3A_27 = arith.constant 408 : i32
        %scan3A_28 = arith.addi %scan3A_26, %scan3A_27 : i32
        %scan3A_29 = arith.constant 1 : i32
        scf.for %scan3A_100 = %scan3A_26 to %scan3A_28 step %scan3A_29  : i32 {
          %broadcast_in_dim3A = arith.constant 4096 : i32
          %broadcast_in_dim3A_101 = vector.broadcast %broadcast_in_dim3A : i32 to vector<16xi32>
          %shift_right_arithmetic3A = arith.constant 3 : i32
          %shift_right_arithmetic3A_102 = arith.shrsi %scan3A_100, %shift_right_arithmetic3A : i32
          %mul3A_103 = arith.constant 16 : i32
          %mul3A_104 = arith.muli %scan3A_100, %mul3A_103 : i32
          %and3A_105 = arith.constant 127 : i32
          %and3A_106 = arith.andi %mul3A_104, %and3A_105 : i32
          %swap3A = arith.index_cast %shift_right_arithmetic3A_102 : i32 to index
          %swap3A_107 = arith.index_cast %and3A_106 : i32 to index
          %swap3A_108 = tpu.vector_load %arg10[%swap3A, %swap3A_107] {strides = array<i32>} : memref<51x128xi32, #tpu.memory_space<vmem>>, vector<16xi32>,
          tpu.vector_store %arg10[%swap3A, %swap3A_107], %broadcast_in_dim3A_101 {strides = array<i32>} : memref<51x128xi32, #tpu.memory_space<vmem>>, vector<16xi32>,
        }
        %scan3A_30 = arith.constant 408 : i32
        %scan3A_31 = arith.constant 0 : i32
        %scan3A_32 = arith.constant 0 : i32
        %scan3A_33 = arith.constant 25 : i32
        %scan3A_34 = arith.addi %scan3A_32, %scan3A_33 : i32
        %scan3A_35 = arith.constant 1 : i32
        %scan3A_36 = scf.for %scan3A_100 = %scan3A_32 to %scan3A_34 step %scan3A_35 iter_args(%scan3A_101 = %scan3A_31) -> (i32)  : i32 {
          %mul3A_102 = arith.constant 2048 : i32
          %mul3A_103 = arith.muli %scan3A_100, %mul3A_102 : i32
          %add3A_104 = arith.addi %mul3A_0, %mul3A_103 : i32
          "tpu.region"() ({
            %run_scoped3A = tpu.sem_alloc : memref<!tpu.dma_semaphore, #tpu.memory_space<semaphore_mem>>
            %dma_start3A = tpu.memref_slice %arg3[%add3A_104] : memref<819200xi32, #tpu.memory_space<hbm>> -> memref<2048xi32, #tpu.memory_space<hbm>>
            %dma_start3A_114 = tpu.memref_slice %arg3[%add3A_104] : memref<819200xi32, #tpu.memory_space<hbm>> -> memref<2048xi32, #tpu.memory_space<hbm>>
            tpu.enqueue_dma source(%dma_start3A_114 : memref<2048xi32, #tpu.memory_space<hbm>>) target(%arg7 : memref<2048xi32, #tpu.memory_space<vmem>>) target_semaphore(%run_scoped3A : memref<!tpu.dma_semaphore, #tpu.memory_space<semaphore_mem>>)
            %dma_wait3A = tpu.memref_slice %arg3[%add3A_104] : memref<819200xi32, #tpu.memory_space<hbm>> -> memref<2048xi32, #tpu.memory_space<hbm>>
            %dma_wait3A_115 = tpu.memref_slice %arg3[%add3A_104] : memref<819200xi32, #tpu.memory_space<hbm>> -> memref<2048xi32, #tpu.memory_space<hbm>>
            tpu.wait_dma2 semaphore(%run_scoped3A : memref<!tpu.dma_semaphore, #tpu.memory_space<semaphore_mem>>) src(%dma_wait3A_115 : memref<2048xi32, #tpu.memory_space<hbm>>) dst(%arg7 : memref<2048xi32, #tpu.memory_space<vmem>>)
            tpu.yield
          }) : () -> ()
          %mul3A_105 = arith.constant 2048 : i32
          %mul3A_106 = arith.muli %scan3A_100, %mul3A_105 : i32
          %add3A_107 = arith.addi %mul3A_0, %mul3A_106 : i32
          "tpu.region"() ({
            %run_scoped3A = tpu.sem_alloc : memref<!tpu.dma_semaphore, #tpu.memory_space<semaphore_mem>>
            %dma_start3A = tpu.memref_slice %arg4[%add3A_107] : memref<819200xi32, #tpu.memory_space<hbm>> -> memref<2048xi32, #tpu.memory_space<hbm>>
            %dma_start3A_114 = tpu.memref_slice %arg4[%add3A_107] : memref<819200xi32, #tpu.memory_space<hbm>> -> memref<2048xi32, #tpu.memory_space<hbm>>
            tpu.enqueue_dma source(%dma_start3A_114 : memref<2048xi32, #tpu.memory_space<hbm>>) target(%arg8 : memref<2048xi32, #tpu.memory_space<vmem>>) target_semaphore(%run_scoped3A : memref<!tpu.dma_semaphore, #tpu.memory_space<semaphore_mem>>)
            %dma_wait3A = tpu.memref_slice %arg4[%add3A_107] : memref<819200xi32, #tpu.memory_space<hbm>> -> memref<2048xi32, #tpu.memory_space<hbm>>
            %dma_wait3A_115 = tpu.memref_slice %arg4[%add3A_107] : memref<819200xi32, #tpu.memory_space<hbm>> -> memref<2048xi32, #tpu.memory_space<hbm>>
            tpu.wait_dma2 semaphore(%run_scoped3A : memref<!tpu.dma_semaphore, #tpu.memory_space<semaphore_mem>>) src(%dma_wait3A_115 : memref<2048xi32, #tpu.memory_space<hbm>>) dst(%arg8 : memref<2048xi32, #tpu.memory_space<vmem>>)
            tpu.yield
          }) : () -> ()
          %scan3A_108 = arith.constant 0 : i32
          %scan3A_109 = arith.constant 128 : i32
          %scan3A_110 = arith.addi %scan3A_108, %scan3A_109 : i32
          %scan3A_111 = arith.constant 1 : i32
          %scan3A_112 = scf.for %scan3A_114 = %scan3A_108 to %scan3A_110 step %scan3A_111 iter_args(%scan3A_115 = %scan3A_101) -> (i32)  : i32 {
            %mul3A_116 = arith.constant 16 : i32
            %mul3A_117 = arith.muli %scan3A_114, %mul3A_116 : i32
            %get3A = arith.index_cast %mul3A_117 : i32 to index
            %get3A_118 = tpu.vector_load %arg8[%get3A] {strides = array<i32>} : memref<2048xi32, #tpu.memory_space<vmem>>, vector<16xi32>,
            %mul3A_119 = arith.constant 16 : i32
            %mul3A_120 = arith.muli %scan3A_114, %mul3A_119 : i32
            %get3A_121 = arith.index_cast %mul3A_120 : i32 to index
            %get3A_122 = tpu.vector_load %arg7[%get3A_121] {strides = array<i32>} : memref<2048xi32, #tpu.memory_space<vmem>>, vector<16xi32>,
            %shift_right_arithmetic3A = arith.constant 12 : i32
            %shift_right_arithmetic3A_123 = vector.broadcast %shift_right_arithmetic3A : i32 to vector<16xi32>
            %shift_right_arithmetic3A_124 = arith.shrsi %get3A_118, %shift_right_arithmetic3A_123 : vector<16xi32>
            %eq3A_125 = vector.broadcast %scan3A_6 : i32 to vector<16xi32>
            %eq3A_126 = arith.cmpi eq, %shift_right_arithmetic3A_124, %eq3A_125 : vector<16xi32>
            %jit3A_127 = arith.constant 1 : i32
            %jit3A_128 = arith.constant 0 : i32
            %broadcast_in_dim3A = vector.broadcast %jit3A_127 : i32 to vector<16xi32>
            %broadcast_in_dim3A_129 = vector.broadcast %jit3A_128 : i32 to vector<16xi32>
            %select_n3A_130 = arith.select %eq3A_126, %broadcast_in_dim3A, %broadcast_in_dim3A_129 : vector<16xi1>, vector<16xi32>
            %broadcast_in_dim3A_131 = arith.constant true
            %broadcast_in_dim3A_132 = vector.broadcast %broadcast_in_dim3A_131 : i1 to vector<16xi1>
            %masked_cumsum3A = tpu.scan <sum>, %select_n3A_130 masked %broadcast_in_dim3A_132 : vector<16xi32>, vector<16xi1> -> vector<16xi32>
            %add3A_133 = vector.broadcast %scan3A_115 : i32 to vector<16xi32>
            %add3A_134 = arith.addi %add3A_133, %masked_cumsum3A : vector<16xi32>
            %sub3A_135 = arith.subi %add3A_134, %select_n3A_130 : vector<16xi32>
            tpu.vector_store_idx %arg9[%sub3A_135], %get3A_122 masked %eq3A_126 : memref<6288xi32, #tpu.memory_space<vmem>>[vector<16xi32>], vector<16xi32>, vector<16xi1>
            %shift_right_arithmetic3A_136 = arith.constant 7 : i32
            %shift_right_arithmetic3A_137 = vector.broadcast %shift_right_arithmetic3A_136 : i32 to vector<16xi32>
            %shift_right_arithmetic3A_138 = arith.shrsi %sub3A_135, %shift_right_arithmetic3A_137 : vector<16xi32>
            %and3A_139 = arith.constant 127 : i32
            %and3A_140 = vector.broadcast %and3A_139 : i32 to vector<16xi32>
            %and3A_141 = arith.andi %sub3A_135, %and3A_140 : vector<16xi32>
            %and3A_142 = arith.constant 4095 : i32
            %and3A_143 = vector.broadcast %and3A_142 : i32 to vector<16xi32>
            %and3A_144 = arith.andi %get3A_118, %and3A_143 : vector<16xi32>
            tpu.vector_store_idx %arg10[%shift_right_arithmetic3A_138, %and3A_141], %and3A_144 masked %eq3A_126 : memref<51x128xi32, #tpu.memory_space<vmem>>[vector<16xi32>, vector<16xi32>], vector<16xi32>, vector<16xi1>
            %reduce_sum3A = arith.constant true
            %reduce_sum3A_145 = vector.broadcast %reduce_sum3A : i1 to vector<16xi1>
            %reduce_sum3A_146 = tpu.scan <sum>, %select_n3A_130 masked %reduce_sum3A_145 : vector<16xi32>, vector<16xi1> -> vector<16xi32>
            %reduce_sum3A_147 = vector.extract %reduce_sum3A_146[15] : i32 from vector<16xi32>
            %add3A_148 = arith.addi %scan3A_115, %reduce_sum3A_147 : i32
            %min3A = arith.constant 6144 : i32
            %min3A_149 = arith.minsi %add3A_148, %min3A : i32
            scf.yield %min3A_149 : i32
          }
          %scan3A_113 = arith.constant 128 : i32
          scf.yield %scan3A_112 : i32
        }
        %scan3A_37 = arith.constant 25 : i32
        %add3A = arith.constant 127 : i32
        %add3A_38 = arith.addi %scan3A_36, %add3A : i32
        %jit3A = arith.constant 128 : i32
        %div3A = arith.divsi %add3A_38, %jit3A : i32
        %sign3A = arith.constant 0 : i32
        %sign3A_39 = arith.cmpi sgt, %add3A_38, %sign3A : i32
        %sign3A_40 = arith.extui %sign3A_39 : i1 to i32
        %sign3A_41 = arith.constant 0 : i32
        %sign3A_42 = arith.cmpi slt, %add3A_38, %sign3A_41 : i32
        %sign3A_43 = arith.extui %sign3A_42 : i1 to i32
        %sign3A_44 = arith.subi %sign3A_40, %sign3A_43 : i32
        %sign3A_45 = arith.constant 0 : i32
        %sign3A_46 = arith.cmpi sgt, %jit3A, %sign3A_45 : i32
        %sign3A_47 = arith.extui %sign3A_46 : i1 to i32
        %sign3A_48 = arith.constant 0 : i32
        %sign3A_49 = arith.cmpi slt, %jit3A, %sign3A_48 : i32
        %sign3A_50 = arith.extui %sign3A_49 : i1 to i32
        %sign3A_51 = arith.subi %sign3A_47, %sign3A_50 : i32
        %ne3A = arith.cmpi ne, %sign3A_44, %sign3A_51 : i32
        %rem3A_52 = arith.remsi %add3A_38, %jit3A : i32
        %ne3A_53 = arith.constant 0 : i32
        %ne3A_54 = arith.cmpi ne, %rem3A_52, %ne3A_53 : i32
        %and3A = arith.andi %ne3A, %ne3A_54 : i1
        %sub3A = arith.constant 1 : i32
        %sub3A_55 = arith.subi %div3A, %sub3A : i32
        %select_n3A = arith.select %and3A, %sub3A_55, %div3A : i32
        %add3A_56 = arith.constant 1 : i32
        %add3A_57 = arith.addi %select_n3A, %add3A_56 : i32
        %jit3A_58 = arith.constant 2 : i32
        %div3A_59 = arith.divsi %add3A_57, %jit3A_58 : i32
        %sign3A_60 = arith.constant 0 : i32
        %sign3A_61 = arith.cmpi sgt, %add3A_57, %sign3A_60 : i32
        %sign3A_62 = arith.extui %sign3A_61 : i1 to i32
        %sign3A_63 = arith.constant 0 : i32
        %sign3A_64 = arith.cmpi slt, %add3A_57, %sign3A_63 : i32
        %sign3A_65 = arith.extui %sign3A_64 : i1 to i32
        %sign3A_66 = arith.subi %sign3A_62, %sign3A_65 : i32
        %sign3A_67 = arith.constant 0 : i32
        %sign3A_68 = arith.cmpi sgt, %jit3A_58, %sign3A_67 : i32
        %sign3A_69 = arith.extui %sign3A_68 : i1 to i32
        %sign3A_70 = arith.constant 0 : i32
        %sign3A_71 = arith.cmpi slt, %jit3A_58, %sign3A_70 : i32
        %sign3A_72 = arith.extui %sign3A_71 : i1 to i32
        %sign3A_73 = arith.subi %sign3A_69, %sign3A_72 : i32
        %ne3A_74 = arith.cmpi ne, %sign3A_66, %sign3A_73 : i32
        %rem3A_75 = arith.remsi %add3A_57, %jit3A_58 : i32
        %ne3A_76 = arith.constant 0 : i32
        %ne3A_77 = arith.cmpi ne, %rem3A_75, %ne3A_76 : i32
        %and3A_78 = arith.andi %ne3A_74, %ne3A_77 : i1
        %sub3A_79 = arith.constant 1 : i32
        %sub3A_80 = arith.subi %div3A_59, %sub3A_79 : i32
        %select_n3A_81 = arith.select %and3A_78, %sub3A_80, %div3A_59 : i32
        %while3A = arith.constant 0 : i32
        %while3A_82 = arith.constant 0 : i32
        %while3A_83 = arith.subi %select_n3A_81, %while3A_82 : i32
        %while3A_84 = arith.addi %while3A_82, %while3A_83 : i32
        %while3A_85 = arith.constant 1 : i32
        %while3A_86 = arith.divsi %while3A_83, %while3A_85 : i32
        %while3A_87 = arith.muli %while3A_86, %while3A_85 : i32
        %while3A_88 = arith.addi %while3A_82, %while3A_87 : i32
        %while3A_89 = arith.constant 1 : i32
        scf.for %while3A_100 = %while3A_82 to %while3A_88 step %while3A_89  : i32 {
          %mul3A_101 = arith.constant 2 : i32
          %mul3A_102 = arith.muli %while3A_100, %mul3A_101 : i32
          %add3A_103 = arith.constant 1 : i32
          %add3A_104 = arith.addi %mul3A_102, %add3A_103 : i32
          %lt3A = arith.cmpi slt, %add3A_104, %select_n3A : i32
          %gt3A_105 = arith.constant 0 : i32
          %gt3A_106 = arith.cmpi sgt, %while3A_100, %gt3A_105 : i32
          %convert_element_type3A_107 = arith.extui %gt3A_106 : i1 to i32
          %cond3A_108 = arith.constant 0 : i32
          %cond3A_109 = arith.cmpi ne, %convert_element_type3A_107, %cond3A_108 : i32
          scf.if %cond3A_109 {
            %dma_wait3A_132 = arith.constant 0 : i32
            %dma_wait3A_133 = arith.constant 0 : i32
            %dma_wait3A_134 = tpu.memref_slice %arg6[%dma_wait3A_132, %dma_wait3A_133] : memref<4112x160xf32, #tpu.memory_space<vmem_shared>> -> memref<128x160xf32, #tpu.memory_space<vmem_shared>>
            %dma_wait3A_135 = arith.constant 0 : i32
            %dma_wait3A_136 = arith.constant 0 : i32
            %dma_wait3A_137 = tpu.memref_slice %arg6[%dma_wait3A_135, %dma_wait3A_136] : memref<4112x160xf32, #tpu.memory_space<vmem_shared>> -> memref<128x160xf32, #tpu.memory_space<vmem_shared>>
            tpu.wait_dma2 semaphore(%arg15 : memref<!tpu.dma_semaphore, #tpu.memory_space<semaphore_mem>>) src(%arg11 : memref<128x160xf32, #tpu.memory_space<vmem>>) dst(%dma_wait3A_137 : memref<128x160xf32, #tpu.memory_space<vmem_shared>>)
          } else {
          }
          %mul3A_110 = arith.constant 128 : i32
          %mul3A_111 = arith.muli %mul3A_102, %mul3A_110 : i32
          %dma_start3A = tpu.memref_slice %arg9[%mul3A_111] : memref<6288xi32, #tpu.memory_space<vmem>> -> memref<128xi32, #tpu.memory_space<vmem>>
          %dma_start3A_112 = arith.constant 0 : i32
          %dma_start3A_113 = arith.constant 0 : i32
          %dma_start3A_114 = tpu.memref_slice %arg2[%dma_start3A_112, %dma_start3A_113] : memref<65536x160xf32, #tpu.memory_space<hbm>> -> memref<65536x160xf32, #tpu.memory_space<hbm>>
          tpu.enqueue_indirect_dma source(%dma_start3A_114 : memref<65536x160xf32, #tpu.memory_space<hbm>>) target(%arg11 : memref<128x160xf32, #tpu.memory_space<vmem>>) offsets(%dma_start3A : memref<128xi32, #tpu.memory_space<vmem>>) semaphore(%arg13 : memref<!tpu.dma_semaphore, #tpu.memory_space<semaphore_mem>>)
          %convert_element_type3A_115 = arith.extui %lt3A : i1 to i32
          %cond3A_116 = arith.constant 0 : i32
          %cond3A_117 = arith.cmpi ne, %convert_element_type3A_115, %cond3A_116 : i32
          scf.if %cond3A_117 {
            %gt3A_132 = arith.constant 0 : i32
            %gt3A_133 = arith.cmpi sgt, %while3A_100, %gt3A_132 : i32
            %convert_element_type3A_134 = arith.extui %gt3A_133 : i1 to i32
            %cond3A_135 = arith.constant 0 : i32
            %cond3A_136 = arith.cmpi ne, %convert_element_type3A_134, %cond3A_135 : i32
            scf.if %cond3A_136 {
              %dma_wait3A_143 = arith.constant 0 : i32
              %dma_wait3A_144 = arith.constant 0 : i32
              %dma_wait3A_145 = tpu.memref_slice %arg6[%dma_wait3A_143, %dma_wait3A_144] : memref<4112x160xf32, #tpu.memory_space<vmem_shared>> -> memref<128x160xf32, #tpu.memory_space<vmem_shared>>
              %dma_wait3A_146 = arith.constant 0 : i32
              %dma_wait3A_147 = arith.constant 0 : i32
              %dma_wait3A_148 = tpu.memref_slice %arg6[%dma_wait3A_146, %dma_wait3A_147] : memref<4112x160xf32, #tpu.memory_space<vmem_shared>> -> memref<128x160xf32, #tpu.memory_space<vmem_shared>>
              tpu.wait_dma2 semaphore(%arg16 : memref<!tpu.dma_semaphore, #tpu.memory_space<semaphore_mem>>) src(%arg12 : memref<128x160xf32, #tpu.memory_space<vmem>>) dst(%dma_wait3A_148 : memref<128x160xf32, #tpu.memory_space<vmem_shared>>)
            } else {
            }
            %mul3A_137 = arith.constant 128 : i32
            %mul3A_138 = arith.muli %add3A_104, %mul3A_137 : i32
            %dma_start3A_139 = tpu.memref_slice %arg9[%mul3A_138] : memref<6288xi32, #tpu.memory_space<vmem>> -> memref<128xi32, #tpu.memory_space<vmem>>
            %dma_start3A_140 = arith.constant 0 : i32
            %dma_start3A_141 = arith.constant 0 : i32
            %dma_start3A_142 = tpu.memref_slice %arg2[%dma_start3A_140, %dma_start3A_141] : memref<65536x160xf32, #tpu.memory_space<hbm>> -> memref<65536x160xf32, #tpu.memory_space<hbm>>
            tpu.enqueue_indirect_dma source(%dma_start3A_142 : memref<65536x160xf32, #tpu.memory_space<hbm>>) target(%arg12 : memref<128x160xf32, #tpu.memory_space<vmem>>) offsets(%dma_start3A_139 : memref<128xi32, #tpu.memory_space<vmem>>) semaphore(%arg14 : memref<!tpu.dma_semaphore, #tpu.memory_space<semaphore_mem>>)
          } else {
          }
          %dma_wait3A = arith.constant 0 : i32
          %dma_wait3A_118 = arith.constant 0 : i32
          %dma_wait3A_119 = tpu.memref_slice %arg2[%dma_wait3A, %dma_wait3A_118] : memref<65536x160xf32, #tpu.memory_space<hbm>> -> memref<128x160xf32, #tpu.memory_space<hbm>>
          %dma_wait3A_120 = arith.constant 0 : i32
          %dma_wait3A_121 = arith.constant 0 : i32
          %dma_wait3A_122 = tpu.memref_slice %arg2[%dma_wait3A_120, %dma_wait3A_121] : memref<65536x160xf32, #tpu.memory_space<hbm>> -> memref<128x160xf32, #tpu.memory_space<hbm>>
          tpu.wait_dma2 semaphore(%arg13 : memref<!tpu.dma_semaphore, #tpu.memory_space<semaphore_mem>>) src(%dma_wait3A_122 : memref<128x160xf32, #tpu.memory_space<hbm>>) dst(%arg11 : memref<128x160xf32, #tpu.memory_space<vmem>>)
          %dma_start3A_123 = arith.constant 0 : i32
          %dma_start3A_124 = tpu.memref_slice %arg10[%mul3A_102, %dma_start3A_123] : memref<51x128xi32, #tpu.memory_space<vmem>> -> memref<1x128xi32, #tpu.memory_space<vmem>>
          %dma_start3A_125 = tpu.memref_squeeze %dma_start3A_124 : memref<1x128xi32, #tpu.memory_space<vmem>> -> memref<128xi32, #tpu.memory_space<vmem>>
          %dma_start3A_126 = arith.constant 0 : i32
          %dma_start3A_127 = arith.constant 0 : i32
          %dma_start3A_128 = tpu.memref_slice %arg6[%dma_start3A_126, %dma_start3A_127] : memref<4112x160xf32, #tpu.memory_space<vmem_shared>> -> memref<4112x160xf32, #tpu.memory_space<vmem_shared>>
          tpu.enqueue_indirect_dma source(%arg11 : memref<128x160xf32, #tpu.memory_space<vmem>>) target(%dma_start3A_128 : memref<4112x160xf32, #tpu.memory_space<vmem_shared>>) offsets(%dma_start3A_125 : memref<128xi32, #tpu.memory_space<vmem>>) semaphore(%arg15 : memref<!tpu.dma_semaphore, #tpu.memory_space<semaphore_mem>>) {add = true}
          %convert_element_type3A_129 = arith.extui %lt3A : i1 to i32
          %cond3A_130 = arith.constant 0 : i32
          %cond3A_131 = arith.cmpi ne, %convert_element_type3A_129, %cond3A_130 : i32
          scf.if %cond3A_131 {
            %dma_wait3A_132 = arith.constant 0 : i32
            %dma_wait3A_133 = arith.constant 0 : i32
            %dma_wait3A_134 = tpu.memref_slice %arg2[%dma_wait3A_132, %dma_wait3A_133] : memref<65536x160xf32, #tpu.memory_space<hbm>> -> memref<128x160xf32, #tpu.memory_space<hbm>>
            %dma_wait3A_135 = arith.constant 0 : i32
            %dma_wait3A_136 = arith.constant 0 : i32
            %dma_wait3A_137 = tpu.memref_slice %arg2[%dma_wait3A_135, %dma_wait3A_136] : memref<65536x160xf32, #tpu.memory_space<hbm>> -> memref<128x160xf32, #tpu.memory_space<hbm>>
            tpu.wait_dma2 semaphore(%arg14 : memref<!tpu.dma_semaphore, #tpu.memory_space<semaphore_mem>>) src(%dma_wait3A_137 : memref<128x160xf32, #tpu.memory_space<hbm>>) dst(%arg12 : memref<128x160xf32, #tpu.memory_space<vmem>>)
            %dma_start3A_138 = arith.constant 0 : i32
            %dma_start3A_139 = tpu.memref_slice %arg10[%add3A_104, %dma_start3A_138] : memref<51x128xi32, #tpu.memory_space<vmem>> -> memref<1x128xi32, #tpu.memory_space<vmem>>
            %dma_start3A_140 = tpu.memref_squeeze %dma_start3A_139 : memref<1x128xi32, #tpu.memory_space<vmem>> -> memref<128xi32, #tpu.memory_space<vmem>>
            %dma_start3A_141 = arith.constant 0 : i32
            %dma_start3A_142 = arith.constant 0 : i32
            %dma_start3A_143 = tpu.memref_slice %arg6[%dma_start3A_141, %dma_start3A_142] : memref<4112x160xf32, #tpu.memory_space<vmem_shared>> -> memref<4112x160xf32, #tpu.memory_space<vmem_shared>>
            tpu.enqueue_indirect_dma source(%arg12 : memref<128x160xf32, #tpu.memory_space<vmem>>) target(%dma_start3A_143 : memref<4112x160xf32, #tpu.memory_space<vmem_shared>>) offsets(%dma_start3A_140 : memref<128xi32, #tpu.memory_space<vmem>>) semaphore(%arg16 : memref<!tpu.dma_semaphore, #tpu.memory_space<semaphore_mem>>) {add = true}
          } else {
          }
        }
        %while3A_90 = arith.constant 1 : i32
        scf.for %while3A_100 = %while3A_88 to %while3A_84 step %while3A_90  : i32 {
          %mul3A_101 = arith.constant 2 : i32
          %mul3A_102 = arith.muli %while3A_100, %mul3A_101 : i32
          %add3A_103 = arith.constant 1 : i32
          %add3A_104 = arith.addi %mul3A_102, %add3A_103 : i32
          %lt3A = arith.cmpi slt, %add3A_104, %select_n3A : i32
          %gt3A_105 = arith.constant 0 : i32
          %gt3A_106 = arith.cmpi sgt, %while3A_100, %gt3A_105 : i32
          %convert_element_type3A_107 = arith.extui %gt3A_106 : i1 to i32
          %cond3A_108 = arith.constant 0 : i32
          %cond3A_109 = arith.cmpi ne, %convert_element_type3A_107, %cond3A_108 : i32
          scf.if %cond3A_109 {
            %dma_wait3A_132 = arith.constant 0 : i32
            %dma_wait3A_133 = arith.constant 0 : i32
            %dma_wait3A_134 = tpu.memref_slice %arg6[%dma_wait3A_132, %dma_wait3A_133] : memref<4112x160xf32, #tpu.memory_space<vmem_shared>> -> memref<128x160xf32, #tpu.memory_space<vmem_shared>>
            %dma_wait3A_135 = arith.constant 0 : i32
            %dma_wait3A_136 = arith.constant 0 : i32
            %dma_wait3A_137 = tpu.memref_slice %arg6[%dma_wait3A_135, %dma_wait3A_136] : memref<4112x160xf32, #tpu.memory_space<vmem_shared>> -> memref<128x160xf32, #tpu.memory_space<vmem_shared>>
            tpu.wait_dma2 semaphore(%arg15 : memref<!tpu.dma_semaphore, #tpu.memory_space<semaphore_mem>>) src(%arg11 : memref<128x160xf32, #tpu.memory_space<vmem>>) dst(%dma_wait3A_137 : memref<128x160xf32, #tpu.memory_space<vmem_shared>>)
          } else {
          }
          %mul3A_110 = arith.constant 128 : i32
          %mul3A_111 = arith.muli %mul3A_102, %mul3A_110 : i32
          %dma_start3A = tpu.memref_slice %arg9[%mul3A_111] : memref<6288xi32, #tpu.memory_space<vmem>> -> memref<128xi32, #tpu.memory_space<vmem>>
          %dma_start3A_112 = arith.constant 0 : i32
          %dma_start3A_113 = arith.constant 0 : i32
          %dma_start3A_114 = tpu.memref_slice %arg2[%dma_start3A_112, %dma_start3A_113] : memref<65536x160xf32, #tpu.memory_space<hbm>> -> memref<65536x160xf32, #tpu.memory_space<hbm>>
          tpu.enqueue_indirect_dma source(%dma_start3A_114 : memref<65536x160xf32, #tpu.memory_space<hbm>>) target(%arg11 : memref<128x160xf32, #tpu.memory_space<vmem>>) offsets(%dma_start3A : memref<128xi32, #tpu.memory_space<vmem>>) semaphore(%arg13 : memref<!tpu.dma_semaphore, #tpu.memory_space<semaphore_mem>>)
          %convert_element_type3A_115 = arith.extui %lt3A : i1 to i32
          %cond3A_116 = arith.constant 0 : i32
          %cond3A_117 = arith.cmpi ne, %convert_element_type3A_115, %cond3A_116 : i32
          scf.if %cond3A_117 {
            %gt3A_132 = arith.constant 0 : i32
            %gt3A_133 = arith.cmpi sgt, %while3A_100, %gt3A_132 : i32
            %convert_element_type3A_134 = arith.extui %gt3A_133 : i1 to i32
            %cond3A_135 = arith.constant 0 : i32
            %cond3A_136 = arith.cmpi ne, %convert_element_type3A_134, %cond3A_135 : i32
            scf.if %cond3A_136 {
              %dma_wait3A_143 = arith.constant 0 : i32
              %dma_wait3A_144 = arith.constant 0 : i32
              %dma_wait3A_145 = tpu.memref_slice %arg6[%dma_wait3A_143, %dma_wait3A_144] : memref<4112x160xf32, #tpu.memory_space<vmem_shared>> -> memref<128x160xf32, #tpu.memory_space<vmem_shared>>
              %dma_wait3A_146 = arith.constant 0 : i32
              %dma_wait3A_147 = arith.constant 0 : i32
              %dma_wait3A_148 = tpu.memref_slice %arg6[%dma_wait3A_146, %dma_wait3A_147] : memref<4112x160xf32, #tpu.memory_space<vmem_shared>> -> memref<128x160xf32, #tpu.memory_space<vmem_shared>>
              tpu.wait_dma2 semaphore(%arg16 : memref<!tpu.dma_semaphore, #tpu.memory_space<semaphore_mem>>) src(%arg12 : memref<128x160xf32, #tpu.memory_space<vmem>>) dst(%dma_wait3A_148 : memref<128x160xf32, #tpu.memory_space<vmem_shared>>)
            } else {
            }
            %mul3A_137 = arith.constant 128 : i32
            %mul3A_138 = arith.muli %add3A_104, %mul3A_137 : i32
            %dma_start3A_139 = tpu.memref_slice %arg9[%mul3A_138] : memref<6288xi32, #tpu.memory_space<vmem>> -> memref<128xi32, #tpu.memory_space<vmem>>
            %dma_start3A_140 = arith.constant 0 : i32
            %dma_start3A_141 = arith.constant 0 : i32
            %dma_start3A_142 = tpu.memref_slice %arg2[%dma_start3A_140, %dma_start3A_141] : memref<65536x160xf32, #tpu.memory_space<hbm>> -> memref<65536x160xf32, #tpu.memory_space<hbm>>
            tpu.enqueue_indirect_dma source(%dma_start3A_142 : memref<65536x160xf32, #tpu.memory_space<hbm>>) target(%arg12 : memref<128x160xf32, #tpu.memory_space<vmem>>) offsets(%dma_start3A_139 : memref<128xi32, #tpu.memory_space<vmem>>) semaphore(%arg14 : memref<!tpu.dma_semaphore, #tpu.memory_space<semaphore_mem>>)
          } else {
          }
          %dma_wait3A = arith.constant 0 : i32
          %dma_wait3A_118 = arith.constant 0 : i32
          %dma_wait3A_119 = tpu.memref_slice %arg2[%dma_wait3A, %dma_wait3A_118] : memref<65536x160xf32, #tpu.memory_space<hbm>> -> memref<128x160xf32, #tpu.memory_space<hbm>>
          %dma_wait3A_120 = arith.constant 0 : i32
          %dma_wait3A_121 = arith.constant 0 : i32
          %dma_wait3A_122 = tpu.memref_slice %arg2[%dma_wait3A_120, %dma_wait3A_121] : memref<65536x160xf32, #tpu.memory_space<hbm>> -> memref<128x160xf32, #tpu.memory_space<hbm>>
          tpu.wait_dma2 semaphore(%arg13 : memref<!tpu.dma_semaphore, #tpu.memory_space<semaphore_mem>>) src(%dma_wait3A_122 : memref<128x160xf32, #tpu.memory_space<hbm>>) dst(%arg11 : memref<128x160xf32, #tpu.memory_space<vmem>>)
          %dma_start3A_123 = arith.constant 0 : i32
          %dma_start3A_124 = tpu.memref_slice %arg10[%mul3A_102, %dma_start3A_123] : memref<51x128xi32, #tpu.memory_space<vmem>> -> memref<1x128xi32, #tpu.memory_space<vmem>>
          %dma_start3A_125 = tpu.memref_squeeze %dma_start3A_124 : memref<1x128xi32, #tpu.memory_space<vmem>> -> memref<128xi32, #tpu.memory_space<vmem>>
          %dma_start3A_126 = arith.constant 0 : i32
          %dma_start3A_127 = arith.constant 0 : i32
          %dma_start3A_128 = tpu.memref_slice %arg6[%dma_start3A_126, %dma_start3A_127] : memref<4112x160xf32, #tpu.memory_space<vmem_shared>> -> memref<4112x160xf32, #tpu.memory_space<vmem_shared>>
          tpu.enqueue_indirect_dma source(%arg11 : memref<128x160xf32, #tpu.memory_space<vmem>>) target(%dma_start3A_128 : memref<4112x160xf32, #tpu.memory_space<vmem_shared>>) offsets(%dma_start3A_125 : memref<128xi32, #tpu.memory_space<vmem>>) semaphore(%arg15 : memref<!tpu.dma_semaphore, #tpu.memory_space<semaphore_mem>>) {add = true}
          %convert_element_type3A_129 = arith.extui %lt3A : i1 to i32
          %cond3A_130 = arith.constant 0 : i32
          %cond3A_131 = arith.cmpi ne, %convert_element_type3A_129, %cond3A_130 : i32
          scf.if %cond3A_131 {
            %dma_wait3A_132 = arith.constant 0 : i32
            %dma_wait3A_133 = arith.constant 0 : i32
            %dma_wait3A_134 = tpu.memref_slice %arg2[%dma_wait3A_132, %dma_wait3A_133] : memref<65536x160xf32, #tpu.memory_space<hbm>> -> memref<128x160xf32, #tpu.memory_space<hbm>>
            %dma_wait3A_135 = arith.constant 0 : i32
            %dma_wait3A_136 = arith.constant 0 : i32
            %dma_wait3A_137 = tpu.memref_slice %arg2[%dma_wait3A_135, %dma_wait3A_136] : memref<65536x160xf32, #tpu.memory_space<hbm>> -> memref<128x160xf32, #tpu.memory_space<hbm>>
            tpu.wait_dma2 semaphore(%arg14 : memref<!tpu.dma_semaphore, #tpu.memory_space<semaphore_mem>>) src(%dma_wait3A_137 : memref<128x160xf32, #tpu.memory_space<hbm>>) dst(%arg12 : memref<128x160xf32, #tpu.memory_space<vmem>>)
            %dma_start3A_138 = arith.constant 0 : i32
            %dma_start3A_139 = tpu.memref_slice %arg10[%add3A_104, %dma_start3A_138] : memref<51x128xi32, #tpu.memory_space<vmem>> -> memref<1x128xi32, #tpu.memory_space<vmem>>
            %dma_start3A_140 = tpu.memref_squeeze %dma_start3A_139 : memref<1x128xi32, #tpu.memory_space<vmem>> -> memref<128xi32, #tpu.memory_space<vmem>>
            %dma_start3A_141 = arith.constant 0 : i32
            %dma_start3A_142 = arith.constant 0 : i32
            %dma_start3A_143 = tpu.memref_slice %arg6[%dma_start3A_141, %dma_start3A_142] : memref<4112x160xf32, #tpu.memory_space<vmem_shared>> -> memref<4112x160xf32, #tpu.memory_space<vmem_shared>>
            tpu.enqueue_indirect_dma source(%arg12 : memref<128x160xf32, #tpu.memory_space<vmem>>) target(%dma_start3A_143 : memref<4112x160xf32, #tpu.memory_space<vmem_shared>>) offsets(%dma_start3A_140 : memref<128xi32, #tpu.memory_space<vmem>>) semaphore(%arg16 : memref<!tpu.dma_semaphore, #tpu.memory_space<semaphore_mem>>) {add = true}
          } else {
          }
        }
        %gt3A = arith.constant 0 : i32
        %gt3A_91 = arith.cmpi sgt, %select_n3A, %gt3A : i32
        %convert_element_type3A_92 = arith.extui %gt3A_91 : i1 to i32
        %cond3A_93 = arith.constant 0 : i32
        %cond3A_94 = arith.cmpi ne, %convert_element_type3A_92, %cond3A_93 : i32
        scf.if %cond3A_94 {
          %dma_wait3A = arith.constant 0 : i32
          %dma_wait3A_100 = arith.constant 0 : i32
          %dma_wait3A_101 = tpu.memref_slice %arg6[%dma_wait3A, %dma_wait3A_100] : memref<4112x160xf32, #tpu.memory_space<vmem_shared>> -> memref<128x160xf32, #tpu.memory_space<vmem_shared>>
          %dma_wait3A_102 = arith.constant 0 : i32
          %dma_wait3A_103 = arith.constant 0 : i32
          %dma_wait3A_104 = tpu.memref_slice %arg6[%dma_wait3A_102, %dma_wait3A_103] : memref<4112x160xf32, #tpu.memory_space<vmem_shared>> -> memref<128x160xf32, #tpu.memory_space<vmem_shared>>
          tpu.wait_dma2 semaphore(%arg15 : memref<!tpu.dma_semaphore, #tpu.memory_space<semaphore_mem>>) src(%arg11 : memref<128x160xf32, #tpu.memory_space<vmem>>) dst(%dma_wait3A_104 : memref<128x160xf32, #tpu.memory_space<vmem_shared>>)
        } else {
        }
        %gt3A_95 = arith.constant 1 : i32
        %gt3A_96 = arith.cmpi sgt, %select_n3A, %gt3A_95 : i32
        %convert_element_type3A_97 = arith.extui %gt3A_96 : i1 to i32
        %cond3A_98 = arith.constant 0 : i32
        %cond3A_99 = arith.cmpi ne, %convert_element_type3A_97, %cond3A_98 : i32
        scf.if %cond3A_99 {
          %dma_wait3A = arith.constant 0 : i32
          %dma_wait3A_100 = arith.constant 0 : i32
          %dma_wait3A_101 = tpu.memref_slice %arg6[%dma_wait3A, %dma_wait3A_100] : memref<4112x160xf32, #tpu.memory_space<vmem_shared>> -> memref<128x160xf32, #tpu.memory_space<vmem_shared>>
          %dma_wait3A_102 = arith.constant 0 : i32
          %dma_wait3A_103 = arith.constant 0 : i32
          %dma_wait3A_104 = tpu.memref_slice %arg6[%dma_wait3A_102, %dma_wait3A_103] : memref<4112x160xf32, #tpu.memory_space<vmem_shared>> -> memref<128x160xf32, #tpu.memory_space<vmem_shared>>
          tpu.wait_dma2 semaphore(%arg16 : memref<!tpu.dma_semaphore, #tpu.memory_space<semaphore_mem>>) src(%arg12 : memref<128x160xf32, #tpu.memory_space<vmem>>) dst(%dma_wait3A_104 : memref<128x160xf32, #tpu.memory_space<vmem_shared>>)
        } else {
        }
      } else {
      }
      %barrier3A_14 = arith.constant 0 : index
      tpu.barrier barrier_id(%barrier3A_14)
      %convert_element_type3A_15 = arith.extui %eq3A : i1 to i32
      %cond3A_16 = arith.constant 0 : i32
      %cond3A_17 = arith.cmpi ne, %convert_element_type3A_15, %cond3A_16 : i32
      scf.if %cond3A_17 {
        %mul3A_19 = arith.constant 256 : i32
        %mul3A_20 = arith.muli %arg1, %mul3A_19 : i32
        %mul3A_21 = arith.constant 256 : i32
        %mul3A_22 = arith.muli %arg1, %mul3A_21 : i32
        %add3A = arith.addi %mul3A_9, %mul3A_22 : i32
        "tpu.region"() ({
          %run_scoped3A = tpu.sem_alloc : memref<!tpu.dma_semaphore, #tpu.memory_space<semaphore_mem>>
          %dma_start3A = arith.constant 0 : i32
          %dma_start3A_23 = tpu.memref_slice %arg5[%add3A, %dma_start3A] : memref<65536x160xf32, #tpu.memory_space<hbm>> -> memref<256x160xf32, #tpu.memory_space<hbm>>
          %dma_start3A_24 = arith.constant 0 : i32
          %dma_start3A_25 = tpu.memref_slice %arg6[%mul3A_20, %dma_start3A_24] : memref<4112x160xf32, #tpu.memory_space<vmem_shared>> -> memref<256x160xf32, #tpu.memory_space<vmem_shared>>
          tpu.enqueue_dma source(%dma_start3A_25 : memref<256x160xf32, #tpu.memory_space<vmem_shared>>) target(%dma_start3A_23 : memref<256x160xf32, #tpu.memory_space<hbm>>) target_semaphore(%run_scoped3A : memref<!tpu.dma_semaphore, #tpu.memory_space<semaphore_mem>>)
          %dma_wait3A = arith.constant 0 : i32
          %dma_wait3A_26 = tpu.memref_slice %arg5[%add3A, %dma_wait3A] : memref<65536x160xf32, #tpu.memory_space<hbm>> -> memref<256x160xf32, #tpu.memory_space<hbm>>
          %dma_wait3A_27 = arith.constant 0 : i32
          %dma_wait3A_28 = tpu.memref_slice %arg6[%mul3A_20, %dma_wait3A_27] : memref<4112x160xf32, #tpu.memory_space<vmem_shared>> -> memref<256x160xf32, #tpu.memory_space<vmem_shared>>
          tpu.wait_dma2 semaphore(%run_scoped3A : memref<!tpu.dma_semaphore, #tpu.memory_space<semaphore_mem>>) src(%dma_wait3A_28 : memref<256x160xf32, #tpu.memory_space<vmem_shared>>) dst(%dma_wait3A_26 : memref<256x160xf32, #tpu.memory_space<hbm>>)
          tpu.yield
        }) : () -> ()
      } else {
      }
      %barrier3A_18 = arith.constant 0 : index
      tpu.barrier barrier_id(%barrier3A_18)
    }
    %scan3A_5 = arith.constant 13 : i32
    return
  }
}

#map = affine_map<(d0, d1) -> (0, 0)>
#map1 = affine_map<(d0, d1) -> (0)>
module attributes {stable_mosaic.version = 14 : i64} {
  func.func @body(%arg0: i32, %arg1: i32, %arg2: memref<65536x320xf32, #tpu.memory_space<hbm>>, %arg3: memref<819200xi32, #tpu.memory_space<hbm>>, %arg4: memref<819200xi32, #tpu.memory_space<hbm>>, %arg5: memref<65536x320xf32, #tpu.memory_space<hbm>>, %arg6: memref<2064x320xf32, #tpu.memory_space<vmem_shared>>, %arg7: memref<2048xi32, #tpu.memory_space<vmem>>, %arg8: memref<2048xi32, #tpu.memory_space<vmem>>, %arg9: memref<4176xi32, #tpu.memory_space<vmem>>, %arg10: memref<67x64xi32, #tpu.memory_space<vmem>>, %arg11: memref<64x320xf32, #tpu.memory_space<vmem>>, %arg12: memref<64x320xf32, #tpu.memory_space<vmem>>, %arg13: memref<!tpu.dma_semaphore, #tpu.memory_space<semaphore_mem>>, %arg14: memref<!tpu.dma_semaphore, #tpu.memory_space<semaphore_mem>>, %arg15: memref<!tpu.dma_semaphore, #tpu.memory_space<semaphore_mem>>, %arg16: memref<!tpu.dma_semaphore, #tpu.memory_space<semaphore_mem>>) attributes {dimension_semantics = [#tpu.dimension_semantics<core_parallel>, #tpu.dimension_semantics<subcore_parallel>], iteration_bounds = array<i64: 2, 16>, scalar_prefetch = 0 : i64, scratch_operands = 11 : i64, tpu.core_type = #tpu.core_type<sc_vector_subcore>, window_params = [{transform_indices = #map}, {transform_indices = #map1}, {transform_indices = #map1}, {transform_indices = #map}]} {
    %mul3A = arith.constant 51200 : i32
    %mul3A_0 = arith.muli %arg1, %mul3A : i32
    %scan3A = arith.constant 0 : i32
    %scan3A_1 = arith.constant 0 : i32
    %scan3A_2 = arith.constant 25 : i32
    %scan3A_3 = arith.addi %scan3A_1, %scan3A_2 : i32
    %scan3A_4 = arith.constant 1 : i32
    scf.for %scan3A_6 = %scan3A_1 to %scan3A_3 step %scan3A_4  : i32 {
      %rem3A = arith.constant 2 : i32
      %rem3A_7 = arith.remsi %scan3A_6, %rem3A : i32
      %eq3A = arith.cmpi eq, %rem3A_7, %arg0 : i32
      %mul3A_8 = arith.constant 2048 : i32
      %mul3A_9 = arith.muli %scan3A_6, %mul3A_8 : i32
      %convert_element_type3A = arith.extui %eq3A : i1 to i32
      %cond3A = arith.constant 0 : i32
      %cond3A_10 = arith.cmpi ne, %convert_element_type3A, %cond3A : i32
      scf.if %cond3A_10 {
        %mul3A_19 = arith.constant 128 : i32
        %mul3A_20 = arith.muli %arg1, %mul3A_19 : i32
        %add3A = arith.addi %mul3A_9, %mul3A_20 : i32
        %mul3A_21 = arith.constant 128 : i32
        %mul3A_22 = arith.muli %arg1, %mul3A_21 : i32
        "tpu.region"() ({
          %run_scoped3A = tpu.sem_alloc : memref<!tpu.dma_semaphore, #tpu.memory_space<semaphore_mem>>
          %dma_start3A = arith.constant 0 : i32
          %dma_start3A_23 = tpu.memref_slice %arg6[%mul3A_22, %dma_start3A] : memref<2064x320xf32, #tpu.memory_space<vmem_shared>> -> memref<128x320xf32, #tpu.memory_space<vmem_shared>>
          %dma_start3A_24 = arith.constant 0 : i32
          %dma_start3A_25 = tpu.memref_slice %arg2[%add3A, %dma_start3A_24] : memref<65536x320xf32, #tpu.memory_space<hbm>> -> memref<128x320xf32, #tpu.memory_space<hbm>>
          tpu.enqueue_dma source(%dma_start3A_25 : memref<128x320xf32, #tpu.memory_space<hbm>>) target(%dma_start3A_23 : memref<128x320xf32, #tpu.memory_space<vmem_shared>>) target_semaphore(%run_scoped3A : memref<!tpu.dma_semaphore, #tpu.memory_space<semaphore_mem>>)
          %dma_wait3A = arith.constant 0 : i32
          %dma_wait3A_26 = tpu.memref_slice %arg6[%mul3A_22, %dma_wait3A] : memref<2064x320xf32, #tpu.memory_space<vmem_shared>> -> memref<128x320xf32, #tpu.memory_space<vmem_shared>>
          %dma_wait3A_27 = arith.constant 0 : i32
          %dma_wait3A_28 = tpu.memref_slice %arg2[%add3A, %dma_wait3A_27] : memref<65536x320xf32, #tpu.memory_space<hbm>> -> memref<128x320xf32, #tpu.memory_space<hbm>>
          tpu.wait_dma2 semaphore(%run_scoped3A : memref<!tpu.dma_semaphore, #tpu.memory_space<semaphore_mem>>) src(%dma_wait3A_28 : memref<128x320xf32, #tpu.memory_space<hbm>>) dst(%dma_wait3A_26 : memref<128x320xf32, #tpu.memory_space<vmem_shared>>)
          tpu.yield
        }) : () -> ()
      } else {
      }
      %barrier3A = arith.constant 0 : index
      tpu.barrier barrier_id(%barrier3A)
      %convert_element_type3A_11 = arith.extui %eq3A : i1 to i32
      %cond3A_12 = arith.constant 0 : i32
      %cond3A_13 = arith.cmpi ne, %convert_element_type3A_11, %cond3A_12 : i32
      scf.if %cond3A_13 {
        %scan3A_19 = arith.constant 0 : i32
        %scan3A_20 = arith.constant 0 : i32
        %scan3A_21 = arith.constant 261 : i32
        %scan3A_22 = arith.addi %scan3A_20, %scan3A_21 : i32
        %scan3A_23 = arith.constant 1 : i32
        scf.for %scan3A_100 = %scan3A_20 to %scan3A_22 step %scan3A_23  : i32 {
          %broadcast_in_dim3A = arith.constant 0 : i32
          %broadcast_in_dim3A_101 = vector.broadcast %broadcast_in_dim3A : i32 to vector<16xi32>
          %mul3A_102 = arith.constant 16 : i32
          %mul3A_103 = arith.muli %scan3A_100, %mul3A_102 : i32
          %swap3A = arith.index_cast %mul3A_103 : i32 to index
          %swap3A_104 = tpu.vector_load %arg9[%swap3A] {strides = array<i32>} : memref<4176xi32, #tpu.memory_space<vmem>>, vector<16xi32>,
          tpu.vector_store %arg9[%swap3A], %broadcast_in_dim3A_101 {strides = array<i32>} : memref<4176xi32, #tpu.memory_space<vmem>>, vector<16xi32>,
        }
        %scan3A_24 = arith.constant 261 : i32
        %scan3A_25 = arith.constant 0 : i32
        %scan3A_26 = arith.constant 0 : i32
        %scan3A_27 = arith.constant 268 : i32
        %scan3A_28 = arith.addi %scan3A_26, %scan3A_27 : i32
        %scan3A_29 = arith.constant 1 : i32
        scf.for %scan3A_100 = %scan3A_26 to %scan3A_28 step %scan3A_29  : i32 {
          %broadcast_in_dim3A = arith.constant 2048 : i32
          %broadcast_in_dim3A_101 = vector.broadcast %broadcast_in_dim3A : i32 to vector<16xi32>
          %shift_right_arithmetic3A = arith.constant 2 : i32
          %shift_right_arithmetic3A_102 = arith.shrsi %scan3A_100, %shift_right_arithmetic3A : i32
          %mul3A_103 = arith.constant 16 : i32
          %mul3A_104 = arith.muli %scan3A_100, %mul3A_103 : i32
          %and3A_105 = arith.constant 63 : i32
          %and3A_106 = arith.andi %mul3A_104, %and3A_105 : i32
          %swap3A = arith.index_cast %shift_right_arithmetic3A_102 : i32 to index
          %swap3A_107 = arith.index_cast %and3A_106 : i32 to index
          %swap3A_108 = tpu.vector_load %arg10[%swap3A, %swap3A_107] {strides = array<i32>} : memref<67x64xi32, #tpu.memory_space<vmem>>, vector<16xi32>,
          tpu.vector_store %arg10[%swap3A, %swap3A_107], %broadcast_in_dim3A_101 {strides = array<i32>} : memref<67x64xi32, #tpu.memory_space<vmem>>, vector<16xi32>,
        }
        %scan3A_30 = arith.constant 268 : i32
        %scan3A_31 = arith.constant 0 : i32
        %scan3A_32 = arith.constant 0 : i32
        %scan3A_33 = arith.constant 25 : i32
        %scan3A_34 = arith.addi %scan3A_32, %scan3A_33 : i32
        %scan3A_35 = arith.constant 1 : i32
        %scan3A_36 = scf.for %scan3A_100 = %scan3A_32 to %scan3A_34 step %scan3A_35 iter_args(%scan3A_101 = %scan3A_31) -> (i32)  : i32 {
          %mul3A_102 = arith.constant 2048 : i32
          %mul3A_103 = arith.muli %scan3A_100, %mul3A_102 : i32
          %add3A_104 = arith.addi %mul3A_0, %mul3A_103 : i32
          "tpu.region"() ({
            %run_scoped3A = tpu.sem_alloc : memref<!tpu.dma_semaphore, #tpu.memory_space<semaphore_mem>>
            %dma_start3A = tpu.memref_slice %arg3[%add3A_104] : memref<819200xi32, #tpu.memory_space<hbm>> -> memref<2048xi32, #tpu.memory_space<hbm>>
            %dma_start3A_114 = tpu.memref_slice %arg3[%add3A_104] : memref<819200xi32, #tpu.memory_space<hbm>> -> memref<2048xi32, #tpu.memory_space<hbm>>
            tpu.enqueue_dma source(%dma_start3A_114 : memref<2048xi32, #tpu.memory_space<hbm>>) target(%arg7 : memref<2048xi32, #tpu.memory_space<vmem>>) target_semaphore(%run_scoped3A : memref<!tpu.dma_semaphore, #tpu.memory_space<semaphore_mem>>)
            %dma_wait3A = tpu.memref_slice %arg3[%add3A_104] : memref<819200xi32, #tpu.memory_space<hbm>> -> memref<2048xi32, #tpu.memory_space<hbm>>
            %dma_wait3A_115 = tpu.memref_slice %arg3[%add3A_104] : memref<819200xi32, #tpu.memory_space<hbm>> -> memref<2048xi32, #tpu.memory_space<hbm>>
            tpu.wait_dma2 semaphore(%run_scoped3A : memref<!tpu.dma_semaphore, #tpu.memory_space<semaphore_mem>>) src(%dma_wait3A_115 : memref<2048xi32, #tpu.memory_space<hbm>>) dst(%arg7 : memref<2048xi32, #tpu.memory_space<vmem>>)
            tpu.yield
          }) : () -> ()
          %mul3A_105 = arith.constant 2048 : i32
          %mul3A_106 = arith.muli %scan3A_100, %mul3A_105 : i32
          %add3A_107 = arith.addi %mul3A_0, %mul3A_106 : i32
          "tpu.region"() ({
            %run_scoped3A = tpu.sem_alloc : memref<!tpu.dma_semaphore, #tpu.memory_space<semaphore_mem>>
            %dma_start3A = tpu.memref_slice %arg4[%add3A_107] : memref<819200xi32, #tpu.memory_space<hbm>> -> memref<2048xi32, #tpu.memory_space<hbm>>
            %dma_start3A_114 = tpu.memref_slice %arg4[%add3A_107] : memref<819200xi32, #tpu.memory_space<hbm>> -> memref<2048xi32, #tpu.memory_space<hbm>>
            tpu.enqueue_dma source(%dma_start3A_114 : memref<2048xi32, #tpu.memory_space<hbm>>) target(%arg8 : memref<2048xi32, #tpu.memory_space<vmem>>) target_semaphore(%run_scoped3A : memref<!tpu.dma_semaphore, #tpu.memory_space<semaphore_mem>>)
            %dma_wait3A = tpu.memref_slice %arg4[%add3A_107] : memref<819200xi32, #tpu.memory_space<hbm>> -> memref<2048xi32, #tpu.memory_space<hbm>>
            %dma_wait3A_115 = tpu.memref_slice %arg4[%add3A_107] : memref<819200xi32, #tpu.memory_space<hbm>> -> memref<2048xi32, #tpu.memory_space<hbm>>
            tpu.wait_dma2 semaphore(%run_scoped3A : memref<!tpu.dma_semaphore, #tpu.memory_space<semaphore_mem>>) src(%dma_wait3A_115 : memref<2048xi32, #tpu.memory_space<hbm>>) dst(%arg8 : memref<2048xi32, #tpu.memory_space<vmem>>)
            tpu.yield
          }) : () -> ()
          %scan3A_108 = arith.constant 0 : i32
          %scan3A_109 = arith.constant 128 : i32
          %scan3A_110 = arith.addi %scan3A_108, %scan3A_109 : i32
          %scan3A_111 = arith.constant 1 : i32
          %scan3A_112 = scf.for %scan3A_114 = %scan3A_108 to %scan3A_110 step %scan3A_111 iter_args(%scan3A_115 = %scan3A_101) -> (i32)  : i32 {
            %mul3A_116 = arith.constant 16 : i32
            %mul3A_117 = arith.muli %scan3A_114, %mul3A_116 : i32
            %get3A = arith.index_cast %mul3A_117 : i32 to index
            %get3A_118 = tpu.vector_load %arg8[%get3A] {strides = array<i32>} : memref<2048xi32, #tpu.memory_space<vmem>>, vector<16xi32>,
            %mul3A_119 = arith.constant 16 : i32
            %mul3A_120 = arith.muli %scan3A_114, %mul3A_119 : i32
            %get3A_121 = arith.index_cast %mul3A_120 : i32 to index
            %get3A_122 = tpu.vector_load %arg7[%get3A_121] {strides = array<i32>} : memref<2048xi32, #tpu.memory_space<vmem>>, vector<16xi32>,
            %shift_right_arithmetic3A = arith.constant 11 : i32
            %shift_right_arithmetic3A_123 = vector.broadcast %shift_right_arithmetic3A : i32 to vector<16xi32>
            %shift_right_arithmetic3A_124 = arith.shrsi %get3A_118, %shift_right_arithmetic3A_123 : vector<16xi32>
            %eq3A_125 = vector.broadcast %scan3A_6 : i32 to vector<16xi32>
            %eq3A_126 = arith.cmpi eq, %shift_right_arithmetic3A_124, %eq3A_125 : vector<16xi32>
            %jit3A_127 = arith.constant 1 : i32
            %jit3A_128 = arith.constant 0 : i32
            %broadcast_in_dim3A = vector.broadcast %jit3A_127 : i32 to vector<16xi32>
            %broadcast_in_dim3A_129 = vector.broadcast %jit3A_128 : i32 to vector<16xi32>
            %select_n3A_130 = arith.select %eq3A_126, %broadcast_in_dim3A, %broadcast_in_dim3A_129 : vector<16xi1>, vector<16xi32>
            %broadcast_in_dim3A_131 = arith.constant true
            %broadcast_in_dim3A_132 = vector.broadcast %broadcast_in_dim3A_131 : i1 to vector<16xi1>
            %masked_cumsum3A = tpu.scan <sum>, %select_n3A_130 masked %broadcast_in_dim3A_132 : vector<16xi32>, vector<16xi1> -> vector<16xi32>
            %add3A_133 = vector.broadcast %scan3A_115 : i32 to vector<16xi32>
            %add3A_134 = arith.addi %add3A_133, %masked_cumsum3A : vector<16xi32>
            %sub3A_135 = arith.subi %add3A_134, %select_n3A_130 : vector<16xi32>
            tpu.vector_store_idx %arg9[%sub3A_135], %get3A_122 masked %eq3A_126 : memref<4176xi32, #tpu.memory_space<vmem>>[vector<16xi32>], vector<16xi32>, vector<16xi1>
            %shift_right_arithmetic3A_136 = arith.constant 6 : i32
            %shift_right_arithmetic3A_137 = vector.broadcast %shift_right_arithmetic3A_136 : i32 to vector<16xi32>
            %shift_right_arithmetic3A_138 = arith.shrsi %sub3A_135, %shift_right_arithmetic3A_137 : vector<16xi32>
            %and3A_139 = arith.constant 63 : i32
            %and3A_140 = vector.broadcast %and3A_139 : i32 to vector<16xi32>
            %and3A_141 = arith.andi %sub3A_135, %and3A_140 : vector<16xi32>
            %and3A_142 = arith.constant 2047 : i32
            %and3A_143 = vector.broadcast %and3A_142 : i32 to vector<16xi32>
            %and3A_144 = arith.andi %get3A_118, %and3A_143 : vector<16xi32>
            tpu.vector_store_idx %arg10[%shift_right_arithmetic3A_138, %and3A_141], %and3A_144 masked %eq3A_126 : memref<67x64xi32, #tpu.memory_space<vmem>>[vector<16xi32>, vector<16xi32>], vector<16xi32>, vector<16xi1>
            %reduce_sum3A = arith.constant true
            %reduce_sum3A_145 = vector.broadcast %reduce_sum3A : i1 to vector<16xi1>
            %reduce_sum3A_146 = tpu.scan <sum>, %select_n3A_130 masked %reduce_sum3A_145 : vector<16xi32>, vector<16xi1> -> vector<16xi32>
            %reduce_sum3A_147 = vector.extract %reduce_sum3A_146[15] : i32 from vector<16xi32>
            %add3A_148 = arith.addi %scan3A_115, %reduce_sum3A_147 : i32
            %min3A = arith.constant 4096 : i32
            %min3A_149 = arith.minsi %add3A_148, %min3A : i32
            scf.yield %min3A_149 : i32
          }
          %scan3A_113 = arith.constant 128 : i32
          scf.yield %scan3A_112 : i32
        }
        %scan3A_37 = arith.constant 25 : i32
        %add3A = arith.constant 63 : i32
        %add3A_38 = arith.addi %scan3A_36, %add3A : i32
        %jit3A = arith.constant 64 : i32
        %div3A = arith.divsi %add3A_38, %jit3A : i32
        %sign3A = arith.constant 0 : i32
        %sign3A_39 = arith.cmpi sgt, %add3A_38, %sign3A : i32
        %sign3A_40 = arith.extui %sign3A_39 : i1 to i32
        %sign3A_41 = arith.constant 0 : i32
        %sign3A_42 = arith.cmpi slt, %add3A_38, %sign3A_41 : i32
        %sign3A_43 = arith.extui %sign3A_42 : i1 to i32
        %sign3A_44 = arith.subi %sign3A_40, %sign3A_43 : i32
        %sign3A_45 = arith.constant 0 : i32
        %sign3A_46 = arith.cmpi sgt, %jit3A, %sign3A_45 : i32
        %sign3A_47 = arith.extui %sign3A_46 : i1 to i32
        %sign3A_48 = arith.constant 0 : i32
        %sign3A_49 = arith.cmpi slt, %jit3A, %sign3A_48 : i32
        %sign3A_50 = arith.extui %sign3A_49 : i1 to i32
        %sign3A_51 = arith.subi %sign3A_47, %sign3A_50 : i32
        %ne3A = arith.cmpi ne, %sign3A_44, %sign3A_51 : i32
        %rem3A_52 = arith.remsi %add3A_38, %jit3A : i32
        %ne3A_53 = arith.constant 0 : i32
        %ne3A_54 = arith.cmpi ne, %rem3A_52, %ne3A_53 : i32
        %and3A = arith.andi %ne3A, %ne3A_54 : i1
        %sub3A = arith.constant 1 : i32
        %sub3A_55 = arith.subi %div3A, %sub3A : i32
        %select_n3A = arith.select %and3A, %sub3A_55, %div3A : i32
        %add3A_56 = arith.constant 1 : i32
        %add3A_57 = arith.addi %select_n3A, %add3A_56 : i32
        %jit3A_58 = arith.constant 2 : i32
        %div3A_59 = arith.divsi %add3A_57, %jit3A_58 : i32
        %sign3A_60 = arith.constant 0 : i32
        %sign3A_61 = arith.cmpi sgt, %add3A_57, %sign3A_60 : i32
        %sign3A_62 = arith.extui %sign3A_61 : i1 to i32
        %sign3A_63 = arith.constant 0 : i32
        %sign3A_64 = arith.cmpi slt, %add3A_57, %sign3A_63 : i32
        %sign3A_65 = arith.extui %sign3A_64 : i1 to i32
        %sign3A_66 = arith.subi %sign3A_62, %sign3A_65 : i32
        %sign3A_67 = arith.constant 0 : i32
        %sign3A_68 = arith.cmpi sgt, %jit3A_58, %sign3A_67 : i32
        %sign3A_69 = arith.extui %sign3A_68 : i1 to i32
        %sign3A_70 = arith.constant 0 : i32
        %sign3A_71 = arith.cmpi slt, %jit3A_58, %sign3A_70 : i32
        %sign3A_72 = arith.extui %sign3A_71 : i1 to i32
        %sign3A_73 = arith.subi %sign3A_69, %sign3A_72 : i32
        %ne3A_74 = arith.cmpi ne, %sign3A_66, %sign3A_73 : i32
        %rem3A_75 = arith.remsi %add3A_57, %jit3A_58 : i32
        %ne3A_76 = arith.constant 0 : i32
        %ne3A_77 = arith.cmpi ne, %rem3A_75, %ne3A_76 : i32
        %and3A_78 = arith.andi %ne3A_74, %ne3A_77 : i1
        %sub3A_79 = arith.constant 1 : i32
        %sub3A_80 = arith.subi %div3A_59, %sub3A_79 : i32
        %select_n3A_81 = arith.select %and3A_78, %sub3A_80, %div3A_59 : i32
        %while3A = arith.constant 0 : i32
        %while3A_82 = arith.constant 0 : i32
        %while3A_83 = arith.subi %select_n3A_81, %while3A_82 : i32
        %while3A_84 = arith.addi %while3A_82, %while3A_83 : i32
        %while3A_85 = arith.constant 1 : i32
        %while3A_86 = arith.divsi %while3A_83, %while3A_85 : i32
        %while3A_87 = arith.muli %while3A_86, %while3A_85 : i32
        %while3A_88 = arith.addi %while3A_82, %while3A_87 : i32
        %while3A_89 = arith.constant 1 : i32
        scf.for %while3A_100 = %while3A_82 to %while3A_88 step %while3A_89  : i32 {
          %mul3A_101 = arith.constant 2 : i32
          %mul3A_102 = arith.muli %while3A_100, %mul3A_101 : i32
          %add3A_103 = arith.constant 1 : i32
          %add3A_104 = arith.addi %mul3A_102, %add3A_103 : i32
          %lt3A = arith.cmpi slt, %add3A_104, %select_n3A : i32
          %gt3A_105 = arith.constant 0 : i32
          %gt3A_106 = arith.cmpi sgt, %while3A_100, %gt3A_105 : i32
          %convert_element_type3A_107 = arith.extui %gt3A_106 : i1 to i32
          %cond3A_108 = arith.constant 0 : i32
          %cond3A_109 = arith.cmpi ne, %convert_element_type3A_107, %cond3A_108 : i32
          scf.if %cond3A_109 {
            %dma_wait3A_132 = arith.constant 0 : i32
            %dma_wait3A_133 = arith.constant 0 : i32
            %dma_wait3A_134 = tpu.memref_slice %arg6[%dma_wait3A_132, %dma_wait3A_133] : memref<2064x320xf32, #tpu.memory_space<vmem_shared>> -> memref<64x320xf32, #tpu.memory_space<vmem_shared>>
            %dma_wait3A_135 = arith.constant 0 : i32
            %dma_wait3A_136 = arith.constant 0 : i32
            %dma_wait3A_137 = tpu.memref_slice %arg6[%dma_wait3A_135, %dma_wait3A_136] : memref<2064x320xf32, #tpu.memory_space<vmem_shared>> -> memref<64x320xf32, #tpu.memory_space<vmem_shared>>
            tpu.wait_dma2 semaphore(%arg15 : memref<!tpu.dma_semaphore, #tpu.memory_space<semaphore_mem>>) src(%arg11 : memref<64x320xf32, #tpu.memory_space<vmem>>) dst(%dma_wait3A_137 : memref<64x320xf32, #tpu.memory_space<vmem_shared>>)
          } else {
          }
          %mul3A_110 = arith.constant 64 : i32
          %mul3A_111 = arith.muli %mul3A_102, %mul3A_110 : i32
          %dma_start3A = tpu.memref_slice %arg9[%mul3A_111] : memref<4176xi32, #tpu.memory_space<vmem>> -> memref<64xi32, #tpu.memory_space<vmem>>
          %dma_start3A_112 = arith.constant 0 : i32
          %dma_start3A_113 = arith.constant 0 : i32
          %dma_start3A_114 = tpu.memref_slice %arg2[%dma_start3A_112, %dma_start3A_113] : memref<65536x320xf32, #tpu.memory_space<hbm>> -> memref<65536x320xf32, #tpu.memory_space<hbm>>
          tpu.enqueue_indirect_dma source(%dma_start3A_114 : memref<65536x320xf32, #tpu.memory_space<hbm>>) target(%arg11 : memref<64x320xf32, #tpu.memory_space<vmem>>) offsets(%dma_start3A : memref<64xi32, #tpu.memory_space<vmem>>) semaphore(%arg13 : memref<!tpu.dma_semaphore, #tpu.memory_space<semaphore_mem>>)
          %convert_element_type3A_115 = arith.extui %lt3A : i1 to i32
          %cond3A_116 = arith.constant 0 : i32
          %cond3A_117 = arith.cmpi ne, %convert_element_type3A_115, %cond3A_116 : i32
          scf.if %cond3A_117 {
            %gt3A_132 = arith.constant 0 : i32
            %gt3A_133 = arith.cmpi sgt, %while3A_100, %gt3A_132 : i32
            %convert_element_type3A_134 = arith.extui %gt3A_133 : i1 to i32
            %cond3A_135 = arith.constant 0 : i32
            %cond3A_136 = arith.cmpi ne, %convert_element_type3A_134, %cond3A_135 : i32
            scf.if %cond3A_136 {
              %dma_wait3A_143 = arith.constant 0 : i32
              %dma_wait3A_144 = arith.constant 0 : i32
              %dma_wait3A_145 = tpu.memref_slice %arg6[%dma_wait3A_143, %dma_wait3A_144] : memref<2064x320xf32, #tpu.memory_space<vmem_shared>> -> memref<64x320xf32, #tpu.memory_space<vmem_shared>>
              %dma_wait3A_146 = arith.constant 0 : i32
              %dma_wait3A_147 = arith.constant 0 : i32
              %dma_wait3A_148 = tpu.memref_slice %arg6[%dma_wait3A_146, %dma_wait3A_147] : memref<2064x320xf32, #tpu.memory_space<vmem_shared>> -> memref<64x320xf32, #tpu.memory_space<vmem_shared>>
              tpu.wait_dma2 semaphore(%arg16 : memref<!tpu.dma_semaphore, #tpu.memory_space<semaphore_mem>>) src(%arg12 : memref<64x320xf32, #tpu.memory_space<vmem>>) dst(%dma_wait3A_148 : memref<64x320xf32, #tpu.memory_space<vmem_shared>>)
            } else {
            }
            %mul3A_137 = arith.constant 64 : i32
            %mul3A_138 = arith.muli %add3A_104, %mul3A_137 : i32
            %dma_start3A_139 = tpu.memref_slice %arg9[%mul3A_138] : memref<4176xi32, #tpu.memory_space<vmem>> -> memref<64xi32, #tpu.memory_space<vmem>>
            %dma_start3A_140 = arith.constant 0 : i32
            %dma_start3A_141 = arith.constant 0 : i32
            %dma_start3A_142 = tpu.memref_slice %arg2[%dma_start3A_140, %dma_start3A_141] : memref<65536x320xf32, #tpu.memory_space<hbm>> -> memref<65536x320xf32, #tpu.memory_space<hbm>>
            tpu.enqueue_indirect_dma source(%dma_start3A_142 : memref<65536x320xf32, #tpu.memory_space<hbm>>) target(%arg12 : memref<64x320xf32, #tpu.memory_space<vmem>>) offsets(%dma_start3A_139 : memref<64xi32, #tpu.memory_space<vmem>>) semaphore(%arg14 : memref<!tpu.dma_semaphore, #tpu.memory_space<semaphore_mem>>)
          } else {
          }
          %dma_wait3A = arith.constant 0 : i32
          %dma_wait3A_118 = arith.constant 0 : i32
          %dma_wait3A_119 = tpu.memref_slice %arg2[%dma_wait3A, %dma_wait3A_118] : memref<65536x320xf32, #tpu.memory_space<hbm>> -> memref<64x320xf32, #tpu.memory_space<hbm>>
          %dma_wait3A_120 = arith.constant 0 : i32
          %dma_wait3A_121 = arith.constant 0 : i32
          %dma_wait3A_122 = tpu.memref_slice %arg2[%dma_wait3A_120, %dma_wait3A_121] : memref<65536x320xf32, #tpu.memory_space<hbm>> -> memref<64x320xf32, #tpu.memory_space<hbm>>
          tpu.wait_dma2 semaphore(%arg13 : memref<!tpu.dma_semaphore, #tpu.memory_space<semaphore_mem>>) src(%dma_wait3A_122 : memref<64x320xf32, #tpu.memory_space<hbm>>) dst(%arg11 : memref<64x320xf32, #tpu.memory_space<vmem>>)
          %dma_start3A_123 = arith.constant 0 : i32
          %dma_start3A_124 = tpu.memref_slice %arg10[%mul3A_102, %dma_start3A_123] : memref<67x64xi32, #tpu.memory_space<vmem>> -> memref<1x64xi32, #tpu.memory_space<vmem>>
          %dma_start3A_125 = tpu.memref_squeeze %dma_start3A_124 : memref<1x64xi32, #tpu.memory_space<vmem>> -> memref<64xi32, #tpu.memory_space<vmem>>
          %dma_start3A_126 = arith.constant 0 : i32
          %dma_start3A_127 = arith.constant 0 : i32
          %dma_start3A_128 = tpu.memref_slice %arg6[%dma_start3A_126, %dma_start3A_127] : memref<2064x320xf32, #tpu.memory_space<vmem_shared>> -> memref<2064x320xf32, #tpu.memory_space<vmem_shared>>
          tpu.enqueue_indirect_dma source(%arg11 : memref<64x320xf32, #tpu.memory_space<vmem>>) target(%dma_start3A_128 : memref<2064x320xf32, #tpu.memory_space<vmem_shared>>) offsets(%dma_start3A_125 : memref<64xi32, #tpu.memory_space<vmem>>) semaphore(%arg15 : memref<!tpu.dma_semaphore, #tpu.memory_space<semaphore_mem>>) {add = true}
          %convert_element_type3A_129 = arith.extui %lt3A : i1 to i32
          %cond3A_130 = arith.constant 0 : i32
          %cond3A_131 = arith.cmpi ne, %convert_element_type3A_129, %cond3A_130 : i32
          scf.if %cond3A_131 {
            %dma_wait3A_132 = arith.constant 0 : i32
            %dma_wait3A_133 = arith.constant 0 : i32
            %dma_wait3A_134 = tpu.memref_slice %arg2[%dma_wait3A_132, %dma_wait3A_133] : memref<65536x320xf32, #tpu.memory_space<hbm>> -> memref<64x320xf32, #tpu.memory_space<hbm>>
            %dma_wait3A_135 = arith.constant 0 : i32
            %dma_wait3A_136 = arith.constant 0 : i32
            %dma_wait3A_137 = tpu.memref_slice %arg2[%dma_wait3A_135, %dma_wait3A_136] : memref<65536x320xf32, #tpu.memory_space<hbm>> -> memref<64x320xf32, #tpu.memory_space<hbm>>
            tpu.wait_dma2 semaphore(%arg14 : memref<!tpu.dma_semaphore, #tpu.memory_space<semaphore_mem>>) src(%dma_wait3A_137 : memref<64x320xf32, #tpu.memory_space<hbm>>) dst(%arg12 : memref<64x320xf32, #tpu.memory_space<vmem>>)
            %dma_start3A_138 = arith.constant 0 : i32
            %dma_start3A_139 = tpu.memref_slice %arg10[%add3A_104, %dma_start3A_138] : memref<67x64xi32, #tpu.memory_space<vmem>> -> memref<1x64xi32, #tpu.memory_space<vmem>>
            %dma_start3A_140 = tpu.memref_squeeze %dma_start3A_139 : memref<1x64xi32, #tpu.memory_space<vmem>> -> memref<64xi32, #tpu.memory_space<vmem>>
            %dma_start3A_141 = arith.constant 0 : i32
            %dma_start3A_142 = arith.constant 0 : i32
            %dma_start3A_143 = tpu.memref_slice %arg6[%dma_start3A_141, %dma_start3A_142] : memref<2064x320xf32, #tpu.memory_space<vmem_shared>> -> memref<2064x320xf32, #tpu.memory_space<vmem_shared>>
            tpu.enqueue_indirect_dma source(%arg12 : memref<64x320xf32, #tpu.memory_space<vmem>>) target(%dma_start3A_143 : memref<2064x320xf32, #tpu.memory_space<vmem_shared>>) offsets(%dma_start3A_140 : memref<64xi32, #tpu.memory_space<vmem>>) semaphore(%arg16 : memref<!tpu.dma_semaphore, #tpu.memory_space<semaphore_mem>>) {add = true}
          } else {
          }
        }
        %while3A_90 = arith.constant 1 : i32
        scf.for %while3A_100 = %while3A_88 to %while3A_84 step %while3A_90  : i32 {
          %mul3A_101 = arith.constant 2 : i32
          %mul3A_102 = arith.muli %while3A_100, %mul3A_101 : i32
          %add3A_103 = arith.constant 1 : i32
          %add3A_104 = arith.addi %mul3A_102, %add3A_103 : i32
          %lt3A = arith.cmpi slt, %add3A_104, %select_n3A : i32
          %gt3A_105 = arith.constant 0 : i32
          %gt3A_106 = arith.cmpi sgt, %while3A_100, %gt3A_105 : i32
          %convert_element_type3A_107 = arith.extui %gt3A_106 : i1 to i32
          %cond3A_108 = arith.constant 0 : i32
          %cond3A_109 = arith.cmpi ne, %convert_element_type3A_107, %cond3A_108 : i32
          scf.if %cond3A_109 {
            %dma_wait3A_132 = arith.constant 0 : i32
            %dma_wait3A_133 = arith.constant 0 : i32
            %dma_wait3A_134 = tpu.memref_slice %arg6[%dma_wait3A_132, %dma_wait3A_133] : memref<2064x320xf32, #tpu.memory_space<vmem_shared>> -> memref<64x320xf32, #tpu.memory_space<vmem_shared>>
            %dma_wait3A_135 = arith.constant 0 : i32
            %dma_wait3A_136 = arith.constant 0 : i32
            %dma_wait3A_137 = tpu.memref_slice %arg6[%dma_wait3A_135, %dma_wait3A_136] : memref<2064x320xf32, #tpu.memory_space<vmem_shared>> -> memref<64x320xf32, #tpu.memory_space<vmem_shared>>
            tpu.wait_dma2 semaphore(%arg15 : memref<!tpu.dma_semaphore, #tpu.memory_space<semaphore_mem>>) src(%arg11 : memref<64x320xf32, #tpu.memory_space<vmem>>) dst(%dma_wait3A_137 : memref<64x320xf32, #tpu.memory_space<vmem_shared>>)
          } else {
          }
          %mul3A_110 = arith.constant 64 : i32
          %mul3A_111 = arith.muli %mul3A_102, %mul3A_110 : i32
          %dma_start3A = tpu.memref_slice %arg9[%mul3A_111] : memref<4176xi32, #tpu.memory_space<vmem>> -> memref<64xi32, #tpu.memory_space<vmem>>
          %dma_start3A_112 = arith.constant 0 : i32
          %dma_start3A_113 = arith.constant 0 : i32
          %dma_start3A_114 = tpu.memref_slice %arg2[%dma_start3A_112, %dma_start3A_113] : memref<65536x320xf32, #tpu.memory_space<hbm>> -> memref<65536x320xf32, #tpu.memory_space<hbm>>
          tpu.enqueue_indirect_dma source(%dma_start3A_114 : memref<65536x320xf32, #tpu.memory_space<hbm>>) target(%arg11 : memref<64x320xf32, #tpu.memory_space<vmem>>) offsets(%dma_start3A : memref<64xi32, #tpu.memory_space<vmem>>) semaphore(%arg13 : memref<!tpu.dma_semaphore, #tpu.memory_space<semaphore_mem>>)
          %convert_element_type3A_115 = arith.extui %lt3A : i1 to i32
          %cond3A_116 = arith.constant 0 : i32
          %cond3A_117 = arith.cmpi ne, %convert_element_type3A_115, %cond3A_116 : i32
          scf.if %cond3A_117 {
            %gt3A_132 = arith.constant 0 : i32
            %gt3A_133 = arith.cmpi sgt, %while3A_100, %gt3A_132 : i32
            %convert_element_type3A_134 = arith.extui %gt3A_133 : i1 to i32
            %cond3A_135 = arith.constant 0 : i32
            %cond3A_136 = arith.cmpi ne, %convert_element_type3A_134, %cond3A_135 : i32
            scf.if %cond3A_136 {
              %dma_wait3A_143 = arith.constant 0 : i32
              %dma_wait3A_144 = arith.constant 0 : i32
              %dma_wait3A_145 = tpu.memref_slice %arg6[%dma_wait3A_143, %dma_wait3A_144] : memref<2064x320xf32, #tpu.memory_space<vmem_shared>> -> memref<64x320xf32, #tpu.memory_space<vmem_shared>>
              %dma_wait3A_146 = arith.constant 0 : i32
              %dma_wait3A_147 = arith.constant 0 : i32
              %dma_wait3A_148 = tpu.memref_slice %arg6[%dma_wait3A_146, %dma_wait3A_147] : memref<2064x320xf32, #tpu.memory_space<vmem_shared>> -> memref<64x320xf32, #tpu.memory_space<vmem_shared>>
              tpu.wait_dma2 semaphore(%arg16 : memref<!tpu.dma_semaphore, #tpu.memory_space<semaphore_mem>>) src(%arg12 : memref<64x320xf32, #tpu.memory_space<vmem>>) dst(%dma_wait3A_148 : memref<64x320xf32, #tpu.memory_space<vmem_shared>>)
            } else {
            }
            %mul3A_137 = arith.constant 64 : i32
            %mul3A_138 = arith.muli %add3A_104, %mul3A_137 : i32
            %dma_start3A_139 = tpu.memref_slice %arg9[%mul3A_138] : memref<4176xi32, #tpu.memory_space<vmem>> -> memref<64xi32, #tpu.memory_space<vmem>>
            %dma_start3A_140 = arith.constant 0 : i32
            %dma_start3A_141 = arith.constant 0 : i32
            %dma_start3A_142 = tpu.memref_slice %arg2[%dma_start3A_140, %dma_start3A_141] : memref<65536x320xf32, #tpu.memory_space<hbm>> -> memref<65536x320xf32, #tpu.memory_space<hbm>>
            tpu.enqueue_indirect_dma source(%dma_start3A_142 : memref<65536x320xf32, #tpu.memory_space<hbm>>) target(%arg12 : memref<64x320xf32, #tpu.memory_space<vmem>>) offsets(%dma_start3A_139 : memref<64xi32, #tpu.memory_space<vmem>>) semaphore(%arg14 : memref<!tpu.dma_semaphore, #tpu.memory_space<semaphore_mem>>)
          } else {
          }
          %dma_wait3A = arith.constant 0 : i32
          %dma_wait3A_118 = arith.constant 0 : i32
          %dma_wait3A_119 = tpu.memref_slice %arg2[%dma_wait3A, %dma_wait3A_118] : memref<65536x320xf32, #tpu.memory_space<hbm>> -> memref<64x320xf32, #tpu.memory_space<hbm>>
          %dma_wait3A_120 = arith.constant 0 : i32
          %dma_wait3A_121 = arith.constant 0 : i32
          %dma_wait3A_122 = tpu.memref_slice %arg2[%dma_wait3A_120, %dma_wait3A_121] : memref<65536x320xf32, #tpu.memory_space<hbm>> -> memref<64x320xf32, #tpu.memory_space<hbm>>
          tpu.wait_dma2 semaphore(%arg13 : memref<!tpu.dma_semaphore, #tpu.memory_space<semaphore_mem>>) src(%dma_wait3A_122 : memref<64x320xf32, #tpu.memory_space<hbm>>) dst(%arg11 : memref<64x320xf32, #tpu.memory_space<vmem>>)
          %dma_start3A_123 = arith.constant 0 : i32
          %dma_start3A_124 = tpu.memref_slice %arg10[%mul3A_102, %dma_start3A_123] : memref<67x64xi32, #tpu.memory_space<vmem>> -> memref<1x64xi32, #tpu.memory_space<vmem>>
          %dma_start3A_125 = tpu.memref_squeeze %dma_start3A_124 : memref<1x64xi32, #tpu.memory_space<vmem>> -> memref<64xi32, #tpu.memory_space<vmem>>
          %dma_start3A_126 = arith.constant 0 : i32
          %dma_start3A_127 = arith.constant 0 : i32
          %dma_start3A_128 = tpu.memref_slice %arg6[%dma_start3A_126, %dma_start3A_127] : memref<2064x320xf32, #tpu.memory_space<vmem_shared>> -> memref<2064x320xf32, #tpu.memory_space<vmem_shared>>
          tpu.enqueue_indirect_dma source(%arg11 : memref<64x320xf32, #tpu.memory_space<vmem>>) target(%dma_start3A_128 : memref<2064x320xf32, #tpu.memory_space<vmem_shared>>) offsets(%dma_start3A_125 : memref<64xi32, #tpu.memory_space<vmem>>) semaphore(%arg15 : memref<!tpu.dma_semaphore, #tpu.memory_space<semaphore_mem>>) {add = true}
          %convert_element_type3A_129 = arith.extui %lt3A : i1 to i32
          %cond3A_130 = arith.constant 0 : i32
          %cond3A_131 = arith.cmpi ne, %convert_element_type3A_129, %cond3A_130 : i32
          scf.if %cond3A_131 {
            %dma_wait3A_132 = arith.constant 0 : i32
            %dma_wait3A_133 = arith.constant 0 : i32
            %dma_wait3A_134 = tpu.memref_slice %arg2[%dma_wait3A_132, %dma_wait3A_133] : memref<65536x320xf32, #tpu.memory_space<hbm>> -> memref<64x320xf32, #tpu.memory_space<hbm>>
            %dma_wait3A_135 = arith.constant 0 : i32
            %dma_wait3A_136 = arith.constant 0 : i32
            %dma_wait3A_137 = tpu.memref_slice %arg2[%dma_wait3A_135, %dma_wait3A_136] : memref<65536x320xf32, #tpu.memory_space<hbm>> -> memref<64x320xf32, #tpu.memory_space<hbm>>
            tpu.wait_dma2 semaphore(%arg14 : memref<!tpu.dma_semaphore, #tpu.memory_space<semaphore_mem>>) src(%dma_wait3A_137 : memref<64x320xf32, #tpu.memory_space<hbm>>) dst(%arg12 : memref<64x320xf32, #tpu.memory_space<vmem>>)
            %dma_start3A_138 = arith.constant 0 : i32
            %dma_start3A_139 = tpu.memref_slice %arg10[%add3A_104, %dma_start3A_138] : memref<67x64xi32, #tpu.memory_space<vmem>> -> memref<1x64xi32, #tpu.memory_space<vmem>>
            %dma_start3A_140 = tpu.memref_squeeze %dma_start3A_139 : memref<1x64xi32, #tpu.memory_space<vmem>> -> memref<64xi32, #tpu.memory_space<vmem>>
            %dma_start3A_141 = arith.constant 0 : i32
            %dma_start3A_142 = arith.constant 0 : i32
            %dma_start3A_143 = tpu.memref_slice %arg6[%dma_start3A_141, %dma_start3A_142] : memref<2064x320xf32, #tpu.memory_space<vmem_shared>> -> memref<2064x320xf32, #tpu.memory_space<vmem_shared>>
            tpu.enqueue_indirect_dma source(%arg12 : memref<64x320xf32, #tpu.memory_space<vmem>>) target(%dma_start3A_143 : memref<2064x320xf32, #tpu.memory_space<vmem_shared>>) offsets(%dma_start3A_140 : memref<64xi32, #tpu.memory_space<vmem>>) semaphore(%arg16 : memref<!tpu.dma_semaphore, #tpu.memory_space<semaphore_mem>>) {add = true}
          } else {
          }
        }
        %gt3A = arith.constant 0 : i32
        %gt3A_91 = arith.cmpi sgt, %select_n3A, %gt3A : i32
        %convert_element_type3A_92 = arith.extui %gt3A_91 : i1 to i32
        %cond3A_93 = arith.constant 0 : i32
        %cond3A_94 = arith.cmpi ne, %convert_element_type3A_92, %cond3A_93 : i32
        scf.if %cond3A_94 {
          %dma_wait3A = arith.constant 0 : i32
          %dma_wait3A_100 = arith.constant 0 : i32
          %dma_wait3A_101 = tpu.memref_slice %arg6[%dma_wait3A, %dma_wait3A_100] : memref<2064x320xf32, #tpu.memory_space<vmem_shared>> -> memref<64x320xf32, #tpu.memory_space<vmem_shared>>
          %dma_wait3A_102 = arith.constant 0 : i32
          %dma_wait3A_103 = arith.constant 0 : i32
          %dma_wait3A_104 = tpu.memref_slice %arg6[%dma_wait3A_102, %dma_wait3A_103] : memref<2064x320xf32, #tpu.memory_space<vmem_shared>> -> memref<64x320xf32, #tpu.memory_space<vmem_shared>>
          tpu.wait_dma2 semaphore(%arg15 : memref<!tpu.dma_semaphore, #tpu.memory_space<semaphore_mem>>) src(%arg11 : memref<64x320xf32, #tpu.memory_space<vmem>>) dst(%dma_wait3A_104 : memref<64x320xf32, #tpu.memory_space<vmem_shared>>)
        } else {
        }
        %gt3A_95 = arith.constant 1 : i32
        %gt3A_96 = arith.cmpi sgt, %select_n3A, %gt3A_95 : i32
        %convert_element_type3A_97 = arith.extui %gt3A_96 : i1 to i32
        %cond3A_98 = arith.constant 0 : i32
        %cond3A_99 = arith.cmpi ne, %convert_element_type3A_97, %cond3A_98 : i32
        scf.if %cond3A_99 {
          %dma_wait3A = arith.constant 0 : i32
          %dma_wait3A_100 = arith.constant 0 : i32
          %dma_wait3A_101 = tpu.memref_slice %arg6[%dma_wait3A, %dma_wait3A_100] : memref<2064x320xf32, #tpu.memory_space<vmem_shared>> -> memref<64x320xf32, #tpu.memory_space<vmem_shared>>
          %dma_wait3A_102 = arith.constant 0 : i32
          %dma_wait3A_103 = arith.constant 0 : i32
          %dma_wait3A_104 = tpu.memref_slice %arg6[%dma_wait3A_102, %dma_wait3A_103] : memref<2064x320xf32, #tpu.memory_space<vmem_shared>> -> memref<64x320xf32, #tpu.memory_space<vmem_shared>>
          tpu.wait_dma2 semaphore(%arg16 : memref<!tpu.dma_semaphore, #tpu.memory_space<semaphore_mem>>) src(%arg12 : memref<64x320xf32, #tpu.memory_space<vmem>>) dst(%dma_wait3A_104 : memref<64x320xf32, #tpu.memory_space<vmem_shared>>)
        } else {
        }
      } else {
      }
      %barrier3A_14 = arith.constant 0 : index
      tpu.barrier barrier_id(%barrier3A_14)
      %convert_element_type3A_15 = arith.extui %eq3A : i1 to i32
      %cond3A_16 = arith.constant 0 : i32
      %cond3A_17 = arith.cmpi ne, %convert_element_type3A_15, %cond3A_16 : i32
      scf.if %cond3A_17 {
        %mul3A_19 = arith.constant 128 : i32
        %mul3A_20 = arith.muli %arg1, %mul3A_19 : i32
        %mul3A_21 = arith.constant 128 : i32
        %mul3A_22 = arith.muli %arg1, %mul3A_21 : i32
        %add3A = arith.addi %mul3A_9, %mul3A_22 : i32
        "tpu.region"() ({
          %run_scoped3A = tpu.sem_alloc : memref<!tpu.dma_semaphore, #tpu.memory_space<semaphore_mem>>
          %dma_start3A = arith.constant 0 : i32
          %dma_start3A_23 = tpu.memref_slice %arg5[%add3A, %dma_start3A] : memref<65536x320xf32, #tpu.memory_space<hbm>> -> memref<128x320xf32, #tpu.memory_space<hbm>>
          %dma_start3A_24 = arith.constant 0 : i32
          %dma_start3A_25 = tpu.memref_slice %arg6[%mul3A_20, %dma_start3A_24] : memref<2064x320xf32, #tpu.memory_space<vmem_shared>> -> memref<128x320xf32, #tpu.memory_space<vmem_shared>>
          tpu.enqueue_dma source(%dma_start3A_25 : memref<128x320xf32, #tpu.memory_space<vmem_shared>>) target(%dma_start3A_23 : memref<128x320xf32, #tpu.memory_space<hbm>>) target_semaphore(%run_scoped3A : memref<!tpu.dma_semaphore, #tpu.memory_space<semaphore_mem>>)
          %dma_wait3A = arith.constant 0 : i32
          %dma_wait3A_26 = tpu.memref_slice %arg5[%add3A, %dma_wait3A] : memref<65536x320xf32, #tpu.memory_space<hbm>> -> memref<128x320xf32, #tpu.memory_space<hbm>>
          %dma_wait3A_27 = arith.constant 0 : i32
          %dma_wait3A_28 = tpu.memref_slice %arg6[%mul3A_20, %dma_wait3A_27] : memref<2064x320xf32, #tpu.memory_space<vmem_shared>> -> memref<128x320xf32, #tpu.memory_space<vmem_shared>>
          tpu.wait_dma2 semaphore(%run_scoped3A : memref<!tpu.dma_semaphore, #tpu.memory_space<semaphore_mem>>) src(%dma_wait3A_28 : memref<128x320xf32, #tpu.memory_space<vmem_shared>>) dst(%dma_wait3A_26 : memref<128x320xf32, #tpu.memory_space<hbm>>)
          tpu.yield
        }) : () -> ()
      } else {
      }
      %barrier3A_18 = arith.constant 0 : index
      tpu.barrier barrier_id(%barrier3A_18)
    }
    %scan3A_5 = arith.constant 25 : i32
    return
  }
}

#map = affine_map<(d0, d1) -> (0, 0)>
#map1 = affine_map<(d0, d1) -> (0)>
module attributes {stable_mosaic.version = 14 : i64} {
  func.func @body(%arg0: i32, %arg1: i32, %arg2: memref<65536x624xf32, #tpu.memory_space<hbm>>, %arg3: memref<819200xi32, #tpu.memory_space<hbm>>, %arg4: memref<819200xi32, #tpu.memory_space<hbm>>, %arg5: memref<65536x624xf32, #tpu.memory_space<hbm>>, %arg6: memref<1040x624xf32, #tpu.memory_space<vmem_shared>>, %arg7: memref<2048xi32, #tpu.memory_space<vmem>>, %arg8: memref<2048xi32, #tpu.memory_space<vmem>>, %arg9: memref<2128xi32, #tpu.memory_space<vmem>>, %arg10: memref<35x64xi32, #tpu.memory_space<vmem>>, %arg11: memref<64x624xf32, #tpu.memory_space<vmem>>, %arg12: memref<64x624xf32, #tpu.memory_space<vmem>>, %arg13: memref<!tpu.dma_semaphore, #tpu.memory_space<semaphore_mem>>, %arg14: memref<!tpu.dma_semaphore, #tpu.memory_space<semaphore_mem>>, %arg15: memref<!tpu.dma_semaphore, #tpu.memory_space<semaphore_mem>>, %arg16: memref<!tpu.dma_semaphore, #tpu.memory_space<semaphore_mem>>) attributes {dimension_semantics = [#tpu.dimension_semantics<core_parallel>, #tpu.dimension_semantics<subcore_parallel>], iteration_bounds = array<i64: 2, 16>, scalar_prefetch = 0 : i64, scratch_operands = 11 : i64, tpu.core_type = #tpu.core_type<sc_vector_subcore>, window_params = [{transform_indices = #map}, {transform_indices = #map1}, {transform_indices = #map1}, {transform_indices = #map}]} {
    %mul3A = arith.constant 51200 : i32
    %mul3A_0 = arith.muli %arg1, %mul3A : i32
    %scan3A = arith.constant 0 : i32
    %scan3A_1 = arith.constant 0 : i32
    %scan3A_2 = arith.constant 49 : i32
    %scan3A_3 = arith.addi %scan3A_1, %scan3A_2 : i32
    %scan3A_4 = arith.constant 1 : i32
    scf.for %scan3A_6 = %scan3A_1 to %scan3A_3 step %scan3A_4  : i32 {
      %rem3A = arith.constant 2 : i32
      %rem3A_7 = arith.remsi %scan3A_6, %rem3A : i32
      %eq3A = arith.cmpi eq, %rem3A_7, %arg0 : i32
      %mul3A_8 = arith.constant 1024 : i32
      %mul3A_9 = arith.muli %scan3A_6, %mul3A_8 : i32
      %convert_element_type3A = arith.extui %eq3A : i1 to i32
      %cond3A = arith.constant 0 : i32
      %cond3A_10 = arith.cmpi ne, %convert_element_type3A, %cond3A : i32
      scf.if %cond3A_10 {
        %mul3A_19 = arith.constant 64 : i32
        %mul3A_20 = arith.muli %arg1, %mul3A_19 : i32
        %add3A = arith.addi %mul3A_9, %mul3A_20 : i32
        %mul3A_21 = arith.constant 64 : i32
        %mul3A_22 = arith.muli %arg1, %mul3A_21 : i32
        "tpu.region"() ({
          %run_scoped3A = tpu.sem_alloc : memref<!tpu.dma_semaphore, #tpu.memory_space<semaphore_mem>>
          %dma_start3A = arith.constant 0 : i32
          %dma_start3A_23 = tpu.memref_slice %arg6[%mul3A_22, %dma_start3A] : memref<1040x624xf32, #tpu.memory_space<vmem_shared>> -> memref<64x624xf32, #tpu.memory_space<vmem_shared>>
          %dma_start3A_24 = arith.constant 0 : i32
          %dma_start3A_25 = tpu.memref_slice %arg2[%add3A, %dma_start3A_24] : memref<65536x624xf32, #tpu.memory_space<hbm>> -> memref<64x624xf32, #tpu.memory_space<hbm>>
          tpu.enqueue_dma source(%dma_start3A_25 : memref<64x624xf32, #tpu.memory_space<hbm>>) target(%dma_start3A_23 : memref<64x624xf32, #tpu.memory_space<vmem_shared>>) target_semaphore(%run_scoped3A : memref<!tpu.dma_semaphore, #tpu.memory_space<semaphore_mem>>)
          %dma_wait3A = arith.constant 0 : i32
          %dma_wait3A_26 = tpu.memref_slice %arg6[%mul3A_22, %dma_wait3A] : memref<1040x624xf32, #tpu.memory_space<vmem_shared>> -> memref<64x624xf32, #tpu.memory_space<vmem_shared>>
          %dma_wait3A_27 = arith.constant 0 : i32
          %dma_wait3A_28 = tpu.memref_slice %arg2[%add3A, %dma_wait3A_27] : memref<65536x624xf32, #tpu.memory_space<hbm>> -> memref<64x624xf32, #tpu.memory_space<hbm>>
          tpu.wait_dma2 semaphore(%run_scoped3A : memref<!tpu.dma_semaphore, #tpu.memory_space<semaphore_mem>>) src(%dma_wait3A_28 : memref<64x624xf32, #tpu.memory_space<hbm>>) dst(%dma_wait3A_26 : memref<64x624xf32, #tpu.memory_space<vmem_shared>>)
          tpu.yield
        }) : () -> ()
      } else {
      }
      %barrier3A = arith.constant 0 : index
      tpu.barrier barrier_id(%barrier3A)
      %convert_element_type3A_11 = arith.extui %eq3A : i1 to i32
      %cond3A_12 = arith.constant 0 : i32
      %cond3A_13 = arith.cmpi ne, %convert_element_type3A_11, %cond3A_12 : i32
      scf.if %cond3A_13 {
        %scan3A_19 = arith.constant 0 : i32
        %scan3A_20 = arith.constant 0 : i32
        %scan3A_21 = arith.constant 133 : i32
        %scan3A_22 = arith.addi %scan3A_20, %scan3A_21 : i32
        %scan3A_23 = arith.constant 1 : i32
        scf.for %scan3A_100 = %scan3A_20 to %scan3A_22 step %scan3A_23  : i32 {
          %broadcast_in_dim3A = arith.constant 0 : i32
          %broadcast_in_dim3A_101 = vector.broadcast %broadcast_in_dim3A : i32 to vector<16xi32>
          %mul3A_102 = arith.constant 16 : i32
          %mul3A_103 = arith.muli %scan3A_100, %mul3A_102 : i32
          %swap3A = arith.index_cast %mul3A_103 : i32 to index
          %swap3A_104 = tpu.vector_load %arg9[%swap3A] {strides = array<i32>} : memref<2128xi32, #tpu.memory_space<vmem>>, vector<16xi32>,
          tpu.vector_store %arg9[%swap3A], %broadcast_in_dim3A_101 {strides = array<i32>} : memref<2128xi32, #tpu.memory_space<vmem>>, vector<16xi32>,
        }
        %scan3A_24 = arith.constant 133 : i32
        %scan3A_25 = arith.constant 0 : i32
        %scan3A_26 = arith.constant 0 : i32
        %scan3A_27 = arith.constant 140 : i32
        %scan3A_28 = arith.addi %scan3A_26, %scan3A_27 : i32
        %scan3A_29 = arith.constant 1 : i32
        scf.for %scan3A_100 = %scan3A_26 to %scan3A_28 step %scan3A_29  : i32 {
          %broadcast_in_dim3A = arith.constant 1024 : i32
          %broadcast_in_dim3A_101 = vector.broadcast %broadcast_in_dim3A : i32 to vector<16xi32>
          %shift_right_arithmetic3A = arith.constant 2 : i32
          %shift_right_arithmetic3A_102 = arith.shrsi %scan3A_100, %shift_right_arithmetic3A : i32
          %mul3A_103 = arith.constant 16 : i32
          %mul3A_104 = arith.muli %scan3A_100, %mul3A_103 : i32
          %and3A_105 = arith.constant 63 : i32
          %and3A_106 = arith.andi %mul3A_104, %and3A_105 : i32
          %swap3A = arith.index_cast %shift_right_arithmetic3A_102 : i32 to index
          %swap3A_107 = arith.index_cast %and3A_106 : i32 to index
          %swap3A_108 = tpu.vector_load %arg10[%swap3A, %swap3A_107] {strides = array<i32>} : memref<35x64xi32, #tpu.memory_space<vmem>>, vector<16xi32>,
          tpu.vector_store %arg10[%swap3A, %swap3A_107], %broadcast_in_dim3A_101 {strides = array<i32>} : memref<35x64xi32, #tpu.memory_space<vmem>>, vector<16xi32>,
        }
        %scan3A_30 = arith.constant 140 : i32
        %scan3A_31 = arith.constant 0 : i32
        %scan3A_32 = arith.constant 0 : i32
        %scan3A_33 = arith.constant 25 : i32
        %scan3A_34 = arith.addi %scan3A_32, %scan3A_33 : i32
        %scan3A_35 = arith.constant 1 : i32
        %scan3A_36 = scf.for %scan3A_100 = %scan3A_32 to %scan3A_34 step %scan3A_35 iter_args(%scan3A_101 = %scan3A_31) -> (i32)  : i32 {
          %mul3A_102 = arith.constant 2048 : i32
          %mul3A_103 = arith.muli %scan3A_100, %mul3A_102 : i32
          %add3A_104 = arith.addi %mul3A_0, %mul3A_103 : i32
          "tpu.region"() ({
            %run_scoped3A = tpu.sem_alloc : memref<!tpu.dma_semaphore, #tpu.memory_space<semaphore_mem>>
            %dma_start3A = tpu.memref_slice %arg3[%add3A_104] : memref<819200xi32, #tpu.memory_space<hbm>> -> memref<2048xi32, #tpu.memory_space<hbm>>
            %dma_start3A_114 = tpu.memref_slice %arg3[%add3A_104] : memref<819200xi32, #tpu.memory_space<hbm>> -> memref<2048xi32, #tpu.memory_space<hbm>>
            tpu.enqueue_dma source(%dma_start3A_114 : memref<2048xi32, #tpu.memory_space<hbm>>) target(%arg7 : memref<2048xi32, #tpu.memory_space<vmem>>) target_semaphore(%run_scoped3A : memref<!tpu.dma_semaphore, #tpu.memory_space<semaphore_mem>>)
            %dma_wait3A = tpu.memref_slice %arg3[%add3A_104] : memref<819200xi32, #tpu.memory_space<hbm>> -> memref<2048xi32, #tpu.memory_space<hbm>>
            %dma_wait3A_115 = tpu.memref_slice %arg3[%add3A_104] : memref<819200xi32, #tpu.memory_space<hbm>> -> memref<2048xi32, #tpu.memory_space<hbm>>
            tpu.wait_dma2 semaphore(%run_scoped3A : memref<!tpu.dma_semaphore, #tpu.memory_space<semaphore_mem>>) src(%dma_wait3A_115 : memref<2048xi32, #tpu.memory_space<hbm>>) dst(%arg7 : memref<2048xi32, #tpu.memory_space<vmem>>)
            tpu.yield
          }) : () -> ()
          %mul3A_105 = arith.constant 2048 : i32
          %mul3A_106 = arith.muli %scan3A_100, %mul3A_105 : i32
          %add3A_107 = arith.addi %mul3A_0, %mul3A_106 : i32
          "tpu.region"() ({
            %run_scoped3A = tpu.sem_alloc : memref<!tpu.dma_semaphore, #tpu.memory_space<semaphore_mem>>
            %dma_start3A = tpu.memref_slice %arg4[%add3A_107] : memref<819200xi32, #tpu.memory_space<hbm>> -> memref<2048xi32, #tpu.memory_space<hbm>>
            %dma_start3A_114 = tpu.memref_slice %arg4[%add3A_107] : memref<819200xi32, #tpu.memory_space<hbm>> -> memref<2048xi32, #tpu.memory_space<hbm>>
            tpu.enqueue_dma source(%dma_start3A_114 : memref<2048xi32, #tpu.memory_space<hbm>>) target(%arg8 : memref<2048xi32, #tpu.memory_space<vmem>>) target_semaphore(%run_scoped3A : memref<!tpu.dma_semaphore, #tpu.memory_space<semaphore_mem>>)
            %dma_wait3A = tpu.memref_slice %arg4[%add3A_107] : memref<819200xi32, #tpu.memory_space<hbm>> -> memref<2048xi32, #tpu.memory_space<hbm>>
            %dma_wait3A_115 = tpu.memref_slice %arg4[%add3A_107] : memref<819200xi32, #tpu.memory_space<hbm>> -> memref<2048xi32, #tpu.memory_space<hbm>>
            tpu.wait_dma2 semaphore(%run_scoped3A : memref<!tpu.dma_semaphore, #tpu.memory_space<semaphore_mem>>) src(%dma_wait3A_115 : memref<2048xi32, #tpu.memory_space<hbm>>) dst(%arg8 : memref<2048xi32, #tpu.memory_space<vmem>>)
            tpu.yield
          }) : () -> ()
          %scan3A_108 = arith.constant 0 : i32
          %scan3A_109 = arith.constant 128 : i32
          %scan3A_110 = arith.addi %scan3A_108, %scan3A_109 : i32
          %scan3A_111 = arith.constant 1 : i32
          %scan3A_112 = scf.for %scan3A_114 = %scan3A_108 to %scan3A_110 step %scan3A_111 iter_args(%scan3A_115 = %scan3A_101) -> (i32)  : i32 {
            %mul3A_116 = arith.constant 16 : i32
            %mul3A_117 = arith.muli %scan3A_114, %mul3A_116 : i32
            %get3A = arith.index_cast %mul3A_117 : i32 to index
            %get3A_118 = tpu.vector_load %arg8[%get3A] {strides = array<i32>} : memref<2048xi32, #tpu.memory_space<vmem>>, vector<16xi32>,
            %mul3A_119 = arith.constant 16 : i32
            %mul3A_120 = arith.muli %scan3A_114, %mul3A_119 : i32
            %get3A_121 = arith.index_cast %mul3A_120 : i32 to index
            %get3A_122 = tpu.vector_load %arg7[%get3A_121] {strides = array<i32>} : memref<2048xi32, #tpu.memory_space<vmem>>, vector<16xi32>,
            %shift_right_arithmetic3A = arith.constant 10 : i32
            %shift_right_arithmetic3A_123 = vector.broadcast %shift_right_arithmetic3A : i32 to vector<16xi32>
            %shift_right_arithmetic3A_124 = arith.shrsi %get3A_118, %shift_right_arithmetic3A_123 : vector<16xi32>
            %eq3A_125 = vector.broadcast %scan3A_6 : i32 to vector<16xi32>
            %eq3A_126 = arith.cmpi eq, %shift_right_arithmetic3A_124, %eq3A_125 : vector<16xi32>
            %jit3A_127 = arith.constant 1 : i32
            %jit3A_128 = arith.constant 0 : i32
            %broadcast_in_dim3A = vector.broadcast %jit3A_127 : i32 to vector<16xi32>
            %broadcast_in_dim3A_129 = vector.broadcast %jit3A_128 : i32 to vector<16xi32>
            %select_n3A_130 = arith.select %eq3A_126, %broadcast_in_dim3A, %broadcast_in_dim3A_129 : vector<16xi1>, vector<16xi32>
            %broadcast_in_dim3A_131 = arith.constant true
            %broadcast_in_dim3A_132 = vector.broadcast %broadcast_in_dim3A_131 : i1 to vector<16xi1>
            %masked_cumsum3A = tpu.scan <sum>, %select_n3A_130 masked %broadcast_in_dim3A_132 : vector<16xi32>, vector<16xi1> -> vector<16xi32>
            %add3A_133 = vector.broadcast %scan3A_115 : i32 to vector<16xi32>
            %add3A_134 = arith.addi %add3A_133, %masked_cumsum3A : vector<16xi32>
            %sub3A_135 = arith.subi %add3A_134, %select_n3A_130 : vector<16xi32>
            tpu.vector_store_idx %arg9[%sub3A_135], %get3A_122 masked %eq3A_126 : memref<2128xi32, #tpu.memory_space<vmem>>[vector<16xi32>], vector<16xi32>, vector<16xi1>
            %shift_right_arithmetic3A_136 = arith.constant 6 : i32
            %shift_right_arithmetic3A_137 = vector.broadcast %shift_right_arithmetic3A_136 : i32 to vector<16xi32>
            %shift_right_arithmetic3A_138 = arith.shrsi %sub3A_135, %shift_right_arithmetic3A_137 : vector<16xi32>
            %and3A_139 = arith.constant 63 : i32
            %and3A_140 = vector.broadcast %and3A_139 : i32 to vector<16xi32>
            %and3A_141 = arith.andi %sub3A_135, %and3A_140 : vector<16xi32>
            %and3A_142 = arith.constant 1023 : i32
            %and3A_143 = vector.broadcast %and3A_142 : i32 to vector<16xi32>
            %and3A_144 = arith.andi %get3A_118, %and3A_143 : vector<16xi32>
            tpu.vector_store_idx %arg10[%shift_right_arithmetic3A_138, %and3A_141], %and3A_144 masked %eq3A_126 : memref<35x64xi32, #tpu.memory_space<vmem>>[vector<16xi32>, vector<16xi32>], vector<16xi32>, vector<16xi1>
            %reduce_sum3A = arith.constant true
            %reduce_sum3A_145 = vector.broadcast %reduce_sum3A : i1 to vector<16xi1>
            %reduce_sum3A_146 = tpu.scan <sum>, %select_n3A_130 masked %reduce_sum3A_145 : vector<16xi32>, vector<16xi1> -> vector<16xi32>
            %reduce_sum3A_147 = vector.extract %reduce_sum3A_146[15] : i32 from vector<16xi32>
            %add3A_148 = arith.addi %scan3A_115, %reduce_sum3A_147 : i32
            %min3A = arith.constant 2048 : i32
            %min3A_149 = arith.minsi %add3A_148, %min3A : i32
            scf.yield %min3A_149 : i32
          }
          %scan3A_113 = arith.constant 128 : i32
          scf.yield %scan3A_112 : i32
        }
        %scan3A_37 = arith.constant 25 : i32
        %add3A = arith.constant 63 : i32
        %add3A_38 = arith.addi %scan3A_36, %add3A : i32
        %jit3A = arith.constant 64 : i32
        %div3A = arith.divsi %add3A_38, %jit3A : i32
        %sign3A = arith.constant 0 : i32
        %sign3A_39 = arith.cmpi sgt, %add3A_38, %sign3A : i32
        %sign3A_40 = arith.extui %sign3A_39 : i1 to i32
        %sign3A_41 = arith.constant 0 : i32
        %sign3A_42 = arith.cmpi slt, %add3A_38, %sign3A_41 : i32
        %sign3A_43 = arith.extui %sign3A_42 : i1 to i32
        %sign3A_44 = arith.subi %sign3A_40, %sign3A_43 : i32
        %sign3A_45 = arith.constant 0 : i32
        %sign3A_46 = arith.cmpi sgt, %jit3A, %sign3A_45 : i32
        %sign3A_47 = arith.extui %sign3A_46 : i1 to i32
        %sign3A_48 = arith.constant 0 : i32
        %sign3A_49 = arith.cmpi slt, %jit3A, %sign3A_48 : i32
        %sign3A_50 = arith.extui %sign3A_49 : i1 to i32
        %sign3A_51 = arith.subi %sign3A_47, %sign3A_50 : i32
        %ne3A = arith.cmpi ne, %sign3A_44, %sign3A_51 : i32
        %rem3A_52 = arith.remsi %add3A_38, %jit3A : i32
        %ne3A_53 = arith.constant 0 : i32
        %ne3A_54 = arith.cmpi ne, %rem3A_52, %ne3A_53 : i32
        %and3A = arith.andi %ne3A, %ne3A_54 : i1
        %sub3A = arith.constant 1 : i32
        %sub3A_55 = arith.subi %div3A, %sub3A : i32
        %select_n3A = arith.select %and3A, %sub3A_55, %div3A : i32
        %add3A_56 = arith.constant 1 : i32
        %add3A_57 = arith.addi %select_n3A, %add3A_56 : i32
        %jit3A_58 = arith.constant 2 : i32
        %div3A_59 = arith.divsi %add3A_57, %jit3A_58 : i32
        %sign3A_60 = arith.constant 0 : i32
        %sign3A_61 = arith.cmpi sgt, %add3A_57, %sign3A_60 : i32
        %sign3A_62 = arith.extui %sign3A_61 : i1 to i32
        %sign3A_63 = arith.constant 0 : i32
        %sign3A_64 = arith.cmpi slt, %add3A_57, %sign3A_63 : i32
        %sign3A_65 = arith.extui %sign3A_64 : i1 to i32
        %sign3A_66 = arith.subi %sign3A_62, %sign3A_65 : i32
        %sign3A_67 = arith.constant 0 : i32
        %sign3A_68 = arith.cmpi sgt, %jit3A_58, %sign3A_67 : i32
        %sign3A_69 = arith.extui %sign3A_68 : i1 to i32
        %sign3A_70 = arith.constant 0 : i32
        %sign3A_71 = arith.cmpi slt, %jit3A_58, %sign3A_70 : i32
        %sign3A_72 = arith.extui %sign3A_71 : i1 to i32
        %sign3A_73 = arith.subi %sign3A_69, %sign3A_72 : i32
        %ne3A_74 = arith.cmpi ne, %sign3A_66, %sign3A_73 : i32
        %rem3A_75 = arith.remsi %add3A_57, %jit3A_58 : i32
        %ne3A_76 = arith.constant 0 : i32
        %ne3A_77 = arith.cmpi ne, %rem3A_75, %ne3A_76 : i32
        %and3A_78 = arith.andi %ne3A_74, %ne3A_77 : i1
        %sub3A_79 = arith.constant 1 : i32
        %sub3A_80 = arith.subi %div3A_59, %sub3A_79 : i32
        %select_n3A_81 = arith.select %and3A_78, %sub3A_80, %div3A_59 : i32
        %while3A = arith.constant 0 : i32
        %while3A_82 = arith.constant 0 : i32
        %while3A_83 = arith.subi %select_n3A_81, %while3A_82 : i32
        %while3A_84 = arith.addi %while3A_82, %while3A_83 : i32
        %while3A_85 = arith.constant 1 : i32
        %while3A_86 = arith.divsi %while3A_83, %while3A_85 : i32
        %while3A_87 = arith.muli %while3A_86, %while3A_85 : i32
        %while3A_88 = arith.addi %while3A_82, %while3A_87 : i32
        %while3A_89 = arith.constant 1 : i32
        scf.for %while3A_100 = %while3A_82 to %while3A_88 step %while3A_89  : i32 {
          %mul3A_101 = arith.constant 2 : i32
          %mul3A_102 = arith.muli %while3A_100, %mul3A_101 : i32
          %add3A_103 = arith.constant 1 : i32
          %add3A_104 = arith.addi %mul3A_102, %add3A_103 : i32
          %lt3A = arith.cmpi slt, %add3A_104, %select_n3A : i32
          %gt3A_105 = arith.constant 0 : i32
          %gt3A_106 = arith.cmpi sgt, %while3A_100, %gt3A_105 : i32
          %convert_element_type3A_107 = arith.extui %gt3A_106 : i1 to i32
          %cond3A_108 = arith.constant 0 : i32
          %cond3A_109 = arith.cmpi ne, %convert_element_type3A_107, %cond3A_108 : i32
          scf.if %cond3A_109 {
            %dma_wait3A_132 = arith.constant 0 : i32
            %dma_wait3A_133 = arith.constant 0 : i32
            %dma_wait3A_134 = tpu.memref_slice %arg6[%dma_wait3A_132, %dma_wait3A_133] : memref<1040x624xf32, #tpu.memory_space<vmem_shared>> -> memref<64x624xf32, #tpu.memory_space<vmem_shared>>
            %dma_wait3A_135 = arith.constant 0 : i32
            %dma_wait3A_136 = arith.constant 0 : i32
            %dma_wait3A_137 = tpu.memref_slice %arg6[%dma_wait3A_135, %dma_wait3A_136] : memref<1040x624xf32, #tpu.memory_space<vmem_shared>> -> memref<64x624xf32, #tpu.memory_space<vmem_shared>>
            tpu.wait_dma2 semaphore(%arg15 : memref<!tpu.dma_semaphore, #tpu.memory_space<semaphore_mem>>) src(%arg11 : memref<64x624xf32, #tpu.memory_space<vmem>>) dst(%dma_wait3A_137 : memref<64x624xf32, #tpu.memory_space<vmem_shared>>)
          } else {
          }
          %mul3A_110 = arith.constant 64 : i32
          %mul3A_111 = arith.muli %mul3A_102, %mul3A_110 : i32
          %dma_start3A = tpu.memref_slice %arg9[%mul3A_111] : memref<2128xi32, #tpu.memory_space<vmem>> -> memref<64xi32, #tpu.memory_space<vmem>>
          %dma_start3A_112 = arith.constant 0 : i32
          %dma_start3A_113 = arith.constant 0 : i32
          %dma_start3A_114 = tpu.memref_slice %arg2[%dma_start3A_112, %dma_start3A_113] : memref<65536x624xf32, #tpu.memory_space<hbm>> -> memref<65536x624xf32, #tpu.memory_space<hbm>>
          tpu.enqueue_indirect_dma source(%dma_start3A_114 : memref<65536x624xf32, #tpu.memory_space<hbm>>) target(%arg11 : memref<64x624xf32, #tpu.memory_space<vmem>>) offsets(%dma_start3A : memref<64xi32, #tpu.memory_space<vmem>>) semaphore(%arg13 : memref<!tpu.dma_semaphore, #tpu.memory_space<semaphore_mem>>)
          %convert_element_type3A_115 = arith.extui %lt3A : i1 to i32
          %cond3A_116 = arith.constant 0 : i32
          %cond3A_117 = arith.cmpi ne, %convert_element_type3A_115, %cond3A_116 : i32
          scf.if %cond3A_117 {
            %gt3A_132 = arith.constant 0 : i32
            %gt3A_133 = arith.cmpi sgt, %while3A_100, %gt3A_132 : i32
            %convert_element_type3A_134 = arith.extui %gt3A_133 : i1 to i32
            %cond3A_135 = arith.constant 0 : i32
            %cond3A_136 = arith.cmpi ne, %convert_element_type3A_134, %cond3A_135 : i32
            scf.if %cond3A_136 {
              %dma_wait3A_143 = arith.constant 0 : i32
              %dma_wait3A_144 = arith.constant 0 : i32
              %dma_wait3A_145 = tpu.memref_slice %arg6[%dma_wait3A_143, %dma_wait3A_144] : memref<1040x624xf32, #tpu.memory_space<vmem_shared>> -> memref<64x624xf32, #tpu.memory_space<vmem_shared>>
              %dma_wait3A_146 = arith.constant 0 : i32
              %dma_wait3A_147 = arith.constant 0 : i32
              %dma_wait3A_148 = tpu.memref_slice %arg6[%dma_wait3A_146, %dma_wait3A_147] : memref<1040x624xf32, #tpu.memory_space<vmem_shared>> -> memref<64x624xf32, #tpu.memory_space<vmem_shared>>
              tpu.wait_dma2 semaphore(%arg16 : memref<!tpu.dma_semaphore, #tpu.memory_space<semaphore_mem>>) src(%arg12 : memref<64x624xf32, #tpu.memory_space<vmem>>) dst(%dma_wait3A_148 : memref<64x624xf32, #tpu.memory_space<vmem_shared>>)
            } else {
            }
            %mul3A_137 = arith.constant 64 : i32
            %mul3A_138 = arith.muli %add3A_104, %mul3A_137 : i32
            %dma_start3A_139 = tpu.memref_slice %arg9[%mul3A_138] : memref<2128xi32, #tpu.memory_space<vmem>> -> memref<64xi32, #tpu.memory_space<vmem>>
            %dma_start3A_140 = arith.constant 0 : i32
            %dma_start3A_141 = arith.constant 0 : i32
            %dma_start3A_142 = tpu.memref_slice %arg2[%dma_start3A_140, %dma_start3A_141] : memref<65536x624xf32, #tpu.memory_space<hbm>> -> memref<65536x624xf32, #tpu.memory_space<hbm>>
            tpu.enqueue_indirect_dma source(%dma_start3A_142 : memref<65536x624xf32, #tpu.memory_space<hbm>>) target(%arg12 : memref<64x624xf32, #tpu.memory_space<vmem>>) offsets(%dma_start3A_139 : memref<64xi32, #tpu.memory_space<vmem>>) semaphore(%arg14 : memref<!tpu.dma_semaphore, #tpu.memory_space<semaphore_mem>>)
          } else {
          }
          %dma_wait3A = arith.constant 0 : i32
          %dma_wait3A_118 = arith.constant 0 : i32
          %dma_wait3A_119 = tpu.memref_slice %arg2[%dma_wait3A, %dma_wait3A_118] : memref<65536x624xf32, #tpu.memory_space<hbm>> -> memref<64x624xf32, #tpu.memory_space<hbm>>
          %dma_wait3A_120 = arith.constant 0 : i32
          %dma_wait3A_121 = arith.constant 0 : i32
          %dma_wait3A_122 = tpu.memref_slice %arg2[%dma_wait3A_120, %dma_wait3A_121] : memref<65536x624xf32, #tpu.memory_space<hbm>> -> memref<64x624xf32, #tpu.memory_space<hbm>>
          tpu.wait_dma2 semaphore(%arg13 : memref<!tpu.dma_semaphore, #tpu.memory_space<semaphore_mem>>) src(%dma_wait3A_122 : memref<64x624xf32, #tpu.memory_space<hbm>>) dst(%arg11 : memref<64x624xf32, #tpu.memory_space<vmem>>)
          %dma_start3A_123 = arith.constant 0 : i32
          %dma_start3A_124 = tpu.memref_slice %arg10[%mul3A_102, %dma_start3A_123] : memref<35x64xi32, #tpu.memory_space<vmem>> -> memref<1x64xi32, #tpu.memory_space<vmem>>
          %dma_start3A_125 = tpu.memref_squeeze %dma_start3A_124 : memref<1x64xi32, #tpu.memory_space<vmem>> -> memref<64xi32, #tpu.memory_space<vmem>>
          %dma_start3A_126 = arith.constant 0 : i32
          %dma_start3A_127 = arith.constant 0 : i32
          %dma_start3A_128 = tpu.memref_slice %arg6[%dma_start3A_126, %dma_start3A_127] : memref<1040x624xf32, #tpu.memory_space<vmem_shared>> -> memref<1040x624xf32, #tpu.memory_space<vmem_shared>>
          tpu.enqueue_indirect_dma source(%arg11 : memref<64x624xf32, #tpu.memory_space<vmem>>) target(%dma_start3A_128 : memref<1040x624xf32, #tpu.memory_space<vmem_shared>>) offsets(%dma_start3A_125 : memref<64xi32, #tpu.memory_space<vmem>>) semaphore(%arg15 : memref<!tpu.dma_semaphore, #tpu.memory_space<semaphore_mem>>) {add = true}
          %convert_element_type3A_129 = arith.extui %lt3A : i1 to i32
          %cond3A_130 = arith.constant 0 : i32
          %cond3A_131 = arith.cmpi ne, %convert_element_type3A_129, %cond3A_130 : i32
          scf.if %cond3A_131 {
            %dma_wait3A_132 = arith.constant 0 : i32
            %dma_wait3A_133 = arith.constant 0 : i32
            %dma_wait3A_134 = tpu.memref_slice %arg2[%dma_wait3A_132, %dma_wait3A_133] : memref<65536x624xf32, #tpu.memory_space<hbm>> -> memref<64x624xf32, #tpu.memory_space<hbm>>
            %dma_wait3A_135 = arith.constant 0 : i32
            %dma_wait3A_136 = arith.constant 0 : i32
            %dma_wait3A_137 = tpu.memref_slice %arg2[%dma_wait3A_135, %dma_wait3A_136] : memref<65536x624xf32, #tpu.memory_space<hbm>> -> memref<64x624xf32, #tpu.memory_space<hbm>>
            tpu.wait_dma2 semaphore(%arg14 : memref<!tpu.dma_semaphore, #tpu.memory_space<semaphore_mem>>) src(%dma_wait3A_137 : memref<64x624xf32, #tpu.memory_space<hbm>>) dst(%arg12 : memref<64x624xf32, #tpu.memory_space<vmem>>)
            %dma_start3A_138 = arith.constant 0 : i32
            %dma_start3A_139 = tpu.memref_slice %arg10[%add3A_104, %dma_start3A_138] : memref<35x64xi32, #tpu.memory_space<vmem>> -> memref<1x64xi32, #tpu.memory_space<vmem>>
            %dma_start3A_140 = tpu.memref_squeeze %dma_start3A_139 : memref<1x64xi32, #tpu.memory_space<vmem>> -> memref<64xi32, #tpu.memory_space<vmem>>
            %dma_start3A_141 = arith.constant 0 : i32
            %dma_start3A_142 = arith.constant 0 : i32
            %dma_start3A_143 = tpu.memref_slice %arg6[%dma_start3A_141, %dma_start3A_142] : memref<1040x624xf32, #tpu.memory_space<vmem_shared>> -> memref<1040x624xf32, #tpu.memory_space<vmem_shared>>
            tpu.enqueue_indirect_dma source(%arg12 : memref<64x624xf32, #tpu.memory_space<vmem>>) target(%dma_start3A_143 : memref<1040x624xf32, #tpu.memory_space<vmem_shared>>) offsets(%dma_start3A_140 : memref<64xi32, #tpu.memory_space<vmem>>) semaphore(%arg16 : memref<!tpu.dma_semaphore, #tpu.memory_space<semaphore_mem>>) {add = true}
          } else {
          }
        }
        %while3A_90 = arith.constant 1 : i32
        scf.for %while3A_100 = %while3A_88 to %while3A_84 step %while3A_90  : i32 {
          %mul3A_101 = arith.constant 2 : i32
          %mul3A_102 = arith.muli %while3A_100, %mul3A_101 : i32
          %add3A_103 = arith.constant 1 : i32
          %add3A_104 = arith.addi %mul3A_102, %add3A_103 : i32
          %lt3A = arith.cmpi slt, %add3A_104, %select_n3A : i32
          %gt3A_105 = arith.constant 0 : i32
          %gt3A_106 = arith.cmpi sgt, %while3A_100, %gt3A_105 : i32
          %convert_element_type3A_107 = arith.extui %gt3A_106 : i1 to i32
          %cond3A_108 = arith.constant 0 : i32
          %cond3A_109 = arith.cmpi ne, %convert_element_type3A_107, %cond3A_108 : i32
          scf.if %cond3A_109 {
            %dma_wait3A_132 = arith.constant 0 : i32
            %dma_wait3A_133 = arith.constant 0 : i32
            %dma_wait3A_134 = tpu.memref_slice %arg6[%dma_wait3A_132, %dma_wait3A_133] : memref<1040x624xf32, #tpu.memory_space<vmem_shared>> -> memref<64x624xf32, #tpu.memory_space<vmem_shared>>
            %dma_wait3A_135 = arith.constant 0 : i32
            %dma_wait3A_136 = arith.constant 0 : i32
            %dma_wait3A_137 = tpu.memref_slice %arg6[%dma_wait3A_135, %dma_wait3A_136] : memref<1040x624xf32, #tpu.memory_space<vmem_shared>> -> memref<64x624xf32, #tpu.memory_space<vmem_shared>>
            tpu.wait_dma2 semaphore(%arg15 : memref<!tpu.dma_semaphore, #tpu.memory_space<semaphore_mem>>) src(%arg11 : memref<64x624xf32, #tpu.memory_space<vmem>>) dst(%dma_wait3A_137 : memref<64x624xf32, #tpu.memory_space<vmem_shared>>)
          } else {
          }
          %mul3A_110 = arith.constant 64 : i32
          %mul3A_111 = arith.muli %mul3A_102, %mul3A_110 : i32
          %dma_start3A = tpu.memref_slice %arg9[%mul3A_111] : memref<2128xi32, #tpu.memory_space<vmem>> -> memref<64xi32, #tpu.memory_space<vmem>>
          %dma_start3A_112 = arith.constant 0 : i32
          %dma_start3A_113 = arith.constant 0 : i32
          %dma_start3A_114 = tpu.memref_slice %arg2[%dma_start3A_112, %dma_start3A_113] : memref<65536x624xf32, #tpu.memory_space<hbm>> -> memref<65536x624xf32, #tpu.memory_space<hbm>>
          tpu.enqueue_indirect_dma source(%dma_start3A_114 : memref<65536x624xf32, #tpu.memory_space<hbm>>) target(%arg11 : memref<64x624xf32, #tpu.memory_space<vmem>>) offsets(%dma_start3A : memref<64xi32, #tpu.memory_space<vmem>>) semaphore(%arg13 : memref<!tpu.dma_semaphore, #tpu.memory_space<semaphore_mem>>)
          %convert_element_type3A_115 = arith.extui %lt3A : i1 to i32
          %cond3A_116 = arith.constant 0 : i32
          %cond3A_117 = arith.cmpi ne, %convert_element_type3A_115, %cond3A_116 : i32
          scf.if %cond3A_117 {
            %gt3A_132 = arith.constant 0 : i32
            %gt3A_133 = arith.cmpi sgt, %while3A_100, %gt3A_132 : i32
            %convert_element_type3A_134 = arith.extui %gt3A_133 : i1 to i32
            %cond3A_135 = arith.constant 0 : i32
            %cond3A_136 = arith.cmpi ne, %convert_element_type3A_134, %cond3A_135 : i32
            scf.if %cond3A_136 {
              %dma_wait3A_143 = arith.constant 0 : i32
              %dma_wait3A_144 = arith.constant 0 : i32
              %dma_wait3A_145 = tpu.memref_slice %arg6[%dma_wait3A_143, %dma_wait3A_144] : memref<1040x624xf32, #tpu.memory_space<vmem_shared>> -> memref<64x624xf32, #tpu.memory_space<vmem_shared>>
              %dma_wait3A_146 = arith.constant 0 : i32
              %dma_wait3A_147 = arith.constant 0 : i32
              %dma_wait3A_148 = tpu.memref_slice %arg6[%dma_wait3A_146, %dma_wait3A_147] : memref<1040x624xf32, #tpu.memory_space<vmem_shared>> -> memref<64x624xf32, #tpu.memory_space<vmem_shared>>
              tpu.wait_dma2 semaphore(%arg16 : memref<!tpu.dma_semaphore, #tpu.memory_space<semaphore_mem>>) src(%arg12 : memref<64x624xf32, #tpu.memory_space<vmem>>) dst(%dma_wait3A_148 : memref<64x624xf32, #tpu.memory_space<vmem_shared>>)
            } else {
            }
            %mul3A_137 = arith.constant 64 : i32
            %mul3A_138 = arith.muli %add3A_104, %mul3A_137 : i32
            %dma_start3A_139 = tpu.memref_slice %arg9[%mul3A_138] : memref<2128xi32, #tpu.memory_space<vmem>> -> memref<64xi32, #tpu.memory_space<vmem>>
            %dma_start3A_140 = arith.constant 0 : i32
            %dma_start3A_141 = arith.constant 0 : i32
            %dma_start3A_142 = tpu.memref_slice %arg2[%dma_start3A_140, %dma_start3A_141] : memref<65536x624xf32, #tpu.memory_space<hbm>> -> memref<65536x624xf32, #tpu.memory_space<hbm>>
            tpu.enqueue_indirect_dma source(%dma_start3A_142 : memref<65536x624xf32, #tpu.memory_space<hbm>>) target(%arg12 : memref<64x624xf32, #tpu.memory_space<vmem>>) offsets(%dma_start3A_139 : memref<64xi32, #tpu.memory_space<vmem>>) semaphore(%arg14 : memref<!tpu.dma_semaphore, #tpu.memory_space<semaphore_mem>>)
          } else {
          }
          %dma_wait3A = arith.constant 0 : i32
          %dma_wait3A_118 = arith.constant 0 : i32
          %dma_wait3A_119 = tpu.memref_slice %arg2[%dma_wait3A, %dma_wait3A_118] : memref<65536x624xf32, #tpu.memory_space<hbm>> -> memref<64x624xf32, #tpu.memory_space<hbm>>
          %dma_wait3A_120 = arith.constant 0 : i32
          %dma_wait3A_121 = arith.constant 0 : i32
          %dma_wait3A_122 = tpu.memref_slice %arg2[%dma_wait3A_120, %dma_wait3A_121] : memref<65536x624xf32, #tpu.memory_space<hbm>> -> memref<64x624xf32, #tpu.memory_space<hbm>>
          tpu.wait_dma2 semaphore(%arg13 : memref<!tpu.dma_semaphore, #tpu.memory_space<semaphore_mem>>) src(%dma_wait3A_122 : memref<64x624xf32, #tpu.memory_space<hbm>>) dst(%arg11 : memref<64x624xf32, #tpu.memory_space<vmem>>)
          %dma_start3A_123 = arith.constant 0 : i32
          %dma_start3A_124 = tpu.memref_slice %arg10[%mul3A_102, %dma_start3A_123] : memref<35x64xi32, #tpu.memory_space<vmem>> -> memref<1x64xi32, #tpu.memory_space<vmem>>
          %dma_start3A_125 = tpu.memref_squeeze %dma_start3A_124 : memref<1x64xi32, #tpu.memory_space<vmem>> -> memref<64xi32, #tpu.memory_space<vmem>>
          %dma_start3A_126 = arith.constant 0 : i32
          %dma_start3A_127 = arith.constant 0 : i32
          %dma_start3A_128 = tpu.memref_slice %arg6[%dma_start3A_126, %dma_start3A_127] : memref<1040x624xf32, #tpu.memory_space<vmem_shared>> -> memref<1040x624xf32, #tpu.memory_space<vmem_shared>>
          tpu.enqueue_indirect_dma source(%arg11 : memref<64x624xf32, #tpu.memory_space<vmem>>) target(%dma_start3A_128 : memref<1040x624xf32, #tpu.memory_space<vmem_shared>>) offsets(%dma_start3A_125 : memref<64xi32, #tpu.memory_space<vmem>>) semaphore(%arg15 : memref<!tpu.dma_semaphore, #tpu.memory_space<semaphore_mem>>) {add = true}
          %convert_element_type3A_129 = arith.extui %lt3A : i1 to i32
          %cond3A_130 = arith.constant 0 : i32
          %cond3A_131 = arith.cmpi ne, %convert_element_type3A_129, %cond3A_130 : i32
          scf.if %cond3A_131 {
            %dma_wait3A_132 = arith.constant 0 : i32
            %dma_wait3A_133 = arith.constant 0 : i32
            %dma_wait3A_134 = tpu.memref_slice %arg2[%dma_wait3A_132, %dma_wait3A_133] : memref<65536x624xf32, #tpu.memory_space<hbm>> -> memref<64x624xf32, #tpu.memory_space<hbm>>
            %dma_wait3A_135 = arith.constant 0 : i32
            %dma_wait3A_136 = arith.constant 0 : i32
            %dma_wait3A_137 = tpu.memref_slice %arg2[%dma_wait3A_135, %dma_wait3A_136] : memref<65536x624xf32, #tpu.memory_space<hbm>> -> memref<64x624xf32, #tpu.memory_space<hbm>>
            tpu.wait_dma2 semaphore(%arg14 : memref<!tpu.dma_semaphore, #tpu.memory_space<semaphore_mem>>) src(%dma_wait3A_137 : memref<64x624xf32, #tpu.memory_space<hbm>>) dst(%arg12 : memref<64x624xf32, #tpu.memory_space<vmem>>)
            %dma_start3A_138 = arith.constant 0 : i32
            %dma_start3A_139 = tpu.memref_slice %arg10[%add3A_104, %dma_start3A_138] : memref<35x64xi32, #tpu.memory_space<vmem>> -> memref<1x64xi32, #tpu.memory_space<vmem>>
            %dma_start3A_140 = tpu.memref_squeeze %dma_start3A_139 : memref<1x64xi32, #tpu.memory_space<vmem>> -> memref<64xi32, #tpu.memory_space<vmem>>
            %dma_start3A_141 = arith.constant 0 : i32
            %dma_start3A_142 = arith.constant 0 : i32
            %dma_start3A_143 = tpu.memref_slice %arg6[%dma_start3A_141, %dma_start3A_142] : memref<1040x624xf32, #tpu.memory_space<vmem_shared>> -> memref<1040x624xf32, #tpu.memory_space<vmem_shared>>
            tpu.enqueue_indirect_dma source(%arg12 : memref<64x624xf32, #tpu.memory_space<vmem>>) target(%dma_start3A_143 : memref<1040x624xf32, #tpu.memory_space<vmem_shared>>) offsets(%dma_start3A_140 : memref<64xi32, #tpu.memory_space<vmem>>) semaphore(%arg16 : memref<!tpu.dma_semaphore, #tpu.memory_space<semaphore_mem>>) {add = true}
          } else {
          }
        }
        %gt3A = arith.constant 0 : i32
        %gt3A_91 = arith.cmpi sgt, %select_n3A, %gt3A : i32
        %convert_element_type3A_92 = arith.extui %gt3A_91 : i1 to i32
        %cond3A_93 = arith.constant 0 : i32
        %cond3A_94 = arith.cmpi ne, %convert_element_type3A_92, %cond3A_93 : i32
        scf.if %cond3A_94 {
          %dma_wait3A = arith.constant 0 : i32
          %dma_wait3A_100 = arith.constant 0 : i32
          %dma_wait3A_101 = tpu.memref_slice %arg6[%dma_wait3A, %dma_wait3A_100] : memref<1040x624xf32, #tpu.memory_space<vmem_shared>> -> memref<64x624xf32, #tpu.memory_space<vmem_shared>>
          %dma_wait3A_102 = arith.constant 0 : i32
          %dma_wait3A_103 = arith.constant 0 : i32
          %dma_wait3A_104 = tpu.memref_slice %arg6[%dma_wait3A_102, %dma_wait3A_103] : memref<1040x624xf32, #tpu.memory_space<vmem_shared>> -> memref<64x624xf32, #tpu.memory_space<vmem_shared>>
          tpu.wait_dma2 semaphore(%arg15 : memref<!tpu.dma_semaphore, #tpu.memory_space<semaphore_mem>>) src(%arg11 : memref<64x624xf32, #tpu.memory_space<vmem>>) dst(%dma_wait3A_104 : memref<64x624xf32, #tpu.memory_space<vmem_shared>>)
        } else {
        }
        %gt3A_95 = arith.constant 1 : i32
        %gt3A_96 = arith.cmpi sgt, %select_n3A, %gt3A_95 : i32
        %convert_element_type3A_97 = arith.extui %gt3A_96 : i1 to i32
        %cond3A_98 = arith.constant 0 : i32
        %cond3A_99 = arith.cmpi ne, %convert_element_type3A_97, %cond3A_98 : i32
        scf.if %cond3A_99 {
          %dma_wait3A = arith.constant 0 : i32
          %dma_wait3A_100 = arith.constant 0 : i32
          %dma_wait3A_101 = tpu.memref_slice %arg6[%dma_wait3A, %dma_wait3A_100] : memref<1040x624xf32, #tpu.memory_space<vmem_shared>> -> memref<64x624xf32, #tpu.memory_space<vmem_shared>>
          %dma_wait3A_102 = arith.constant 0 : i32
          %dma_wait3A_103 = arith.constant 0 : i32
          %dma_wait3A_104 = tpu.memref_slice %arg6[%dma_wait3A_102, %dma_wait3A_103] : memref<1040x624xf32, #tpu.memory_space<vmem_shared>> -> memref<64x624xf32, #tpu.memory_space<vmem_shared>>
          tpu.wait_dma2 semaphore(%arg16 : memref<!tpu.dma_semaphore, #tpu.memory_space<semaphore_mem>>) src(%arg12 : memref<64x624xf32, #tpu.memory_space<vmem>>) dst(%dma_wait3A_104 : memref<64x624xf32, #tpu.memory_space<vmem_shared>>)
        } else {
        }
      } else {
      }
      %barrier3A_14 = arith.constant 0 : index
      tpu.barrier barrier_id(%barrier3A_14)
      %convert_element_type3A_15 = arith.extui %eq3A : i1 to i32
      %cond3A_16 = arith.constant 0 : i32
      %cond3A_17 = arith.cmpi ne, %convert_element_type3A_15, %cond3A_16 : i32
      scf.if %cond3A_17 {
        %mul3A_19 = arith.constant 64 : i32
        %mul3A_20 = arith.muli %arg1, %mul3A_19 : i32
        %mul3A_21 = arith.constant 64 : i32
        %mul3A_22 = arith.muli %arg1, %mul3A_21 : i32
        %add3A = arith.addi %mul3A_9, %mul3A_22 : i32
        "tpu.region"() ({
          %run_scoped3A = tpu.sem_alloc : memref<!tpu.dma_semaphore, #tpu.memory_space<semaphore_mem>>
          %dma_start3A = arith.constant 0 : i32
          %dma_start3A_23 = tpu.memref_slice %arg5[%add3A, %dma_start3A] : memref<65536x624xf32, #tpu.memory_space<hbm>> -> memref<64x624xf32, #tpu.memory_space<hbm>>
          %dma_start3A_24 = arith.constant 0 : i32
          %dma_start3A_25 = tpu.memref_slice %arg6[%mul3A_20, %dma_start3A_24] : memref<1040x624xf32, #tpu.memory_space<vmem_shared>> -> memref<64x624xf32, #tpu.memory_space<vmem_shared>>
          tpu.enqueue_dma source(%dma_start3A_25 : memref<64x624xf32, #tpu.memory_space<vmem_shared>>) target(%dma_start3A_23 : memref<64x624xf32, #tpu.memory_space<hbm>>) target_semaphore(%run_scoped3A : memref<!tpu.dma_semaphore, #tpu.memory_space<semaphore_mem>>)
          %dma_wait3A = arith.constant 0 : i32
          %dma_wait3A_26 = tpu.memref_slice %arg5[%add3A, %dma_wait3A] : memref<65536x624xf32, #tpu.memory_space<hbm>> -> memref<64x624xf32, #tpu.memory_space<hbm>>
          %dma_wait3A_27 = arith.constant 0 : i32
          %dma_wait3A_28 = tpu.memref_slice %arg6[%mul3A_20, %dma_wait3A_27] : memref<1040x624xf32, #tpu.memory_space<vmem_shared>> -> memref<64x624xf32, #tpu.memory_space<vmem_shared>>
          tpu.wait_dma2 semaphore(%run_scoped3A : memref<!tpu.dma_semaphore, #tpu.memory_space<semaphore_mem>>) src(%dma_wait3A_28 : memref<64x624xf32, #tpu.memory_space<vmem_shared>>) dst(%dma_wait3A_26 : memref<64x624xf32, #tpu.memory_space<hbm>>)
          tpu.yield
        }) : () -> ()
      } else {
      }
      %barrier3A_18 = arith.constant 0 : index
      tpu.barrier barrier_id(%barrier3A_18)
    }
    %scan3A_5 = arith.constant 49 : i32
    return
  }
}

#map = affine_map<(d0, d1) -> (0, 0)>
#map1 = affine_map<(d0, d1) -> (0)>
module attributes {stable_mosaic.version = 14 : i64} {
  func.func @_pool_body(%arg0: i32, %arg1: i32, %arg2: memref<65536x1248xf32, #tpu.memory_space<hbm>>, %arg3: memref<50048xi32, #tpu.memory_space<hbm>>, %arg4: memref<512x1248xf32, #tpu.memory_space<hbm>>, %arg5: memref<50048xi32, #tpu.memory_space<vmem>>, %arg6: memref<32x1248xf32, #tpu.memory_space<vmem>>, %arg7: memref<1248xf32, #tpu.memory_space<vmem>>) attributes {dimension_semantics = [#tpu.dimension_semantics<core_parallel>, #tpu.dimension_semantics<subcore_parallel>], iteration_bounds = array<i64: 2, 16>, scalar_prefetch = 0 : i64, scratch_operands = 3 : i64, tpu.core_type = #tpu.core_type<sc_vector_subcore>, window_params = [{transform_indices = #map}, {transform_indices = #map1}, {transform_indices = #map}]} {
    %mul3A = arith.constant 2 : i32
    %mul3A_0 = arith.muli %arg1, %mul3A : i32
    %add3A = arith.addi %mul3A_0, %arg0 : i32
    "tpu.region"() ({
      %run_scoped3A = tpu.sem_alloc : memref<!tpu.dma_semaphore, #tpu.memory_space<semaphore_mem>>
      tpu.enqueue_dma source(%arg3 : memref<50048xi32, #tpu.memory_space<hbm>>) target(%arg5 : memref<50048xi32, #tpu.memory_space<vmem>>) target_semaphore(%run_scoped3A : memref<!tpu.dma_semaphore, #tpu.memory_space<semaphore_mem>>)
      tpu.wait_dma2 semaphore(%run_scoped3A : memref<!tpu.dma_semaphore, #tpu.memory_space<semaphore_mem>>) src(%arg3 : memref<50048xi32, #tpu.memory_space<hbm>>) dst(%arg5 : memref<50048xi32, #tpu.memory_space<vmem>>)
      tpu.yield
    }) : () -> ()
    %scan3A = arith.constant 0 : i32
    %scan3A_1 = arith.constant 0 : i32
    %scan3A_2 = arith.constant 16 : i32
    %scan3A_3 = arith.addi %scan3A_1, %scan3A_2 : i32
    %scan3A_4 = arith.constant 1 : i32
    scf.for %scan3A_6 = %scan3A_1 to %scan3A_3 step %scan3A_4  : i32 {
      %mul3A_7 = arith.constant 16 : i32
      %mul3A_8 = arith.muli %add3A, %mul3A_7 : i32
      %add3A_9 = arith.addi %mul3A_8, %scan3A_6 : i32
      %scan3A_10 = arith.constant 0 : i32
      %scan3A_11 = arith.constant 50000 : i32
      %scan3A_12 = arith.constant 0 : i32
      %scan3A_13 = arith.constant 16 : i32
      %scan3A_14 = arith.addi %scan3A_12, %scan3A_13 : i32
      %scan3A_15 = arith.constant 1 : i32
      %scan3A_16:2 = scf.for %scan3A_62 = %scan3A_12 to %scan3A_14 step %scan3A_15 iter_args(%scan3A_63 = %scan3A_10, %scan3A_64 = %scan3A_11) -> (i32, i32)  : i32 {
        %add3A_65 = arith.addi %scan3A_63, %scan3A_64 : i32
        %jit3A_66 = arith.constant 2 : i32
        %div3A_67 = arith.divsi %add3A_65, %jit3A_66 : i32
        %sign3A_68 = arith.constant 0 : i32
        %sign3A_69 = arith.cmpi sgt, %add3A_65, %sign3A_68 : i32
        %sign3A_70 = arith.extui %sign3A_69 : i1 to i32
        %sign3A_71 = arith.constant 0 : i32
        %sign3A_72 = arith.cmpi slt, %add3A_65, %sign3A_71 : i32
        %sign3A_73 = arith.extui %sign3A_72 : i1 to i32
        %sign3A_74 = arith.subi %sign3A_70, %sign3A_73 : i32
        %sign3A_75 = arith.constant 0 : i32
        %sign3A_76 = arith.cmpi sgt, %jit3A_66, %sign3A_75 : i32
        %sign3A_77 = arith.extui %sign3A_76 : i1 to i32
        %sign3A_78 = arith.constant 0 : i32
        %sign3A_79 = arith.cmpi slt, %jit3A_66, %sign3A_78 : i32
        %sign3A_80 = arith.extui %sign3A_79 : i1 to i32
        %sign3A_81 = arith.subi %sign3A_77, %sign3A_80 : i32
        %ne3A_82 = arith.cmpi ne, %sign3A_74, %sign3A_81 : i32
        %rem3A_83 = arith.remsi %add3A_65, %jit3A_66 : i32
        %ne3A_84 = arith.constant 0 : i32
        %ne3A_85 = arith.cmpi ne, %rem3A_83, %ne3A_84 : i32
        %and3A_86 = arith.andi %ne3A_82, %ne3A_85 : i1
        %sub3A_87 = arith.constant 1 : i32
        %sub3A_88 = arith.subi %div3A_67, %sub3A_87 : i32
        %select_n3A_89 = arith.select %and3A_86, %sub3A_88, %div3A_67 : i32
        %get3A = arith.index_cast %select_n3A_89 : i32 to index
        %get3A_90 = tpu.vector_load %arg5[%get3A] {strides = array<i32>} : memref<50048xi32, #tpu.memory_space<vmem>>, vector<16xi32>,
        %slice3A = vector.extract_strided_slice %get3A_90 {offsets = [0], sizes = [1], strides = [1]} : vector<16xi32> to vector<1xi32>
        %squeeze3A = vector.extract %slice3A[0] : i32 from vector<1xi32>
        %ge3A = arith.cmpi sge, %squeeze3A, %add3A_9 : i32
        %add3A_91 = arith.constant 1 : i32
        %add3A_92 = arith.addi %select_n3A_89, %add3A_91 : i32
        %select_n3A_93 = arith.select %ge3A, %scan3A_63, %add3A_92 : i32
        %select_n3A_94 = arith.select %ge3A, %select_n3A_89, %scan3A_64 : i32
        scf.yield %select_n3A_93, %select_n3A_94 : i32, i32
      }
      %scan3A_17 = arith.constant 16 : i32
      %add3A_18 = arith.constant 1 : i32
      %add3A_19 = arith.addi %add3A_9, %add3A_18 : i32
      %scan3A_20 = arith.constant 0 : i32
      %scan3A_21 = arith.constant 50000 : i32
      %scan3A_22 = arith.constant 0 : i32
      %scan3A_23 = arith.constant 16 : i32
      %scan3A_24 = arith.addi %scan3A_22, %scan3A_23 : i32
      %scan3A_25 = arith.constant 1 : i32
      %scan3A_26:2 = scf.for %scan3A_62 = %scan3A_22 to %scan3A_24 step %scan3A_25 iter_args(%scan3A_63 = %scan3A_20, %scan3A_64 = %scan3A_21) -> (i32, i32)  : i32 {
        %add3A_65 = arith.addi %scan3A_63, %scan3A_64 : i32
        %jit3A_66 = arith.constant 2 : i32
        %div3A_67 = arith.divsi %add3A_65, %jit3A_66 : i32
        %sign3A_68 = arith.constant 0 : i32
        %sign3A_69 = arith.cmpi sgt, %add3A_65, %sign3A_68 : i32
        %sign3A_70 = arith.extui %sign3A_69 : i1 to i32
        %sign3A_71 = arith.constant 0 : i32
        %sign3A_72 = arith.cmpi slt, %add3A_65, %sign3A_71 : i32
        %sign3A_73 = arith.extui %sign3A_72 : i1 to i32
        %sign3A_74 = arith.subi %sign3A_70, %sign3A_73 : i32
        %sign3A_75 = arith.constant 0 : i32
        %sign3A_76 = arith.cmpi sgt, %jit3A_66, %sign3A_75 : i32
        %sign3A_77 = arith.extui %sign3A_76 : i1 to i32
        %sign3A_78 = arith.constant 0 : i32
        %sign3A_79 = arith.cmpi slt, %jit3A_66, %sign3A_78 : i32
        %sign3A_80 = arith.extui %sign3A_79 : i1 to i32
        %sign3A_81 = arith.subi %sign3A_77, %sign3A_80 : i32
        %ne3A_82 = arith.cmpi ne, %sign3A_74, %sign3A_81 : i32
        %rem3A_83 = arith.remsi %add3A_65, %jit3A_66 : i32
        %ne3A_84 = arith.constant 0 : i32
        %ne3A_85 = arith.cmpi ne, %rem3A_83, %ne3A_84 : i32
        %and3A_86 = arith.andi %ne3A_82, %ne3A_85 : i1
        %sub3A_87 = arith.constant 1 : i32
        %sub3A_88 = arith.subi %div3A_67, %sub3A_87 : i32
        %select_n3A_89 = arith.select %and3A_86, %sub3A_88, %div3A_67 : i32
        %get3A = arith.index_cast %select_n3A_89 : i32 to index
        %get3A_90 = tpu.vector_load %arg5[%get3A] {strides = array<i32>} : memref<50048xi32, #tpu.memory_space<vmem>>, vector<16xi32>,
        %slice3A = vector.extract_strided_slice %get3A_90 {offsets = [0], sizes = [1], strides = [1]} : vector<16xi32> to vector<1xi32>
        %squeeze3A = vector.extract %slice3A[0] : i32 from vector<1xi32>
        %ge3A = arith.cmpi sge, %squeeze3A, %add3A_19 : i32
        %add3A_91 = arith.constant 1 : i32
        %add3A_92 = arith.addi %select_n3A_89, %add3A_91 : i32
        %select_n3A_93 = arith.select %ge3A, %scan3A_63, %add3A_92 : i32
        %select_n3A_94 = arith.select %ge3A, %select_n3A_89, %scan3A_64 : i32
        scf.yield %select_n3A_93, %select_n3A_94 : i32, i32
      }
      %scan3A_27 = arith.constant 16 : i32
      %scan3A_28 = arith.constant 0 : i32
      %scan3A_29 = arith.constant 0 : i32
      %scan3A_30 = arith.constant 78 : i32
      %scan3A_31 = arith.addi %scan3A_29, %scan3A_30 : i32
      %scan3A_32 = arith.constant 1 : i32
      scf.for %scan3A_62 = %scan3A_29 to %scan3A_31 step %scan3A_32  : i32 {
        %broadcast_in_dim3A = arith.constant 0xFF800000 : f32
        %broadcast_in_dim3A_63 = vector.broadcast %broadcast_in_dim3A : f32 to vector<16xf32>
        %mul3A_64 = arith.constant 16 : i32
        %mul3A_65 = arith.muli %scan3A_62, %mul3A_64 : i32
        %swap3A = arith.index_cast %mul3A_65 : i32 to index
        %swap3A_66 = tpu.vector_load %arg7[%swap3A] {strides = array<i32>} : memref<1248xf32, #tpu.memory_space<vmem>>, vector<16xf32>,
        tpu.vector_store %arg7[%swap3A], %broadcast_in_dim3A_63 {strides = array<i32>} : memref<1248xf32, #tpu.memory_space<vmem>>, vector<16xf32>,
      }
      %scan3A_33 = arith.constant 78 : i32
      %sub3A = arith.subi %scan3A_26#0, %scan3A_16#0 : i32
      %add3A_34 = arith.constant 31 : i32
      %add3A_35 = arith.addi %sub3A, %add3A_34 : i32
      %jit3A = arith.constant 32 : i32
      %div3A = arith.divsi %add3A_35, %jit3A : i32
      %sign3A = arith.constant 0 : i32
      %sign3A_36 = arith.cmpi sgt, %add3A_35, %sign3A : i32
      %sign3A_37 = arith.extui %sign3A_36 : i1 to i32
      %sign3A_38 = arith.constant 0 : i32
      %sign3A_39 = arith.cmpi slt, %add3A_35, %sign3A_38 : i32
      %sign3A_40 = arith.extui %sign3A_39 : i1 to i32
      %sign3A_41 = arith.subi %sign3A_37, %sign3A_40 : i32
      %sign3A_42 = arith.constant 0 : i32
      %sign3A_43 = arith.cmpi sgt, %jit3A, %sign3A_42 : i32
      %sign3A_44 = arith.extui %sign3A_43 : i1 to i32
      %sign3A_45 = arith.constant 0 : i32
      %sign3A_46 = arith.cmpi slt, %jit3A, %sign3A_45 : i32
      %sign3A_47 = arith.extui %sign3A_46 : i1 to i32
      %sign3A_48 = arith.subi %sign3A_44, %sign3A_47 : i32
      %ne3A = arith.cmpi ne, %sign3A_41, %sign3A_48 : i32
      %rem3A = arith.remsi %add3A_35, %jit3A : i32
      %ne3A_49 = arith.constant 0 : i32
      %ne3A_50 = arith.cmpi ne, %rem3A, %ne3A_49 : i32
      %and3A = arith.andi %ne3A, %ne3A_50 : i1
      %sub3A_51 = arith.constant 1 : i32
      %sub3A_52 = arith.subi %div3A, %sub3A_51 : i32
      %select_n3A = arith.select %and3A, %sub3A_52, %div3A : i32
      %while3A = arith.constant 0 : i32
      %while3A_53 = arith.constant 0 : i32
      %while3A_54 = arith.subi %select_n3A, %while3A_53 : i32
      %while3A_55 = arith.addi %while3A_53, %while3A_54 : i32
      %while3A_56 = arith.constant 1 : i32
      %while3A_57 = arith.divsi %while3A_54, %while3A_56 : i32
      %while3A_58 = arith.muli %while3A_57, %while3A_56 : i32
      %while3A_59 = arith.addi %while3A_53, %while3A_58 : i32
      %while3A_60 = arith.constant 1 : i32
      scf.for %while3A_62 = %while3A_53 to %while3A_59 step %while3A_60  : i32 {
        %mul3A_63 = arith.constant 32 : i32
        %mul3A_64 = arith.muli %while3A_62, %mul3A_63 : i32
        %add3A_65 = arith.addi %scan3A_16#0, %mul3A_64 : i32
        "tpu.region"() ({
          %run_scoped3A = tpu.sem_alloc : memref<!tpu.dma_semaphore, #tpu.memory_space<semaphore_mem>>
          %dma_start3A = arith.constant 0 : i32
          %dma_start3A_72 = tpu.memref_slice %arg2[%add3A_65, %dma_start3A] : memref<65536x1248xf32, #tpu.memory_space<hbm>> -> memref<32x1248xf32, #tpu.memory_space<hbm>>
          %dma_start3A_73 = arith.constant 0 : i32
          %dma_start3A_74 = tpu.memref_slice %arg2[%add3A_65, %dma_start3A_73] : memref<65536x1248xf32, #tpu.memory_space<hbm>> -> memref<32x1248xf32, #tpu.memory_space<hbm>>
          tpu.enqueue_dma source(%dma_start3A_74 : memref<32x1248xf32, #tpu.memory_space<hbm>>) target(%arg6 : memref<32x1248xf32, #tpu.memory_space<vmem>>) target_semaphore(%run_scoped3A : memref<!tpu.dma_semaphore, #tpu.memory_space<semaphore_mem>>)
          %dma_wait3A = arith.constant 0 : i32
          %dma_wait3A_75 = tpu.memref_slice %arg2[%add3A_65, %dma_wait3A] : memref<65536x1248xf32, #tpu.memory_space<hbm>> -> memref<32x1248xf32, #tpu.memory_space<hbm>>
          %dma_wait3A_76 = arith.constant 0 : i32
          %dma_wait3A_77 = tpu.memref_slice %arg2[%add3A_65, %dma_wait3A_76] : memref<65536x1248xf32, #tpu.memory_space<hbm>> -> memref<32x1248xf32, #tpu.memory_space<hbm>>
          tpu.wait_dma2 semaphore(%run_scoped3A : memref<!tpu.dma_semaphore, #tpu.memory_space<semaphore_mem>>) src(%dma_wait3A_77 : memref<32x1248xf32, #tpu.memory_space<hbm>>) dst(%arg6 : memref<32x1248xf32, #tpu.memory_space<vmem>>)
          tpu.yield
        }) : () -> ()
        %scan3A_66 = arith.constant 0 : i32
        %scan3A_67 = arith.constant 0 : i32
        %scan3A_68 = arith.constant 32 : i32
        %scan3A_69 = arith.addi %scan3A_67, %scan3A_68 : i32
        %scan3A_70 = arith.constant 1 : i32
        scf.for %scan3A_72 = %scan3A_67 to %scan3A_69 step %scan3A_70  : i32 {
          %mul3A_73 = arith.constant 32 : i32
          %mul3A_74 = arith.muli %while3A_62, %mul3A_73 : i32
          %add3A_75 = arith.addi %scan3A_16#0, %mul3A_74 : i32
          %add3A_76 = arith.addi %add3A_75, %scan3A_72 : i32
          %lt3A = arith.cmpi slt, %add3A_76, %scan3A_26#0 : i32
          %convert_element_type3A = arith.extui %lt3A : i1 to i32
          %cond3A = arith.constant 0 : i32
          %cond3A_77 = arith.cmpi ne, %convert_element_type3A, %cond3A : i32
          scf.if %cond3A_77 {
            %scan3A_78 = arith.constant 0 : i32
            %scan3A_79 = arith.constant 0 : i32
            %scan3A_80 = arith.constant 78 : i32
            %scan3A_81 = arith.addi %scan3A_79, %scan3A_80 : i32
            %scan3A_82 = arith.constant 1 : i32
            scf.for %scan3A_84 = %scan3A_79 to %scan3A_81 step %scan3A_82  : i32 {
              %mul3A_85 = arith.constant 16 : i32
              %mul3A_86 = arith.muli %scan3A_84, %mul3A_85 : i32
              %get3A = arith.index_cast %mul3A_86 : i32 to index
              %get3A_87 = tpu.vector_load %arg7[%get3A] {strides = array<i32>} : memref<1248xf32, #tpu.memory_space<vmem>>, vector<16xf32>,
              %get3A_88 = arith.index_cast %scan3A_72 : i32 to index
              %get3A_89 = arith.index_cast %mul3A_86 : i32 to index
              %get3A_90 = tpu.vector_load %arg6[%get3A_88, %get3A_89] {strides = array<i32>} : memref<32x1248xf32, #tpu.memory_space<vmem>>, vector<16xf32>,
              %max3A = arith.maximumf %get3A_87, %get3A_90 : vector<16xf32>
              %swap3A = arith.index_cast %mul3A_86 : i32 to index
              %swap3A_91 = tpu.vector_load %arg7[%swap3A] {strides = array<i32>} : memref<1248xf32, #tpu.memory_space<vmem>>, vector<16xf32>,
              tpu.vector_store %arg7[%swap3A], %max3A {strides = array<i32>} : memref<1248xf32, #tpu.memory_space<vmem>>, vector<16xf32>,
            }
            %scan3A_83 = arith.constant 78 : i32
          } else {
          }
        }
        %scan3A_71 = arith.constant 32 : i32
      }
      %while3A_61 = arith.constant 1 : i32
      scf.for %while3A_62 = %while3A_59 to %while3A_55 step %while3A_61  : i32 {
        %mul3A_63 = arith.constant 32 : i32
        %mul3A_64 = arith.muli %while3A_62, %mul3A_63 : i32
        %add3A_65 = arith.addi %scan3A_16#0, %mul3A_64 : i32
        "tpu.region"() ({
          %run_scoped3A = tpu.sem_alloc : memref<!tpu.dma_semaphore, #tpu.memory_space<semaphore_mem>>
          %dma_start3A = arith.constant 0 : i32
          %dma_start3A_72 = tpu.memref_slice %arg2[%add3A_65, %dma_start3A] : memref<65536x1248xf32, #tpu.memory_space<hbm>> -> memref<32x1248xf32, #tpu.memory_space<hbm>>
          %dma_start3A_73 = arith.constant 0 : i32
          %dma_start3A_74 = tpu.memref_slice %arg2[%add3A_65, %dma_start3A_73] : memref<65536x1248xf32, #tpu.memory_space<hbm>> -> memref<32x1248xf32, #tpu.memory_space<hbm>>
          tpu.enqueue_dma source(%dma_start3A_74 : memref<32x1248xf32, #tpu.memory_space<hbm>>) target(%arg6 : memref<32x1248xf32, #tpu.memory_space<vmem>>) target_semaphore(%run_scoped3A : memref<!tpu.dma_semaphore, #tpu.memory_space<semaphore_mem>>)
          %dma_wait3A = arith.constant 0 : i32
          %dma_wait3A_75 = tpu.memref_slice %arg2[%add3A_65, %dma_wait3A] : memref<65536x1248xf32, #tpu.memory_space<hbm>> -> memref<32x1248xf32, #tpu.memory_space<hbm>>
          %dma_wait3A_76 = arith.constant 0 : i32
          %dma_wait3A_77 = tpu.memref_slice %arg2[%add3A_65, %dma_wait3A_76] : memref<65536x1248xf32, #tpu.memory_space<hbm>> -> memref<32x1248xf32, #tpu.memory_space<hbm>>
          tpu.wait_dma2 semaphore(%run_scoped3A : memref<!tpu.dma_semaphore, #tpu.memory_space<semaphore_mem>>) src(%dma_wait3A_77 : memref<32x1248xf32, #tpu.memory_space<hbm>>) dst(%arg6 : memref<32x1248xf32, #tpu.memory_space<vmem>>)
          tpu.yield
        }) : () -> ()
        %scan3A_66 = arith.constant 0 : i32
        %scan3A_67 = arith.constant 0 : i32
        %scan3A_68 = arith.constant 32 : i32
        %scan3A_69 = arith.addi %scan3A_67, %scan3A_68 : i32
        %scan3A_70 = arith.constant 1 : i32
        scf.for %scan3A_72 = %scan3A_67 to %scan3A_69 step %scan3A_70  : i32 {
          %mul3A_73 = arith.constant 32 : i32
          %mul3A_74 = arith.muli %while3A_62, %mul3A_73 : i32
          %add3A_75 = arith.addi %scan3A_16#0, %mul3A_74 : i32
          %add3A_76 = arith.addi %add3A_75, %scan3A_72 : i32
          %lt3A = arith.cmpi slt, %add3A_76, %scan3A_26#0 : i32
          %convert_element_type3A = arith.extui %lt3A : i1 to i32
          %cond3A = arith.constant 0 : i32
          %cond3A_77 = arith.cmpi ne, %convert_element_type3A, %cond3A : i32
          scf.if %cond3A_77 {
            %scan3A_78 = arith.constant 0 : i32
            %scan3A_79 = arith.constant 0 : i32
            %scan3A_80 = arith.constant 78 : i32
            %scan3A_81 = arith.addi %scan3A_79, %scan3A_80 : i32
            %scan3A_82 = arith.constant 1 : i32
            scf.for %scan3A_84 = %scan3A_79 to %scan3A_81 step %scan3A_82  : i32 {
              %mul3A_85 = arith.constant 16 : i32
              %mul3A_86 = arith.muli %scan3A_84, %mul3A_85 : i32
              %get3A = arith.index_cast %mul3A_86 : i32 to index
              %get3A_87 = tpu.vector_load %arg7[%get3A] {strides = array<i32>} : memref<1248xf32, #tpu.memory_space<vmem>>, vector<16xf32>,
              %get3A_88 = arith.index_cast %scan3A_72 : i32 to index
              %get3A_89 = arith.index_cast %mul3A_86 : i32 to index
              %get3A_90 = tpu.vector_load %arg6[%get3A_88, %get3A_89] {strides = array<i32>} : memref<32x1248xf32, #tpu.memory_space<vmem>>, vector<16xf32>,
              %max3A = arith.maximumf %get3A_87, %get3A_90 : vector<16xf32>
              %swap3A = arith.index_cast %mul3A_86 : i32 to index
              %swap3A_91 = tpu.vector_load %arg7[%swap3A] {strides = array<i32>} : memref<1248xf32, #tpu.memory_space<vmem>>, vector<16xf32>,
              tpu.vector_store %arg7[%swap3A], %max3A {strides = array<i32>} : memref<1248xf32, #tpu.memory_space<vmem>>, vector<16xf32>,
            }
            %scan3A_83 = arith.constant 78 : i32
          } else {
          }
        }
        %scan3A_71 = arith.constant 32 : i32
      }
      "tpu.region"() ({
        %run_scoped3A = tpu.sem_alloc : memref<!tpu.dma_semaphore, #tpu.memory_space<semaphore_mem>>
        %dma_start3A = arith.constant 0 : i32
        %dma_start3A_62 = tpu.memref_slice %arg4[%add3A_9, %dma_start3A] : memref<512x1248xf32, #tpu.memory_space<hbm>> -> memref<1x1248xf32, #tpu.memory_space<hbm>>
        %dma_start3A_63 = tpu.memref_squeeze %dma_start3A_62 : memref<1x1248xf32, #tpu.memory_space<hbm>> -> memref<1248xf32, #tpu.memory_space<hbm>>
        %dma_start3A_64 = arith.constant 0 : i32
        %dma_start3A_65 = tpu.memref_slice %arg4[%add3A_9, %dma_start3A_64] : memref<512x1248xf32, #tpu.memory_space<hbm>> -> memref<1x1248xf32, #tpu.memory_space<hbm>>
        %dma_start3A_66 = tpu.memref_squeeze %dma_start3A_65 : memref<1x1248xf32, #tpu.memory_space<hbm>> -> memref<1248xf32, #tpu.memory_space<hbm>>
        tpu.enqueue_dma source(%arg7 : memref<1248xf32, #tpu.memory_space<vmem>>) target(%dma_start3A_66 : memref<1248xf32, #tpu.memory_space<hbm>>) target_semaphore(%run_scoped3A : memref<!tpu.dma_semaphore, #tpu.memory_space<semaphore_mem>>)
        %dma_wait3A = arith.constant 0 : i32
        %dma_wait3A_67 = tpu.memref_slice %arg4[%add3A_9, %dma_wait3A] : memref<512x1248xf32, #tpu.memory_space<hbm>> -> memref<1x1248xf32, #tpu.memory_space<hbm>>
        %dma_wait3A_68 = tpu.memref_squeeze %dma_wait3A_67 : memref<1x1248xf32, #tpu.memory_space<hbm>> -> memref<1248xf32, #tpu.memory_space<hbm>>
        %dma_wait3A_69 = arith.constant 0 : i32
        %dma_wait3A_70 = tpu.memref_slice %arg4[%add3A_9, %dma_wait3A_69] : memref<512x1248xf32, #tpu.memory_space<hbm>> -> memref<1x1248xf32, #tpu.memory_space<hbm>>
        %dma_wait3A_71 = tpu.memref_squeeze %dma_wait3A_70 : memref<1x1248xf32, #tpu.memory_space<hbm>> -> memref<1248xf32, #tpu.memory_space<hbm>>
        tpu.wait_dma2 semaphore(%run_scoped3A : memref<!tpu.dma_semaphore, #tpu.memory_space<semaphore_mem>>) src(%arg7 : memref<1248xf32, #tpu.memory_space<vmem>>) dst(%dma_wait3A_71 : memref<1248xf32, #tpu.memory_space<hbm>>)
        tpu.yield
      }) : () -> ()
    }
    %scan3A_5 = arith.constant 16 : i32
    return
  }
}

module attributes {stable_mosaic.version = 14 : i64} {
  func.func @_scale_body(%arg0: i32, %arg1: memref<1024x80xf32, #tpu.memory_space<vmem>>, %arg2: memref<1024x1xf32, #tpu.memory_space<vmem>>, %arg3: memref<1024x80xf32, #tpu.memory_space<vmem>>) attributes {dimension_semantics = [#tpu.dimension_semantics<arbitrary>], iteration_bounds = array<i64: 64>, scalar_prefetch = 0 : i64, scratch_operands = 0 : i64, tpu.core_type = #tpu.core_type<tc>, window_params = [{transform_indices = @transform_0, window_bounds = array<i64: 1024, 80>}, {transform_indices = @transform_1, window_bounds = array<i64: 1024, 1>}, {transform_indices = @transform_2, window_bounds = array<i64: 1024, 80>}]} {
    %get3A = arith.constant 0 : index
    %get3A_0 = arith.constant 0 : index
    %get3A_1 = vector.load %arg1[%get3A, %get3A_0] : memref<1024x80xf32, #tpu.memory_space<vmem>>, vector<1024x80xf32>
    %convert_element_type3A = arith.truncf %get3A_1 : vector<1024x80xf32> to vector<1024x80xbf16>
    %convert_element_type3A_2 = arith.extf %convert_element_type3A : vector<1024x80xbf16> to vector<1024x80xf32>
    %get3A_3 = arith.constant 0 : index
    %get3A_4 = arith.constant 0 : index
    %get3A_5 = vector.load %arg2[%get3A_3, %get3A_4] : memref<1024x1xf32, #tpu.memory_space<vmem>>, vector<1024x1xf32>
    %mul3A = vector.broadcast %get3A_5 : vector<1024x1xf32> to vector<1024x80xf32>
    %mul3A_6 = arith.mulf %convert_element_type3A_2, %mul3A : vector<1024x80xf32>
    %swap3A = arith.constant 0 : index
    %swap3A_7 = arith.constant 0 : index
    %swap3A_8 = vector.load %arg3[%swap3A, %swap3A_7] : memref<1024x80xf32, #tpu.memory_space<vmem>>, vector<1024x80xf32>
    tpu.vector_store %arg3[%swap3A, %swap3A_7], %mul3A_6 {strides = array<i32>} : memref<1024x80xf32, #tpu.memory_space<vmem>>, vector<1024x80xf32>,
    return
  }
  func.func @transform_0(%arg0: i32) -> (i32, i32) {
    %c0_i32 = arith.constant 0 : i32
    %c0_i32_0 = arith.constant 0 : i32
    return %arg0, %c0_i32 : i32, i32
  }
  func.func @transform_1(%arg0: i32) -> (i32, i32) {
    %c0_i32 = arith.constant 0 : i32
    %c0_i32_0 = arith.constant 0 : i32
    return %arg0, %c0_i32 : i32, i32
  }
  func.func @transform_2(%arg0: i32) -> (i32, i32) {
    %c0_i32 = arith.constant 0 : i32
    %c0_i32_0 = arith.constant 0 : i32
    return %arg0, %c0_i32 : i32, i32
  }
}

module attributes {stable_mosaic.version = 14 : i64} {
  func.func @body(%arg0: i32, %arg1: memref<512x80xf32, #tpu.memory_space<vmem>>, %arg2: memref<512x1xf32, #tpu.memory_space<vmem>>, %arg3: memref<80x80xf32, #tpu.memory_space<vmem>>, %arg4: memref<1x80xf32, #tpu.memory_space<vmem>>, %arg5: memref<512x80xf32, #tpu.memory_space<vmem>>) attributes {dimension_semantics = [#tpu.dimension_semantics<arbitrary>], iteration_bounds = array<i64: 128>, scalar_prefetch = 0 : i64, scratch_operands = 0 : i64, tpu.core_type = #tpu.core_type<tc>, window_params = [{transform_indices = @transform_0, window_bounds = array<i64: 512, 80>}, {transform_indices = @transform_1, window_bounds = array<i64: 512, 1>}, {pipeline_mode = #tpu.pipeline_mode<synchronous>, transform_indices = @transform_2, window_bounds = array<i64: 80, 80>}, {pipeline_mode = #tpu.pipeline_mode<synchronous>, transform_indices = @transform_3, window_bounds = array<i64: 1, 80>}, {transform_indices = @transform_4, window_bounds = array<i64: 512, 80>}]} {
    %get3A = arith.constant 0 : index
    %get3A_0 = arith.constant 0 : index
    %get3A_1 = vector.load %arg1[%get3A, %get3A_0] : memref<512x80xf32, #tpu.memory_space<vmem>>, vector<512x80xf32>
    %get3A_2 = arith.constant 0 : index
    %get3A_3 = arith.constant 0 : index
    %get3A_4 = vector.load %arg2[%get3A_2, %get3A_3] : memref<512x1xf32, #tpu.memory_space<vmem>>, vector<512x1xf32>
    %mul3A = vector.broadcast %get3A_4 : vector<512x1xf32> to vector<512x80xf32>
    %mul3A_5 = arith.mulf %get3A_1, %mul3A : vector<512x80xf32>
    %get3A_6 = arith.constant 0 : index
    %get3A_7 = arith.constant 0 : index
    %get3A_8 = vector.load %arg3[%get3A_6, %get3A_7] : memref<80x80xf32, #tpu.memory_space<vmem>>, vector<80x80xf32>
    %dot_general3A = arith.constant dense<0.000000e+00> : vector<512x80xf32>
    %dot_general3A_9 = tpu.matmul %mul3A_5, %get3A_8, %dot_general3A {dimension_numbers = #tpu.dot_dimension_numbers<[1], [0], [0], [1], [0, 0, 1, 1], [], []>, precision = #tpu.contract_precision<fp32>, transpose_lhs_hint = false} : vector<512x80xf32>, vector<80x80xf32>, vector<512x80xf32> -> vector<512x80xf32>
    %get3A_10 = arith.constant 0 : index
    %get3A_11 = arith.constant 0 : index
    %get3A_12 = vector.load %arg4[%get3A_10, %get3A_11] : memref<1x80xf32, #tpu.memory_space<vmem>>, vector<1x80xf32>
    %add3A = vector.broadcast %get3A_12 : vector<1x80xf32> to vector<512x80xf32>
    %add3A_13 = arith.addf %dot_general3A_9, %add3A : vector<512x80xf32>
    %max3A = arith.constant 0.000000e+00 : f32
    %max3A_14 = vector.broadcast %max3A : f32 to vector<512x80xf32>
    %max3A_15 = arith.maximumf %add3A_13, %max3A_14 : vector<512x80xf32>
    %convert_element_type3A = arith.truncf %max3A_15 : vector<512x80xf32> to vector<512x80xbf16>
    %convert_element_type3A_16 = arith.extf %convert_element_type3A : vector<512x80xbf16> to vector<512x80xf32>
    %get3A_17 = arith.constant 0 : index
    %get3A_18 = arith.constant 0 : index
    %get3A_19 = vector.load %arg2[%get3A_17, %get3A_18] : memref<512x1xf32, #tpu.memory_space<vmem>>, vector<512x1xf32>
    %mul3A_20 = vector.broadcast %get3A_19 : vector<512x1xf32> to vector<512x80xf32>
    %mul3A_21 = arith.mulf %convert_element_type3A_16, %mul3A_20 : vector<512x80xf32>
    %swap3A = arith.constant 0 : index
    %swap3A_22 = arith.constant 0 : index
    %swap3A_23 = vector.load %arg5[%swap3A, %swap3A_22] : memref<512x80xf32, #tpu.memory_space<vmem>>, vector<512x80xf32>
    tpu.vector_store %arg5[%swap3A, %swap3A_22], %mul3A_21 {strides = array<i32>} : memref<512x80xf32, #tpu.memory_space<vmem>>, vector<512x80xf32>,
    return
  }
  func.func @transform_0(%arg0: i32) -> (i32, i32) {
    %c0_i32 = arith.constant 0 : i32
    %c0_i32_0 = arith.constant 0 : i32
    return %arg0, %c0_i32 : i32, i32
  }
  func.func @transform_1(%arg0: i32) -> (i32, i32) {
    %c0_i32 = arith.constant 0 : i32
    %c0_i32_0 = arith.constant 0 : i32
    return %arg0, %c0_i32 : i32, i32
  }
  func.func @transform_2(%arg0: i32) -> (i32, i32) {
    %c0_i32 = arith.constant 0 : i32
    %c0_i32_0 = arith.constant 0 : i32
    %c0_i32_1 = arith.constant 0 : i32
    return %c0_i32, %c0_i32_0 : i32, i32
  }
  func.func @transform_3(%arg0: i32) -> (i32, i32) {
    %c0_i32 = arith.constant 0 : i32
    %c0_i32_0 = arith.constant 0 : i32
    %c0_i32_1 = arith.constant 0 : i32
    return %c0_i32, %c0_i32_0 : i32, i32
  }
  func.func @transform_4(%arg0: i32) -> (i32, i32) {
    %c0_i32 = arith.constant 0 : i32
    %c0_i32_0 = arith.constant 0 : i32
    return %arg0, %c0_i32 : i32, i32
  }
}

module attributes {stable_mosaic.version = 14 : i64} {
  func.func @body(%arg0: i32, %arg1: memref<512x80xf32, #tpu.memory_space<vmem>>, %arg2: memref<512x1xf32, #tpu.memory_space<vmem>>, %arg3: memref<80x160xf32, #tpu.memory_space<vmem>>, %arg4: memref<1x160xf32, #tpu.memory_space<vmem>>, %arg5: memref<512x160xf32, #tpu.memory_space<vmem>>) attributes {dimension_semantics = [#tpu.dimension_semantics<arbitrary>], iteration_bounds = array<i64: 128>, scalar_prefetch = 0 : i64, scratch_operands = 0 : i64, tpu.core_type = #tpu.core_type<tc>, window_params = [{transform_indices = @transform_0, window_bounds = array<i64: 512, 80>}, {transform_indices = @transform_1, window_bounds = array<i64: 512, 1>}, {pipeline_mode = #tpu.pipeline_mode<synchronous>, transform_indices = @transform_2, window_bounds = array<i64: 80, 160>}, {pipeline_mode = #tpu.pipeline_mode<synchronous>, transform_indices = @transform_3, window_bounds = array<i64: 1, 160>}, {transform_indices = @transform_4, window_bounds = array<i64: 512, 160>}]} {
    %get3A = arith.constant 0 : index
    %get3A_0 = arith.constant 0 : index
    %get3A_1 = vector.load %arg1[%get3A, %get3A_0] : memref<512x80xf32, #tpu.memory_space<vmem>>, vector<512x80xf32>
    %get3A_2 = arith.constant 0 : index
    %get3A_3 = arith.constant 0 : index
    %get3A_4 = vector.load %arg2[%get3A_2, %get3A_3] : memref<512x1xf32, #tpu.memory_space<vmem>>, vector<512x1xf32>
    %mul3A = vector.broadcast %get3A_4 : vector<512x1xf32> to vector<512x80xf32>
    %mul3A_5 = arith.mulf %get3A_1, %mul3A : vector<512x80xf32>
    %get3A_6 = arith.constant 0 : index
    %get3A_7 = arith.constant 0 : index
    %get3A_8 = vector.load %arg3[%get3A_6, %get3A_7] : memref<80x160xf32, #tpu.memory_space<vmem>>, vector<80x160xf32>
    %dot_general3A = arith.constant dense<0.000000e+00> : vector<512x160xf32>
    %dot_general3A_9 = tpu.matmul %mul3A_5, %get3A_8, %dot_general3A {dimension_numbers = #tpu.dot_dimension_numbers<[1], [0], [0], [1], [0, 0, 1, 1], [], []>, precision = #tpu.contract_precision<fp32>, transpose_lhs_hint = false} : vector<512x80xf32>, vector<80x160xf32>, vector<512x160xf32> -> vector<512x160xf32>
    %get3A_10 = arith.constant 0 : index
    %get3A_11 = arith.constant 0 : index
    %get3A_12 = vector.load %arg4[%get3A_10, %get3A_11] : memref<1x160xf32, #tpu.memory_space<vmem>>, vector<1x160xf32>
    %add3A = vector.broadcast %get3A_12 : vector<1x160xf32> to vector<512x160xf32>
    %add3A_13 = arith.addf %dot_general3A_9, %add3A : vector<512x160xf32>
    %max3A = arith.constant 0.000000e+00 : f32
    %max3A_14 = vector.broadcast %max3A : f32 to vector<512x160xf32>
    %max3A_15 = arith.maximumf %add3A_13, %max3A_14 : vector<512x160xf32>
    %convert_element_type3A = arith.truncf %max3A_15 : vector<512x160xf32> to vector<512x160xbf16>
    %convert_element_type3A_16 = arith.extf %convert_element_type3A : vector<512x160xbf16> to vector<512x160xf32>
    %get3A_17 = arith.constant 0 : index
    %get3A_18 = arith.constant 0 : index
    %get3A_19 = vector.load %arg2[%get3A_17, %get3A_18] : memref<512x1xf32, #tpu.memory_space<vmem>>, vector<512x1xf32>
    %mul3A_20 = vector.broadcast %get3A_19 : vector<512x1xf32> to vector<512x160xf32>
    %mul3A_21 = arith.mulf %convert_element_type3A_16, %mul3A_20 : vector<512x160xf32>
    %swap3A = arith.constant 0 : index
    %swap3A_22 = arith.constant 0 : index
    %swap3A_23 = vector.load %arg5[%swap3A, %swap3A_22] : memref<512x160xf32, #tpu.memory_space<vmem>>, vector<512x160xf32>
    tpu.vector_store %arg5[%swap3A, %swap3A_22], %mul3A_21 {strides = array<i32>} : memref<512x160xf32, #tpu.memory_space<vmem>>, vector<512x160xf32>,
    return
  }
  func.func @transform_0(%arg0: i32) -> (i32, i32) {
    %c0_i32 = arith.constant 0 : i32
    %c0_i32_0 = arith.constant 0 : i32
    return %arg0, %c0_i32 : i32, i32
  }
  func.func @transform_1(%arg0: i32) -> (i32, i32) {
    %c0_i32 = arith.constant 0 : i32
    %c0_i32_0 = arith.constant 0 : i32
    return %arg0, %c0_i32 : i32, i32
  }
  func.func @transform_2(%arg0: i32) -> (i32, i32) {
    %c0_i32 = arith.constant 0 : i32
    %c0_i32_0 = arith.constant 0 : i32
    %c0_i32_1 = arith.constant 0 : i32
    return %c0_i32, %c0_i32_0 : i32, i32
  }
  func.func @transform_3(%arg0: i32) -> (i32, i32) {
    %c0_i32 = arith.constant 0 : i32
    %c0_i32_0 = arith.constant 0 : i32
    %c0_i32_1 = arith.constant 0 : i32
    return %c0_i32, %c0_i32_0 : i32, i32
  }
  func.func @transform_4(%arg0: i32) -> (i32, i32) {
    %c0_i32 = arith.constant 0 : i32
    %c0_i32_0 = arith.constant 0 : i32
    return %arg0, %c0_i32 : i32, i32
  }
}

module attributes {stable_mosaic.version = 14 : i64} {
  func.func @body(%arg0: i32, %arg1: memref<512x160xf32, #tpu.memory_space<vmem>>, %arg2: memref<512x1xf32, #tpu.memory_space<vmem>>, %arg3: memref<160x320xf32, #tpu.memory_space<vmem>>, %arg4: memref<1x320xf32, #tpu.memory_space<vmem>>, %arg5: memref<512x320xf32, #tpu.memory_space<vmem>>) attributes {dimension_semantics = [#tpu.dimension_semantics<arbitrary>], iteration_bounds = array<i64: 128>, scalar_prefetch = 0 : i64, scratch_operands = 0 : i64, tpu.core_type = #tpu.core_type<tc>, window_params = [{transform_indices = @transform_0, window_bounds = array<i64: 512, 160>}, {transform_indices = @transform_1, window_bounds = array<i64: 512, 1>}, {pipeline_mode = #tpu.pipeline_mode<synchronous>, transform_indices = @transform_2, window_bounds = array<i64: 160, 320>}, {pipeline_mode = #tpu.pipeline_mode<synchronous>, transform_indices = @transform_3, window_bounds = array<i64: 1, 320>}, {transform_indices = @transform_4, window_bounds = array<i64: 512, 320>}]} {
    %get3A = arith.constant 0 : index
    %get3A_0 = arith.constant 0 : index
    %get3A_1 = vector.load %arg1[%get3A, %get3A_0] : memref<512x160xf32, #tpu.memory_space<vmem>>, vector<512x160xf32>
    %get3A_2 = arith.constant 0 : index
    %get3A_3 = arith.constant 0 : index
    %get3A_4 = vector.load %arg2[%get3A_2, %get3A_3] : memref<512x1xf32, #tpu.memory_space<vmem>>, vector<512x1xf32>
    %mul3A = vector.broadcast %get3A_4 : vector<512x1xf32> to vector<512x160xf32>
    %mul3A_5 = arith.mulf %get3A_1, %mul3A : vector<512x160xf32>
    %get3A_6 = arith.constant 0 : index
    %get3A_7 = arith.constant 0 : index
    %get3A_8 = vector.load %arg3[%get3A_6, %get3A_7] : memref<160x320xf32, #tpu.memory_space<vmem>>, vector<160x320xf32>
    %dot_general3A = arith.constant dense<0.000000e+00> : vector<512x320xf32>
    %dot_general3A_9 = tpu.matmul %mul3A_5, %get3A_8, %dot_general3A {dimension_numbers = #tpu.dot_dimension_numbers<[1], [0], [0], [1], [0, 0, 1, 1], [], []>, precision = #tpu.contract_precision<fp32>, transpose_lhs_hint = false} : vector<512x160xf32>, vector<160x320xf32>, vector<512x320xf32> -> vector<512x320xf32>
    %get3A_10 = arith.constant 0 : index
    %get3A_11 = arith.constant 0 : index
    %get3A_12 = vector.load %arg4[%get3A_10, %get3A_11] : memref<1x320xf32, #tpu.memory_space<vmem>>, vector<1x320xf32>
    %add3A = vector.broadcast %get3A_12 : vector<1x320xf32> to vector<512x320xf32>
    %add3A_13 = arith.addf %dot_general3A_9, %add3A : vector<512x320xf32>
    %max3A = arith.constant 0.000000e+00 : f32
    %max3A_14 = vector.broadcast %max3A : f32 to vector<512x320xf32>
    %max3A_15 = arith.maximumf %add3A_13, %max3A_14 : vector<512x320xf32>
    %convert_element_type3A = arith.truncf %max3A_15 : vector<512x320xf32> to vector<512x320xbf16>
    %convert_element_type3A_16 = arith.extf %convert_element_type3A : vector<512x320xbf16> to vector<512x320xf32>
    %get3A_17 = arith.constant 0 : index
    %get3A_18 = arith.constant 0 : index
    %get3A_19 = vector.load %arg2[%get3A_17, %get3A_18] : memref<512x1xf32, #tpu.memory_space<vmem>>, vector<512x1xf32>
    %mul3A_20 = vector.broadcast %get3A_19 : vector<512x1xf32> to vector<512x320xf32>
    %mul3A_21 = arith.mulf %convert_element_type3A_16, %mul3A_20 : vector<512x320xf32>
    %swap3A = arith.constant 0 : index
    %swap3A_22 = arith.constant 0 : index
    %swap3A_23 = vector.load %arg5[%swap3A, %swap3A_22] : memref<512x320xf32, #tpu.memory_space<vmem>>, vector<512x320xf32>
    tpu.vector_store %arg5[%swap3A, %swap3A_22], %mul3A_21 {strides = array<i32>} : memref<512x320xf32, #tpu.memory_space<vmem>>, vector<512x320xf32>,
    return
  }
  func.func @transform_0(%arg0: i32) -> (i32, i32) {
    %c0_i32 = arith.constant 0 : i32
    %c0_i32_0 = arith.constant 0 : i32
    return %arg0, %c0_i32 : i32, i32
  }
  func.func @transform_1(%arg0: i32) -> (i32, i32) {
    %c0_i32 = arith.constant 0 : i32
    %c0_i32_0 = arith.constant 0 : i32
    return %arg0, %c0_i32 : i32, i32
  }
  func.func @transform_2(%arg0: i32) -> (i32, i32) {
    %c0_i32 = arith.constant 0 : i32
    %c0_i32_0 = arith.constant 0 : i32
    %c0_i32_1 = arith.constant 0 : i32
    return %c0_i32, %c0_i32_0 : i32, i32
  }
  func.func @transform_3(%arg0: i32) -> (i32, i32) {
    %c0_i32 = arith.constant 0 : i32
    %c0_i32_0 = arith.constant 0 : i32
    %c0_i32_1 = arith.constant 0 : i32
    return %c0_i32, %c0_i32_0 : i32, i32
  }
  func.func @transform_4(%arg0: i32) -> (i32, i32) {
    %c0_i32 = arith.constant 0 : i32
    %c0_i32_0 = arith.constant 0 : i32
    return %arg0, %c0_i32 : i32, i32
  }
}

module attributes {stable_mosaic.version = 14 : i64} {
  func.func @body(%arg0: i32, %arg1: memref<512x320xf32, #tpu.memory_space<vmem>>, %arg2: memref<512x1xf32, #tpu.memory_space<vmem>>, %arg3: memref<320x624xf32, #tpu.memory_space<vmem>>, %arg4: memref<1x624xf32, #tpu.memory_space<vmem>>, %arg5: memref<512x624xf32, #tpu.memory_space<vmem>>) attributes {dimension_semantics = [#tpu.dimension_semantics<arbitrary>], iteration_bounds = array<i64: 128>, scalar_prefetch = 0 : i64, scratch_operands = 0 : i64, tpu.core_type = #tpu.core_type<tc>, window_params = [{transform_indices = @transform_0, window_bounds = array<i64: 512, 320>}, {transform_indices = @transform_1, window_bounds = array<i64: 512, 1>}, {pipeline_mode = #tpu.pipeline_mode<synchronous>, transform_indices = @transform_2, window_bounds = array<i64: 320, 624>}, {pipeline_mode = #tpu.pipeline_mode<synchronous>, transform_indices = @transform_3, window_bounds = array<i64: 1, 624>}, {transform_indices = @transform_4, window_bounds = array<i64: 512, 624>}]} {
    %get3A = arith.constant 0 : index
    %get3A_0 = arith.constant 0 : index
    %get3A_1 = vector.load %arg1[%get3A, %get3A_0] : memref<512x320xf32, #tpu.memory_space<vmem>>, vector<512x320xf32>
    %get3A_2 = arith.constant 0 : index
    %get3A_3 = arith.constant 0 : index
    %get3A_4 = vector.load %arg2[%get3A_2, %get3A_3] : memref<512x1xf32, #tpu.memory_space<vmem>>, vector<512x1xf32>
    %mul3A = vector.broadcast %get3A_4 : vector<512x1xf32> to vector<512x320xf32>
    %mul3A_5 = arith.mulf %get3A_1, %mul3A : vector<512x320xf32>
    %get3A_6 = arith.constant 0 : index
    %get3A_7 = arith.constant 0 : index
    %get3A_8 = vector.load %arg3[%get3A_6, %get3A_7] : memref<320x624xf32, #tpu.memory_space<vmem>>, vector<320x624xf32>
    %dot_general3A = arith.constant dense<0.000000e+00> : vector<512x624xf32>
    %dot_general3A_9 = tpu.matmul %mul3A_5, %get3A_8, %dot_general3A {dimension_numbers = #tpu.dot_dimension_numbers<[1], [0], [0], [1], [0, 0, 1, 1], [], []>, precision = #tpu.contract_precision<fp32>, transpose_lhs_hint = false} : vector<512x320xf32>, vector<320x624xf32>, vector<512x624xf32> -> vector<512x624xf32>
    %get3A_10 = arith.constant 0 : index
    %get3A_11 = arith.constant 0 : index
    %get3A_12 = vector.load %arg4[%get3A_10, %get3A_11] : memref<1x624xf32, #tpu.memory_space<vmem>>, vector<1x624xf32>
    %add3A = vector.broadcast %get3A_12 : vector<1x624xf32> to vector<512x624xf32>
    %add3A_13 = arith.addf %dot_general3A_9, %add3A : vector<512x624xf32>
    %max3A = arith.constant 0.000000e+00 : f32
    %max3A_14 = vector.broadcast %max3A : f32 to vector<512x624xf32>
    %max3A_15 = arith.maximumf %add3A_13, %max3A_14 : vector<512x624xf32>
    %convert_element_type3A = arith.truncf %max3A_15 : vector<512x624xf32> to vector<512x624xbf16>
    %convert_element_type3A_16 = arith.extf %convert_element_type3A : vector<512x624xbf16> to vector<512x624xf32>
    %get3A_17 = arith.constant 0 : index
    %get3A_18 = arith.constant 0 : index
    %get3A_19 = vector.load %arg2[%get3A_17, %get3A_18] : memref<512x1xf32, #tpu.memory_space<vmem>>, vector<512x1xf32>
    %mul3A_20 = vector.broadcast %get3A_19 : vector<512x1xf32> to vector<512x624xf32>
    %mul3A_21 = arith.mulf %convert_element_type3A_16, %mul3A_20 : vector<512x624xf32>
    %swap3A = arith.constant 0 : index
    %swap3A_22 = arith.constant 0 : index
    %swap3A_23 = vector.load %arg5[%swap3A, %swap3A_22] : memref<512x624xf32, #tpu.memory_space<vmem>>, vector<512x624xf32>
    tpu.vector_store %arg5[%swap3A, %swap3A_22], %mul3A_21 {strides = array<i32>} : memref<512x624xf32, #tpu.memory_space<vmem>>, vector<512x624xf32>,
    return
  }
  func.func @transform_0(%arg0: i32) -> (i32, i32) {
    %c0_i32 = arith.constant 0 : i32
    %c0_i32_0 = arith.constant 0 : i32
    return %arg0, %c0_i32 : i32, i32
  }
  func.func @transform_1(%arg0: i32) -> (i32, i32) {
    %c0_i32 = arith.constant 0 : i32
    %c0_i32_0 = arith.constant 0 : i32
    return %arg0, %c0_i32 : i32, i32
  }
  func.func @transform_2(%arg0: i32) -> (i32, i32) {
    %c0_i32 = arith.constant 0 : i32
    %c0_i32_0 = arith.constant 0 : i32
    %c0_i32_1 = arith.constant 0 : i32
    return %c0_i32, %c0_i32_0 : i32, i32
  }
  func.func @transform_3(%arg0: i32) -> (i32, i32) {
    %c0_i32 = arith.constant 0 : i32
    %c0_i32_0 = arith.constant 0 : i32
    %c0_i32_1 = arith.constant 0 : i32
    return %c0_i32, %c0_i32_0 : i32, i32
  }
  func.func @transform_4(%arg0: i32) -> (i32, i32) {
    %c0_i32 = arith.constant 0 : i32
    %c0_i32_0 = arith.constant 0 : i32
    return %arg0, %c0_i32 : i32, i32
  }
}

module attributes {stable_mosaic.version = 14 : i64} {
  func.func @body(%arg0: i32, %arg1: memref<512x624xf32, #tpu.memory_space<vmem>>, %arg2: memref<512x1xf32, #tpu.memory_space<vmem>>, %arg3: memref<624x1248xf32, #tpu.memory_space<vmem>>, %arg4: memref<1x1248xf32, #tpu.memory_space<vmem>>, %arg5: memref<512x1248xf32, #tpu.memory_space<vmem>>) attributes {dimension_semantics = [#tpu.dimension_semantics<arbitrary>], iteration_bounds = array<i64: 128>, scalar_prefetch = 0 : i64, scratch_operands = 0 : i64, tpu.core_type = #tpu.core_type<tc>, window_params = [{transform_indices = @transform_0, window_bounds = array<i64: 512, 624>}, {transform_indices = @transform_1, window_bounds = array<i64: 512, 1>}, {pipeline_mode = #tpu.pipeline_mode<synchronous>, transform_indices = @transform_2, window_bounds = array<i64: 624, 1248>}, {pipeline_mode = #tpu.pipeline_mode<synchronous>, transform_indices = @transform_3, window_bounds = array<i64: 1, 1248>}, {transform_indices = @transform_4, window_bounds = array<i64: 512, 1248>}]} {
    %get3A = arith.constant 0 : index
    %get3A_0 = arith.constant 0 : index
    %get3A_1 = vector.load %arg1[%get3A, %get3A_0] : memref<512x624xf32, #tpu.memory_space<vmem>>, vector<512x624xf32>
    %get3A_2 = arith.constant 0 : index
    %get3A_3 = arith.constant 0 : index
    %get3A_4 = vector.load %arg2[%get3A_2, %get3A_3] : memref<512x1xf32, #tpu.memory_space<vmem>>, vector<512x1xf32>
    %mul3A = vector.broadcast %get3A_4 : vector<512x1xf32> to vector<512x624xf32>
    %mul3A_5 = arith.mulf %get3A_1, %mul3A : vector<512x624xf32>
    %get3A_6 = arith.constant 0 : index
    %get3A_7 = arith.constant 0 : index
    %get3A_8 = vector.load %arg3[%get3A_6, %get3A_7] : memref<624x1248xf32, #tpu.memory_space<vmem>>, vector<624x1248xf32>
    %dot_general3A = arith.constant dense<0.000000e+00> : vector<512x1248xf32>
    %dot_general3A_9 = tpu.matmul %mul3A_5, %get3A_8, %dot_general3A {dimension_numbers = #tpu.dot_dimension_numbers<[1], [0], [0], [1], [0, 0, 1, 1], [], []>, precision = #tpu.contract_precision<fp32>, transpose_lhs_hint = false} : vector<512x624xf32>, vector<624x1248xf32>, vector<512x1248xf32> -> vector<512x1248xf32>
    %get3A_10 = arith.constant 0 : index
    %get3A_11 = arith.constant 0 : index
    %get3A_12 = vector.load %arg4[%get3A_10, %get3A_11] : memref<1x1248xf32, #tpu.memory_space<vmem>>, vector<1x1248xf32>
    %add3A = vector.broadcast %get3A_12 : vector<1x1248xf32> to vector<512x1248xf32>
    %add3A_13 = arith.addf %dot_general3A_9, %add3A : vector<512x1248xf32>
    %max3A = arith.constant 0.000000e+00 : f32
    %max3A_14 = vector.broadcast %max3A : f32 to vector<512x1248xf32>
    %max3A_15 = arith.maximumf %add3A_13, %max3A_14 : vector<512x1248xf32>
    %swap3A = arith.constant 0 : index
    %swap3A_16 = arith.constant 0 : index
    %swap3A_17 = vector.load %arg5[%swap3A, %swap3A_16] : memref<512x1248xf32, #tpu.memory_space<vmem>>, vector<512x1248xf32>
    tpu.vector_store %arg5[%swap3A, %swap3A_16], %max3A_15 {strides = array<i32>} : memref<512x1248xf32, #tpu.memory_space<vmem>>, vector<512x1248xf32>,
    return
  }
  func.func @transform_0(%arg0: i32) -> (i32, i32) {
    %c0_i32 = arith.constant 0 : i32
    %c0_i32_0 = arith.constant 0 : i32
    return %arg0, %c0_i32 : i32, i32
  }
  func.func @transform_1(%arg0: i32) -> (i32, i32) {
    %c0_i32 = arith.constant 0 : i32
    %c0_i32_0 = arith.constant 0 : i32
    return %arg0, %c0_i32 : i32, i32
  }
  func.func @transform_2(%arg0: i32) -> (i32, i32) {
    %c0_i32 = arith.constant 0 : i32
    %c0_i32_0 = arith.constant 0 : i32
    %c0_i32_1 = arith.constant 0 : i32
    return %c0_i32, %c0_i32_0 : i32, i32
  }
  func.func @transform_3(%arg0: i32) -> (i32, i32) {
    %c0_i32 = arith.constant 0 : i32
    %c0_i32_0 = arith.constant 0 : i32
    %c0_i32_1 = arith.constant 0 : i32
    return %c0_i32, %c0_i32_0 : i32, i32
  }
  func.func @transform_4(%arg0: i32) -> (i32, i32) {
    %c0_i32 = arith.constant 0 : i32
    %c0_i32_0 = arith.constant 0 : i32
    return %arg0, %c0_i32 : i32, i32
  }
}

module attributes {stable_mosaic.version = 14 : i64} {
  func.func @_head_body(%arg0: memref<512x1248xf32, #tpu.memory_space<vmem>>, %arg1: memref<1248x1024xf32, #tpu.memory_space<vmem>>, %arg2: memref<1x1024xf32, #tpu.memory_space<vmem>>, %arg3: memref<1024x128xf32, #tpu.memory_space<vmem>>, %arg4: memref<1x128xf32, #tpu.memory_space<vmem>>, %arg5: memref<128x1024xf32, #tpu.memory_space<vmem>>, %arg6: memref<1x1024xf32, #tpu.memory_space<vmem>>, %arg7: memref<1024x512xf32, #tpu.memory_space<vmem>>, %arg8: memref<1x512xf32, #tpu.memory_space<vmem>>, %arg9: memref<512x1xf32, #tpu.memory_space<vmem>>, %arg10: memref<1x1xf32, #tpu.memory_space<vmem>>, %arg11: memref<512x1xf32, #tpu.memory_space<vmem>>) attributes {dimension_semantics = [], scalar_prefetch = 0 : i64, scratch_operands = 0 : i64, tpu.core_type = #tpu.core_type<tc>} {
    %get3A = arith.constant 0 : index
    %get3A_0 = arith.constant 0 : index
    %get3A_1 = vector.load %arg0[%get3A, %get3A_0] : memref<512x1248xf32, #tpu.memory_space<vmem>>, vector<512x1248xf32>
    %get3A_2 = arith.constant 0 : index
    %get3A_3 = arith.constant 0 : index
    %get3A_4 = vector.load %arg1[%get3A_2, %get3A_3] : memref<1248x1024xf32, #tpu.memory_space<vmem>>, vector<1248x1024xf32>
    %dot_general3A = arith.constant dense<0.000000e+00> : vector<512x1024xf32>
    %dot_general3A_5 = tpu.matmul %get3A_1, %get3A_4, %dot_general3A {dimension_numbers = #tpu.dot_dimension_numbers<[1], [0], [0], [1], [0, 0, 1, 1], [], []>, transpose_lhs_hint = false} : vector<512x1248xf32>, vector<1248x1024xf32>, vector<512x1024xf32> -> vector<512x1024xf32>
    %get3A_6 = arith.constant 0 : index
    %get3A_7 = arith.constant 0 : index
    %get3A_8 = vector.load %arg2[%get3A_6, %get3A_7] : memref<1x1024xf32, #tpu.memory_space<vmem>>, vector<1x1024xf32>
    %add3A = vector.broadcast %get3A_8 : vector<1x1024xf32> to vector<512x1024xf32>
    %add3A_9 = arith.addf %dot_general3A_5, %add3A : vector<512x1024xf32>
    %max3A = arith.constant 0.000000e+00 : f32
    %max3A_10 = vector.broadcast %max3A : f32 to vector<512x1024xf32>
    %max3A_11 = arith.maximumf %add3A_9, %max3A_10 : vector<512x1024xf32>
    %get3A_12 = arith.constant 0 : index
    %get3A_13 = arith.constant 0 : index
    %get3A_14 = vector.load %arg3[%get3A_12, %get3A_13] : memref<1024x128xf32, #tpu.memory_space<vmem>>, vector<1024x128xf32>
    %dot_general3A_15 = arith.constant dense<0.000000e+00> : vector<512x128xf32>
    %dot_general3A_16 = tpu.matmul %max3A_11, %get3A_14, %dot_general3A_15 {dimension_numbers = #tpu.dot_dimension_numbers<[1], [0], [0], [1], [0, 0, 1, 1], [], []>, transpose_lhs_hint = false} : vector<512x1024xf32>, vector<1024x128xf32>, vector<512x128xf32> -> vector<512x128xf32>
    %get3A_17 = arith.constant 0 : index
    %get3A_18 = arith.constant 0 : index
    %get3A_19 = vector.load %arg4[%get3A_17, %get3A_18] : memref<1x128xf32, #tpu.memory_space<vmem>>, vector<1x128xf32>
    %add3A_20 = vector.broadcast %get3A_19 : vector<1x128xf32> to vector<512x128xf32>
    %add3A_21 = arith.addf %dot_general3A_16, %add3A_20 : vector<512x128xf32>
    %get3A_22 = arith.constant 0 : index
    %get3A_23 = arith.constant 0 : index
    %get3A_24 = vector.load %arg5[%get3A_22, %get3A_23] : memref<128x1024xf32, #tpu.memory_space<vmem>>, vector<128x1024xf32>
    %dot_general3A_25 = arith.constant dense<0.000000e+00> : vector<512x1024xf32>
    %dot_general3A_26 = tpu.matmul %add3A_21, %get3A_24, %dot_general3A_25 {dimension_numbers = #tpu.dot_dimension_numbers<[1], [0], [0], [1], [0, 0, 1, 1], [], []>, transpose_lhs_hint = false} : vector<512x128xf32>, vector<128x1024xf32>, vector<512x1024xf32> -> vector<512x1024xf32>
    %get3A_27 = arith.constant 0 : index
    %get3A_28 = arith.constant 0 : index
    %get3A_29 = vector.load %arg6[%get3A_27, %get3A_28] : memref<1x1024xf32, #tpu.memory_space<vmem>>, vector<1x1024xf32>
    %add3A_30 = vector.broadcast %get3A_29 : vector<1x1024xf32> to vector<512x1024xf32>
    %add3A_31 = arith.addf %dot_general3A_26, %add3A_30 : vector<512x1024xf32>
    %max3A_32 = arith.constant 0.000000e+00 : f32
    %max3A_33 = vector.broadcast %max3A_32 : f32 to vector<512x1024xf32>
    %max3A_34 = arith.maximumf %add3A_31, %max3A_33 : vector<512x1024xf32>
    %get3A_35 = arith.constant 0 : index
    %get3A_36 = arith.constant 0 : index
    %get3A_37 = vector.load %arg7[%get3A_35, %get3A_36] : memref<1024x512xf32, #tpu.memory_space<vmem>>, vector<1024x512xf32>
    %dot_general3A_38 = arith.constant dense<0.000000e+00> : vector<512x512xf32>
    %dot_general3A_39 = tpu.matmul %max3A_34, %get3A_37, %dot_general3A_38 {dimension_numbers = #tpu.dot_dimension_numbers<[1], [0], [0], [1], [0, 0, 1, 1], [], []>, transpose_lhs_hint = false} : vector<512x1024xf32>, vector<1024x512xf32>, vector<512x512xf32> -> vector<512x512xf32>
    %get3A_40 = arith.constant 0 : index
    %get3A_41 = arith.constant 0 : index
    %get3A_42 = vector.load %arg8[%get3A_40, %get3A_41] : memref<1x512xf32, #tpu.memory_space<vmem>>, vector<1x512xf32>
    %add3A_43 = vector.broadcast %get3A_42 : vector<1x512xf32> to vector<512x512xf32>
    %add3A_44 = arith.addf %dot_general3A_39, %add3A_43 : vector<512x512xf32>
    %max3A_45 = arith.constant 0.000000e+00 : f32
    %max3A_46 = vector.broadcast %max3A_45 : f32 to vector<512x512xf32>
    %max3A_47 = arith.maximumf %add3A_44, %max3A_46 : vector<512x512xf32>
    %get3A_48 = arith.constant 0 : index
    %get3A_49 = arith.constant 0 : index
    %get3A_50 = vector.load %arg9[%get3A_48, %get3A_49] : memref<512x1xf32, #tpu.memory_space<vmem>>, vector<512x1xf32>
    %dot_general3A_51 = arith.constant dense<0.000000e+00> : vector<512x1xf32>
    %dot_general3A_52 = tpu.matmul %max3A_47, %get3A_50, %dot_general3A_51 {dimension_numbers = #tpu.dot_dimension_numbers<[1], [0], [0], [1], [0, 0, 1, 1], [], []>, transpose_lhs_hint = false} : vector<512x512xf32>, vector<512x1xf32>, vector<512x1xf32> -> vector<512x1xf32>
    %get3A_53 = arith.constant 0 : index
    %get3A_54 = arith.constant 0 : index
    %get3A_55 = vector.load %arg10[%get3A_53, %get3A_54] : memref<1x1xf32, #tpu.memory_space<vmem>>, vector<1x1xf32>
    %add3A_56 = vector.broadcast %get3A_55 : vector<1x1xf32> to vector<512x1xf32>
    %add3A_57 = arith.addf %dot_general3A_52, %add3A_56 : vector<512x1xf32>
    %swap3A = arith.constant 0 : index
    %swap3A_58 = arith.constant 0 : index
    %swap3A_59 = vector.load %arg11[%swap3A, %swap3A_58] : memref<512x1xf32, #tpu.memory_space<vmem>>, vector<512x1xf32>
    tpu.vector_store %arg11[%swap3A, %swap3A_58], %add3A_57 {strides = array<i32>} : memref<512x1xf32, #tpu.memory_space<vmem>>, vector<512x1xf32>,
    return
  }
}

</mosaic_0001>

<sc_bundles>
// kernel: kernel.16.cloned.1.call-start
scs
__scs_entry_jumppad:
0x0: {  	(pc) =	sbr.rel $0x88, $3  }
0x1: {  	(tag) =	ssettag $0x0;
	lr =	simm.s32 $0x1  }
0x2: {  	[smem:$0x3F8A] =	sst lr;
	_ =	strace $0xD0000000  }
0x3: {  	_ = 	snop  }
0x4: {  	_ = 	snop  }
0x5: {  	_ = 	snop  }
0x6: {  	_ = 	snop  }
0x7: {  	_ = 	snop  }
__scs_overlays_trampoline_lowered:
0x8: {  	[smem:$0x3F99] =	sst s0  }
0x9: {  	[smem:$0x3F9A] =	sst s1  }
0xa: {  	[smem:$0x3F9B] =	sst s2  }
0xb: {  	[smem:$0x3F9C] =	sst s3  }
0xc: {  	[smem:$0x3F9D] =	sst s4  }
0xd: {  	[smem:$0x3F9E] =	sst s5  }
0xe: {  	[smem:$0x3F9F] =	sst s6  }
0xf: {  	[smem:$0x3FA0] =	sst s7  }
0x10: {  	[smem:$0x3FA1] =	sst s8  }
0x11: {  	[smem:$0x3FA2] =	sst s9;
	s0 =	simm.s32 @!p0 $0x0  }
0x12: {  	s1 =	sld [smem:$0x3F88];
	s0 =	simm.s32 @p0 $0x1  }
0x13: {  	[smem:$0x3FA3] =	sst s0;
	s0 =	simm.s32 @!p1 $0x0  }
0x14: {  	s2 =	sld [smem:$0x3F87];
	s0 =	simm.s32 @p1 $0x1  }
0x15: {  	[smem:$0x3FA4] =	sst s0;
	s0 =	simm.s32 @!p2 $0x0  }
0x16: {  	s3 =	sld [smem:$0x3FDB];
	s0 =	simm.s32 @p2 $0x1  }
0x17: {  	s4 =	simm.s32 $0x1BF5;
	[smem:$0x3FA6] =	sst s0  }
0x18: {  	s0 =	sld [smem:$0x3F89];
	_ =	swait.ge [sflag:s4], $0x0  }
0x19: {  	s7 =	sld [smem:$0x3F8A]  }
0x1a: {  	s8 =	sadd.s32 $0xFFFFE003, lr  }
0x1b: {  	s9 =	sadd.s32 $0xFFFFFEF7, lr;
	s5 =	simm.s32 $0xFFFFFFFF;
	p2 =	slt.u32 s8, $0xFFFFF086  }
0x1c: {  	p1 =	slt.u32 s9, $0xF7A;
	s5 =	simm.s32 @!p2 $0x0  }
0x1d: {  	s5 =	simm.s32 @p1 $0x1;
	p0 =	seq.s32 s7, s2  }
0x1e: {  	s7 =	smul.u32 @!p0 $0xF7A, s2;
	p2 =	seq.s32 @!p0 s5, $0x0  }
0x1f: {  	s9 =	smul.u32 $0xF7A, s1;
	s8 =	simm.s32 @!p0 $0x1BF5;
	p2 =	por !p2, p0  }
0x20: {  	[sflag:s8] =	ssyncset.s32 @!p0 $0xFFFFF086;
	s6 =	sadd.s32 @!p0 s3, s7;
	s7 =	simm.s32 @!p0 $0x108  }
0x21: {  	s3 =	sadd.s32 s3, s9;
	s6 =	sadd.s32 @!p0 $0x88, s6;
	s7 =	simm.s32 @p2 $0x1082  }
0x22: {  	[simem:s7], [sflag:s8] =	dma.local @!p0 [hbm:s6], $0xF7A  }
0x23: {  	s9 =	sor.u32 $0xD0000000, s2;
	s6 =	simm.s32 $0x108;
	_ =	swait.ge @!p0 [sflag:s8], $0x0  }
0x24: {  	s3 =	sadd.s32 $0x88, s3;
	s6 =	simm.s32 @!p1 $0x1082;
	[sflag:s4] =	ssyncset.s32 $0xFFFFF086  }
0x25: {  	[simem:s6], [sflag:s4] =	dma.local [hbm:s3], $0xF7A  }
0x26: {  	[smem:$0x3F8A] =	sst s1;
	(tag) =	ssettag s2;
	_ =	strace s9  }
0x27: {  	s1 =	sld [smem:$0x3F9A]  }
0x28: {  	s2 =	sld [smem:$0x3F9B]  }
0x29: {  	s4 =	sld [smem:$0x3F9D]  }
0x2a: {  	p0 =	seq.s32 s5, $0x0;
	s5 =	sld [smem:$0x3F9E]  }
0x2b: {  	s6 =	sld [smem:$0x3F9F]  }
0x2c: {  	s7 =	sld [smem:$0x3FA0]  }
0x2d: {  	s3 =	simm.s32 $0x108;
	s8 =	sld [smem:$0x3FA1]  }
0x2e: {  	s3 =	simm.s32 @!p0 $0x1082;
	s9 =	sld [smem:$0x3FA2]  }
0x2f: {  	lr =	sadd.s32 s0, s3;
	s0 =	sld [smem:$0x3F99]  }
0x30: {  	s3 =	sld [smem:$0x3F9C]  }
0x31: {  	[smem:$0x3FA5] =	sst s10  }
0x32: {  	s10 =	sld [smem:$0x3FA3];
	_ =	sdelay $0x3  }
0x33: {  	p0 =	seq.s32 s10, $0x1;
	s10 =	sld [smem:$0x3FA5];
	_ =	sdelay $0x3  }
0x34: {  	[smem:$0x3FA5] =	sst s10  }
0x35: {  	s10 =	sld [smem:$0x3FA4];
	_ =	sdelay $0x3  }
0x36: {  	p1 =	seq.s32 s10, $0x1;
	s10 =	sld [smem:$0x3FA5];
	_ =	sdelay $0x3  }
0x37: {  	[smem:$0x3FA5] =	sst s10  }
0x38: {  	s10 =	sld [smem:$0x3FA6]  }
0x39: {  	_ = 	snop;
	(pc) =	sbr.ind lr, $3  }
0x3a: {  	_ = 	snop  }
0x3b: {  	_ = 	snop  }
0x3c: {  	p2 =	seq.s32 s10, $0x1;
	s10 =	sld [smem:$0x3FA5]  }
0x3d: {  	_ =	shalt  }
0x3e: {  	_ =	shalt  }
0x3f: {  	_ =	shalt  }
0x40: {  	_ =	shalt  }
0x41: {  	_ =	shalt  }
0x42: {  	_ =	shalt  }
0x43: {  	_ =	shalt  }
0x44: {  	_ =	shalt  }
0x45: {  	_ =	shalt  }
0x46: {  	_ =	shalt  }
0x47: {  	_ =	shalt  }
0x48: {  	_ =	shalt  }
0x49: {  	_ =	shalt  }
0x4a: {  	_ =	shalt  }
0x4b: {  	_ =	shalt  }
0x4c: {  	_ =	shalt  }
0x4d: {  	_ =	shalt  }
0x4e: {  	_ =	shalt  }
0x4f: {  	_ =	shalt  }
0x50: {  	_ =	shalt  }
0x51: {  	_ =	shalt  }
0x52: {  	_ =	shalt  }
0x53: {  	_ =	shalt  }
0x54: {  	_ =	shalt  }
0x55: {  	_ =	shalt  }
0x56: {  	_ =	shalt  }
0x57: {  	_ =	shalt  }
0x58: {  	_ =	shalt  }
0x59: {  	_ =	shalt  }
0x5a: {  	_ =	shalt  }
0x5b: {  	_ =	shalt  }
0x5c: {  	_ =	shalt  }
0x5d: {  	_ =	shalt  }
0x5e: {  	_ =	shalt  }
0x5f: {  	_ =	shalt  }
0x60: {  	_ =	shalt  }
0x61: {  	_ =	shalt  }
0x62: {  	_ =	shalt  }
0x63: {  	_ =	shalt  }
0x64: {  	_ =	shalt  }
0x65: {  	_ =	shalt  }
0x66: {  	_ =	shalt  }
0x67: {  	_ =	shalt  }
0x68: {  	_ =	shalt  }
0x69: {  	_ =	shalt  }
0x6a: {  	_ =	shalt  }
0x6b: {  	_ =	shalt  }
0x6c: {  	_ =	shalt  }
0x6d: {  	_ =	shalt  }
0x6e: {  	_ =	shalt  }
0x6f: {  	_ =	shalt  }
0x70: {  	_ =	shalt  }
0x71: {  	_ =	shalt  }
0x72: {  	_ =	shalt  }
0x73: {  	_ =	shalt  }
0x74: {  	_ =	shalt  }
0x75: {  	_ =	shalt  }
0x76: {  	_ =	shalt  }
0x77: {  	_ =	shalt  }
0x78: {  	_ =	shalt  }
0x79: {  	_ =	shalt  }
0x7a: {  	_ =	shalt  }
0x7b: {  	_ =	shalt  }
0x7c: {  	_ =	shalt  }
0x7d: {  	_ =	shalt  }
0x7e: {  	_ =	shalt  }
0x7f: {  	_ =	shalt  }
0x80: {  	_ =	shalt  }
0x81: {  	_ =	shalt  }
0x82: {  	_ =	shalt  }
0x83: {  	_ =	shalt  }
0x84: {  	_ =	shalt  }
0x85: {  	_ =	shalt  }
0x86: {  	_ =	shalt  }
0x87: {  	_ =	shalt  }
.Lfunc_end0:
.L_simem_size_0:
called_computation_lowered:
.L_overlay_start_0:
0x88: {  	s2 =	sld [smem:$0x3FD9]  }
0x89: {  	s3 =	sld [smem:$0x3FFE];
	_ =	sdelay $0x1  }
0x8a: {  	s1 =	srdreg.scid  }
0x8b: {  	s0 =	sand.u32 $0x1, s1  }
0x8c: {  	s16 =	sshll.u32 s0, $0xA;
	s2 =	sadd.s32 s3, s2  }
0x8d: {  	s2 =	sadd.s32 s2, s16  }
0x8e: {  	[smem:$0x3FB1] =	sst s2  }
0x8f: {  	_ = 	snop  }
0x90: {  	(tm) =	ssettm $0x1  }
0x91: {  	s17 =	sld [smem:$0x3FFB];
	_ =	sdelay $0x3  }
0x92: {  	_ =	strace s17  }
0x93: {  	s2 =	sld [smem:$0x3FFC];
	_ =	sdelay $0x3  }
0x94: {  	_ =	strace s2  }
0x95: {  	s2 =	sld [smem:$0x3FFD];
	_ =	sdelay $0x3  }
0x96: {  	_ =	strace s2  }
0x97: {  	_ =	strace $0x8FFFFFFF  }
0x98: {  	s18 =	sld [smem:$0x3FDB];
	_ =	sdelay $0x1  }
0x99: {  	s19 =	simm.s32 $_scs_section_size  }
0x9a: {  	s4 =	simm.s32 $_size__tile_overlayer_lowered;
	s5 =	simm.s32 $_tile_overlayer_lowered  }
0x9b: {  	s22 =	simm.s32 $0x1BFF;
	s21 =	sshll.u32 s5, $0x1;
	s2 =	sadd.s32 s19, s18  }
0x9c: {  	s6 =	simm.s32 $0x0;
	s20 =	sshll.u32 s4, $0x1;
	s4 =	sadd.s32 s21, s2  }
0x9d: {  	[timem:s6], [sflag:s22] =	dma.local [hbm:s4], s20  }
0x9e: {  	_ =	swait.ge [sflag:s22], s20  }
0x9f: {  	s3 =	ssub.s32 $0x0, s20;
	[sflag:s22] =	ssyncset.done $0x0  }
0xa0: {  	[sflag:s22] =	ssyncadd.s32 s3;
	_ =	sdelay $0x1  }
0xa1: {  	s23 =	simm.s32 $0x1B8B  }
0xa2: {  	_ =	swait.ge [sflag:s23], $0x1  }
0xa3: {  	[sflag:s23] =	ssyncset.done $0x0  }
0xa4: {  	s25 =	simm.s32 $0x1B8E;
	s24 =	sld [smem:$0x3FFE];
	[sflag:s23] =	ssyncadd.s32 $0xFFFFFFFF  }
0xa5: {  	s26 =	simm.s32 $execute0_lowered;
	[smem:$0x3FD2] =	sst s25  }
0xa6: {  	s4 =	sshll.u32 s26, $0x1;
	_ =	strace $0x80000046;
	[dreg:$0x1] =	wrdreg $0xFFFFFFFF  }
0xa7: {  	s28 =	simm.s32 $_size_execute0_lowered;
	s2 =	sadd.s32 s2, s4;
	[dreg:$0x0] =	wrdreg $0x0  }
0xa8: {  	s4 =	sshll.u32 s28, $0x1;
	[dreg:$0x2] =	wrdreg s2  }
0xa9: {  	[dreg:$0x3] =	wrdreg s4  }
0xaa: {  	[dreg:$0x4] =	wrdreg $0xC0  }
0xab: {  	_ =	task [dreg:s6], $0x5FFFF  }
0xac: {  	[dreg:$0x1] =	wrdreg $0xFFFFFFFF  }
0xad: {  	[dreg:$0x0] =	wrdreg $0x60  }
0xae: {  	[dreg:$0x2] =	wrdreg s24  }
0xaf: {  	[dreg:$0x3] =	wrdreg $0x0  }
0xb0: {  	[dreg:$0x4] =	wrdreg $0x9  }
0xb1: {  	_ =	task.clear_ibuf [dreg:s6], $0x5FFFF;
	_ =	strace $0x90000046  }
0xb2: {  	s29 =	simm.s32 $0x9;
	_ =	strace $0x80000048  }
0xb3: {  	_ =	swait.ge [sflag:s29], $0x1  }
0xb4: {  	[sflag:s29] =	ssyncadd.s32 $0xFFFFFFFF  }
0xb5: {  	_ =	strace $0x90000048  }
0xb6: {  	_ =	sfence  }
0xb7: {  	s30 =	sld [smem:$0x0];
	_ =	sdelay $0x2  }
0xb8: {  	s31 =	sshll.u32 s1, $0xD;
	s1 =	sshrl.u32 s1, $0x2  }
0xb9: {  	s3 =	sand.u32 $0x4000, s31;
	s1 =	sadd.s32 s1, s30  }
0xba: {  	s0 =	sor.u32 s3, s0;
	s1 =	sshll.u32 s1, $0x11  }
0xbb: {  	s0 =	sor.u32 s1, s0  }
0xbc: {  	s0 =	sadd.s32 $0x8F2B, s0  }
0xbd: {  	[sflag:s0] =	ssyncadd.remote.s32 $0x1  }
0xbe: {  	_ =	sfence.sel $0xFFFF  }
0xbf: {  	[dreg:$0x0] =	wrdreg $0xFFFFFFFF;
	(pc) =	sbr.abs _section_cstart, $3  }
0xc0: {  	[dreg:$0x1] =	wrdreg $0xFFFFFFFF  }
0xc1: {  	_ =	task.clear_ibuf [dreg:s6], $0x2FFFF;
	_ =	strace $0x9FFFFFFF  }
0xc2: {  	(tm) =	ssettm $0x7FFFFFFF  }
0xc3: {  	_ =	shalt  }
tec
execute0_lowered:
.L_overlay_start_1:
0x0: {  	(tag) =	ssettag $0x1  }
0x1: {  	s0 =	rddreg [dreg:$0x0]  }
0x2: {  	s2 =	rddreg [dreg:$0x1];
	s5 =	stileid.u32;
	s3 =	simm.s32 $0x0  }
0x3: {  	s4 =	srdreg.scid;
	s28 =	simm.s32 $0x1C00;
	s29 =	simm.s32 $0x800  }
0x4: {  	s30 =	simm.s32 $0x1400;
	s1 =	smul.u32 $0x1900, s5;
	[smem:$0x7FF] =	sst s3  }
0x5: {  	s6 =	sand.u32 $0x1, s4;
	s24 =	sshll.u32 s5, $0xC;
	s5 =	smul.u32 $0xC80, s5  }
0x6: {  	_ =	strace $0x80000047;
	s7 =	ssub.s32 $0x2, s6;
	s4 =	sadd.s32 s24, s2  }
0x7: {  	p0 =	sne.s32 s6, $0x0;
	s1 =	sadd.s32 s1, s0;
	s0 =	sadd.s32 $0x1CC00, s0  }
0x8: {  	s8 =	sshrl.u32 s7, $0x1;
	s25 =	sadd.s32 $0x400, s4;
	s26 =	sadd.s32 $0x800, s4  }
0x9: {  	s31 =	sadd.s32 $0xC00, s4;
	s11 =	sshrl.u32 s5, $0x3;
	s9 =	sadd.s32 $0x280, s5  }
0xa: {  	s10 =	sadd.s32 s5, s2;
	s14 =	sadd.s32 $0x500, s5;
	[dreg:$0x3] =	wrdreg s25  }
0xb: {  	s16 =	sadd.s32 $0x780, s5;
	s18 =	sadd.s32 $0xA00, s5;
	[dreg:$0x4] =	wrdreg s26  }
0xc: {  	s7 =	ssub.s32 s7, s8;
	[dreg:$0x5] =	wrdreg s31;
	s11 =	sadd.s32 s0, s11  }
0xd: {  	s13 =	sshrl.u32 s9, $0x3;
	s12 =	sadd.s32 s9, s2;
	s15 =	sadd.s32 s14, s2  }
.Ltmp0:
0xe: {  	s17 =	sshrl.u32 s14, $0x3;
	s20 =	sshrl.u32 s16, $0x3;
	(pc) =	sbr.rel .LBB2_1-.Ltmp0, $4  }
0xf: {  	s19 =	sadd.s32 s16, s2;
	s21 =	sshrl.u32 s18, $0x3;
	s22 =	sadd.s32 s18, s2  }
0x10: {  	s24 =	sadd.s32 $0x3C00, s1;
	s25 =	simm.s32 $0x1000;
	s26 =	simm.s32 $0x1  }
0x11: {  	s13 =	sadd.s32 s0, s13;
	s17 =	sadd.s32 s0, s17;
	s20 =	sadd.s32 s0, s20  }
0x12: {  	v0 =	vimm.f32 $0.0e+00;
	v1 =	vimm.f32 $1.000000000e+00;
	s21 =	sadd.s32 s0, s21;
	s23 =	smax.u32 s7, $0x1;
	s0 =	simm.s32 $0x0  }
.LBB2_20:
0x13: {  	[bflag:$0x0] =	sbarrier.arrive $0xFFFF  }
0x14: {  	[bflag:$0x0] =	sbarrier.arrive $0xFFFF  }
.LBB2_18:
0x15: {  	s0 =	sadd.s32 $0x1, s0  }
0x16: {  	p1 =	sne.s32 s0, s23  }
.Ltmp1:
0x17: {  	_ = 	snop;
	(pc) =	sbr.rel @!p1 .LBB2_19-.Ltmp1, $1  }
0x18: {  	_ =	sdelay $0x3  }
.LBB2_1:
.Ltmp2:
0x19: {  	(pc) =	sbr.rel @p0 .LBB2_20-.Ltmp2, $2  }
0x1a: {  	_ =	sdelay $0x2  }
0x1b: {  	s1 =	simm.s32 $0x0  }
.LBB2_2:
0x1c: {  	p1 =	sne.s32 s1, $0xFC0  }
.Ltmp3:
0x1d: {  	_ = 	snop;
	(pc) =	sbr.rel @p1 .LBB2_2-.Ltmp3, $3  }
0x1e: {  	_ =	sdelay $0x1  }
0x1f: {  	s6 =	sshra.s32 s1, $0x2  }
0x20: {  	s1 =	sadd.s32 $0x40, s1;
	[tilespmem:s6+$0x1000] =	vst v0  }
0x21: {  	s1 =	simm.s32 $0x40;
	s6 =	simm.s32 $0x0  }
.LBB2_4:
0x22: {  	p1 =	sne.s32 s1, $0x1FC0;
	[tilespmem:s6+$0x1400] =	vst v1;
	s6 =	smov.u32 s1;
	s1 =	sadd.s32 $0x40, s1  }
.Ltmp4:
0x23: {  	(pc) =	sbr.rel @p1 .LBB2_4-.Ltmp4, $2  }
0x24: {  	_ =	sdelay $0x2  }
0x25: {  	s6 =	sshra.s32 s6, $0x2  }
0x26: {  	[tilespmem:s6+$0x1400] =	vst v1  }
0x27: {  	[spmem:s4] =	stream.linear.scatter [tilespmem:s25], [sflag:$0x1], $0x400, $0x38;
	[tilespmem:$0x2900] =	vst v63  }
0x28: {  	_ =	swait.ge [sflag:s26], $0x400  }
0x29: {  	[sflag:s26] =	ssyncset.done $0x0  }
0x2a: {  	s1 =	rddreg [dreg:$0x3];
	[sflag:s26] =	ssyncadd.s32 $0xFFFFFC00  }
0x2b: {  	[spmem:s1] =	stream.linear.scatter [tilespmem:s25], [sflag:$0x1], $0x400, $0x38;
	[tilespmem:$0x2900] =	vst v63  }
0x2c: {  	_ =	swait.ge [sflag:s26], $0x400  }
0x2d: {  	[sflag:s26] =	ssyncset.done $0x0  }
0x2e: {  	s7 =	rddreg [dreg:$0x4];
	[sflag:s26] =	ssyncadd.s32 $0xFFFFFC00  }
0x2f: {  	[spmem:s7] =	stream.linear.scatter [tilespmem:s25], [sflag:$0x1], $0x400, $0x38;
	[tilespmem:$0x2900] =	vst v63  }
0x30: {  	_ =	swait.ge [sflag:s26], $0x400  }
0x31: {  	[sflag:s26] =	ssyncset.done $0x0  }
0x32: {  	s8 =	rddreg [dreg:$0x5];
	[sflag:s26] =	ssyncadd.s32 $0xFFFFFC00  }
0x33: {  	[spmem:s8] =	stream.linear.scatter [tilespmem:s25], [sflag:$0x1], $0x400, $0x38;
	[tilespmem:$0x2900] =	vst v63  }
0x34: {  	_ =	swait.ge [sflag:s26], $0x400  }
0x35: {  	[sflag:s26] =	ssyncset.done $0x0  }
0x36: {  	[sflag:s26] =	ssyncadd.s32 $0xFFFFFC00  }
0x37: {  	s31 =	sadd.s32 $0x0, s24;
	[bflag:$0x0] =	sbarrier.arrive $0xFFFF  }
0x38: {  	[tilespmem:s28], [sflag:$0x1] =	stream.linear.gather [hbm4b:s31+s3], $0x800, $0x38;
	[tilespmem:$0x2900] =	vst v63  }
0x39: {  	_ =	swait.ge [sflag:s26], $0x800  }
0x3a: {  	[sflag:s26] =	ssyncset.done $0x0  }
0x3b: {  	[sflag:s26] =	ssyncadd.s32 $0xFFFFF800  }
0x3c: {  	[spmem:s2] =	stream.indirect.scatter.add.f32 [tilespmem:s30], [sflag:$0x1], $0x1, s28, s29, $0xb8;
	[tilespmem:$0x2900] =	vst v63  }
0x3d: {  	_ =	swait.ge [sflag:s26], $0x800  }
0x3e: {  	s6 =	simm.s32 $0x200;
	s1 =	simm.s32 $0x100;
	[sflag:s26] =	ssyncset.done $0x0  }
.LBB2_6:
0x3f: {  	s7 =	sadd.s32 s1, s24  }
0x40: {  	[sflag:s26] =	ssyncadd.s32 $0xFFFFF800;
	s1 =	smov.u32 s6;
	s31 =	sadd.s32 $0x100, s6  }
0x41: {  	[tilespmem:s28], [sflag:$0x1] =	stream.linear.gather [hbm4b:s7+s3], $0x800, $0x38;
	[tilespmem:$0x2900] =	vst v63  }
0x42: {  	p1 =	seq.s32 s6, $0x1800;
	_ =	swait.ge [sflag:s26], $0x800  }
.Ltmp5:
0x43: {  	[sflag:s26] =	ssyncset.done $0x0;
	(pc) =	sbr.rel @!p1 .LBB2_6-.Ltmp5, $4  }
0x44: {  	[sflag:s26] =	ssyncadd.s32 $0xFFFFF800  }
0x45: {  	[spmem:s2] =	stream.indirect.scatter.add.f32 [tilespmem:s30], [sflag:$0x1], $0x1, s28, s29, $0xb8;
	[tilespmem:$0x2900] =	vst v63  }
0x46: {  	_ =	swait.ge [sflag:s26], $0x800  }
0x47: {  	s6 =	smov.u32 s31;
	[sflag:s26] =	ssyncset.done $0x0  }
0x48: {  	s1 =	sadd.s32 s1, s24;
	[sflag:s26] =	ssyncadd.s32 $0xFFFFF800  }
0x49: {  	[tilespmem:s28], [sflag:$0x1] =	stream.linear.gather [hbm4b:s1+s3], $0x800, $0x38;
	[tilespmem:$0x2900] =	vst v63  }
0x4a: {  	_ =	swait.ge [sflag:s26], $0x800  }
0x4b: {  	[sflag:s26] =	ssyncset.done $0x0  }
0x4c: {  	[sflag:s26] =	ssyncadd.s32 $0xFFFFF800  }
0x4d: {  	[spmem:s2] =	stream.indirect.scatter.add.f32 [tilespmem:s30], [sflag:$0x1], $0x1, s28, s29, $0xb8;
	[tilespmem:$0x2900] =	vst v63  }
0x4e: {  	_ =	swait.ge [sflag:s26], $0x800  }
0x4f: {  	[sflag:s26] =	ssyncset.done $0x0  }
0x50: {  	[sflag:s26] =	ssyncadd.s32 $0xFFFFF800  }
0x51: {  	s7 =	simm.s32 $0x2400;
	[bflag:$0x0] =	sbarrier.arrive $0xFFFF  }
0x52: {  	[tilespmem:s7], [sflag:$0x1] =	stream.linear.gather [spmem:s10], $0x280, $0x38;
	[tilespmem:$0x2900] =	vst v63  }
0x53: {  	_ =	swait.ge [sflag:s26], $0x280  }
0x54: {  	[sflag:s26] =	ssyncset.done $0x0  }
0x55: {  	[sflag:s26] =	ssyncadd.s32 $0xFFFFFD80  }
0x56: {  	v2 =	vld [tilespmem:s7+$0x0];
	_ =	sdelay $0x4  }
0x57: {  	v2 =	vadd.f32 $1.000000000e+00, v2;
	_ =	sdelay $0x1  }
0x58: {  	v3 =	vshra.s32 v2, $0x1;
	v2 =	vmul.f32 $5.000000000e-01, v2  }
0x59: {  	v3 =	vsub.s32 $0x5F3759DF, v3  }
0x5a: {  	v4 =	vmul.f32 v3, v2;
	_ =	sdelay $0x1  }
0x5b: {  	v4 =	vmul.f32 v3, v4;
	_ =	sdelay $0x1  }
0x5c: {  	v4 =	vsub.f32 $1.500000000e+00, v4;
	_ =	sdelay $0x1  }
0x5d: {  	v3 =	vmul.f32 v3, v4;
	_ =	sdelay $0x1  }
0x5e: {  	v4 =	vmul.f32 v3, v2;
	_ =	sdelay $0x1  }
0x5f: {  	v4 =	vmul.f32 v4, v3;
	_ =	sdelay $0x1  }
0x60: {  	v4 =	vsub.f32 $1.500000000e+00, v4;
	_ =	sdelay $0x1  }
0x61: {  	v3 =	vmul.f32 v4, v3;
	_ =	sdelay $0x1  }
0x62: {  	v2 =	vmul.f32 v3, v2;
	_ =	sdelay $0x1  }
0x63: {  	v2 =	vmul.f32 v2, v3;
	_ =	sdelay $0x1  }
0x64: {  	v2 =	vsub.f32 $1.500000000e+00, v2;
	_ =	sdelay $0x1  }
0x65: {  	s8 =	sadd.s32 $0x0, s5;
	v2 =	vmul.f32 v2, v3  }
0x66: {  	p1 =	slt.u32 s8, $0xC350  }
0x67: {  	s1 =	simm.s32 $0x2680;
	v2 =	vpsel !p1, $0x0, v2  }
0x68: {  	s6 =	simm.s32 $0x2410;
	[tilespmem:s1+$0x0] =	vst v2  }
0x69: {  	s31 =	simm.s32 $0x10;
	s7 =	simm.s32 $0x20;
	v2 =	vld [tilespmem:s6+$0x0]  }
.LBB2_8:
0x6a: {  	p1 =	sne.s32 s7, $0x270;
	_ =	sdelay $0x3  }
0x6b: {  	v2 =	vadd.f32 $1.000000000e+00, v2;
	_ =	sdelay $0x1  }
0x6c: {  	v3 =	vshra.s32 v2, $0x1;
	v2 =	vmul.f32 $5.000000000e-01, v2  }
0x6d: {  	v3 =	vsub.s32 $0x5F3759DF, v3  }
0x6e: {  	v4 =	vmul.f32 v3, v2;
	_ =	sdelay $0x1  }
0x6f: {  	v4 =	vmul.f32 v3, v4;
	_ =	sdelay $0x1  }
0x70: {  	v4 =	vsub.f32 $1.500000000e+00, v4;
	_ =	sdelay $0x1  }
0x71: {  	v3 =	vmul.f32 v3, v4;
	_ =	sdelay $0x1  }
0x72: {  	v4 =	vmul.f32 v3, v2;
	_ =	sdelay $0x1  }
0x73: {  	v4 =	vmul.f32 v4, v3;
	_ =	sdelay $0x1  }
0x74: {  	v4 =	vsub.f32 $1.500000000e+00, v4;
	_ =	sdelay $0x1  }
0x75: {  	v3 =	vmul.f32 v4, v3;
	_ =	sdelay $0x1  }
0x76: {  	v2 =	vmul.f32 v3, v2;
	_ =	sdelay $0x1  }
0x77: {  	v2 =	vmul.f32 v2, v3;
	_ =	sdelay $0x1  }
0x78: {  	v2 =	vsub.f32 $1.500000000e+00, v2;
	_ =	sdelay $0x1  }
.Ltmp6:
0x79: {  	s8 =	sadd.s32 s31, s5;
	s31 =	smov.u32 s7;
	v2 =	vmul.f32 v2, v3;
	(pc) =	sbr.rel @p1 .LBB2_8-.Ltmp6, $4  }
0x7a: {  	p2 =	slt.u32 s8, $0xC350  }
0x7b: {  	s1 =	sadd.s32 $0x10, s1;
	v2 =	vpsel !p2, $0x0, v2  }
0x7c: {  	s6 =	sadd.s32 $0x10, s6;
	[tilespmem:s1+$0x0] =	vst v2  }
0x7d: {  	s7 =	sadd.s32 $0x10, s7;
	v2 =	vld [tilespmem:s6+$0x0]  }
0x7e: {  	_ =	sdelay $0x3  }
0x7f: {  	v2 =	vadd.f32 $1.000000000e+00, v2;
	_ =	sdelay $0x1  }
0x80: {  	v3 =	vshra.s32 v2, $0x1;
	v2 =	vmul.f32 $5.000000000e-01, v2  }
0x81: {  	v3 =	vsub.s32 $0x5F3759DF, v3  }
0x82: {  	v4 =	vmul.f32 v3, v2;
	_ =	sdelay $0x1  }
0x83: {  	v4 =	vmul.f32 v3, v4;
	_ =	sdelay $0x1  }
0x84: {  	v4 =	vsub.f32 $1.500000000e+00, v4;
	_ =	sdelay $0x1  }
0x85: {  	v3 =	vmul.f32 v3, v4;
	_ =	sdelay $0x1  }
0x86: {  	v4 =	vmul.f32 v3, v2;
	_ =	sdelay $0x1  }
0x87: {  	v4 =	vmul.f32 v4, v3;
	_ =	sdelay $0x1  }
0x88: {  	v4 =	vsub.f32 $1.500000000e+00, v4;
	_ =	sdelay $0x1  }
0x89: {  	v3 =	vmul.f32 v4, v3;
	_ =	sdelay $0x1  }
0x8a: {  	v2 =	vmul.f32 v3, v2;
	_ =	sdelay $0x1  }
0x8b: {  	v2 =	vmul.f32 v2, v3;
	_ =	sdelay $0x1  }
0x8c: {  	v2 =	vsub.f32 $1.500000000e+00, v2;
	_ =	sdelay $0x1  }
0x8d: {  	s6 =	sadd.s32 s31, s5;
	v2 =	vmul.f32 v2, v3  }
0x8e: {  	p1 =	slt.u32 s6, $0xC350  }
0x8f: {  	s1 =	sadd.s32 $0x10, s1;
	v2 =	vpsel !p1, $0x0, v2  }
0x90: {  	s8 =	simm.s32 $0x0;
	[tilespmem:s1+$0x0] =	vst v2;
	s1 =	simm.s32 $0x2680  }
0x91: {  	[hbm4b:s11+s8] =	stream.linear.scatter [tilespmem:s1], [sflag:$0x1], $0x280, $0x38;
	[tilespmem:$0x2900] =	vst v63  }
0x92: {  	_ =	swait.ge [sflag:s26], $0x280  }
0x93: {  	[sflag:s26] =	ssyncset.done $0x0  }
0x94: {  	s7 =	simm.s32 $0x2400;
	[sflag:s26] =	ssyncadd.s32 $0xFFFFFD80  }
0x95: {  	[tilespmem:s7], [sflag:$0x1] =	stream.linear.gather [spmem:s12], $0x280, $0x38;
	[tilespmem:$0x2900] =	vst v63  }
0x96: {  	_ =	swait.ge [sflag:s26], $0x280  }
0x97: {  	[sflag:s26] =	ssyncset.done $0x0  }
0x98: {  	[sflag:s26] =	ssyncadd.s32 $0xFFFFFD80  }
0x99: {  	v2 =	vld [tilespmem:s7+$0x0];
	_ =	sdelay $0x4  }
0x9a: {  	v2 =	vadd.f32 $1.000000000e+00, v2;
	_ =	sdelay $0x1  }
0x9b: {  	v3 =	vshra.s32 v2, $0x1;
	v2 =	vmul.f32 $5.000000000e-01, v2  }
0x9c: {  	v3 =	vsub.s32 $0x5F3759DF, v3  }
0x9d: {  	v63 =	vmul.f32 v3, v2;
	_ =	sdelay $0x1  }
0x9e: {  	v4 =	vmul.f32 v3, v63;
	_ =	sdelay $0x1  }
0x9f: {  	v4 =	vsub.f32 $1.500000000e+00, v4;
	_ =	sdelay $0x1  }
0xa0: {  	v3 =	vmul.f32 v3, v4;
	_ =	sdelay $0x1  }
0xa1: {  	v4 =	vmul.f32 v3, v2;
	_ =	sdelay $0x1  }
0xa2: {  	v4 =	vmul.f32 v4, v3;
	_ =	sdelay $0x1  }
0xa3: {  	v4 =	vsub.f32 $1.500000000e+00, v4;
	_ =	sdelay $0x1  }
0xa4: {  	v3 =	vmul.f32 v4, v3;
	_ =	sdelay $0x1  }
0xa5: {  	v2 =	vmul.f32 v3, v2;
	_ =	sdelay $0x1  }
0xa6: {  	v2 =	vmul.f32 v2, v3;
	_ =	sdelay $0x1  }
0xa7: {  	v2 =	vsub.f32 $1.500000000e+00, v2;
	_ =	sdelay $0x1  }
0xa8: {  	s8 =	sadd.s32 $0x0, s9;
	v2 =	vmul.f32 v2, v3  }
0xa9: {  	p6 =	slt.u32 s8, $0xC350  }
0xaa: {  	v2 =	vpsel !p6, $0x0, v2  }
0xab: {  	s6 =	simm.s32 $0x2410;
	[tilespmem:s1+$0x0] =	vst v2  }
0xac: {  	s31 =	simm.s32 $0x10;
	s7 =	simm.s32 $0x20;
	v2 =	vld [tilespmem:s6+$0x0]  }
.LBB2_10:
0xad: {  	p1 =	sne.s32 s7, $0x270;
	_ =	sdelay $0x3  }
0xae: {  	v2 =	vadd.f32 $1.000000000e+00, v2;
	_ =	sdelay $0x1  }
0xaf: {  	v3 =	vshra.s32 v2, $0x1;
	v2 =	vmul.f32 $5.000000000e-01, v2  }
0xb0: {  	v3 =	vsub.s32 $0x5F3759DF, v3  }
0xb1: {  	v4 =	vmul.f32 v3, v2;
	_ =	sdelay $0x1  }
0xb2: {  	v4 =	vmul.f32 v3, v4;
	_ =	sdelay $0x1  }
0xb3: {  	v4 =	vsub.f32 $1.500000000e+00, v4;
	_ =	sdelay $0x1  }
0xb4: {  	v3 =	vmul.f32 v3, v4;
	_ =	sdelay $0x1  }
0xb5: {  	v4 =	vmul.f32 v3, v2;
	_ =	sdelay $0x1  }
0xb6: {  	v4 =	vmul.f32 v4, v3;
	_ =	sdelay $0x1  }
0xb7: {  	v4 =	vsub.f32 $1.500000000e+00, v4;
	_ =	sdelay $0x1  }
0xb8: {  	v3 =	vmul.f32 v4, v3;
	_ =	sdelay $0x1  }
0xb9: {  	v2 =	vmul.f32 v3, v2;
	_ =	sdelay $0x1  }
0xba: {  	v2 =	vmul.f32 v2, v3;
	_ =	sdelay $0x1  }
0xbb: {  	v2 =	vsub.f32 $1.500000000e+00, v2;
	_ =	sdelay $0x1  }
.Ltmp7:
0xbc: {  	s8 =	sadd.s32 s31, s9;
	s31 =	smov.u32 s7;
	v2 =	vmul.f32 v2, v3;
	(pc) =	sbr.rel @p1 .LBB2_10-.Ltmp7, $4  }
0xbd: {  	p2 =	slt.u32 s8, $0xC350  }
0xbe: {  	s1 =	sadd.s32 $0x10, s1;
	v2 =	vpsel !p2, $0x0, v2  }
0xbf: {  	s6 =	sadd.s32 $0x10, s6;
	[tilespmem:s1+$0x0] =	vst v2  }
0xc0: {  	s7 =	sadd.s32 $0x10, s7;
	v2 =	vld [tilespmem:s6+$0x0]  }
0xc1: {  	_ =	sdelay $0x3  }
0xc2: {  	v2 =	vadd.f32 $1.000000000e+00, v2;
	_ =	sdelay $0x1  }
0xc3: {  	v3 =	vshra.s32 v2, $0x1;
	v2 =	vmul.f32 $5.000000000e-01, v2  }
0xc4: {  	v3 =	vsub.s32 $0x5F3759DF, v3  }
0xc5: {  	v4 =	vmul.f32 v3, v2;
	_ =	sdelay $0x1  }
0xc6: {  	v4 =	vmul.f32 v3, v4;
	_ =	sdelay $0x1  }
0xc7: {  	v4 =	vsub.f32 $1.500000000e+00, v4;
	_ =	sdelay $0x1  }
0xc8: {  	v3 =	vmul.f32 v3, v4;
	_ =	sdelay $0x1  }
0xc9: {  	v4 =	vmul.f32 v3, v2;
	_ =	sdelay $0x1  }
0xca: {  	v4 =	vmul.f32 v4, v3;
	_ =	sdelay $0x1  }
0xcb: {  	v4 =	vsub.f32 $1.500000000e+00, v4;
	_ =	sdelay $0x1  }
0xcc: {  	v3 =	vmul.f32 v4, v3;
	_ =	sdelay $0x1  }
0xcd: {  	v2 =	vmul.f32 v3, v2;
	_ =	sdelay $0x1  }
0xce: {  	v2 =	vmul.f32 v2, v3;
	_ =	sdelay $0x1  }
0xcf: {  	v2 =	vsub.f32 $1.500000000e+00, v2;
	_ =	sdelay $0x1  }
0xd0: {  	s6 =	sadd.s32 s31, s9;
	v2 =	vmul.f32 v2, v3  }
0xd1: {  	p1 =	slt.u32 s6, $0xC350  }
0xd2: {  	s1 =	sadd.s32 $0x10, s1;
	v2 =	vpsel !p1, $0x0, v2  }
0xd3: {  	s8 =	simm.s32 $0x0;
	[tilespmem:s1+$0x0] =	vst v2;
	s1 =	simm.s32 $0x2680  }
0xd4: {  	[hbm4b:s13+s8] =	stream.linear.scatter [tilespmem:s1], [sflag:$0x1], $0x280, $0x38;
	[tilespmem:$0x2900] =	vst v63  }
0xd5: {  	_ =	swait.ge [sflag:s26], $0x280  }
0xd6: {  	[sflag:s26] =	ssyncset.done $0x0  }
0xd7: {  	s7 =	simm.s32 $0x2400;
	[sflag:s26] =	ssyncadd.s32 $0xFFFFFD80  }
0xd8: {  	[tilespmem:s7], [sflag:$0x1] =	stream.linear.gather [spmem:s15], $0x280, $0x38;
	[tilespmem:$0x2900] =	vst v63  }
0xd9: {  	_ =	swait.ge [sflag:s26], $0x280  }
0xda: {  	[sflag:s26] =	ssyncset.done $0x0  }
0xdb: {  	[sflag:s26] =	ssyncadd.s32 $0xFFFFFD80  }
0xdc: {  	v2 =	vld [tilespmem:s7+$0x0];
	_ =	sdelay $0x4  }
0xdd: {  	v2 =	vadd.f32 $1.000000000e+00, v2;
	_ =	sdelay $0x1  }
0xde: {  	v3 =	vshra.s32 v2, $0x1;
	v2 =	vmul.f32 $5.000000000e-01, v2  }
0xdf: {  	v3 =	vsub.s32 $0x5F3759DF, v3  }
0xe0: {  	v63 =	vmul.f32 v3, v2;
	_ =	sdelay $0x1  }
0xe1: {  	v4 =	vmul.f32 v3, v63;
	_ =	sdelay $0x1  }
0xe2: {  	v4 =	vsub.f32 $1.500000000e+00, v4;
	_ =	sdelay $0x1  }
0xe3: {  	v3 =	vmul.f32 v3, v4;
	_ =	sdelay $0x1  }
0xe4: {  	v4 =	vmul.f32 v3, v2;
	_ =	sdelay $0x1  }
0xe5: {  	v4 =	vmul.f32 v4, v3;
	_ =	sdelay $0x1  }
0xe6: {  	v4 =	vsub.f32 $1.500000000e+00, v4;
	_ =	sdelay $0x1  }
0xe7: {  	v3 =	vmul.f32 v4, v3;
	_ =	sdelay $0x1  }
0xe8: {  	v2 =	vmul.f32 v3, v2;
	_ =	sdelay $0x1  }
0xe9: {  	v2 =	vmul.f32 v2, v3;
	_ =	sdelay $0x1  }
0xea: {  	v2 =	vsub.f32 $1.500000000e+00, v2;
	_ =	sdelay $0x1  }
0xeb: {  	s8 =	sadd.s32 $0x0, s14;
	v2 =	vmul.f32 v2, v3  }
0xec: {  	p6 =	slt.u32 s8, $0xC350  }
0xed: {  	v2 =	vpsel !p6, $0x0, v2  }
0xee: {  	s6 =	simm.s32 $0x2410;
	[tilespmem:s1+$0x0] =	vst v2  }
0xef: {  	s31 =	simm.s32 $0x10;
	s7 =	simm.s32 $0x20;
	v2 =	vld [tilespmem:s6+$0x0]  }
.LBB2_12:
0xf0: {  	p1 =	sne.s32 s7, $0x270;
	_ =	sdelay $0x3  }
0xf1: {  	v2 =	vadd.f32 $1.000000000e+00, v2;
	_ =	sdelay $0x1  }
0xf2: {  	v3 =	vshra.s32 v2, $0x1;
	v2 =	vmul.f32 $5.000000000e-01, v2  }
0xf3: {  	v3 =	vsub.s32 $0x5F3759DF, v3  }
0xf4: {  	v4 =	vmul.f32 v3, v2;
	_ =	sdelay $0x1  }
0xf5: {  	v4 =	vmul.f32 v3, v4;
	_ =	sdelay $0x1  }
0xf6: {  	v4 =	vsub.f32 $1.500000000e+00, v4;
	_ =	sdelay $0x1  }
0xf7: {  	v3 =	vmul.f32 v3, v4;
	_ =	sdelay $0x1  }
0xf8: {  	v4 =	vmul.f32 v3, v2;
	_ =	sdelay $0x1  }
0xf9: {  	v4 =	vmul.f32 v4, v3;
	_ =	sdelay $0x1  }
0xfa: {  	v4 =	vsub.f32 $1.500000000e+00, v4;
	_ =	sdelay $0x1  }
0xfb: {  	v3 =	vmul.f32 v4, v3;
	_ =	sdelay $0x1  }
0xfc: {  	v2 =	vmul.f32 v3, v2;
	_ =	sdelay $0x1  }
0xfd: {  	v2 =	vmul.f32 v2, v3;
	_ =	sdelay $0x1  }
0xfe: {  	v2 =	vsub.f32 $1.500000000e+00, v2;
	_ =	sdelay $0x1  }
.Ltmp8:
0xff: {  	s8 =	sadd.s32 s31, s14;
	s31 =	smov.u32 s7;
	v2 =	vmul.f32 v2, v3;
	(pc) =	sbr.rel @p1 .LBB2_12-.Ltmp8, $4  }
0x100: {  	p2 =	slt.u32 s8, $0xC350  }
0x101: {  	s1 =	sadd.s32 $0x10, s1;
	v2 =	vpsel !p2, $0x0, v2  }
0x102: {  	s6 =	sadd.s32 $0x10, s6;
	[tilespmem:s1+$0x0] =	vst v2  }
0x103: {  	s7 =	sadd.s32 $0x10, s7;
	v2 =	vld [tilespmem:s6+$0x0]  }
0x104: {  	_ =	sdelay $0x3  }
0x105: {  	v2 =	vadd.f32 $1.000000000e+00, v2;
	_ =	sdelay $0x1  }
0x106: {  	v3 =	vshra.s32 v2, $0x1;
	v2 =	vmul.f32 $5.000000000e-01, v2  }
0x107: {  	v3 =	vsub.s32 $0x5F3759DF, v3  }
0x108: {  	v4 =	vmul.f32 v3, v2;
	_ =	sdelay $0x1  }
0x109: {  	v4 =	vmul.f32 v3, v4;
	_ =	sdelay $0x1  }
0x10a: {  	v4 =	vsub.f32 $1.500000000e+00, v4;
	_ =	sdelay $0x1  }
0x10b: {  	v3 =	vmul.f32 v3, v4;
	_ =	sdelay $0x1  }
0x10c: {  	v4 =	vmul.f32 v3, v2;
	_ =	sdelay $0x1  }
0x10d: {  	v4 =	vmul.f32 v4, v3;
	_ =	sdelay $0x1  }
0x10e: {  	v4 =	vsub.f32 $1.500000000e+00, v4;
	_ =	sdelay $0x1  }
0x10f: {  	v3 =	vmul.f32 v4, v3;
	_ =	sdelay $0x1  }
0x110: {  	v2 =	vmul.f32 v3, v2;
	_ =	sdelay $0x1  }
0x111: {  	v2 =	vmul.f32 v2, v3;
	_ =	sdelay $0x1  }
0x112: {  	v2 =	vsub.f32 $1.500000000e+00, v2;
	_ =	sdelay $0x1  }
0x113: {  	s6 =	sadd.s32 s31, s14;
	v2 =	vmul.f32 v2, v3  }
0x114: {  	p1 =	slt.u32 s6, $0xC350  }
0x115: {  	s1 =	sadd.s32 $0x10, s1;
	v2 =	vpsel !p1, $0x0, v2  }
0x116: {  	s8 =	simm.s32 $0x0;
	[tilespmem:s1+$0x0] =	vst v2;
	s1 =	simm.s32 $0x2680  }
0x117: {  	[hbm4b:s17+s8] =	stream.linear.scatter [tilespmem:s1], [sflag:$0x1], $0x280, $0x38;
	[tilespmem:$0x2900] =	vst v63  }
0x118: {  	_ =	swait.ge [sflag:s26], $0x280  }
0x119: {  	[sflag:s26] =	ssyncset.done $0x0  }
0x11a: {  	s7 =	simm.s32 $0x2400;
	[sflag:s26] =	ssyncadd.s32 $0xFFFFFD80  }
0x11b: {  	[tilespmem:s7], [sflag:$0x1] =	stream.linear.gather [spmem:s19], $0x280, $0x38;
	[tilespmem:$0x2900] =	vst v63  }
0x11c: {  	_ =	swait.ge [sflag:s26], $0x280  }
0x11d: {  	[sflag:s26] =	ssyncset.done $0x0  }
0x11e: {  	[sflag:s26] =	ssyncadd.s32 $0xFFFFFD80  }
0x11f: {  	v2 =	vld [tilespmem:s7+$0x0];
	_ =	sdelay $0x4  }
0x120: {  	v2 =	vadd.f32 $1.000000000e+00, v2;
	_ =	sdelay $0x1  }
0x121: {  	v3 =	vshra.s32 v2, $0x1;
	v2 =	vmul.f32 $5.000000000e-01, v2  }
0x122: {  	v3 =	vsub.s32 $0x5F3759DF, v3  }
0x123: {  	v63 =	vmul.f32 v3, v2;
	_ =	sdelay $0x1  }
0x124: {  	v4 =	vmul.f32 v3, v63;
	_ =	sdelay $0x1  }
0x125: {  	v4 =	vsub.f32 $1.500000000e+00, v4;
	_ =	sdelay $0x1  }
0x126: {  	v3 =	vmul.f32 v3, v4;
	_ =	sdelay $0x1  }
0x127: {  	v4 =	vmul.f32 v3, v2;
	_ =	sdelay $0x1  }
0x128: {  	v4 =	vmul.f32 v4, v3;
	_ =	sdelay $0x1  }
0x129: {  	v4 =	vsub.f32 $1.500000000e+00, v4;
	_ =	sdelay $0x1  }
0x12a: {  	v3 =	vmul.f32 v4, v3;
	_ =	sdelay $0x1  }
0x12b: {  	v2 =	vmul.f32 v3, v2;
	_ =	sdelay $0x1  }
0x12c: {  	v2 =	vmul.f32 v2, v3;
	_ =	sdelay $0x1  }
0x12d: {  	v2 =	vsub.f32 $1.500000000e+00, v2;
	_ =	sdelay $0x1  }
0x12e: {  	s8 =	sadd.s32 $0x0, s16;
	v2 =	vmul.f32 v2, v3  }
0x12f: {  	p6 =	slt.u32 s8, $0xC350  }
0x130: {  	v2 =	vpsel !p6, $0x0, v2  }
0x131: {  	s6 =	simm.s32 $0x2410;
	[tilespmem:s1+$0x0] =	vst v2  }
0x132: {  	s31 =	simm.s32 $0x10;
	s7 =	simm.s32 $0x20;
	v2 =	vld [tilespmem:s6+$0x0]  }
.LBB2_14:
0x133: {  	p1 =	sne.s32 s7, $0x270;
	_ =	sdelay $0x3  }
0x134: {  	v2 =	vadd.f32 $1.000000000e+00, v2;
	_ =	sdelay $0x1  }
0x135: {  	v3 =	vshra.s32 v2, $0x1;
	v2 =	vmul.f32 $5.000000000e-01, v2  }
0x136: {  	v3 =	vsub.s32 $0x5F3759DF, v3  }
0x137: {  	v4 =	vmul.f32 v3, v2;
	_ =	sdelay $0x1  }
0x138: {  	v4 =	vmul.f32 v3, v4;
	_ =	sdelay $0x1  }
0x139: {  	v4 =	vsub.f32 $1.500000000e+00, v4;
	_ =	sdelay $0x1  }
0x13a: {  	v3 =	vmul.f32 v3, v4;
	_ =	sdelay $0x1  }
0x13b: {  	v4 =	vmul.f32 v3, v2;
	_ =	sdelay $0x1  }
0x13c: {  	v4 =	vmul.f32 v4, v3;
	_ =	sdelay $0x1  }
0x13d: {  	v4 =	vsub.f32 $1.500000000e+00, v4;
	_ =	sdelay $0x1  }
0x13e: {  	v3 =	vmul.f32 v4, v3;
	_ =	sdelay $0x1  }
0x13f: {  	v2 =	vmul.f32 v3, v2;
	_ =	sdelay $0x1  }
0x140: {  	v2 =	vmul.f32 v2, v3;
	_ =	sdelay $0x1  }
0x141: {  	v2 =	vsub.f32 $1.500000000e+00, v2;
	_ =	sdelay $0x1  }
.Ltmp9:
0x142: {  	s8 =	sadd.s32 s31, s16;
	s31 =	smov.u32 s7;
	v2 =	vmul.f32 v2, v3;
	(pc) =	sbr.rel @p1 .LBB2_14-.Ltmp9, $4  }
0x143: {  	p2 =	slt.u32 s8, $0xC350  }
0x144: {  	s1 =	sadd.s32 $0x10, s1;
	v2 =	vpsel !p2, $0x0, v2  }
0x145: {  	s6 =	sadd.s32 $0x10, s6;
	[tilespmem:s1+$0x0] =	vst v2  }
0x146: {  	s7 =	sadd.s32 $0x10, s7;
	v2 =	vld [tilespmem:s6+$0x0]  }
0x147: {  	_ =	sdelay $0x3  }
0x148: {  	v2 =	vadd.f32 $1.000000000e+00, v2;
	_ =	sdelay $0x1  }
0x149: {  	v3 =	vshra.s32 v2, $0x1;
	v2 =	vmul.f32 $5.000000000e-01, v2  }
0x14a: {  	v3 =	vsub.s32 $0x5F3759DF, v3  }
0x14b: {  	v4 =	vmul.f32 v3, v2;
	_ =	sdelay $0x1  }
0x14c: {  	v4 =	vmul.f32 v3, v4;
	_ =	sdelay $0x1  }
0x14d: {  	v4 =	vsub.f32 $1.500000000e+00, v4;
	_ =	sdelay $0x1  }
0x14e: {  	v3 =	vmul.f32 v3, v4;
	_ =	sdelay $0x1  }
0x14f: {  	v4 =	vmul.f32 v3, v2;
	_ =	sdelay $0x1  }
0x150: {  	v4 =	vmul.f32 v4, v3;
	_ =	sdelay $0x1  }
0x151: {  	v4 =	vsub.f32 $1.500000000e+00, v4;
	_ =	sdelay $0x1  }
0x152: {  	v3 =	vmul.f32 v4, v3;
	_ =	sdelay $0x1  }
0x153: {  	v2 =	vmul.f32 v3, v2;
	_ =	sdelay $0x1  }
0x154: {  	v2 =	vmul.f32 v2, v3;
	_ =	sdelay $0x1  }
0x155: {  	v2 =	vsub.f32 $1.500000000e+00, v2;
	_ =	sdelay $0x1  }
0x156: {  	s6 =	sadd.s32 s31, s16;
	v2 =	vmul.f32 v2, v3  }
0x157: {  	p1 =	slt.u32 s6, $0xC350  }
0x158: {  	s1 =	sadd.s32 $0x10, s1;
	v2 =	vpsel !p1, $0x0, v2  }
0x159: {  	s8 =	simm.s32 $0x0;
	[tilespmem:s1+$0x0] =	vst v2;
	s1 =	simm.s32 $0x2680  }
0x15a: {  	[hbm4b:s20+s8] =	stream.linear.scatter [tilespmem:s1], [sflag:$0x1], $0x280, $0x38;
	[tilespmem:$0x2900] =	vst v63  }
0x15b: {  	_ =	swait.ge [sflag:s26], $0x280  }
0x15c: {  	[sflag:s26] =	ssyncset.done $0x0  }
0x15d: {  	s7 =	simm.s32 $0x2400;
	[sflag:s26] =	ssyncadd.s32 $0xFFFFFD80  }
0x15e: {  	[tilespmem:s7], [sflag:$0x1] =	stream.linear.gather [spmem:s22], $0x280, $0x38;
	[tilespmem:$0x2900] =	vst v63  }
0x15f: {  	_ =	swait.ge [sflag:s26], $0x280  }
0x160: {  	[sflag:s26] =	ssyncset.done $0x0  }
0x161: {  	[sflag:s26] =	ssyncadd.s32 $0xFFFFFD80  }
0x162: {  	v2 =	vld [tilespmem:s7+$0x0];
	_ =	sdelay $0x4  }
0x163: {  	v2 =	vadd.f32 $1.000000000e+00, v2;
	_ =	sdelay $0x1  }
0x164: {  	v3 =	vshra.s32 v2, $0x1;
	v2 =	vmul.f32 $5.000000000e-01, v2  }
0x165: {  	v3 =	vsub.s32 $0x5F3759DF, v3  }
0x166: {  	v63 =	vmul.f32 v3, v2;
	_ =	sdelay $0x1  }
0x167: {  	v4 =	vmul.f32 v3, v63;
	_ =	sdelay $0x1  }
0x168: {  	v4 =	vsub.f32 $1.500000000e+00, v4;
	_ =	sdelay $0x1  }
0x169: {  	v3 =	vmul.f32 v3, v4;
	_ =	sdelay $0x1  }
0x16a: {  	v4 =	vmul.f32 v3, v2;
	_ =	sdelay $0x1  }
0x16b: {  	v4 =	vmul.f32 v4, v3;
	_ =	sdelay $0x1  }
0x16c: {  	v4 =	vsub.f32 $1.500000000e+00, v4;
	_ =	sdelay $0x1  }
0x16d: {  	v3 =	vmul.f32 v4, v3;
	_ =	sdelay $0x1  }
0x16e: {  	v2 =	vmul.f32 v3, v2;
	_ =	sdelay $0x1  }
0x16f: {  	v2 =	vmul.f32 v2, v3;
	_ =	sdelay $0x1  }
0x170: {  	v2 =	vsub.f32 $1.500000000e+00, v2;
	_ =	sdelay $0x1  }
0x171: {  	s8 =	sadd.s32 $0x0, s18;
	v2 =	vmul.f32 v2, v3  }
0x172: {  	p6 =	slt.u32 s8, $0xC350  }
0x173: {  	v2 =	vpsel !p6, $0x0, v2  }
0x174: {  	s6 =	simm.s32 $0x2410;
	[tilespmem:s1+$0x0] =	vst v2  }
0x175: {  	s31 =	simm.s32 $0x10;
	s7 =	simm.s32 $0x20;
	v2 =	vld [tilespmem:s6+$0x0]  }
.LBB2_16:
0x176: {  	p1 =	sne.s32 s7, $0x270;
	_ =	sdelay $0x3  }
0x177: {  	v2 =	vadd.f32 $1.000000000e+00, v2;
	_ =	sdelay $0x1  }
0x178: {  	v3 =	vshra.s32 v2, $0x1;
	v2 =	vmul.f32 $5.000000000e-01, v2  }
0x179: {  	v3 =	vsub.s32 $0x5F3759DF, v3  }
0x17a: {  	v4 =	vmul.f32 v3, v2;
	_ =	sdelay $0x1  }
0x17b: {  	v4 =	vmul.f32 v3, v4;
	_ =	sdelay $0x1  }
0x17c: {  	v4 =	vsub.f32 $1.500000000e+00, v4;
	_ =	sdelay $0x1  }
0x17d: {  	v3 =	vmul.f32 v3, v4;
	_ =	sdelay $0x1  }
0x17e: {  	v4 =	vmul.f32 v3, v2;
	_ =	sdelay $0x1  }
0x17f: {  	v4 =	vmul.f32 v4, v3;
	_ =	sdelay $0x1  }
0x180: {  	v4 =	vsub.f32 $1.500000000e+00, v4;
	_ =	sdelay $0x1  }
0x181: {  	v3 =	vmul.f32 v4, v3;
	_ =	sdelay $0x1  }
0x182: {  	v2 =	vmul.f32 v3, v2;
	_ =	sdelay $0x1  }
0x183: {  	v2 =	vmul.f32 v2, v3;
	_ =	sdelay $0x1  }
0x184: {  	v2 =	vsub.f32 $1.500000000e+00, v2;
	_ =	sdelay $0x1  }
.Ltmp10:
0x185: {  	s8 =	sadd.s32 s31, s18;
	s31 =	smov.u32 s7;
	v2 =	vmul.f32 v2, v3;
	(pc) =	sbr.rel @p1 .LBB2_16-.Ltmp10, $4  }
0x186: {  	p2 =	slt.u32 s8, $0xC350  }
0x187: {  	s1 =	sadd.s32 $0x10, s1;
	v2 =	vpsel !p2, $0x0, v2  }
0x188: {  	s6 =	sadd.s32 $0x10, s6;
	[tilespmem:s1+$0x0] =	vst v2  }
0x189: {  	s7 =	sadd.s32 $0x10, s7;
	v2 =	vld [tilespmem:s6+$0x0]  }
0x18a: {  	_ =	sdelay $0x3  }
0x18b: {  	v2 =	vadd.f32 $1.000000000e+00, v2;
	_ =	sdelay $0x1  }
0x18c: {  	v3 =	vshra.s32 v2, $0x1;
	v2 =	vmul.f32 $5.000000000e-01, v2  }
0x18d: {  	v3 =	vsub.s32 $0x5F3759DF, v3  }
0x18e: {  	v4 =	vmul.f32 v3, v2;
	_ =	sdelay $0x1  }
0x18f: {  	v4 =	vmul.f32 v3, v4;
	_ =	sdelay $0x1  }
0x190: {  	v4 =	vsub.f32 $1.500000000e+00, v4;
	_ =	sdelay $0x1  }
0x191: {  	v3 =	vmul.f32 v3, v4;
	_ =	sdelay $0x1  }
0x192: {  	v4 =	vmul.f32 v3, v2;
	_ =	sdelay $0x1  }
0x193: {  	v4 =	vmul.f32 v4, v3;
	_ =	sdelay $0x1  }
0x194: {  	v4 =	vsub.f32 $1.500000000e+00, v4;
	_ =	sdelay $0x1  }
0x195: {  	v3 =	vmul.f32 v4, v3;
	_ =	sdelay $0x1  }
0x196: {  	v2 =	vmul.f32 v3, v2;
	_ =	sdelay $0x1  }
0x197: {  	v2 =	vmul.f32 v2, v3;
	_ =	sdelay $0x1  }
0x198: {  	v2 =	vsub.f32 $1.500000000e+00, v2;
	_ =	sdelay $0x1  }
0x199: {  	s6 =	sadd.s32 s31, s18;
	v2 =	vmul.f32 v2, v3  }
0x19a: {  	p1 =	slt.u32 s6, $0xC350  }
0x19b: {  	s1 =	sadd.s32 $0x10, s1;
	v2 =	vpsel !p1, $0x0, v2  }
.Ltmp11:
0x19c: {  	s31 =	simm.s32 $0x2680;
	[tilespmem:s1+$0x0] =	vst v2;
	(pc) =	sbr.rel .LBB2_18-.Ltmp11, $4  }
0x19d: {  	[hbm4b:s21+s3] =	stream.linear.scatter [tilespmem:s31], [sflag:$0x1], $0x280, $0x38;
	[tilespmem:$0x2900] =	vst v63  }
0x19e: {  	_ =	swait.ge [sflag:s26], $0x280  }
0x19f: {  	[sflag:s26] =	ssyncset.done $0x0  }
0x1a0: {  	[sflag:s26] =	ssyncadd.s32 $0xFFFFFD80  }
.LBB2_19:
0x1a1: {  	_ =	sfence.sel $0x180000  }
0x1a2: {  	[bflag:$0x0] =	sbarrier.arrive $0xFFFF  }
0x1a3: {  	_ =	strace $0x90000047  }
0x1a4: {  	s0 =	stileid.u32;
	[bflag:$0x2] =	sbarrier.arrive $0xFFFF  }
0x1a5: {  	p0 =	sne.s32 s0, $0x0;
	s0 =	rddreg [dreg:$0x2]  }
0x1a6: {  	s0 =	sadd.s32 @!p0 $0x100000, s0  }
0x1a7: {  	[sflag:s0] =	ssyncadd.tile.s32 @!p0 $0x1;
	_ =	shalt  }
.Lfunc_end2:
_tile_overlayer_lowered:
.L_overlay_start_2:
0x1a8: {  	(tag) =	ssettag $0x2  }
0x1a9: {  	s0 =	rddreg [dreg:$0x0];
	s2 =	stileid.u32  }
0x1aa: {  	s1 =	rddreg [dreg:$0x1];
	p0 =	sne.s32 s2, $0x0  }
0x1ab: {  	s3 =	rddreg [dreg:$0x2];
	[bflag:$0x3] =	sbarrier.arrive $0xFFFF;
	s2 =	simm.s32 @!p0 $0x1C01  }
0x1ac: {  	[timem:s3], [sflag:s2] =	dma.local @!p0 [hbm:s0], s1  }
0x1ad: {  	s0 =	simm.s32 @!p0 $0x1  }
0x1ae: {  	_ =	swait.ge @!p0 [sflag:s0], s1  }
0x1af: {  	s1 =	ssub.s32 @!p0 $0x0, s1;
	[sflag:s0] =	ssyncset.done @!p0 $0x0  }
0x1b0: {  	[sflag:s0] =	ssyncadd.s32 @!p0 s1  }
0x1b1: {  	[bflag:$0x3] =	sbarrier.arrive $0xFFFF  }
0x1b2: {  	_ =	shalt  }

// kernel: kernel.19.cloned.1.call-start
scs
__scs_entry_jumppad:
0x0: {  	(pc) =	sbr.rel $0x88, $3  }
0x1: {  	(tag) =	ssettag $0x0;
	lr =	simm.s32 $0x1  }
0x2: {  	[smem:$0x3F8A] =	sst lr;
	_ =	strace $0xD0000000  }
0x3: {  	_ = 	snop  }
0x4: {  	_ = 	snop  }
0x5: {  	_ = 	snop  }
0x6: {  	_ = 	snop  }
0x7: {  	_ = 	snop  }
__scs_overlays_trampoline_lowered:
0x8: {  	[smem:$0x3F99] =	sst s0  }
0x9: {  	[smem:$0x3F9A] =	sst s1  }
0xa: {  	[smem:$0x3F9B] =	sst s2  }
0xb: {  	[smem:$0x3F9C] =	sst s3  }
0xc: {  	[smem:$0x3F9D] =	sst s4  }
0xd: {  	[smem:$0x3F9E] =	sst s5  }
0xe: {  	[smem:$0x3F9F] =	sst s6  }
0xf: {  	[smem:$0x3FA0] =	sst s7  }
0x10: {  	[smem:$0x3FA1] =	sst s8  }
0x11: {  	[smem:$0x3FA2] =	sst s9;
	s0 =	simm.s32 @!p0 $0x0  }
0x12: {  	s1 =	sld [smem:$0x3F88];
	s0 =	simm.s32 @p0 $0x1  }
0x13: {  	[smem:$0x3FA3] =	sst s0;
	s0 =	simm.s32 @!p1 $0x0  }
0x14: {  	s2 =	sld [smem:$0x3F87];
	s0 =	simm.s32 @p1 $0x1  }
0x15: {  	[smem:$0x3FA4] =	sst s0;
	s0 =	simm.s32 @!p2 $0x0  }
0x16: {  	s3 =	sld [smem:$0x3FDB];
	s0 =	simm.s32 @p2 $0x1  }
0x17: {  	s4 =	simm.s32 $0x1BF5;
	[smem:$0x3FA6] =	sst s0  }
0x18: {  	s0 =	sld [smem:$0x3F89];
	_ =	swait.ge [sflag:s4], $0x0  }
0x19: {  	s7 =	sld [smem:$0x3F8A]  }
0x1a: {  	s8 =	sadd.s32 $0xFFFFE003, lr  }
0x1b: {  	s9 =	sadd.s32 $0xFFFFFEF7, lr;
	s5 =	simm.s32 $0xFFFFFFFF;
	p2 =	slt.u32 s8, $0xFFFFF086  }
0x1c: {  	p1 =	slt.u32 s9, $0xF7A;
	s5 =	simm.s32 @!p2 $0x0  }
0x1d: {  	s5 =	simm.s32 @p1 $0x1;
	p0 =	seq.s32 s7, s2  }
0x1e: {  	s7 =	smul.u32 @!p0 $0xF7A, s2;
	p2 =	seq.s32 @!p0 s5, $0x0  }
0x1f: {  	s9 =	smul.u32 $0xF7A, s1;
	s8 =	simm.s32 @!p0 $0x1BF5;
	p2 =	por !p2, p0  }
0x20: {  	[sflag:s8] =	ssyncset.s32 @!p0 $0xFFFFF086;
	s6 =	sadd.s32 @!p0 s3, s7;
	s7 =	simm.s32 @!p0 $0x108  }
0x21: {  	s3 =	sadd.s32 s3, s9;
	s6 =	sadd.s32 @!p0 $0x88, s6;
	s7 =	simm.s32 @p2 $0x1082  }
0x22: {  	[simem:s7], [sflag:s8] =	dma.local @!p0 [hbm:s6], $0xF7A  }
0x23: {  	s9 =	sor.u32 $0xD0000000, s2;
	s6 =	simm.s32 $0x108;
	_ =	swait.ge @!p0 [sflag:s8], $0x0  }
0x24: {  	s3 =	sadd.s32 $0x88, s3;
	s6 =	simm.s32 @!p1 $0x1082;
	[sflag:s4] =	ssyncset.s32 $0xFFFFF086  }
0x25: {  	[simem:s6], [sflag:s4] =	dma.local [hbm:s3], $0xF7A  }
0x26: {  	[smem:$0x3F8A] =	sst s1;
	(tag) =	ssettag s2;
	_ =	strace s9  }
0x27: {  	s1 =	sld [smem:$0x3F9A]  }
0x28: {  	s2 =	sld [smem:$0x3F9B]  }
0x29: {  	s4 =	sld [smem:$0x3F9D]  }
0x2a: {  	p0 =	seq.s32 s5, $0x0;
	s5 =	sld [smem:$0x3F9E]  }
0x2b: {  	s6 =	sld [smem:$0x3F9F]  }
0x2c: {  	s7 =	sld [smem:$0x3FA0]  }
0x2d: {  	s3 =	simm.s32 $0x108;
	s8 =	sld [smem:$0x3FA1]  }
0x2e: {  	s3 =	simm.s32 @!p0 $0x1082;
	s9 =	sld [smem:$0x3FA2]  }
0x2f: {  	lr =	sadd.s32 s0, s3;
	s0 =	sld [smem:$0x3F99]  }
0x30: {  	s3 =	sld [smem:$0x3F9C]  }
0x31: {  	[smem:$0x3FA5] =	sst s10  }
0x32: {  	s10 =	sld [smem:$0x3FA3];
	_ =	sdelay $0x3  }
0x33: {  	p0 =	seq.s32 s10, $0x1;
	s10 =	sld [smem:$0x3FA5];
	_ =	sdelay $0x3  }
0x34: {  	[smem:$0x3FA5] =	sst s10  }
0x35: {  	s10 =	sld [smem:$0x3FA4];
	_ =	sdelay $0x3  }
0x36: {  	p1 =	seq.s32 s10, $0x1;
	s10 =	sld [smem:$0x3FA5];
	_ =	sdelay $0x3  }
0x37: {  	[smem:$0x3FA5] =	sst s10  }
0x38: {  	s10 =	sld [smem:$0x3FA6]  }
0x39: {  	_ = 	snop;
	(pc) =	sbr.ind lr, $3  }
0x3a: {  	_ = 	snop  }
0x3b: {  	_ = 	snop  }
0x3c: {  	p2 =	seq.s32 s10, $0x1;
	s10 =	sld [smem:$0x3FA5]  }
0x3d: {  	_ =	shalt  }
0x3e: {  	_ =	shalt  }
0x3f: {  	_ =	shalt  }
0x40: {  	_ =	shalt  }
0x41: {  	_ =	shalt  }
0x42: {  	_ =	shalt  }
0x43: {  	_ =	shalt  }
0x44: {  	_ =	shalt  }
0x45: {  	_ =	shalt  }
0x46: {  	_ =	shalt  }
0x47: {  	_ =	shalt  }
0x48: {  	_ =	shalt  }
0x49: {  	_ =	shalt  }
0x4a: {  	_ =	shalt  }
0x4b: {  	_ =	shalt  }
0x4c: {  	_ =	shalt  }
0x4d: {  	_ =	shalt  }
0x4e: {  	_ =	shalt  }
0x4f: {  	_ =	shalt  }
0x50: {  	_ =	shalt  }
0x51: {  	_ =	shalt  }
0x52: {  	_ =	shalt  }
0x53: {  	_ =	shalt  }
0x54: {  	_ =	shalt  }
0x55: {  	_ =	shalt  }
0x56: {  	_ =	shalt  }
0x57: {  	_ =	shalt  }
0x58: {  	_ =	shalt  }
0x59: {  	_ =	shalt  }
0x5a: {  	_ =	shalt  }
0x5b: {  	_ =	shalt  }
0x5c: {  	_ =	shalt  }
0x5d: {  	_ =	shalt  }
0x5e: {  	_ =	shalt  }
0x5f: {  	_ =	shalt  }
0x60: {  	_ =	shalt  }
0x61: {  	_ =	shalt  }
0x62: {  	_ =	shalt  }
0x63: {  	_ =	shalt  }
0x64: {  	_ =	shalt  }
0x65: {  	_ =	shalt  }
0x66: {  	_ =	shalt  }
0x67: {  	_ =	shalt  }
0x68: {  	_ =	shalt  }
0x69: {  	_ =	shalt  }
0x6a: {  	_ =	shalt  }
0x6b: {  	_ =	shalt  }
0x6c: {  	_ =	shalt  }
0x6d: {  	_ =	shalt  }
0x6e: {  	_ =	shalt  }
0x6f: {  	_ =	shalt  }
0x70: {  	_ =	shalt  }
0x71: {  	_ =	shalt  }
0x72: {  	_ =	shalt  }
0x73: {  	_ =	shalt  }
0x74: {  	_ =	shalt  }
0x75: {  	_ =	shalt  }
0x76: {  	_ =	shalt  }
0x77: {  	_ =	shalt  }
0x78: {  	_ =	shalt  }
0x79: {  	_ =	shalt  }
0x7a: {  	_ =	shalt  }
0x7b: {  	_ =	shalt  }
0x7c: {  	_ =	shalt  }
0x7d: {  	_ =	shalt  }
0x7e: {  	_ =	shalt  }
0x7f: {  	_ =	shalt  }
0x80: {  	_ =	shalt  }
0x81: {  	_ =	shalt  }
0x82: {  	_ =	shalt  }
0x83: {  	_ =	shalt  }
0x84: {  	_ =	shalt  }
0x85: {  	_ =	shalt  }
0x86: {  	_ =	shalt  }
0x87: {  	_ =	shalt  }
.Lfunc_end0:
.L_simem_size_0:
called_computation.1_lowered:
.L_overlay_start_0:
0x88: {  	s2 =	sld [smem:$0x3FD9]  }
0x89: {  	s3 =	sld [smem:$0x3FFE];
	_ =	sdelay $0x1  }
0x8a: {  	s1 =	srdreg.scid  }
0x8b: {  	s0 =	sand.u32 $0x1, s1  }
0x8c: {  	s16 =	sshll.u32 s0, $0xA;
	s2 =	sadd.s32 s3, s2  }
0x8d: {  	s2 =	sadd.s32 s2, s16  }
0x8e: {  	[smem:$0x3FB1] =	sst s2  }
0x8f: {  	_ = 	snop  }
0x90: {  	(tm) =	ssettm $0x1  }
0x91: {  	s17 =	sld [smem:$0x3FFB];
	_ =	sdelay $0x3  }
0x92: {  	_ =	strace s17  }
0x93: {  	s2 =	sld [smem:$0x3FFC];
	_ =	sdelay $0x3  }
0x94: {  	_ =	strace s2  }
0x95: {  	s2 =	sld [smem:$0x3FFD];
	_ =	sdelay $0x3  }
0x96: {  	_ =	strace s2  }
0x97: {  	_ =	strace $0x8FFFFFFF  }
0x98: {  	s18 =	sld [smem:$0x3FDB];
	_ =	sdelay $0x1  }
0x99: {  	s19 =	simm.s32 $_scs_section_size  }
0x9a: {  	s4 =	simm.s32 $_size__tile_overlayer_lowered;
	s5 =	simm.s32 $_tile_overlayer_lowered  }
0x9b: {  	s22 =	simm.s32 $0x1BFF;
	s21 =	sshll.u32 s5, $0x1;
	s2 =	sadd.s32 s19, s18  }
0x9c: {  	s6 =	simm.s32 $0x0;
	s20 =	sshll.u32 s4, $0x1;
	s4 =	sadd.s32 s21, s2  }
0x9d: {  	[timem:s6], [sflag:s22] =	dma.local [hbm:s4], s20  }
0x9e: {  	_ =	swait.ge [sflag:s22], s20  }
0x9f: {  	s3 =	ssub.s32 $0x0, s20;
	[sflag:s22] =	ssyncset.done $0x0  }
0xa0: {  	[sflag:s22] =	ssyncadd.s32 s3;
	_ =	sdelay $0x1  }
0xa1: {  	s23 =	simm.s32 $0x1B8B  }
0xa2: {  	_ =	swait.ge [sflag:s23], $0x1  }
0xa3: {  	[sflag:s23] =	ssyncset.done $0x0  }
0xa4: {  	s25 =	simm.s32 $0x1B8E;
	s24 =	sld [smem:$0x3FFE];
	[sflag:s23] =	ssyncadd.s32 $0xFFFFFFFF  }
0xa5: {  	s26 =	simm.s32 $execute0_lowered;
	[smem:$0x3FD2] =	sst s25  }
0xa6: {  	s4 =	sshll.u32 s26, $0x1;
	_ =	strace $0x80000049;
	[dreg:$0x1] =	wrdreg $0xFFFFFFFF  }
0xa7: {  	s28 =	simm.s32 $_size_execute0_lowered;
	s2 =	sadd.s32 s2, s4;
	[dreg:$0x0] =	wrdreg $0x0  }
0xa8: {  	s4 =	sshll.u32 s28, $0x1;
	[dreg:$0x2] =	wrdreg s2  }
0xa9: {  	[dreg:$0x3] =	wrdreg s4  }
0xaa: {  	[dreg:$0x4] =	wrdreg $0xC0  }
0xab: {  	_ =	task [dreg:s6], $0x5FFFF  }
0xac: {  	[dreg:$0x1] =	wrdreg $0xFFFFFFFF  }
0xad: {  	[dreg:$0x0] =	wrdreg $0x60  }
0xae: {  	[dreg:$0x2] =	wrdreg s24  }
0xaf: {  	[dreg:$0x3] =	wrdreg $0x0  }
0xb0: {  	[dreg:$0x4] =	wrdreg $0x9  }
0xb1: {  	_ =	task.clear_ibuf [dreg:s6], $0x5FFFF;
	_ =	strace $0x90000049  }
0xb2: {  	s29 =	simm.s32 $0x9;
	_ =	strace $0x8000004B  }
0xb3: {  	_ =	swait.ge [sflag:s29], $0x1  }
0xb4: {  	[sflag:s29] =	ssyncadd.s32 $0xFFFFFFFF  }
0xb5: {  	_ =	strace $0x9000004B  }
0xb6: {  	_ =	sfence  }
0xb7: {  	s30 =	sld [smem:$0x0];
	_ =	sdelay $0x2  }
0xb8: {  	s31 =	sshll.u32 s1, $0xD;
	s1 =	sshrl.u32 s1, $0x2  }
0xb9: {  	s3 =	sand.u32 $0x4000, s31;
	s1 =	sadd.s32 s1, s30  }
0xba: {  	s0 =	sor.u32 s3, s0;
	s1 =	sshll.u32 s1, $0x11  }
0xbb: {  	s0 =	sor.u32 s1, s0  }
0xbc: {  	s0 =	sadd.s32 $0x8F2B, s0  }
0xbd: {  	[sflag:s0] =	ssyncadd.remote.s32 $0x1  }
0xbe: {  	_ =	sfence.sel $0xFFFF  }
0xbf: {  	[dreg:$0x0] =	wrdreg $0xFFFFFFFF;
	(pc) =	sbr.abs _section_cstart, $3  }
0xc0: {  	[dreg:$0x1] =	wrdreg $0xFFFFFFFF  }
0xc1: {  	_ =	task.clear_ibuf [dreg:s6], $0x2FFFF;
	_ =	strace $0x9FFFFFFF  }
0xc2: {  	(tm) =	ssettm $0x7FFFFFFF  }
0xc3: {  	_ =	shalt  }
tec
execute0_lowered:
.L_overlay_start_1:
0x0: {  	(tag) =	ssettag $0x1  }
0x1: {  	s0 =	rddreg [dreg:$0x0]  }
0x2: {  	s1 =	rddreg [dreg:$0x1];
	s2 =	simm.s32 $0x0;
	s3 =	srdreg.scid  }
0x3: {  	s12 =	stileid.u32;
	s14 =	simm.s32 $0x5;
	s15 =	simm.s32 $0xA050  }
0x4: {  	s16 =	simm.s32 $0xA850;
	s17 =	simm.s32 $0xB050;
	s18 =	simm.s32 $0xD960  }
0x5: {  	s19 =	simm.s32 $0x3;
	s20 =	simm.s32 $0x100;
	s21 =	simm.s32 $0x10460  }
0x6: {  	[smem:$0x7FF] =	sst s2;
	s4 =	sadd.s32 $0x1CC00, s0;
	s5 =	sand.u32 $0x1, s3  }
0x7: {  	s6 =	sadd.s32 $0x11E600, s0;
	s7 =	sadd.s32 $0x3C00, s0;
	s11 =	smul.u32 $0x28000, s12  }
.Ltmp0:
0x8: {  	s8 =	sadd.s32 $0x237600, s0;
	s3 =	ssub.s32 $0x2, s5;
	(pc) =	sbr.rel .LBB2_1-.Ltmp0, $4  }
0x9: {  	s10 =	sshll.u32 s12, $0x9;
	_ =	strace $0x8000004A;
	s9 =	sshrl.u32 s3, $0x1  }
0xa: {  	s31 =	sshrl.u32 s11, $0x2;
	s30 =	ssub.s32 s3, s9;
	s9 =	smul.u32 $0xC800, s12  }
0xb: {  	s12 =	sshll.u32 s12, $0x6;
	s3 =	sadd.s32 s31, s1;
	s0 =	smax.u32 s30, $0x1  }
0xc: {  	v0 =	vimm.s32 $0x0;
	v1 =	vimm.s32 $0x2000;
	s12 =	sor.u32 $0x1C05, s12;
	s13 =	sshrl.u32 s3, $0x3;
	[dreg:$0x4] =	wrdreg s0  }
.LBB2_17:
0xd: {  	s2 =	rddreg [dreg:$0x3]  }
0xe: {  	s0 =	rddreg [dreg:$0x4];
	s2 =	sadd.s32 $0x1, s2  }
0xf: {  	p0 =	sne.s32 s2, s0  }
.Ltmp1:
0x10: {  	_ = 	snop;
	(pc) =	sbr.rel @!p0 .LBB2_18-.Ltmp1, $1  }
0x11: {  	_ =	sdelay $0x3  }
.LBB2_1:
.Ltmp2:
0x12: {  	(pc) =	sbr.rel .LBB2_2-.Ltmp2, $2  }
0x13: {  	_ =	sdelay $0x2  }
0x14: {  	[dreg:$0x3] =	wrdreg s2;
	s22 =	simm.s32 $0x0  }
.LBB2_14:
0x15: {  	[sflag:s3] =	ssyncadd.s32 @!p0 $0xFFFFB000  }
0x16: {  	[spmem:s1] =	stream.indirect.scatter.add.f32 @!p0 [tilespmem:s0], [sflag:$0x4], $0x50, s26, s31, $0xb8;
	[tilespmem:$0x1A460] =	vst v63  }
.LBB2_15:
0x17: {  	p0 =	slt.s32 s24, $0x1  }
0x18: {  	s0 =	simm.s32 @!p0 $0x3  }
0x19: {  	p1 =	seq.s32 @!p0 s24, $0x1;
	_ =	swait.ge @!p0 [sflag:s0], $0x5000  }
0x1a: {  	p1 =	por p1, p0;
	[sflag:s0] =	ssyncset.done @!p0 $0x0  }
0x1b: {  	[sflag:s0] =	ssyncadd.s32 @!p0 $0xFFFFB000;
	s0 =	simm.s32 @!p1 $0x4  }
0x1c: {  	_ =	swait.ge @!p1 [sflag:s0], $0x5000  }
0x1d: {  	[sflag:s0] =	ssyncset.done @!p1 $0x0  }
0x1e: {  	[sflag:s0] =	ssyncadd.s32 @!p1 $0xFFFFB000  }
0x1f: {  	s31 =	sadd.s32 s8, s23;
	[bflag:$0x0] =	sbarrier.arrive $0xFFFF  }
0x20: {  	[hbm:s31], [sflag:s12] =	dma.local [spmem:s13], $0x1400  }
0x21: {  	_ =	swait.ge [sflag:s14], $0x1400  }
0x22: {  	[sflag:s14] =	ssyncset.done $0x0  }
0x23: {  	[sflag:s14] =	ssyncadd.s32 $0xFFFFEC00  }
.LBB2_16:
0x24: {  	s22 =	sadd.s32 $0x1, s22  }
0x25: {  	p0 =	sne.s32 s22, $0x7  }
.Ltmp3:
0x26: {  	_ = 	snop;
	(pc) =	sbr.rel @!p0 .LBB2_17-.Ltmp3, $2  }
0x27: {  	_ =	sdelay $0x1  }
0x28: {  	[bflag:$0x0] =	sbarrier.arrive $0xFFFF;
	_ =	sdelay $0x1  }
.LBB2_2:
0x29: {  	s0 =	sand.u32 $0x1, s22  }
0x2a: {  	p0 =	sne.s32 s0, s5  }
.Ltmp4:
0x2b: {  	_ = 	snop;
	(pc) =	sbr.rel @p0 .LBB2_19-.Ltmp4, $1  }
0x2c: {  	_ =	sdelay $0x3  }
0x2d: {  	s0 =	sshll.u32 s22, $0xD  }
0x2e: {  	s0 =	sor.u32 s10, s0  }
0x2f: {  	s23 =	smul.u32 $0xA, s0;
	_ =	sdelay $0x1  }
0x30: {  	s0 =	sadd.s32 s4, s23  }
0x31: {  	[spmem:s13], [sflag:s12] =	dma.local [hbm:s0], $0x1400  }
0x32: {  	_ =	swait.ge [sflag:s14], $0x1400  }
0x33: {  	[sflag:s14] =	ssyncset.done $0x0  }
0x34: {  	s3 =	simm.s32 $0x40;
	[sflag:s14] =	ssyncadd.s32 $0xFFFFEC00  }
0x35: {  	s24 =	simm.s32 $0x0;
	s0 =	simm.s32 $0x0;
	[bflag:$0x0] =	sbarrier.arrive $0xFFFF  }
.LBB2_4:
0x36: {  	p0 =	seq.s32 s3, $0xA400;
	[tilespmem:s24+$0xB050] =	vst v0;
	s24 =	smov.u32 s3;
	s3 =	sadd.s32 $0x40, s3  }
.Ltmp5:
0x37: {  	(pc) =	sbr.rel @!p0 .LBB2_4-.Ltmp5, $2  }
0x38: {  	_ =	sdelay $0x2  }
0x39: {  	s24 =	sshra.s32 s24, $0x2  }
0x3a: {  	[tilespmem:s24+$0xB050] =	vst v0;
	s3 =	simm.s32 $0x10;
	s0 =	sand.u32 $0x3FF0, s0  }
.LBB2_6:
0x3b: {  	p0 =	seq.s32 s3, $0x2AF0;
	[tilespmem:s0+$0xD960] =	vst v1;
	s0 =	smov.u32 s3;
	s3 =	sadd.s32 $0x10, s3  }
.Ltmp6:
0x3c: {  	(pc) =	sbr.rel @!p0 .LBB2_6-.Ltmp6, $2  }
0x3d: {  	_ =	sdelay $0x2  }
0x3e: {  	s0 =	sand.u32 $0x3FF0, s0  }
0x3f: {  	[tilespmem:s0+$0xD960] =	vst v1;
	v2 =	vmov s22;
	s24 =	simm.s32 $0x0;
	s26 =	simm.s32 $0x0;
	s25 =	simm.s32 $0x0  }
.LBB2_8:
0x40: {  	s0 =	sshll.u32 s25, $0xB  }
0x41: {  	s0 =	sadd.s32 s9, s0  }
0x42: {  	s0 =	sshrl.u32 s0, $0x3  }
0x43: {  	s3 =	sadd.s32 s6, s0  }
0x44: {  	[tilespmem:s15], [sflag:$0x5] =	stream.linear.gather [hbm4b:s3+s24], $0x800, $0x38;
	[tilespmem:$0x1A460] =	vst v63  }
0x45: {  	_ =	swait.ge [sflag:s14], $0x800  }
0x46: {  	[sflag:s14] =	ssyncset.done $0x0  }
0x47: {  	s0 =	sadd.s32 s7, s0;
	[sflag:s14] =	ssyncadd.s32 $0xFFFFF800  }
0x48: {  	[tilespmem:s16], [sflag:$0x5] =	stream.linear.gather [hbm4b:s0+s24], $0x800, $0x38;
	[tilespmem:$0x1A460] =	vst v63  }
0x49: {  	_ =	swait.ge [sflag:s14], $0x800  }
0x4a: {  	[sflag:s14] =	ssyncset.done $0x0  }
0x4b: {  	s31 =	simm.s32 $0x0;
	[sflag:s14] =	ssyncadd.s32 $0xFFFFF800  }
0x4c: {  	v3 =	vld [tilespmem:s31+$0xA850];
	_ =	sdelay $0x4  }
0x4d: {  	v4 =	vshra.s32 v3, $0xD  }
0x4e: {  	vm0 =	veq.s32 v4, v2  }
0x4f: {  	v4 =	vsel vm0, $0x1, v0  }
0x50: {  	(xrf0) =	vadd.scan.msk.s32 $0xffff, v4;
	_ =	sdelay $0x4  }
0x51: {  	v63 =	vsel vm0, $0xFFFFFFFF, v0  }
0x52: {  	v4 =	vadd.s32 s26, v63;
	v5, _, _ =	vpop (xrf0)  }
0x53: {  	v6 =	vld [tilespmem:s31+$0xA050];
	v4 =	vadd.s32 v5, v4;
	(v2sf) =	vpush v5, $0xF;
	_ =	sdelay $0x4  }
0x54: {  	v3 =	vand.u32 $0x1FFF, v3;
	[tilespmem:v4+s17+$0x0] =	vst.idx.msk vm0, v6  }
0x55: {  	s28 =	simm.s32 $0x80;
	s0 =	simm.s32 $0x10;
	[tilespmem:v4+s18+$0x0] =	vst.idx.msk vm0, v3  }
.LBB2_9:
0x56: {  	p0 =	sne.s32 s28, $0x1FC0;
	v3 =	vld [tilespmem:s0+$0xA850];
	_ =	sdelay $0x4  }
0x57: {  	v4 =	vshra.s32 v3, $0xD;
	v3 =	vand.u32 $0x1FFF, v3  }
0x58: {  	vm0 =	veq.s32 v4, v2  }
0x59: {  	v4 =	vsel vm0, $0xFFFFFFFF, v0;
	v5 =	vsel vm0, $0x1, v0  }
0x5a: {  	(xrf0) =	vadd.scan.msk.s32 $0xffff, v5;
	s3 =	spop (v2sf)  }
0x5b: {  	s26 =	sadd.s32 s26, s3  }
0x5c: {  	p1 =	slt.s32 s26, $0x2800  }
0x5d: {  	s26 =	simm.s32 @!p1 $0x2800  }
0x5e: {  	v4 =	vadd.s32 s26, v4;
	_ =	sdelay $0x1  }
0x5f: {  	v5, _, _ =	vpop (xrf0)  }
0x60: {  	v6 =	vld [tilespmem:s0+$0xA050];
	v4 =	vadd.s32 v5, v4;
	(v2sf) =	vpush v5, $0xF;
	_ =	sdelay $0x1  }
.Ltmp7:
0x61: {  	(pc) =	sbr.rel @p0 .LBB2_9-.Ltmp7, $3  }
0x62: {  	_ =	sdelay $0x1  }
0x63: {  	[tilespmem:v4+s17+$0x0] =	vst.idx.msk vm0, v6  }
0x64: {  	s0 =	sshra.s32 s28, $0x2;
	s28 =	sadd.s32 $0x40, s28;
	[tilespmem:v4+s18+$0x0] =	vst.idx.msk vm0, v3  }
0x65: {  	v3 =	vld [tilespmem:s0+$0xA850];
	_ =	sdelay $0x4  }
0x66: {  	v4 =	vshra.s32 v3, $0xD  }
0x67: {  	vm0 =	veq.s32 v4, v2  }
0x68: {  	v4 =	vsel vm0, $0x1, v0  }
0x69: {  	(xrf0) =	vadd.scan.msk.s32 $0xffff, v4;
	_ =	sdelay $0x5  }
0x6a: {  	v4, _, _ =	vpop (xrf0)  }
0x6b: {  	(v2sf) =	vpush v4, $0xF;
	_ =	sdelay $0x6  }
0x6c: {  	s3 =	spop (v2sf)  }
0x6d: {  	s3 =	sadd.s32 s26, s3  }
0x6e: {  	p0 =	slt.s32 s3, $0x2800  }
0x6f: {  	v5 =	vsel vm0, $0xFFFFFFFF, v0;
	s3 =	simm.s32 @!p0 $0x2800  }
0x70: {  	v5 =	vadd.s32 s3, v5  }
0x71: {  	v6 =	vld [tilespmem:s0+$0xA050];
	s25 =	sadd.s32 $0x1, s25;
	v4 =	vadd.s32 v4, v5  }
0x72: {  	p1 =	sne.s32 s25, $0x19  }
.Ltmp8:
0x73: {  	_ = 	snop;
	(pc) =	sbr.rel @p1 .LBB2_8-.Ltmp8, $4  }
0x74: {  	s31 =	spop (v2sf)  }
0x75: {  	s0 =	sadd.s32 s3, s31  }
0x76: {  	v3 =	vand.u32 $0x1FFF, v3;
	[tilespmem:v4+s17+$0x0] =	vst.idx.msk vm0, v6;
	p0 =	slt.s32 s0, $0x2800;
	s26 =	smov.u32 s0  }
0x77: {  	[tilespmem:v4+s18+$0x0] =	vst.idx.msk vm0, v3;
	s26 =	simm.s32 @!p0 $0x2800  }
0x78: {  	s3 =	sadd.s32 $0xFF, s26  }
0x79: {  	s24 =	sand.u32 $0xFF, s3  }
0x7a: {  	p0 =	slt.s32 s0, $0xFFFFFF02;
	s25 =	sshra.s32 s3, $0x1F;
	p1 =	sne.s32 s24, $0x0  }
0x7b: {  	s29 =	sshrl.u32 s25, $0x18;
	p0 =	por !p0, !p1  }
0x7c: {  	s0 =	sadd.s32 s29, s3;
	s3 =	simm.s32 $0x1;
	p0 =	por !p0, !p0  }
0x7d: {  	s0 =	sshra.s32 s0, $0x8;
	s3 =	simm.s32 @!p0 $0x0  }
0x7e: {  	s24 =	ssub.s32 s0, s3  }
0x7f: {  	s0 =	sadd.s32 $0x1, s24  }
0x80: {  	s30 =	sand.u32 $0x1, s0  }
0x81: {  	p5 =	slt.s32 s24, $0x0;
	p6 =	seq.s32 s30, $0x1  }
0x82: {  	s31 =	sshrl.u32 s0, $0x1F;
	p0 =	por !p5, !p6  }
0x83: {  	s3 =	simm.s32 $0x1;
	s0 =	sadd.s32 s31, s0;
	p1 =	por !p0, !p0  }
0x84: {  	s25 =	sshra.s32 s0, $0x1;
	s3 =	simm.s32 @!p1 $0x0  }
0x85: {  	s0 =	ssub.s32 s25, s3  }
0x86: {  	p0 =	slt.s32 s0, $0x1  }
0x87: {  	p2 =	sgt.s32 @!p0 s24, $0x1  }
0x88: {  	s3 =	simm.s32 @!p0 $0x100;
	s26 =	simm.s32 @!p0 $0xB050;
	s28 =	simm.s32 @!p0 $0x10460  }
0x89: {  	[tilespmem:s28], [sflag:$0x1] =	stream.indirect.gather @!p0 [hbm4b:s4+s3], $0x50, s26, s3, $0xb8;
	[tilespmem:$0x1A460] =	vst v63  }
0x8a: {  	p3 =	por !p2, p0  }
0x8b: {  	s3 =	simm.s32 @!p3 $0x100;
	s26 =	simm.s32 @!p3 $0xB150;
	s28 =	simm.s32 @!p3 $0x15460  }
0x8c: {  	[tilespmem:s28], [sflag:$0x2] =	stream.indirect.gather @!p3 [hbm4b:s4+s3], $0x50, s26, s3, $0xb8;
	[tilespmem:$0x1A460] =	vst v63  }
0x8d: {  	s26 =	simm.s32 @!p3 $0x1  }
0x8e: {  	_ =	swait.ge @!p3 [sflag:s26], $0x5000  }
0x8f: {  	[sflag:s26] =	ssyncset.done @!p3 $0x0  }
0x90: {  	s29 =	simm.s32 @!p3 $0x10460;
	[sflag:s26] =	ssyncadd.s32 @!p3 $0xFFFFB000;
	s26 =	simm.s32 @!p3 $0xD960  }
0x91: {  	[spmem:s1] =	stream.indirect.scatter.add.f32 @!p3 [tilespmem:s29], [sflag:$0x3], $0x50, s26, s3, $0xb8;
	[tilespmem:$0x1A460] =	vst v63  }
0x92: {  	s26 =	simm.s32 @!p3 $0x2  }
0x93: {  	_ =	swait.ge @!p3 [sflag:s26], $0x5000  }
0x94: {  	[sflag:s26] =	ssyncset.done @!p3 $0x0  }
0x95: {  	p2 =	por p2, p0;
	[sflag:s26] =	ssyncadd.s32 @!p3 $0xFFFFB000;
	s26 =	simm.s32 @!p3 $0xDA60  }
0x96: {  	[spmem:s1] =	stream.indirect.scatter.add.f32 @!p3 [tilespmem:s28], [sflag:$0x4], $0x50, s26, s3, $0xb8;
	[tilespmem:$0x1A460] =	vst v63  }
0x97: {  	s3 =	simm.s32 @!p2 $0x1  }
0x98: {  	_ =	swait.ge @!p2 [sflag:s3], $0x5000  }
0x99: {  	s26 =	simm.s32 @!p2 $0xD960;
	[sflag:s3] =	ssyncset.done @!p2 $0x0  }
0x9a: {  	s28 =	simm.s32 @!p2 $0x10460;
	[sflag:s3] =	ssyncadd.s32 @!p2 $0xFFFFB000;
	s3 =	simm.s32 @!p2 $0x100  }
0x9b: {  	[spmem:s1] =	stream.indirect.scatter.add.f32 @!p2 [tilespmem:s28], [sflag:$0x3], $0x50, s26, s3, $0xb8;
	[tilespmem:$0x1A460] =	vst v63  }
0x9c: {  	p2 =	seq.s32 @!p0 s0, $0x1  }
0x9d: {  	p0 =	por p0, p2  }
.Ltmp9:
0x9e: {  	_ = 	snop;
	(pc) =	sbr.rel @p0 .LBB2_15-.Ltmp9, $1  }
0x9f: {  	_ =	sdelay $0x3  }
0xa0: {  	_ =	swait.ge [sflag:s19], $0x5000  }
0xa1: {  	p0 =	sle.s32 s24, $0x3;
	s0 =	simm.s32 $0xB250;
	[sflag:s19] =	ssyncset.done $0x0  }
0xa2: {  	s26 =	simm.s32 $0xFFFFFFFF;
	s3 =	simm.s32 @p0 $0x1;
	[sflag:s19] =	ssyncadd.s32 $0xFFFFB000  }
0xa3: {  	[tilespmem:s21], [sflag:$0x1] =	stream.indirect.gather [hbm4b:s4+s20], $0x50, s0, s20, $0xb8;
	[tilespmem:$0x1A460] =	vst v63  }
0xa4: {  	s28 =	simm.s32 @p0 $0xDB60;
	s26 =	simm.s32 @!p1 $0x0;
	_ =	swait.ge @p0 [sflag:s3], $0x5000  }
0xa5: {  	s29 =	simm.s32 @p0 $0x100;
	s25 =	sadd.s32 s26, s25;
	[sflag:s3] =	ssyncset.done @p0 $0x0  }
0xa6: {  	s0 =	simm.s32 @p0 $0x10460;
	[sflag:s3] =	ssyncadd.s32 @p0 $0xFFFFB000;
	s3 =	simm.s32 @!p0 $0x4  }
0xa7: {  	[spmem:s1] =	stream.indirect.scatter.add.f32 @p0 [tilespmem:s0], [sflag:$0x3], $0x50, s28, s29, $0xb8;
	[tilespmem:$0x1A460] =	vst v63  }
0xa8: {  	s31 =	simm.s32 @!p0 $0x100;
	s25 =	sadd.s32 $0xFFFFFFFF, s25;
	_ =	swait.ge @!p0 [sflag:s3], $0x5000  }
0xa9: {  	s25 =	sadd.s32 $0xFFFFFFFF, s25;
	s28 =	simm.s32 $0xB350;
	[sflag:s3] =	ssyncset.done @!p0 $0x0  }
0xaa: {  	s0 =	simm.s32 @!p0 $0x15460;
	[sflag:s3] =	ssyncadd.s32 @!p0 $0xFFFFB000;
	s3 =	simm.s32 @!p0 $0x1  }
0xab: {  	[tilespmem:s0], [sflag:$0x2] =	stream.indirect.gather @!p0 [hbm4b:s4+s31], $0x50, s28, s31, $0xb8;
	[tilespmem:$0x1A460] =	vst v63  }
0xac: {  	p1 =	sne.s32 s25, $0x0;
	_ =	swait.ge @!p0 [sflag:s3], $0x5000  }
.Ltmp10:
0xad: {  	s26 =	simm.s32 @!p0 $0x10460;
	[sflag:s3] =	ssyncset.done @!p0 $0x0;
	(pc) =	sbr.rel @!p1 .LBB2_14-.Ltmp10, $4  }
0xae: {  	s28 =	simm.s32 @!p0 $0xDB60;
	[sflag:s3] =	ssyncadd.s32 @!p0 $0xFFFFB000;
	s3 =	simm.s32 @!p0 $0x2  }
0xaf: {  	[spmem:s1] =	stream.indirect.scatter.add.f32 @!p0 [tilespmem:s26], [sflag:$0x3], $0x50, s28, s31, $0xb8;
	[tilespmem:$0x1A460] =	vst v63  }
0xb0: {  	s30 =	simm.s32 $0xDC60;
	s29 =	simm.s32 $0x5;
	_ =	swait.ge @!p0 [sflag:s3], $0x5000  }
0xb1: {  	s26 =	simm.s32 $0xDC60;
	s28 =	simm.s32 $0xB550;
	[sflag:s3] =	ssyncset.done @!p0 $0x0  }
.LBB2_13:
0xb2: {  	s25 =	sadd.s32 $0xFFFFFFFF, s25;
	[sflag:s3] =	ssyncadd.s32 @!p0 $0xFFFFB000;
	s30 =	sadd.s32 $0x200, s30  }
0xb3: {  	[spmem:s1] =	stream.indirect.scatter.add.f32 @!p0 [tilespmem:s0], [sflag:$0x4], $0x50, s26, s31, $0xb8;
	[tilespmem:$0x1A460] =	vst v63  }
0xb4: {  	p1 =	sne.s32 s25, $0x0;
	s26 =	smov.u32 s30;
	_ =	swait.ge [sflag:s19], $0x5000  }
0xb5: {  	p0 =	sge.s32 s29, s24;
	s0 =	sadd.s32 $0xFFFFFF00, s28;
	[sflag:s19] =	ssyncset.done $0x0  }
0xb6: {  	s3 =	simm.s32 @p0 $0x1;
	[sflag:s19] =	ssyncadd.s32 $0xFFFFB000  }
0xb7: {  	[tilespmem:s21], [sflag:$0x1] =	stream.indirect.gather [hbm4b:s4+s20], $0x50, s0, s20, $0xb8;
	[tilespmem:$0x1A460] =	vst v63  }
0xb8: {  	s0 =	simm.s32 @p0 $0x10460;
	_ =	swait.ge @p0 [sflag:s3], $0x5000  }
0xb9: {  	s31 =	sadd.s32 @p0 $0xFFFFFF00, s30;
	s11 =	simm.s32 @p0 $0x100;
	[sflag:s3] =	ssyncset.done @p0 $0x0  }
0xba: {  	[sflag:s3] =	ssyncadd.s32 @p0 $0xFFFFB000;
	s3 =	simm.s32 @!p0 $0x4  }
0xbb: {  	[spmem:s1] =	stream.indirect.scatter.add.f32 @p0 [tilespmem:s0], [sflag:$0x3], $0x50, s31, s11, $0xb8;
	[tilespmem:$0x1A460] =	vst v63  }
0xbc: {  	_ =	swait.ge @!p0 [sflag:s3], $0x5000  }
0xbd: {  	s31 =	simm.s32 @!p0 $0x100;
	s0 =	simm.s32 @!p0 $0x15460;
	[sflag:s3] =	ssyncset.done @!p0 $0x0  }
0xbe: {  	[sflag:s3] =	ssyncadd.s32 @!p0 $0xFFFFB000;
	s3 =	simm.s32 @!p0 $0x1  }
0xbf: {  	[tilespmem:s0], [sflag:$0x2] =	stream.indirect.gather @!p0 [hbm4b:s4+s31], $0x50, s28, s31, $0xb8;
	[tilespmem:$0x1A460] =	vst v63  }
0xc0: {  	s11 =	simm.s32 @!p0 $0x10460;
	_ =	swait.ge @!p0 [sflag:s3], $0x5000  }
.Ltmp11:
0xc1: {  	s2 =	sadd.s32 @!p0 $0xFFFFFF00, s30;
	[sflag:s3] =	ssyncset.done @!p0 $0x0;
	(pc) =	sbr.rel @p1 .LBB2_13-.Ltmp11, $4  }
0xc2: {  	[sflag:s3] =	ssyncadd.s32 @!p0 $0xFFFFB000;
	s3 =	simm.s32 @!p0 $0x2  }
0xc3: {  	[spmem:s1] =	stream.indirect.scatter.add.f32 @!p0 [tilespmem:s11], [sflag:$0x3], $0x50, s2, s31, $0xb8;
	[tilespmem:$0x1A460] =	vst v63  }
0xc4: {  	_ =	swait.ge @!p0 [sflag:s3], $0x5000  }
0xc5: {  	s29 =	sadd.s32 $0x2, s29;
	s28 =	sadd.s32 $0x200, s28;
	[sflag:s3] =	ssyncset.done @!p0 $0x0  }
.Ltmp12:
0xc6: {  	_ = 	snop;
	(pc) =	sbr.rel .LBB2_14-.Ltmp12, $1  }
0xc7: {  	_ =	sdelay $0x3  }
.LBB2_19:
.Ltmp13:
0xc8: {  	(pc) =	sbr.rel .LBB2_16-.Ltmp13, $3  }
0xc9: {  	_ = 	snop  }
0xca: {  	[bflag:$0x0] =	sbarrier.arrive $0xFFFF  }
0xcb: {  	[bflag:$0x0] =	sbarrier.arrive $0xFFFF;
	_ =	sdelay $0x1  }
.LBB2_18:
0xcc: {  	_ =	sfence.sel $0x180000  }
0xcd: {  	[bflag:$0x0] =	sbarrier.arrive $0xFFFF  }
0xce: {  	_ =	strace $0x9000004A  }
0xcf: {  	s0 =	stileid.u32;
	[bflag:$0x2] =	sbarrier.arrive $0xFFFF  }
0xd0: {  	p0 =	sne.s32 s0, $0x0;
	s0 =	rddreg [dreg:$0x2]  }
0xd1: {  	s0 =	sadd.s32 @!p0 $0x100000, s0  }
0xd2: {  	[sflag:s0] =	ssyncadd.tile.s32 @!p0 $0x1;
	_ =	shalt  }
.Lfunc_end2:
_tile_overlayer_lowered:
.L_overlay_start_2:
0xd3: {  	(tag) =	ssettag $0x2  }
0xd4: {  	s0 =	rddreg [dreg:$0x0];
	s2 =	stileid.u32  }
0xd5: {  	s1 =	rddreg [dreg:$0x1];
	p0 =	sne.s32 s2, $0x0  }
0xd6: {  	s3 =	rddreg [dreg:$0x2];
	[bflag:$0x3] =	sbarrier.arrive $0xFFFF;
	s2 =	simm.s32 @!p0 $0x1C05  }
0xd7: {  	[timem:s3], [sflag:s2] =	dma.local @!p0 [hbm:s0], s1  }
0xd8: {  	s0 =	simm.s32 @!p0 $0x5  }
0xd9: {  	_ =	swait.ge @!p0 [sflag:s0], s1  }
0xda: {  	s1 =	ssub.s32 @!p0 $0x0, s1;
	[sflag:s0] =	ssyncset.done @!p0 $0x0  }
0xdb: {  	[sflag:s0] =	ssyncadd.s32 @!p0 s1  }
0xdc: {  	[bflag:$0x3] =	sbarrier.arrive $0xFFFF  }
0xdd: {  	_ =	shalt  }

// kernel: kernel.22.cloned.1.call-start
scs
__scs_entry_jumppad:
0x0: {  	(pc) =	sbr.rel $0x88, $3  }
0x1: {  	(tag) =	ssettag $0x0;
	lr =	simm.s32 $0x1  }
0x2: {  	[smem:$0x3F8A] =	sst lr;
	_ =	strace $0xD0000000  }
0x3: {  	_ = 	snop  }
0x4: {  	_ = 	snop  }
0x5: {  	_ = 	snop  }
0x6: {  	_ = 	snop  }
0x7: {  	_ = 	snop  }
__scs_overlays_trampoline_lowered:
0x8: {  	[smem:$0x3F99] =	sst s0  }
0x9: {  	[smem:$0x3F9A] =	sst s1  }
0xa: {  	[smem:$0x3F9B] =	sst s2  }
0xb: {  	[smem:$0x3F9C] =	sst s3  }
0xc: {  	[smem:$0x3F9D] =	sst s4  }
0xd: {  	[smem:$0x3F9E] =	sst s5  }
0xe: {  	[smem:$0x3F9F] =	sst s6  }
0xf: {  	[smem:$0x3FA0] =	sst s7  }
0x10: {  	[smem:$0x3FA1] =	sst s8  }
0x11: {  	[smem:$0x3FA2] =	sst s9;
	s0 =	simm.s32 @!p0 $0x0  }
0x12: {  	s1 =	sld [smem:$0x3F88];
	s0 =	simm.s32 @p0 $0x1  }
0x13: {  	[smem:$0x3FA3] =	sst s0;
	s0 =	simm.s32 @!p1 $0x0  }
0x14: {  	s2 =	sld [smem:$0x3F87];
	s0 =	simm.s32 @p1 $0x1  }
0x15: {  	[smem:$0x3FA4] =	sst s0;
	s0 =	simm.s32 @!p2 $0x0  }
0x16: {  	s3 =	sld [smem:$0x3FDB];
	s0 =	simm.s32 @p2 $0x1  }
0x17: {  	s4 =	simm.s32 $0x1BF5;
	[smem:$0x3FA6] =	sst s0  }
0x18: {  	s0 =	sld [smem:$0x3F89];
	_ =	swait.ge [sflag:s4], $0x0  }
0x19: {  	s7 =	sld [smem:$0x3F8A]  }
0x1a: {  	s8 =	sadd.s32 $0xFFFFE003, lr  }
0x1b: {  	s9 =	sadd.s32 $0xFFFFFEF7, lr;
	s5 =	simm.s32 $0xFFFFFFFF;
	p2 =	slt.u32 s8, $0xFFFFF086  }
0x1c: {  	p1 =	slt.u32 s9, $0xF7A;
	s5 =	simm.s32 @!p2 $0x0  }
0x1d: {  	s5 =	simm.s32 @p1 $0x1;
	p0 =	seq.s32 s7, s2  }
0x1e: {  	s7 =	smul.u32 @!p0 $0xF7A, s2;
	p2 =	seq.s32 @!p0 s5, $0x0  }
0x1f: {  	s9 =	smul.u32 $0xF7A, s1;
	s8 =	simm.s32 @!p0 $0x1BF5;
	p2 =	por !p2, p0  }
0x20: {  	[sflag:s8] =	ssyncset.s32 @!p0 $0xFFFFF086;
	s6 =	sadd.s32 @!p0 s3, s7;
	s7 =	simm.s32 @!p0 $0x108  }
0x21: {  	s3 =	sadd.s32 s3, s9;
	s6 =	sadd.s32 @!p0 $0x88, s6;
	s7 =	simm.s32 @p2 $0x1082  }
0x22: {  	[simem:s7], [sflag:s8] =	dma.local @!p0 [hbm:s6], $0xF7A  }
0x23: {  	s9 =	sor.u32 $0xD0000000, s2;
	s6 =	simm.s32 $0x108;
	_ =	swait.ge @!p0 [sflag:s8], $0x0  }
0x24: {  	s3 =	sadd.s32 $0x88, s3;
	s6 =	simm.s32 @!p1 $0x1082;
	[sflag:s4] =	ssyncset.s32 $0xFFFFF086  }
0x25: {  	[simem:s6], [sflag:s4] =	dma.local [hbm:s3], $0xF7A  }
0x26: {  	[smem:$0x3F8A] =	sst s1;
	(tag) =	ssettag s2;
	_ =	strace s9  }
0x27: {  	s1 =	sld [smem:$0x3F9A]  }
0x28: {  	s2 =	sld [smem:$0x3F9B]  }
0x29: {  	s4 =	sld [smem:$0x3F9D]  }
0x2a: {  	p0 =	seq.s32 s5, $0x0;
	s5 =	sld [smem:$0x3F9E]  }
0x2b: {  	s6 =	sld [smem:$0x3F9F]  }
0x2c: {  	s7 =	sld [smem:$0x3FA0]  }
0x2d: {  	s3 =	simm.s32 $0x108;
	s8 =	sld [smem:$0x3FA1]  }
0x2e: {  	s3 =	simm.s32 @!p0 $0x1082;
	s9 =	sld [smem:$0x3FA2]  }
0x2f: {  	lr =	sadd.s32 s0, s3;
	s0 =	sld [smem:$0x3F99]  }
0x30: {  	s3 =	sld [smem:$0x3F9C]  }
0x31: {  	[smem:$0x3FA5] =	sst s10  }
0x32: {  	s10 =	sld [smem:$0x3FA3];
	_ =	sdelay $0x3  }
0x33: {  	p0 =	seq.s32 s10, $0x1;
	s10 =	sld [smem:$0x3FA5];
	_ =	sdelay $0x3  }
0x34: {  	[smem:$0x3FA5] =	sst s10  }
0x35: {  	s10 =	sld [smem:$0x3FA4];
	_ =	sdelay $0x3  }
0x36: {  	p1 =	seq.s32 s10, $0x1;
	s10 =	sld [smem:$0x3FA5];
	_ =	sdelay $0x3  }
0x37: {  	[smem:$0x3FA5] =	sst s10  }
0x38: {  	s10 =	sld [smem:$0x3FA6]  }
0x39: {  	_ = 	snop;
	(pc) =	sbr.ind lr, $3  }
0x3a: {  	_ = 	snop  }
0x3b: {  	_ = 	snop  }
0x3c: {  	p2 =	seq.s32 s10, $0x1;
	s10 =	sld [smem:$0x3FA5]  }
0x3d: {  	_ =	shalt  }
0x3e: {  	_ =	shalt  }
0x3f: {  	_ =	shalt  }
0x40: {  	_ =	shalt  }
0x41: {  	_ =	shalt  }
0x42: {  	_ =	shalt  }
0x43: {  	_ =	shalt  }
0x44: {  	_ =	shalt  }
0x45: {  	_ =	shalt  }
0x46: {  	_ =	shalt  }
0x47: {  	_ =	shalt  }
0x48: {  	_ =	shalt  }
0x49: {  	_ =	shalt  }
0x4a: {  	_ =	shalt  }
0x4b: {  	_ =	shalt  }
0x4c: {  	_ =	shalt  }
0x4d: {  	_ =	shalt  }
0x4e: {  	_ =	shalt  }
0x4f: {  	_ =	shalt  }
0x50: {  	_ =	shalt  }
0x51: {  	_ =	shalt  }
0x52: {  	_ =	shalt  }
0x53: {  	_ =	shalt  }
0x54: {  	_ =	shalt  }
0x55: {  	_ =	shalt  }
0x56: {  	_ =	shalt  }
0x57: {  	_ =	shalt  }
0x58: {  	_ =	shalt  }
0x59: {  	_ =	shalt  }
0x5a: {  	_ =	shalt  }
0x5b: {  	_ =	shalt  }
0x5c: {  	_ =	shalt  }
0x5d: {  	_ =	shalt  }
0x5e: {  	_ =	shalt  }
0x5f: {  	_ =	shalt  }
0x60: {  	_ =	shalt  }
0x61: {  	_ =	shalt  }
0x62: {  	_ =	shalt  }
0x63: {  	_ =	shalt  }
0x64: {  	_ =	shalt  }
0x65: {  	_ =	shalt  }
0x66: {  	_ =	shalt  }
0x67: {  	_ =	shalt  }
0x68: {  	_ =	shalt  }
0x69: {  	_ =	shalt  }
0x6a: {  	_ =	shalt  }
0x6b: {  	_ =	shalt  }
0x6c: {  	_ =	shalt  }
0x6d: {  	_ =	shalt  }
0x6e: {  	_ =	shalt  }
0x6f: {  	_ =	shalt  }
0x70: {  	_ =	shalt  }
0x71: {  	_ =	shalt  }
0x72: {  	_ =	shalt  }
0x73: {  	_ =	shalt  }
0x74: {  	_ =	shalt  }
0x75: {  	_ =	shalt  }
0x76: {  	_ =	shalt  }
0x77: {  	_ =	shalt  }
0x78: {  	_ =	shalt  }
0x79: {  	_ =	shalt  }
0x7a: {  	_ =	shalt  }
0x7b: {  	_ =	shalt  }
0x7c: {  	_ =	shalt  }
0x7d: {  	_ =	shalt  }
0x7e: {  	_ =	shalt  }
0x7f: {  	_ =	shalt  }
0x80: {  	_ =	shalt  }
0x81: {  	_ =	shalt  }
0x82: {  	_ =	shalt  }
0x83: {  	_ =	shalt  }
0x84: {  	_ =	shalt  }
0x85: {  	_ =	shalt  }
0x86: {  	_ =	shalt  }
0x87: {  	_ =	shalt  }
.Lfunc_end0:
.L_simem_size_0:
called_computation.2_lowered:
.L_overlay_start_0:
0x88: {  	s2 =	sld [smem:$0x3FD9]  }
0x89: {  	s3 =	sld [smem:$0x3FFE];
	_ =	sdelay $0x1  }
0x8a: {  	s1 =	srdreg.scid  }
0x8b: {  	s0 =	sand.u32 $0x1, s1  }
0x8c: {  	s16 =	sshll.u32 s0, $0xA;
	s2 =	sadd.s32 s3, s2  }
0x8d: {  	s2 =	sadd.s32 s2, s16  }
0x8e: {  	[smem:$0x3FB1] =	sst s2  }
0x8f: {  	_ = 	snop  }
0x90: {  	(tm) =	ssettm $0x1  }
0x91: {  	s17 =	sld [smem:$0x3FFB];
	_ =	sdelay $0x3  }
0x92: {  	_ =	strace s17  }
0x93: {  	s2 =	sld [smem:$0x3FFC];
	_ =	sdelay $0x3  }
0x94: {  	_ =	strace s2  }
0x95: {  	s2 =	sld [smem:$0x3FFD];
	_ =	sdelay $0x3  }
0x96: {  	_ =	strace s2  }
0x97: {  	_ =	strace $0x8FFFFFFF  }
0x98: {  	s18 =	sld [smem:$0x3FDB];
	_ =	sdelay $0x1  }
0x99: {  	s19 =	simm.s32 $_scs_section_size  }
0x9a: {  	s4 =	simm.s32 $_size__tile_overlayer_lowered;
	s5 =	simm.s32 $_tile_overlayer_lowered  }
0x9b: {  	s22 =	simm.s32 $0x1BFF;
	s21 =	sshll.u32 s5, $0x1;
	s2 =	sadd.s32 s19, s18  }
0x9c: {  	s6 =	simm.s32 $0x0;
	s20 =	sshll.u32 s4, $0x1;
	s4 =	sadd.s32 s21, s2  }
0x9d: {  	[timem:s6], [sflag:s22] =	dma.local [hbm:s4], s20  }
0x9e: {  	_ =	swait.ge [sflag:s22], s20  }
0x9f: {  	s3 =	ssub.s32 $0x0, s20;
	[sflag:s22] =	ssyncset.done $0x0  }
0xa0: {  	[sflag:s22] =	ssyncadd.s32 s3;
	_ =	sdelay $0x1  }
0xa1: {  	s23 =	simm.s32 $0x1B8B  }
0xa2: {  	_ =	swait.ge [sflag:s23], $0x1  }
0xa3: {  	[sflag:s23] =	ssyncset.done $0x0  }
0xa4: {  	s25 =	simm.s32 $0x1B8E;
	s24 =	sld [smem:$0x3FFE];
	[sflag:s23] =	ssyncadd.s32 $0xFFFFFFFF  }
0xa5: {  	s26 =	simm.s32 $execute0_lowered;
	[smem:$0x3FD2] =	sst s25  }
0xa6: {  	s4 =	sshll.u32 s26, $0x1;
	_ =	strace $0x8000004C;
	[dreg:$0x1] =	wrdreg $0xFFFFFFFF  }
0xa7: {  	s28 =	simm.s32 $_size_execute0_lowered;
	s2 =	sadd.s32 s2, s4;
	[dreg:$0x0] =	wrdreg $0x0  }
0xa8: {  	s4 =	sshll.u32 s28, $0x1;
	[dreg:$0x2] =	wrdreg s2  }
0xa9: {  	[dreg:$0x3] =	wrdreg s4  }
0xaa: {  	[dreg:$0x4] =	wrdreg $0xC0  }
0xab: {  	_ =	task [dreg:s6], $0x5FFFF  }
0xac: {  	[dreg:$0x1] =	wrdreg $0xFFFFFFFF  }
0xad: {  	[dreg:$0x0] =	wrdreg $0x60  }
0xae: {  	[dreg:$0x2] =	wrdreg s24  }
0xaf: {  	[dreg:$0x3] =	wrdreg $0x0  }
0xb0: {  	[dreg:$0x4] =	wrdreg $0x9  }
0xb1: {  	_ =	task.clear_ibuf [dreg:s6], $0x5FFFF;
	_ =	strace $0x9000004C  }
0xb2: {  	s29 =	simm.s32 $0x9;
	_ =	strace $0x8000004E  }
0xb3: {  	_ =	swait.ge [sflag:s29], $0x1  }
0xb4: {  	[sflag:s29] =	ssyncadd.s32 $0xFFFFFFFF  }
0xb5: {  	_ =	strace $0x9000004E  }
0xb6: {  	_ =	sfence  }
0xb7: {  	s30 =	sld [smem:$0x0];
	_ =	sdelay $0x2  }
0xb8: {  	s31 =	sshll.u32 s1, $0xD;
	s1 =	sshrl.u32 s1, $0x2  }
0xb9: {  	s3 =	sand.u32 $0x4000, s31;
	s1 =	sadd.s32 s1, s30  }
0xba: {  	s0 =	sor.u32 s3, s0;
	s1 =	sshll.u32 s1, $0x11  }
0xbb: {  	s0 =	sor.u32 s1, s0  }
0xbc: {  	s0 =	sadd.s32 $0x8F2B, s0  }
0xbd: {  	[sflag:s0] =	ssyncadd.remote.s32 $0x1  }
0xbe: {  	_ =	sfence.sel $0xFFFF  }
0xbf: {  	[dreg:$0x0] =	wrdreg $0xFFFFFFFF;
	(pc) =	sbr.abs _section_cstart, $3  }
0xc0: {  	[dreg:$0x1] =	wrdreg $0xFFFFFFFF  }
0xc1: {  	_ =	task.clear_ibuf [dreg:s6], $0x2FFFF;
	_ =	strace $0x9FFFFFFF  }
0xc2: {  	(tm) =	ssettm $0x7FFFFFFF  }
0xc3: {  	_ =	shalt  }
tec
execute0_lowered:
.L_overlay_start_1:
0x0: {  	(tag) =	ssettag $0x1  }
0x1: {  	s0 =	rddreg [dreg:$0x0]  }
0x2: {  	s1 =	rddreg [dreg:$0x1];
	s2 =	simm.s32 $0x0;
	s3 =	srdreg.scid  }
0x3: {  	s12 =	stileid.u32;
	s14 =	simm.s32 $0x5;
	s15 =	simm.s32 $0xA050  }
0x4: {  	s16 =	simm.s32 $0xA850;
	s17 =	simm.s32 $0xB050;
	s18 =	simm.s32 $0xD960  }
0x5: {  	s19 =	simm.s32 $0x3;
	s20 =	simm.s32 $0x100;
	s21 =	simm.s32 $0x10460  }
0x6: {  	[smem:$0x7FF] =	sst s2;
	s4 =	sadd.s32 $0x1CC00, s0;
	s5 =	sand.u32 $0x1, s3  }
0x7: {  	s6 =	sadd.s32 $0x11E600, s0;
	s7 =	sadd.s32 $0x3C00, s0;
	s11 =	smul.u32 $0x28000, s12  }
.Ltmp0:
0x8: {  	s8 =	sadd.s32 $0x237600, s0;
	s3 =	ssub.s32 $0x2, s5;
	(pc) =	sbr.rel .LBB2_1-.Ltmp0, $4  }
0x9: {  	s10 =	sshll.u32 s12, $0x9;
	_ =	strace $0x8000004D;
	s9 =	sshrl.u32 s3, $0x1  }
0xa: {  	s31 =	sshrl.u32 s11, $0x2;
	s30 =	ssub.s32 s3, s9;
	s9 =	smul.u32 $0xC800, s12  }
0xb: {  	s12 =	sshll.u32 s12, $0x6;
	s3 =	sadd.s32 s31, s1;
	s0 =	smax.u32 s30, $0x1  }
0xc: {  	v0 =	vimm.s32 $0x0;
	v1 =	vimm.s32 $0x2000;
	s12 =	sor.u32 $0x1C05, s12;
	s13 =	sshrl.u32 s3, $0x3;
	[dreg:$0x4] =	wrdreg s0  }
.LBB2_17:
0xd: {  	s2 =	rddreg [dreg:$0x3]  }
0xe: {  	s0 =	rddreg [dreg:$0x4];
	s2 =	sadd.s32 $0x1, s2  }
0xf: {  	p0 =	sne.s32 s2, s0  }
.Ltmp1:
0x10: {  	_ = 	snop;
	(pc) =	sbr.rel @!p0 .LBB2_18-.Ltmp1, $1  }
0x11: {  	_ =	sdelay $0x3  }
.LBB2_1:
.Ltmp2:
0x12: {  	(pc) =	sbr.rel .LBB2_2-.Ltmp2, $2  }
0x13: {  	_ =	sdelay $0x2  }
0x14: {  	[dreg:$0x3] =	wrdreg s2;
	s22 =	simm.s32 $0x0  }
.LBB2_14:
0x15: {  	[sflag:s3] =	ssyncadd.s32 @!p0 $0xFFFFB000  }
0x16: {  	[spmem:s1] =	stream.indirect.scatter.add.f32 @!p0 [tilespmem:s0], [sflag:$0x4], $0x50, s26, s31, $0xb8;
	[tilespmem:$0x1A460] =	vst v63  }
.LBB2_15:
0x17: {  	p0 =	slt.s32 s24, $0x1  }
0x18: {  	s0 =	simm.s32 @!p0 $0x3  }
0x19: {  	p1 =	seq.s32 @!p0 s24, $0x1;
	_ =	swait.ge @!p0 [sflag:s0], $0x5000  }
0x1a: {  	p1 =	por p1, p0;
	[sflag:s0] =	ssyncset.done @!p0 $0x0  }
0x1b: {  	[sflag:s0] =	ssyncadd.s32 @!p0 $0xFFFFB000;
	s0 =	simm.s32 @!p1 $0x4  }
0x1c: {  	_ =	swait.ge @!p1 [sflag:s0], $0x5000  }
0x1d: {  	[sflag:s0] =	ssyncset.done @!p1 $0x0  }
0x1e: {  	[sflag:s0] =	ssyncadd.s32 @!p1 $0xFFFFB000  }
0x1f: {  	s31 =	sadd.s32 s8, s23;
	[bflag:$0x0] =	sbarrier.arrive $0xFFFF  }
0x20: {  	[hbm:s31], [sflag:s12] =	dma.local [spmem:s13], $0x1400  }
0x21: {  	_ =	swait.ge [sflag:s14], $0x1400  }
0x22: {  	[sflag:s14] =	ssyncset.done $0x0  }
0x23: {  	[sflag:s14] =	ssyncadd.s32 $0xFFFFEC00  }
.LBB2_16:
0x24: {  	s22 =	sadd.s32 $0x1, s22  }
0x25: {  	p0 =	sne.s32 s22, $0x7  }
.Ltmp3:
0x26: {  	_ = 	snop;
	(pc) =	sbr.rel @!p0 .LBB2_17-.Ltmp3, $2  }
0x27: {  	_ =	sdelay $0x1  }
0x28: {  	[bflag:$0x0] =	sbarrier.arrive $0xFFFF;
	_ =	sdelay $0x1  }
.LBB2_2:
0x29: {  	s0 =	sand.u32 $0x1, s22  }
0x2a: {  	p0 =	sne.s32 s0, s5  }
.Ltmp4:
0x2b: {  	_ = 	snop;
	(pc) =	sbr.rel @p0 .LBB2_19-.Ltmp4, $1  }
0x2c: {  	_ =	sdelay $0x3  }
0x2d: {  	s0 =	sshll.u32 s22, $0xD  }
0x2e: {  	s0 =	sor.u32 s10, s0  }
0x2f: {  	s23 =	smul.u32 $0xA, s0;
	_ =	sdelay $0x1  }
0x30: {  	s0 =	sadd.s32 s4, s23  }
0x31: {  	[spmem:s13], [sflag:s12] =	dma.local [hbm:s0], $0x1400  }
0x32: {  	_ =	swait.ge [sflag:s14], $0x1400  }
0x33: {  	[sflag:s14] =	ssyncset.done $0x0  }
0x34: {  	s3 =	simm.s32 $0x40;
	[sflag:s14] =	ssyncadd.s32 $0xFFFFEC00  }
0x35: {  	s24 =	simm.s32 $0x0;
	s0 =	simm.s32 $0x0;
	[bflag:$0x0] =	sbarrier.arrive $0xFFFF  }
.LBB2_4:
0x36: {  	p0 =	seq.s32 s3, $0xA400;
	[tilespmem:s24+$0xB050] =	vst v0;
	s24 =	smov.u32 s3;
	s3 =	sadd.s32 $0x40, s3  }
.Ltmp5:
0x37: {  	(pc) =	sbr.rel @!p0 .LBB2_4-.Ltmp5, $2  }
0x38: {  	_ =	sdelay $0x2  }
0x39: {  	s24 =	sshra.s32 s24, $0x2  }
0x3a: {  	[tilespmem:s24+$0xB050] =	vst v0;
	s3 =	simm.s32 $0x10;
	s0 =	sand.u32 $0x3FF0, s0  }
.LBB2_6:
0x3b: {  	p0 =	seq.s32 s3, $0x2AF0;
	[tilespmem:s0+$0xD960] =	vst v1;
	s0 =	smov.u32 s3;
	s3 =	sadd.s32 $0x10, s3  }
.Ltmp6:
0x3c: {  	(pc) =	sbr.rel @!p0 .LBB2_6-.Ltmp6, $2  }
0x3d: {  	_ =	sdelay $0x2  }
0x3e: {  	s0 =	sand.u32 $0x3FF0, s0  }
0x3f: {  	[tilespmem:s0+$0xD960] =	vst v1;
	v2 =	vmov s22;
	s24 =	simm.s32 $0x0;
	s26 =	simm.s32 $0x0;
	s25 =	simm.s32 $0x0  }
.LBB2_8:
0x40: {  	s0 =	sshll.u32 s25, $0xB  }
0x41: {  	s0 =	sadd.s32 s9, s0  }
0x42: {  	s0 =	sshrl.u32 s0, $0x3  }
0x43: {  	s3 =	sadd.s32 s6, s0  }
0x44: {  	[tilespmem:s15], [sflag:$0x5] =	stream.linear.gather [hbm4b:s3+s24], $0x800, $0x38;
	[tilespmem:$0x1A460] =	vst v63  }
0x45: {  	_ =	swait.ge [sflag:s14], $0x800  }
0x46: {  	[sflag:s14] =	ssyncset.done $0x0  }
0x47: {  	s0 =	sadd.s32 s7, s0;
	[sflag:s14] =	ssyncadd.s32 $0xFFFFF800  }
0x48: {  	[tilespmem:s16], [sflag:$0x5] =	stream.linear.gather [hbm4b:s0+s24], $0x800, $0x38;
	[tilespmem:$0x1A460] =	vst v63  }
0x49: {  	_ =	swait.ge [sflag:s14], $0x800  }
0x4a: {  	[sflag:s14] =	ssyncset.done $0x0  }
0x4b: {  	s31 =	simm.s32 $0x0;
	[sflag:s14] =	ssyncadd.s32 $0xFFFFF800  }
0x4c: {  	v3 =	vld [tilespmem:s31+$0xA850];
	_ =	sdelay $0x4  }
0x4d: {  	v4 =	vshra.s32 v3, $0xD  }
0x4e: {  	vm0 =	veq.s32 v4, v2  }
0x4f: {  	v4 =	vsel vm0, $0x1, v0  }
0x50: {  	(xrf0) =	vadd.scan.msk.s32 $0xffff, v4;
	_ =	sdelay $0x4  }
0x51: {  	v63 =	vsel vm0, $0xFFFFFFFF, v0  }
0x52: {  	v4 =	vadd.s32 s26, v63;
	v5, _, _ =	vpop (xrf0)  }
0x53: {  	v6 =	vld [tilespmem:s31+$0xA050];
	v4 =	vadd.s32 v5, v4;
	(v2sf) =	vpush v5, $0xF;
	_ =	sdelay $0x4  }
0x54: {  	v3 =	vand.u32 $0x1FFF, v3;
	[tilespmem:v4+s17+$0x0] =	vst.idx.msk vm0, v6  }
0x55: {  	s28 =	simm.s32 $0x80;
	s0 =	simm.s32 $0x10;
	[tilespmem:v4+s18+$0x0] =	vst.idx.msk vm0, v3  }
.LBB2_9:
0x56: {  	p0 =	sne.s32 s28, $0x1FC0;
	v3 =	vld [tilespmem:s0+$0xA850];
	_ =	sdelay $0x4  }
0x57: {  	v4 =	vshra.s32 v3, $0xD;
	v3 =	vand.u32 $0x1FFF, v3  }
0x58: {  	vm0 =	veq.s32 v4, v2  }
0x59: {  	v4 =	vsel vm0, $0xFFFFFFFF, v0;
	v5 =	vsel vm0, $0x1, v0  }
0x5a: {  	(xrf0) =	vadd.scan.msk.s32 $0xffff, v5;
	s3 =	spop (v2sf)  }
0x5b: {  	s26 =	sadd.s32 s26, s3  }
0x5c: {  	p1 =	slt.s32 s26, $0x2800  }
0x5d: {  	s26 =	simm.s32 @!p1 $0x2800  }
0x5e: {  	v4 =	vadd.s32 s26, v4;
	_ =	sdelay $0x1  }
0x5f: {  	v5, _, _ =	vpop (xrf0)  }
0x60: {  	v6 =	vld [tilespmem:s0+$0xA050];
	v4 =	vadd.s32 v5, v4;
	(v2sf) =	vpush v5, $0xF;
	_ =	sdelay $0x1  }
.Ltmp7:
0x61: {  	(pc) =	sbr.rel @p0 .LBB2_9-.Ltmp7, $3  }
0x62: {  	_ =	sdelay $0x1  }
0x63: {  	[tilespmem:v4+s17+$0x0] =	vst.idx.msk vm0, v6  }
0x64: {  	s0 =	sshra.s32 s28, $0x2;
	s28 =	sadd.s32 $0x40, s28;
	[tilespmem:v4+s18+$0x0] =	vst.idx.msk vm0, v3  }
0x65: {  	v3 =	vld [tilespmem:s0+$0xA850];
	_ =	sdelay $0x4  }
0x66: {  	v4 =	vshra.s32 v3, $0xD  }
0x67: {  	vm0 =	veq.s32 v4, v2  }
0x68: {  	v4 =	vsel vm0, $0x1, v0  }
0x69: {  	(xrf0) =	vadd.scan.msk.s32 $0xffff, v4;
	_ =	sdelay $0x5  }
0x6a: {  	v4, _, _ =	vpop (xrf0)  }
0x6b: {  	(v2sf) =	vpush v4, $0xF;
	_ =	sdelay $0x6  }
0x6c: {  	s3 =	spop (v2sf)  }
0x6d: {  	s3 =	sadd.s32 s26, s3  }
0x6e: {  	p0 =	slt.s32 s3, $0x2800  }
0x6f: {  	v5 =	vsel vm0, $0xFFFFFFFF, v0;
	s3 =	simm.s32 @!p0 $0x2800  }
0x70: {  	v5 =	vadd.s32 s3, v5  }
0x71: {  	v6 =	vld [tilespmem:s0+$0xA050];
	s25 =	sadd.s32 $0x1, s25;
	v4 =	vadd.s32 v4, v5  }
0x72: {  	p1 =	sne.s32 s25, $0x19  }
.Ltmp8:
0x73: {  	_ = 	snop;
	(pc) =	sbr.rel @p1 .LBB2_8-.Ltmp8, $4  }
0x74: {  	s31 =	spop (v2sf)  }
0x75: {  	s0 =	sadd.s32 s3, s31  }
0x76: {  	v3 =	vand.u32 $0x1FFF, v3;
	[tilespmem:v4+s17+$0x0] =	vst.idx.msk vm0, v6;
	p0 =	slt.s32 s0, $0x2800;
	s26 =	smov.u32 s0  }
0x77: {  	[tilespmem:v4+s18+$0x0] =	vst.idx.msk vm0, v3;
	s26 =	simm.s32 @!p0 $0x2800  }
0x78: {  	s3 =	sadd.s32 $0xFF, s26  }
0x79: {  	s24 =	sand.u32 $0xFF, s3  }
0x7a: {  	p0 =	slt.s32 s0, $0xFFFFFF02;
	s25 =	sshra.s32 s3, $0x1F;
	p1 =	sne.s32 s24, $0x0  }
0x7b: {  	s29 =	sshrl.u32 s25, $0x18;
	p0 =	por !p0, !p1  }
0x7c: {  	s0 =	sadd.s32 s29, s3;
	s3 =	simm.s32 $0x1;
	p0 =	por !p0, !p0  }
0x7d: {  	s0 =	sshra.s32 s0, $0x8;
	s3 =	simm.s32 @!p0 $0x0  }
0x7e: {  	s24 =	ssub.s32 s0, s3  }
0x7f: {  	s0 =	sadd.s32 $0x1, s24  }
0x80: {  	s30 =	sand.u32 $0x1, s0  }
0x81: {  	p5 =	slt.s32 s24, $0x0;
	p6 =	seq.s32 s30, $0x1  }
0x82: {  	s31 =	sshrl.u32 s0, $0x1F;
	p0 =	por !p5, !p6  }
0x83: {  	s3 =	simm.s32 $0x1;
	s0 =	sadd.s32 s31, s0;
	p1 =	por !p0, !p0  }
0x84: {  	s25 =	sshra.s32 s0, $0x1;
	s3 =	simm.s32 @!p1 $0x0  }
0x85: {  	s0 =	ssub.s32 s25, s3  }
0x86: {  	p0 =	slt.s32 s0, $0x1  }
0x87: {  	p2 =	sgt.s32 @!p0 s24, $0x1  }
0x88: {  	s3 =	simm.s32 @!p0 $0x100;
	s26 =	simm.s32 @!p0 $0xB050;
	s28 =	simm.s32 @!p0 $0x10460  }
0x89: {  	[tilespmem:s28], [sflag:$0x1] =	stream.indirect.gather @!p0 [hbm4b:s4+s3], $0x50, s26, s3, $0xb8;
	[tilespmem:$0x1A460] =	vst v63  }
0x8a: {  	p3 =	por !p2, p0  }
0x8b: {  	s3 =	simm.s32 @!p3 $0x100;
	s26 =	simm.s32 @!p3 $0xB150;
	s28 =	simm.s32 @!p3 $0x15460  }
0x8c: {  	[tilespmem:s28], [sflag:$0x2] =	stream.indirect.gather @!p3 [hbm4b:s4+s3], $0x50, s26, s3, $0xb8;
	[tilespmem:$0x1A460] =	vst v63  }
0x8d: {  	s26 =	simm.s32 @!p3 $0x1  }
0x8e: {  	_ =	swait.ge @!p3 [sflag:s26], $0x5000  }
0x8f: {  	[sflag:s26] =	ssyncset.done @!p3 $0x0  }
0x90: {  	s29 =	simm.s32 @!p3 $0x10460;
	[sflag:s26] =	ssyncadd.s32 @!p3 $0xFFFFB000;
	s26 =	simm.s32 @!p3 $0xD960  }
0x91: {  	[spmem:s1] =	stream.indirect.scatter.add.f32 @!p3 [tilespmem:s29], [sflag:$0x3], $0x50, s26, s3, $0xb8;
	[tilespmem:$0x1A460] =	vst v63  }
0x92: {  	s26 =	simm.s32 @!p3 $0x2  }
0x93: {  	_ =	swait.ge @!p3 [sflag:s26], $0x5000  }
0x94: {  	[sflag:s26] =	ssyncset.done @!p3 $0x0  }
0x95: {  	p2 =	por p2, p0;
	[sflag:s26] =	ssyncadd.s32 @!p3 $0xFFFFB000;
	s26 =	simm.s32 @!p3 $0xDA60  }
0x96: {  	[spmem:s1] =	stream.indirect.scatter.add.f32 @!p3 [tilespmem:s28], [sflag:$0x4], $0x50, s26, s3, $0xb8;
	[tilespmem:$0x1A460] =	vst v63  }
0x97: {  	s3 =	simm.s32 @!p2 $0x1  }
0x98: {  	_ =	swait.ge @!p2 [sflag:s3], $0x5000  }
0x99: {  	s26 =	simm.s32 @!p2 $0xD960;
	[sflag:s3] =	ssyncset.done @!p2 $0x0  }
0x9a: {  	s28 =	simm.s32 @!p2 $0x10460;
	[sflag:s3] =	ssyncadd.s32 @!p2 $0xFFFFB000;
	s3 =	simm.s32 @!p2 $0x100  }
0x9b: {  	[spmem:s1] =	stream.indirect.scatter.add.f32 @!p2 [tilespmem:s28], [sflag:$0x3], $0x50, s26, s3, $0xb8;
	[tilespmem:$0x1A460] =	vst v63  }
0x9c: {  	p2 =	seq.s32 @!p0 s0, $0x1  }
0x9d: {  	p0 =	por p0, p2  }
.Ltmp9:
0x9e: {  	_ = 	snop;
	(pc) =	sbr.rel @p0 .LBB2_15-.Ltmp9, $1  }
0x9f: {  	_ =	sdelay $0x3  }
0xa0: {  	_ =	swait.ge [sflag:s19], $0x5000  }
0xa1: {  	p0 =	sle.s32 s24, $0x3;
	s0 =	simm.s32 $0xB250;
	[sflag:s19] =	ssyncset.done $0x0  }
0xa2: {  	s26 =	simm.s32 $0xFFFFFFFF;
	s3 =	simm.s32 @p0 $0x1;
	[sflag:s19] =	ssyncadd.s32 $0xFFFFB000  }
0xa3: {  	[tilespmem:s21], [sflag:$0x1] =	stream.indirect.gather [hbm4b:s4+s20], $0x50, s0, s20, $0xb8;
	[tilespmem:$0x1A460] =	vst v63  }
0xa4: {  	s28 =	simm.s32 @p0 $0xDB60;
	s26 =	simm.s32 @!p1 $0x0;
	_ =	swait.ge @p0 [sflag:s3], $0x5000  }
0xa5: {  	s29 =	simm.s32 @p0 $0x100;
	s25 =	sadd.s32 s26, s25;
	[sflag:s3] =	ssyncset.done @p0 $0x0  }
0xa6: {  	s0 =	simm.s32 @p0 $0x10460;
	[sflag:s3] =	ssyncadd.s32 @p0 $0xFFFFB000;
	s3 =	simm.s32 @!p0 $0x4  }
0xa7: {  	[spmem:s1] =	stream.indirect.scatter.add.f32 @p0 [tilespmem:s0], [sflag:$0x3], $0x50, s28, s29, $0xb8;
	[tilespmem:$0x1A460] =	vst v63  }
0xa8: {  	s31 =	simm.s32 @!p0 $0x100;
	s25 =	sadd.s32 $0xFFFFFFFF, s25;
	_ =	swait.ge @!p0 [sflag:s3], $0x5000  }
0xa9: {  	s25 =	sadd.s32 $0xFFFFFFFF, s25;
	s28 =	simm.s32 $0xB350;
	[sflag:s3] =	ssyncset.done @!p0 $0x0  }
0xaa: {  	s0 =	simm.s32 @!p0 $0x15460;
	[sflag:s3] =	ssyncadd.s32 @!p0 $0xFFFFB000;
	s3 =	simm.s32 @!p0 $0x1  }
0xab: {  	[tilespmem:s0], [sflag:$0x2] =	stream.indirect.gather @!p0 [hbm4b:s4+s31], $0x50, s28, s31, $0xb8;
	[tilespmem:$0x1A460] =	vst v63  }
0xac: {  	p1 =	sne.s32 s25, $0x0;
	_ =	swait.ge @!p0 [sflag:s3], $0x5000  }
.Ltmp10:
0xad: {  	s26 =	simm.s32 @!p0 $0x10460;
	[sflag:s3] =	ssyncset.done @!p0 $0x0;
	(pc) =	sbr.rel @!p1 .LBB2_14-.Ltmp10, $4  }
0xae: {  	s28 =	simm.s32 @!p0 $0xDB60;
	[sflag:s3] =	ssyncadd.s32 @!p0 $0xFFFFB000;
	s3 =	simm.s32 @!p0 $0x2  }
0xaf: {  	[spmem:s1] =	stream.indirect.scatter.add.f32 @!p0 [tilespmem:s26], [sflag:$0x3], $0x50, s28, s31, $0xb8;
	[tilespmem:$0x1A460] =	vst v63  }
0xb0: {  	s30 =	simm.s32 $0xDC60;
	s29 =	simm.s32 $0x5;
	_ =	swait.ge @!p0 [sflag:s3], $0x5000  }
0xb1: {  	s26 =	simm.s32 $0xDC60;
	s28 =	simm.s32 $0xB550;
	[sflag:s3] =	ssyncset.done @!p0 $0x0  }
.LBB2_13:
0xb2: {  	s25 =	sadd.s32 $0xFFFFFFFF, s25;
	[sflag:s3] =	ssyncadd.s32 @!p0 $0xFFFFB000;
	s30 =	sadd.s32 $0x200, s30  }
0xb3: {  	[spmem:s1] =	stream.indirect.scatter.add.f32 @!p0 [tilespmem:s0], [sflag:$0x4], $0x50, s26, s31, $0xb8;
	[tilespmem:$0x1A460] =	vst v63  }
0xb4: {  	p1 =	sne.s32 s25, $0x0;
	s26 =	smov.u32 s30;
	_ =	swait.ge [sflag:s19], $0x5000  }
0xb5: {  	p0 =	sge.s32 s29, s24;
	s0 =	sadd.s32 $0xFFFFFF00, s28;
	[sflag:s19] =	ssyncset.done $0x0  }
0xb6: {  	s3 =	simm.s32 @p0 $0x1;
	[sflag:s19] =	ssyncadd.s32 $0xFFFFB000  }
0xb7: {  	[tilespmem:s21], [sflag:$0x1] =	stream.indirect.gather [hbm4b:s4+s20], $0x50, s0, s20, $0xb8;
	[tilespmem:$0x1A460] =	vst v63  }
0xb8: {  	s0 =	simm.s32 @p0 $0x10460;
	_ =	swait.ge @p0 [sflag:s3], $0x5000  }
0xb9: {  	s31 =	sadd.s32 @p0 $0xFFFFFF00, s30;
	s11 =	simm.s32 @p0 $0x100;
	[sflag:s3] =	ssyncset.done @p0 $0x0  }
0xba: {  	[sflag:s3] =	ssyncadd.s32 @p0 $0xFFFFB000;
	s3 =	simm.s32 @!p0 $0x4  }
0xbb: {  	[spmem:s1] =	stream.indirect.scatter.add.f32 @p0 [tilespmem:s0], [sflag:$0x3], $0x50, s31, s11, $0xb8;
	[tilespmem:$0x1A460] =	vst v63  }
0xbc: {  	_ =	swait.ge @!p0 [sflag:s3], $0x5000  }
0xbd: {  	s31 =	simm.s32 @!p0 $0x100;
	s0 =	simm.s32 @!p0 $0x15460;
	[sflag:s3] =	ssyncset.done @!p0 $0x0  }
0xbe: {  	[sflag:s3] =	ssyncadd.s32 @!p0 $0xFFFFB000;
	s3 =	simm.s32 @!p0 $0x1  }
0xbf: {  	[tilespmem:s0], [sflag:$0x2] =	stream.indirect.gather @!p0 [hbm4b:s4+s31], $0x50, s28, s31, $0xb8;
	[tilespmem:$0x1A460] =	vst v63  }
0xc0: {  	s11 =	simm.s32 @!p0 $0x10460;
	_ =	swait.ge @!p0 [sflag:s3], $0x5000  }
.Ltmp11:
0xc1: {  	s2 =	sadd.s32 @!p0 $0xFFFFFF00, s30;
	[sflag:s3] =	ssyncset.done @!p0 $0x0;
	(pc) =	sbr.rel @p1 .LBB2_13-.Ltmp11, $4  }
0xc2: {  	[sflag:s3] =	ssyncadd.s32 @!p0 $0xFFFFB000;
	s3 =	simm.s32 @!p0 $0x2  }
0xc3: {  	[spmem:s1] =	stream.indirect.scatter.add.f32 @!p0 [tilespmem:s11], [sflag:$0x3], $0x50, s2, s31, $0xb8;
	[tilespmem:$0x1A460] =	vst v63  }
0xc4: {  	_ =	swait.ge @!p0 [sflag:s3], $0x5000  }
0xc5: {  	s29 =	sadd.s32 $0x2, s29;
	s28 =	sadd.s32 $0x200, s28;
	[sflag:s3] =	ssyncset.done @!p0 $0x0  }
.Ltmp12:
0xc6: {  	_ = 	snop;
	(pc) =	sbr.rel .LBB2_14-.Ltmp12, $1  }
0xc7: {  	_ =	sdelay $0x3  }
.LBB2_19:
.Ltmp13:
0xc8: {  	(pc) =	sbr.rel .LBB2_16-.Ltmp13, $3  }
0xc9: {  	_ = 	snop  }
0xca: {  	[bflag:$0x0] =	sbarrier.arrive $0xFFFF  }
0xcb: {  	[bflag:$0x0] =	sbarrier.arrive $0xFFFF;
	_ =	sdelay $0x1  }
.LBB2_18:
0xcc: {  	_ =	sfence.sel $0x180000  }
0xcd: {  	[bflag:$0x0] =	sbarrier.arrive $0xFFFF  }
0xce: {  	_ =	strace $0x9000004D  }
0xcf: {  	s0 =	stileid.u32;
	[bflag:$0x2] =	sbarrier.arrive $0xFFFF  }
0xd0: {  	p0 =	sne.s32 s0, $0x0;
	s0 =	rddreg [dreg:$0x2]  }
0xd1: {  	s0 =	sadd.s32 @!p0 $0x100000, s0  }
0xd2: {  	[sflag:s0] =	ssyncadd.tile.s32 @!p0 $0x1;
	_ =	shalt  }
.Lfunc_end2:
_tile_overlayer_lowered:
.L_overlay_start_2:
0xd3: {  	(tag) =	ssettag $0x2  }
0xd4: {  	s0 =	rddreg [dreg:$0x0];
	s2 =	stileid.u32  }
0xd5: {  	s1 =	rddreg [dreg:$0x1];
	p0 =	sne.s32 s2, $0x0  }
0xd6: {  	s3 =	rddreg [dreg:$0x2];
	[bflag:$0x3] =	sbarrier.arrive $0xFFFF;
	s2 =	simm.s32 @!p0 $0x1C05  }
0xd7: {  	[timem:s3], [sflag:s2] =	dma.local @!p0 [hbm:s0], s1  }
0xd8: {  	s0 =	simm.s32 @!p0 $0x5  }
0xd9: {  	_ =	swait.ge @!p0 [sflag:s0], s1  }
0xda: {  	s1 =	ssub.s32 @!p0 $0x0, s1;
	[sflag:s0] =	ssyncset.done @!p0 $0x0  }
0xdb: {  	[sflag:s0] =	ssyncadd.s32 @!p0 s1  }
0xdc: {  	[bflag:$0x3] =	sbarrier.arrive $0xFFFF  }
0xdd: {  	_ =	shalt  }

// kernel: kernel.25.cloned.1.call-start
scs
__scs_entry_jumppad:
0x0: {  	(pc) =	sbr.rel $0x88, $3  }
0x1: {  	(tag) =	ssettag $0x0;
	lr =	simm.s32 $0x1  }
0x2: {  	[smem:$0x3F8A] =	sst lr;
	_ =	strace $0xD0000000  }
0x3: {  	_ = 	snop  }
0x4: {  	_ = 	snop  }
0x5: {  	_ = 	snop  }
0x6: {  	_ = 	snop  }
0x7: {  	_ = 	snop  }
__scs_overlays_trampoline_lowered:
0x8: {  	[smem:$0x3F99] =	sst s0  }
0x9: {  	[smem:$0x3F9A] =	sst s1  }
0xa: {  	[smem:$0x3F9B] =	sst s2  }
0xb: {  	[smem:$0x3F9C] =	sst s3  }
0xc: {  	[smem:$0x3F9D] =	sst s4  }
0xd: {  	[smem:$0x3F9E] =	sst s5  }
0xe: {  	[smem:$0x3F9F] =	sst s6  }
0xf: {  	[smem:$0x3FA0] =	sst s7  }
0x10: {  	[smem:$0x3FA1] =	sst s8  }
0x11: {  	[smem:$0x3FA2] =	sst s9;
	s0 =	simm.s32 @!p0 $0x0  }
0x12: {  	s1 =	sld [smem:$0x3F88];
	s0 =	simm.s32 @p0 $0x1  }
0x13: {  	[smem:$0x3FA3] =	sst s0;
	s0 =	simm.s32 @!p1 $0x0  }
0x14: {  	s2 =	sld [smem:$0x3F87];
	s0 =	simm.s32 @p1 $0x1  }
0x15: {  	[smem:$0x3FA4] =	sst s0;
	s0 =	simm.s32 @!p2 $0x0  }
0x16: {  	s3 =	sld [smem:$0x3FDB];
	s0 =	simm.s32 @p2 $0x1  }
0x17: {  	s4 =	simm.s32 $0x1BF5;
	[smem:$0x3FA6] =	sst s0  }
0x18: {  	s0 =	sld [smem:$0x3F89];
	_ =	swait.ge [sflag:s4], $0x0  }
0x19: {  	s7 =	sld [smem:$0x3F8A]  }
0x1a: {  	s8 =	sadd.s32 $0xFFFFE003, lr  }
0x1b: {  	s9 =	sadd.s32 $0xFFFFFEF7, lr;
	s5 =	simm.s32 $0xFFFFFFFF;
	p2 =	slt.u32 s8, $0xFFFFF086  }
0x1c: {  	p1 =	slt.u32 s9, $0xF7A;
	s5 =	simm.s32 @!p2 $0x0  }
0x1d: {  	s5 =	simm.s32 @p1 $0x1;
	p0 =	seq.s32 s7, s2  }
0x1e: {  	s7 =	smul.u32 @!p0 $0xF7A, s2;
	p2 =	seq.s32 @!p0 s5, $0x0  }
0x1f: {  	s9 =	smul.u32 $0xF7A, s1;
	s8 =	simm.s32 @!p0 $0x1BF5;
	p2 =	por !p2, p0  }
0x20: {  	[sflag:s8] =	ssyncset.s32 @!p0 $0xFFFFF086;
	s6 =	sadd.s32 @!p0 s3, s7;
	s7 =	simm.s32 @!p0 $0x108  }
0x21: {  	s3 =	sadd.s32 s3, s9;
	s6 =	sadd.s32 @!p0 $0x88, s6;
	s7 =	simm.s32 @p2 $0x1082  }
0x22: {  	[simem:s7], [sflag:s8] =	dma.local @!p0 [hbm:s6], $0xF7A  }
0x23: {  	s9 =	sor.u32 $0xD0000000, s2;
	s6 =	simm.s32 $0x108;
	_ =	swait.ge @!p0 [sflag:s8], $0x0  }
0x24: {  	s3 =	sadd.s32 $0x88, s3;
	s6 =	simm.s32 @!p1 $0x1082;
	[sflag:s4] =	ssyncset.s32 $0xFFFFF086  }
0x25: {  	[simem:s6], [sflag:s4] =	dma.local [hbm:s3], $0xF7A  }
0x26: {  	[smem:$0x3F8A] =	sst s1;
	(tag) =	ssettag s2;
	_ =	strace s9  }
0x27: {  	s1 =	sld [smem:$0x3F9A]  }
0x28: {  	s2 =	sld [smem:$0x3F9B]  }
0x29: {  	s4 =	sld [smem:$0x3F9D]  }
0x2a: {  	p0 =	seq.s32 s5, $0x0;
	s5 =	sld [smem:$0x3F9E]  }
0x2b: {  	s6 =	sld [smem:$0x3F9F]  }
0x2c: {  	s7 =	sld [smem:$0x3FA0]  }
0x2d: {  	s3 =	simm.s32 $0x108;
	s8 =	sld [smem:$0x3FA1]  }
0x2e: {  	s3 =	simm.s32 @!p0 $0x1082;
	s9 =	sld [smem:$0x3FA2]  }
0x2f: {  	lr =	sadd.s32 s0, s3;
	s0 =	sld [smem:$0x3F99]  }
0x30: {  	s3 =	sld [smem:$0x3F9C]  }
0x31: {  	[smem:$0x3FA5] =	sst s10  }
0x32: {  	s10 =	sld [smem:$0x3FA3];
	_ =	sdelay $0x3  }
0x33: {  	p0 =	seq.s32 s10, $0x1;
	s10 =	sld [smem:$0x3FA5];
	_ =	sdelay $0x3  }
0x34: {  	[smem:$0x3FA5] =	sst s10  }
0x35: {  	s10 =	sld [smem:$0x3FA4];
	_ =	sdelay $0x3  }
0x36: {  	p1 =	seq.s32 s10, $0x1;
	s10 =	sld [smem:$0x3FA5];
	_ =	sdelay $0x3  }
0x37: {  	[smem:$0x3FA5] =	sst s10  }
0x38: {  	s10 =	sld [smem:$0x3FA6]  }
0x39: {  	_ = 	snop;
	(pc) =	sbr.ind lr, $3  }
0x3a: {  	_ = 	snop  }
0x3b: {  	_ = 	snop  }
0x3c: {  	p2 =	seq.s32 s10, $0x1;
	s10 =	sld [smem:$0x3FA5]  }
0x3d: {  	_ =	shalt  }
0x3e: {  	_ =	shalt  }
0x3f: {  	_ =	shalt  }
0x40: {  	_ =	shalt  }
0x41: {  	_ =	shalt  }
0x42: {  	_ =	shalt  }
0x43: {  	_ =	shalt  }
0x44: {  	_ =	shalt  }
0x45: {  	_ =	shalt  }
0x46: {  	_ =	shalt  }
0x47: {  	_ =	shalt  }
0x48: {  	_ =	shalt  }
0x49: {  	_ =	shalt  }
0x4a: {  	_ =	shalt  }
0x4b: {  	_ =	shalt  }
0x4c: {  	_ =	shalt  }
0x4d: {  	_ =	shalt  }
0x4e: {  	_ =	shalt  }
0x4f: {  	_ =	shalt  }
0x50: {  	_ =	shalt  }
0x51: {  	_ =	shalt  }
0x52: {  	_ =	shalt  }
0x53: {  	_ =	shalt  }
0x54: {  	_ =	shalt  }
0x55: {  	_ =	shalt  }
0x56: {  	_ =	shalt  }
0x57: {  	_ =	shalt  }
0x58: {  	_ =	shalt  }
0x59: {  	_ =	shalt  }
0x5a: {  	_ =	shalt  }
0x5b: {  	_ =	shalt  }
0x5c: {  	_ =	shalt  }
0x5d: {  	_ =	shalt  }
0x5e: {  	_ =	shalt  }
0x5f: {  	_ =	shalt  }
0x60: {  	_ =	shalt  }
0x61: {  	_ =	shalt  }
0x62: {  	_ =	shalt  }
0x63: {  	_ =	shalt  }
0x64: {  	_ =	shalt  }
0x65: {  	_ =	shalt  }
0x66: {  	_ =	shalt  }
0x67: {  	_ =	shalt  }
0x68: {  	_ =	shalt  }
0x69: {  	_ =	shalt  }
0x6a: {  	_ =	shalt  }
0x6b: {  	_ =	shalt  }
0x6c: {  	_ =	shalt  }
0x6d: {  	_ =	shalt  }
0x6e: {  	_ =	shalt  }
0x6f: {  	_ =	shalt  }
0x70: {  	_ =	shalt  }
0x71: {  	_ =	shalt  }
0x72: {  	_ =	shalt  }
0x73: {  	_ =	shalt  }
0x74: {  	_ =	shalt  }
0x75: {  	_ =	shalt  }
0x76: {  	_ =	shalt  }
0x77: {  	_ =	shalt  }
0x78: {  	_ =	shalt  }
0x79: {  	_ =	shalt  }
0x7a: {  	_ =	shalt  }
0x7b: {  	_ =	shalt  }
0x7c: {  	_ =	shalt  }
0x7d: {  	_ =	shalt  }
0x7e: {  	_ =	shalt  }
0x7f: {  	_ =	shalt  }
0x80: {  	_ =	shalt  }
0x81: {  	_ =	shalt  }
0x82: {  	_ =	shalt  }
0x83: {  	_ =	shalt  }
0x84: {  	_ =	shalt  }
0x85: {  	_ =	shalt  }
0x86: {  	_ =	shalt  }
0x87: {  	_ =	shalt  }
.Lfunc_end0:
.L_simem_size_0:
called_computation.3_lowered:
.L_overlay_start_0:
0x88: {  	s2 =	sld [smem:$0x3FD9]  }
0x89: {  	s3 =	sld [smem:$0x3FFE];
	_ =	sdelay $0x1  }
0x8a: {  	s1 =	srdreg.scid  }
0x8b: {  	s0 =	sand.u32 $0x1, s1  }
0x8c: {  	s16 =	sshll.u32 s0, $0xA;
	s2 =	sadd.s32 s3, s2  }
0x8d: {  	s2 =	sadd.s32 s2, s16  }
0x8e: {  	[smem:$0x3FB1] =	sst s2  }
0x8f: {  	_ = 	snop  }
0x90: {  	(tm) =	ssettm $0x1  }
0x91: {  	s17 =	sld [smem:$0x3FFB];
	_ =	sdelay $0x3  }
0x92: {  	_ =	strace s17  }
0x93: {  	s2 =	sld [smem:$0x3FFC];
	_ =	sdelay $0x3  }
0x94: {  	_ =	strace s2  }
0x95: {  	s2 =	sld [smem:$0x3FFD];
	_ =	sdelay $0x3  }
0x96: {  	_ =	strace s2  }
0x97: {  	_ =	strace $0x8FFFFFFF  }
0x98: {  	s18 =	sld [smem:$0x3FDB];
	_ =	sdelay $0x1  }
0x99: {  	s19 =	simm.s32 $_scs_section_size  }
0x9a: {  	s4 =	simm.s32 $_size__tile_overlayer_lowered;
	s5 =	simm.s32 $_tile_overlayer_lowered  }
0x9b: {  	s22 =	simm.s32 $0x1BFF;
	s21 =	sshll.u32 s5, $0x1;
	s2 =	sadd.s32 s19, s18  }
0x9c: {  	s6 =	simm.s32 $0x0;
	s20 =	sshll.u32 s4, $0x1;
	s4 =	sadd.s32 s21, s2  }
0x9d: {  	[timem:s6], [sflag:s22] =	dma.local [hbm:s4], s20  }
0x9e: {  	_ =	swait.ge [sflag:s22], s20  }
0x9f: {  	s3 =	ssub.s32 $0x0, s20;
	[sflag:s22] =	ssyncset.done $0x0  }
0xa0: {  	[sflag:s22] =	ssyncadd.s32 s3;
	_ =	sdelay $0x1  }
0xa1: {  	s23 =	simm.s32 $0x1B8B  }
0xa2: {  	_ =	swait.ge [sflag:s23], $0x1  }
0xa3: {  	[sflag:s23] =	ssyncset.done $0x0  }
0xa4: {  	s25 =	simm.s32 $0x1B8E;
	s24 =	sld [smem:$0x3FFE];
	[sflag:s23] =	ssyncadd.s32 $0xFFFFFFFF  }
0xa5: {  	s26 =	simm.s32 $execute0_lowered;
	[smem:$0x3FD2] =	sst s25  }
0xa6: {  	s4 =	sshll.u32 s26, $0x1;
	_ =	strace $0x8000004F;
	[dreg:$0x1] =	wrdreg $0xFFFFFFFF  }
0xa7: {  	s28 =	simm.s32 $_size_execute0_lowered;
	s2 =	sadd.s32 s2, s4;
	[dreg:$0x0] =	wrdreg $0x0  }
0xa8: {  	s4 =	sshll.u32 s28, $0x1;
	[dreg:$0x2] =	wrdreg s2  }
0xa9: {  	[dreg:$0x3] =	wrdreg s4  }
0xaa: {  	[dreg:$0x4] =	wrdreg $0xC0  }
0xab: {  	_ =	task [dreg:s6], $0x5FFFF  }
0xac: {  	[dreg:$0x1] =	wrdreg $0xFFFFFFFF  }
0xad: {  	[dreg:$0x0] =	wrdreg $0x60  }
0xae: {  	[dreg:$0x2] =	wrdreg s24  }
0xaf: {  	[dreg:$0x3] =	wrdreg $0x0  }
0xb0: {  	[dreg:$0x4] =	wrdreg $0x9  }
0xb1: {  	_ =	task.clear_ibuf [dreg:s6], $0x5FFFF;
	_ =	strace $0x9000004F  }
0xb2: {  	s29 =	simm.s32 $0x9;
	_ =	strace $0x80000051  }
0xb3: {  	_ =	swait.ge [sflag:s29], $0x1  }
0xb4: {  	[sflag:s29] =	ssyncadd.s32 $0xFFFFFFFF  }
0xb5: {  	_ =	strace $0x90000051  }
0xb6: {  	_ =	sfence  }
0xb7: {  	s30 =	sld [smem:$0x0];
	_ =	sdelay $0x2  }
0xb8: {  	s31 =	sshll.u32 s1, $0xD;
	s1 =	sshrl.u32 s1, $0x2  }
0xb9: {  	s3 =	sand.u32 $0x4000, s31;
	s1 =	sadd.s32 s1, s30  }
0xba: {  	s0 =	sor.u32 s3, s0;
	s1 =	sshll.u32 s1, $0x11  }
0xbb: {  	s0 =	sor.u32 s1, s0  }
0xbc: {  	s0 =	sadd.s32 $0x8F2B, s0  }
0xbd: {  	[sflag:s0] =	ssyncadd.remote.s32 $0x1  }
0xbe: {  	_ =	sfence.sel $0xFFFF  }
0xbf: {  	[dreg:$0x0] =	wrdreg $0xFFFFFFFF;
	(pc) =	sbr.abs _section_cstart, $3  }
0xc0: {  	[dreg:$0x1] =	wrdreg $0xFFFFFFFF  }
0xc1: {  	_ =	task.clear_ibuf [dreg:s6], $0x2FFFF;
	_ =	strace $0x9FFFFFFF  }
0xc2: {  	(tm) =	ssettm $0x7FFFFFFF  }
0xc3: {  	_ =	shalt  }
tec
execute0_lowered:
.L_overlay_start_1:
0x0: {  	(tag) =	ssettag $0x1  }
0x1: {  	s0 =	rddreg [dreg:$0x0]  }
0x2: {  	s1 =	rddreg [dreg:$0x1];
	s2 =	simm.s32 $0x0;
	s3 =	srdreg.scid  }
0x3: {  	s12 =	stileid.u32;
	s14 =	simm.s32 $0x5;
	s15 =	simm.s32 $0xA0A0  }
0x4: {  	s16 =	simm.s32 $0xA8A0;
	s17 =	simm.s32 $0xB0A0;
	s18 =	simm.s32 $0xC930  }
0x5: {  	s19 =	simm.s32 $0x3;
	s20 =	simm.s32 $0x80;
	s21 =	simm.s32 $0xE2B0  }
0x6: {  	[smem:$0x7FF] =	sst s2;
	s4 =	sadd.s32 $0x437600, s0;
	s5 =	sand.u32 $0x1, s3  }
0x7: {  	s6 =	sadd.s32 $0x11E600, s0;
	s7 =	sadd.s32 $0x3C00, s0;
	s11 =	smul.u32 $0x28000, s12  }
.Ltmp0:
0x8: {  	s8 =	sadd.s32 $0x237600, s0;
	s3 =	ssub.s32 $0x2, s5;
	(pc) =	sbr.rel .LBB2_1-.Ltmp0, $4  }
0x9: {  	s10 =	sshll.u32 s12, $0x8;
	_ =	strace $0x80000050;
	s9 =	sshrl.u32 s3, $0x1  }
0xa: {  	s31 =	sshrl.u32 s11, $0x2;
	s30 =	ssub.s32 s3, s9;
	s9 =	smul.u32 $0xC800, s12  }
0xb: {  	s12 =	sshll.u32 s12, $0x6;
	s3 =	sadd.s32 s31, s1;
	s0 =	smax.u32 s30, $0x1  }
0xc: {  	v0 =	vimm.s32 $0x0;
	v1 =	vimm.s32 $0x1000;
	s12 =	sor.u32 $0x1C05, s12;
	s13 =	sshrl.u32 s3, $0x3;
	[dreg:$0x4] =	wrdreg s0  }
.LBB2_17:
0xd: {  	s2 =	rddreg [dreg:$0x3]  }
0xe: {  	s0 =	rddreg [dreg:$0x4];
	s2 =	sadd.s32 $0x1, s2  }
0xf: {  	p0 =	sne.s32 s2, s0  }
.Ltmp1:
0x10: {  	_ = 	snop;
	(pc) =	sbr.rel @!p0 .LBB2_18-.Ltmp1, $1  }
0x11: {  	_ =	sdelay $0x3  }
.LBB2_1:
.Ltmp2:
0x12: {  	(pc) =	sbr.rel .LBB2_2-.Ltmp2, $2  }
0x13: {  	_ =	sdelay $0x2  }
0x14: {  	[dreg:$0x3] =	wrdreg s2;
	s22 =	simm.s32 $0x0  }
.LBB2_14:
0x15: {  	[sflag:s3] =	ssyncadd.s32 @!p0 $0xFFFFB000  }
0x16: {  	[spmem:s1] =	stream.indirect.scatter.add.f32 @!p0 [tilespmem:s0], [sflag:$0x4], $0xA0, s26, s31, $0xb8;
	[tilespmem:$0x182B0] =	vst v63  }
.LBB2_15:
0x17: {  	p0 =	slt.s32 s24, $0x1  }
0x18: {  	s0 =	simm.s32 @!p0 $0x3  }
0x19: {  	p1 =	seq.s32 @!p0 s24, $0x1;
	_ =	swait.ge @!p0 [sflag:s0], $0x5000  }
0x1a: {  	p1 =	por p1, p0;
	[sflag:s0] =	ssyncset.done @!p0 $0x0  }
0x1b: {  	[sflag:s0] =	ssyncadd.s32 @!p0 $0xFFFFB000;
	s0 =	simm.s32 @!p1 $0x4  }
0x1c: {  	_ =	swait.ge @!p1 [sflag:s0], $0x5000  }
0x1d: {  	[sflag:s0] =	ssyncset.done @!p1 $0x0  }
0x1e: {  	[sflag:s0] =	ssyncadd.s32 @!p1 $0xFFFFB000  }
0x1f: {  	s31 =	sadd.s32 s8, s23;
	[bflag:$0x0] =	sbarrier.arrive $0xFFFF  }
0x20: {  	[hbm:s31], [sflag:s12] =	dma.local [spmem:s13], $0x1400  }
0x21: {  	_ =	swait.ge [sflag:s14], $0x1400  }
0x22: {  	[sflag:s14] =	ssyncset.done $0x0  }
0x23: {  	[sflag:s14] =	ssyncadd.s32 $0xFFFFEC00  }
.LBB2_16:
0x24: {  	s22 =	sadd.s32 $0x1, s22  }
0x25: {  	p0 =	sne.s32 s22, $0xD  }
.Ltmp3:
0x26: {  	_ = 	snop;
	(pc) =	sbr.rel @!p0 .LBB2_17-.Ltmp3, $2  }
0x27: {  	_ =	sdelay $0x1  }
0x28: {  	[bflag:$0x0] =	sbarrier.arrive $0xFFFF;
	_ =	sdelay $0x1  }
.LBB2_2:
0x29: {  	s0 =	sand.u32 $0x1, s22  }
0x2a: {  	p0 =	sne.s32 s0, s5  }
.Ltmp4:
0x2b: {  	_ = 	snop;
	(pc) =	sbr.rel @p0 .LBB2_19-.Ltmp4, $1  }
0x2c: {  	_ =	sdelay $0x3  }
0x2d: {  	s0 =	sshll.u32 s22, $0xC  }
0x2e: {  	s0 =	sor.u32 s10, s0  }
0x2f: {  	s23 =	smul.u32 $0x14, s0;
	_ =	sdelay $0x1  }
0x30: {  	s0 =	sadd.s32 s4, s23  }
0x31: {  	[spmem:s13], [sflag:s12] =	dma.local [hbm:s0], $0x1400  }
0x32: {  	_ =	swait.ge [sflag:s14], $0x1400  }
0x33: {  	[sflag:s14] =	ssyncset.done $0x0  }
0x34: {  	s3 =	simm.s32 $0x40;
	[sflag:s14] =	ssyncadd.s32 $0xFFFFEC00  }
0x35: {  	s24 =	simm.s32 $0x0;
	s0 =	simm.s32 $0x0;
	[bflag:$0x0] =	sbarrier.arrive $0xFFFF  }
.LBB2_4:
0x36: {  	p0 =	seq.s32 s3, $0x6200;
	[tilespmem:s24+$0xB0A0] =	vst v0;
	s24 =	smov.u32 s3;
	s3 =	sadd.s32 $0x40, s3  }
.Ltmp5:
0x37: {  	(pc) =	sbr.rel @!p0 .LBB2_4-.Ltmp5, $2  }
0x38: {  	_ =	sdelay $0x2  }
0x39: {  	s24 =	sshra.s32 s24, $0x2  }
0x3a: {  	[tilespmem:s24+$0xB0A0] =	vst v0;
	s3 =	simm.s32 $0x10;
	s0 =	sand.u32 $0x1FF0, s0  }
.LBB2_6:
0x3b: {  	p0 =	seq.s32 s3, $0x1970;
	[tilespmem:s0+$0xC930] =	vst v1;
	s0 =	smov.u32 s3;
	s3 =	sadd.s32 $0x10, s3  }
.Ltmp6:
0x3c: {  	(pc) =	sbr.rel @!p0 .LBB2_6-.Ltmp6, $2  }
0x3d: {  	_ =	sdelay $0x2  }
0x3e: {  	s0 =	sand.u32 $0x1FF0, s0  }
0x3f: {  	[tilespmem:s0+$0xC930] =	vst v1;
	v2 =	vmov s22;
	s24 =	simm.s32 $0x0;
	s26 =	simm.s32 $0x0;
	s25 =	simm.s32 $0x0  }
.LBB2_8:
0x40: {  	s0 =	sshll.u32 s25, $0xB  }
0x41: {  	s0 =	sadd.s32 s9, s0  }
0x42: {  	s0 =	sshrl.u32 s0, $0x3  }
0x43: {  	s3 =	sadd.s32 s6, s0  }
0x44: {  	[tilespmem:s15], [sflag:$0x5] =	stream.linear.gather [hbm4b:s3+s24], $0x800, $0x38;
	[tilespmem:$0x182B0] =	vst v63  }
0x45: {  	_ =	swait.ge [sflag:s14], $0x800  }
0x46: {  	[sflag:s14] =	ssyncset.done $0x0  }
0x47: {  	s0 =	sadd.s32 s7, s0;
	[sflag:s14] =	ssyncadd.s32 $0xFFFFF800  }
0x48: {  	[tilespmem:s16], [sflag:$0x5] =	stream.linear.gather [hbm4b:s0+s24], $0x800, $0x38;
	[tilespmem:$0x182B0] =	vst v63  }
0x49: {  	_ =	swait.ge [sflag:s14], $0x800  }
0x4a: {  	[sflag:s14] =	ssyncset.done $0x0  }
0x4b: {  	s31 =	simm.s32 $0x0;
	[sflag:s14] =	ssyncadd.s32 $0xFFFFF800  }
0x4c: {  	v3 =	vld [tilespmem:s31+$0xA8A0];
	_ =	sdelay $0x4  }
0x4d: {  	v4 =	vshra.s32 v3, $0xC  }
0x4e: {  	vm0 =	veq.s32 v4, v2  }
0x4f: {  	v4 =	vsel vm0, $0x1, v0  }
0x50: {  	(xrf0) =	vadd.scan.msk.s32 $0xffff, v4;
	_ =	sdelay $0x4  }
0x51: {  	v63 =	vsel vm0, $0xFFFFFFFF, v0  }
0x52: {  	v4 =	vadd.s32 s26, v63;
	v5, _, _ =	vpop (xrf0)  }
0x53: {  	v6 =	vld [tilespmem:s31+$0xA0A0];
	v4 =	vadd.s32 v5, v4;
	(v2sf) =	vpush v5, $0xF;
	_ =	sdelay $0x4  }
0x54: {  	v3 =	vand.u32 $0xFFF, v3;
	[tilespmem:v4+s17+$0x0] =	vst.idx.msk vm0, v6  }
0x55: {  	s28 =	simm.s32 $0x80;
	s0 =	simm.s32 $0x10;
	[tilespmem:v4+s18+$0x0] =	vst.idx.msk vm0, v3  }
.LBB2_9:
0x56: {  	p0 =	sne.s32 s28, $0x1FC0;
	v3 =	vld [tilespmem:s0+$0xA8A0];
	_ =	sdelay $0x4  }
0x57: {  	v4 =	vshra.s32 v3, $0xC;
	v3 =	vand.u32 $0xFFF, v3  }
0x58: {  	vm0 =	veq.s32 v4, v2  }
0x59: {  	v4 =	vsel vm0, $0xFFFFFFFF, v0;
	v5 =	vsel vm0, $0x1, v0  }
0x5a: {  	(xrf0) =	vadd.scan.msk.s32 $0xffff, v5;
	s3 =	spop (v2sf)  }
0x5b: {  	s26 =	sadd.s32 s26, s3  }
0x5c: {  	p1 =	slt.s32 s26, $0x1800  }
0x5d: {  	s26 =	simm.s32 @!p1 $0x1800  }
0x5e: {  	v4 =	vadd.s32 s26, v4;
	_ =	sdelay $0x1  }
0x5f: {  	v5, _, _ =	vpop (xrf0)  }
0x60: {  	v6 =	vld [tilespmem:s0+$0xA0A0];
	v4 =	vadd.s32 v5, v4;
	(v2sf) =	vpush v5, $0xF;
	_ =	sdelay $0x1  }
.Ltmp7:
0x61: {  	(pc) =	sbr.rel @p0 .LBB2_9-.Ltmp7, $3  }
0x62: {  	_ =	sdelay $0x1  }
0x63: {  	[tilespmem:v4+s17+$0x0] =	vst.idx.msk vm0, v6  }
0x64: {  	s0 =	sshra.s32 s28, $0x2;
	s28 =	sadd.s32 $0x40, s28;
	[tilespmem:v4+s18+$0x0] =	vst.idx.msk vm0, v3  }
0x65: {  	v3 =	vld [tilespmem:s0+$0xA8A0];
	_ =	sdelay $0x4  }
0x66: {  	v4 =	vshra.s32 v3, $0xC  }
0x67: {  	vm0 =	veq.s32 v4, v2  }
0x68: {  	v4 =	vsel vm0, $0x1, v0  }
0x69: {  	(xrf0) =	vadd.scan.msk.s32 $0xffff, v4;
	_ =	sdelay $0x5  }
0x6a: {  	v4, _, _ =	vpop (xrf0)  }
0x6b: {  	(v2sf) =	vpush v4, $0xF;
	_ =	sdelay $0x6  }
0x6c: {  	s3 =	spop (v2sf)  }
0x6d: {  	s3 =	sadd.s32 s26, s3  }
0x6e: {  	p0 =	slt.s32 s3, $0x1800  }
0x6f: {  	v5 =	vsel vm0, $0xFFFFFFFF, v0;
	s3 =	simm.s32 @!p0 $0x1800  }
0x70: {  	v5 =	vadd.s32 s3, v5  }
0x71: {  	v6 =	vld [tilespmem:s0+$0xA0A0];
	s25 =	sadd.s32 $0x1, s25;
	v4 =	vadd.s32 v4, v5  }
0x72: {  	p1 =	sne.s32 s25, $0x19  }
.Ltmp8:
0x73: {  	_ = 	snop;
	(pc) =	sbr.rel @p1 .LBB2_8-.Ltmp8, $4  }
0x74: {  	s31 =	spop (v2sf)  }
0x75: {  	s0 =	sadd.s32 s3, s31  }
0x76: {  	v3 =	vand.u32 $0xFFF, v3;
	[tilespmem:v4+s17+$0x0] =	vst.idx.msk vm0, v6;
	p0 =	slt.s32 s0, $0x1800;
	s26 =	smov.u32 s0  }
0x77: {  	[tilespmem:v4+s18+$0x0] =	vst.idx.msk vm0, v3;
	s26 =	simm.s32 @!p0 $0x1800  }
0x78: {  	s3 =	sadd.s32 $0x7F, s26  }
0x79: {  	s24 =	sand.u32 $0x7F, s3  }
0x7a: {  	p0 =	slt.s32 s0, $0xFFFFFF82;
	s25 =	sshra.s32 s3, $0x1F;
	p1 =	sne.s32 s24, $0x0  }
0x7b: {  	s29 =	sshrl.u32 s25, $0x19;
	p0 =	por !p0, !p1  }
0x7c: {  	s0 =	sadd.s32 s29, s3;
	s3 =	simm.s32 $0x1;
	p0 =	por !p0, !p0  }
0x7d: {  	s0 =	sshra.s32 s0, $0x7;
	s3 =	simm.s32 @!p0 $0x0  }
0x7e: {  	s24 =	ssub.s32 s0, s3  }
0x7f: {  	s0 =	sadd.s32 $0x1, s24  }
0x80: {  	s30 =	sand.u32 $0x1, s0  }
0x81: {  	p5 =	slt.s32 s24, $0x0;
	p6 =	seq.s32 s30, $0x1  }
0x82: {  	s31 =	sshrl.u32 s0, $0x1F;
	p0 =	por !p5, !p6  }
0x83: {  	s3 =	simm.s32 $0x1;
	s0 =	sadd.s32 s31, s0;
	p1 =	por !p0, !p0  }
0x84: {  	s25 =	sshra.s32 s0, $0x1;
	s3 =	simm.s32 @!p1 $0x0  }
0x85: {  	s0 =	ssub.s32 s25, s3  }
0x86: {  	p0 =	slt.s32 s0, $0x1  }
0x87: {  	p2 =	sgt.s32 @!p0 s24, $0x1  }
0x88: {  	s3 =	simm.s32 @!p0 $0x80;
	s26 =	simm.s32 @!p0 $0xB0A0;
	s28 =	simm.s32 @!p0 $0xE2B0  }
0x89: {  	[tilespmem:s28], [sflag:$0x1] =	stream.indirect.gather @!p0 [hbm4b:s4+s3], $0xA0, s26, s3, $0xb8;
	[tilespmem:$0x182B0] =	vst v63  }
0x8a: {  	p3 =	por !p2, p0  }
0x8b: {  	s3 =	simm.s32 @!p3 $0x80;
	s26 =	simm.s32 @!p3 $0xB120;
	s28 =	simm.s32 @!p3 $0x132B0  }
0x8c: {  	[tilespmem:s28], [sflag:$0x2] =	stream.indirect.gather @!p3 [hbm4b:s4+s3], $0xA0, s26, s3, $0xb8;
	[tilespmem:$0x182B0] =	vst v63  }
0x8d: {  	s26 =	simm.s32 @!p3 $0x1  }
0x8e: {  	_ =	swait.ge @!p3 [sflag:s26], $0x5000  }
0x8f: {  	[sflag:s26] =	ssyncset.done @!p3 $0x0  }
0x90: {  	s29 =	simm.s32 @!p3 $0xE2B0;
	[sflag:s26] =	ssyncadd.s32 @!p3 $0xFFFFB000;
	s26 =	simm.s32 @!p3 $0xC930  }
0x91: {  	[spmem:s1] =	stream.indirect.scatter.add.f32 @!p3 [tilespmem:s29], [sflag:$0x3], $0xA0, s26, s3, $0xb8;
	[tilespmem:$0x182B0] =	vst v63  }
0x92: {  	s26 =	simm.s32 @!p3 $0x2  }
0x93: {  	_ =	swait.ge @!p3 [sflag:s26], $0x5000  }
0x94: {  	[sflag:s26] =	ssyncset.done @!p3 $0x0  }
0x95: {  	p2 =	por p2, p0;
	[sflag:s26] =	ssyncadd.s32 @!p3 $0xFFFFB000;
	s26 =	simm.s32 @!p3 $0xC9B0  }
0x96: {  	[spmem:s1] =	stream.indirect.scatter.add.f32 @!p3 [tilespmem:s28], [sflag:$0x4], $0xA0, s26, s3, $0xb8;
	[tilespmem:$0x182B0] =	vst v63  }
0x97: {  	s3 =	simm.s32 @!p2 $0x1  }
0x98: {  	_ =	swait.ge @!p2 [sflag:s3], $0x5000  }
0x99: {  	s26 =	simm.s32 @!p2 $0xC930;
	[sflag:s3] =	ssyncset.done @!p2 $0x0  }
0x9a: {  	s28 =	simm.s32 @!p2 $0xE2B0;
	[sflag:s3] =	ssyncadd.s32 @!p2 $0xFFFFB000;
	s3 =	simm.s32 @!p2 $0x80  }
0x9b: {  	[spmem:s1] =	stream.indirect.scatter.add.f32 @!p2 [tilespmem:s28], [sflag:$0x3], $0xA0, s26, s3, $0xb8;
	[tilespmem:$0x182B0] =	vst v63  }
0x9c: {  	p2 =	seq.s32 @!p0 s0, $0x1  }
0x9d: {  	p0 =	por p0, p2  }
.Ltmp9:
0x9e: {  	_ = 	snop;
	(pc) =	sbr.rel @p0 .LBB2_15-.Ltmp9, $1  }
0x9f: {  	_ =	sdelay $0x3  }
0xa0: {  	_ =	swait.ge [sflag:s19], $0x5000  }
0xa1: {  	p0 =	sle.s32 s24, $0x3;
	s0 =	simm.s32 $0xB1A0;
	[sflag:s19] =	ssyncset.done $0x0  }
0xa2: {  	s26 =	simm.s32 $0xFFFFFFFF;
	s3 =	simm.s32 @p0 $0x1;
	[sflag:s19] =	ssyncadd.s32 $0xFFFFB000  }
0xa3: {  	[tilespmem:s21], [sflag:$0x1] =	stream.indirect.gather [hbm4b:s4+s20], $0xA0, s0, s20, $0xb8;
	[tilespmem:$0x182B0] =	vst v63  }
0xa4: {  	s28 =	simm.s32 @p0 $0xCA30;
	s26 =	simm.s32 @!p1 $0x0;
	_ =	swait.ge @p0 [sflag:s3], $0x5000  }
0xa5: {  	s29 =	simm.s32 @p0 $0x80;
	s25 =	sadd.s32 s26, s25;
	[sflag:s3] =	ssyncset.done @p0 $0x0  }
0xa6: {  	s0 =	simm.s32 @p0 $0xE2B0;
	[sflag:s3] =	ssyncadd.s32 @p0 $0xFFFFB000;
	s3 =	simm.s32 @!p0 $0x4  }
0xa7: {  	[spmem:s1] =	stream.indirect.scatter.add.f32 @p0 [tilespmem:s0], [sflag:$0x3], $0xA0, s28, s29, $0xb8;
	[tilespmem:$0x182B0] =	vst v63  }
0xa8: {  	s31 =	simm.s32 @!p0 $0x80;
	s25 =	sadd.s32 $0xFFFFFFFF, s25;
	_ =	swait.ge @!p0 [sflag:s3], $0x5000  }
0xa9: {  	s25 =	sadd.s32 $0xFFFFFFFF, s25;
	s28 =	simm.s32 $0xB220;
	[sflag:s3] =	ssyncset.done @!p0 $0x0  }
0xaa: {  	s0 =	simm.s32 @!p0 $0x132B0;
	[sflag:s3] =	ssyncadd.s32 @!p0 $0xFFFFB000;
	s3 =	simm.s32 @!p0 $0x1  }
0xab: {  	[tilespmem:s0], [sflag:$0x2] =	stream.indirect.gather @!p0 [hbm4b:s4+s31], $0xA0, s28, s31, $0xb8;
	[tilespmem:$0x182B0] =	vst v63  }
0xac: {  	p1 =	sne.s32 s25, $0x0;
	_ =	swait.ge @!p0 [sflag:s3], $0x5000  }
.Ltmp10:
0xad: {  	s26 =	simm.s32 @!p0 $0xE2B0;
	[sflag:s3] =	ssyncset.done @!p0 $0x0;
	(pc) =	sbr.rel @!p1 .LBB2_14-.Ltmp10, $4  }
0xae: {  	s28 =	simm.s32 @!p0 $0xCA30;
	[sflag:s3] =	ssyncadd.s32 @!p0 $0xFFFFB000;
	s3 =	simm.s32 @!p0 $0x2  }
0xaf: {  	[spmem:s1] =	stream.indirect.scatter.add.f32 @!p0 [tilespmem:s26], [sflag:$0x3], $0xA0, s28, s31, $0xb8;
	[tilespmem:$0x182B0] =	vst v63  }
0xb0: {  	s30 =	simm.s32 $0xCAB0;
	s29 =	simm.s32 $0x5;
	_ =	swait.ge @!p0 [sflag:s3], $0x5000  }
0xb1: {  	s26 =	simm.s32 $0xCAB0;
	s28 =	simm.s32 $0xB320;
	[sflag:s3] =	ssyncset.done @!p0 $0x0  }
.LBB2_13:
0xb2: {  	s25 =	sadd.s32 $0xFFFFFFFF, s25;
	[sflag:s3] =	ssyncadd.s32 @!p0 $0xFFFFB000;
	s30 =	sadd.s32 $0x100, s30  }
0xb3: {  	[spmem:s1] =	stream.indirect.scatter.add.f32 @!p0 [tilespmem:s0], [sflag:$0x4], $0xA0, s26, s31, $0xb8;
	[tilespmem:$0x182B0] =	vst v63  }
0xb4: {  	p1 =	sne.s32 s25, $0x0;
	s26 =	smov.u32 s30;
	_ =	swait.ge [sflag:s19], $0x5000  }
0xb5: {  	p0 =	sge.s32 s29, s24;
	s0 =	sadd.s32 $0xFFFFFF80, s28;
	[sflag:s19] =	ssyncset.done $0x0  }
0xb6: {  	s3 =	simm.s32 @p0 $0x1;
	[sflag:s19] =	ssyncadd.s32 $0xFFFFB000  }
0xb7: {  	[tilespmem:s21], [sflag:$0x1] =	stream.indirect.gather [hbm4b:s4+s20], $0xA0, s0, s20, $0xb8;
	[tilespmem:$0x182B0] =	vst v63  }
0xb8: {  	s0 =	simm.s32 @p0 $0xE2B0;
	_ =	swait.ge @p0 [sflag:s3], $0x5000  }
0xb9: {  	s31 =	sadd.s32 @p0 $0xFFFFFF80, s30;
	s11 =	simm.s32 @p0 $0x80;
	[sflag:s3] =	ssyncset.done @p0 $0x0  }
0xba: {  	[sflag:s3] =	ssyncadd.s32 @p0 $0xFFFFB000;
	s3 =	simm.s32 @!p0 $0x4  }
0xbb: {  	[spmem:s1] =	stream.indirect.scatter.add.f32 @p0 [tilespmem:s0], [sflag:$0x3], $0xA0, s31, s11, $0xb8;
	[tilespmem:$0x182B0] =	vst v63  }
0xbc: {  	_ =	swait.ge @!p0 [sflag:s3], $0x5000  }
0xbd: {  	s31 =	simm.s32 @!p0 $0x80;
	s0 =	simm.s32 @!p0 $0x132B0;
	[sflag:s3] =	ssyncset.done @!p0 $0x0  }
0xbe: {  	[sflag:s3] =	ssyncadd.s32 @!p0 $0xFFFFB000;
	s3 =	simm.s32 @!p0 $0x1  }
0xbf: {  	[tilespmem:s0], [sflag:$0x2] =	stream.indirect.gather @!p0 [hbm4b:s4+s31], $0xA0, s28, s31, $0xb8;
	[tilespmem:$0x182B0] =	vst v63  }
0xc0: {  	s11 =	simm.s32 @!p0 $0xE2B0;
	_ =	swait.ge @!p0 [sflag:s3], $0x5000  }
.Ltmp11:
0xc1: {  	s2 =	sadd.s32 @!p0 $0xFFFFFF80, s30;
	[sflag:s3] =	ssyncset.done @!p0 $0x0;
	(pc) =	sbr.rel @p1 .LBB2_13-.Ltmp11, $4  }
0xc2: {  	[sflag:s3] =	ssyncadd.s32 @!p0 $0xFFFFB000;
	s3 =	simm.s32 @!p0 $0x2  }
0xc3: {  	[spmem:s1] =	stream.indirect.scatter.add.f32 @!p0 [tilespmem:s11], [sflag:$0x3], $0xA0, s2, s31, $0xb8;
	[tilespmem:$0x182B0] =	vst v63  }
0xc4: {  	_ =	swait.ge @!p0 [sflag:s3], $0x5000  }
0xc5: {  	s29 =	sadd.s32 $0x2, s29;
	s28 =	sadd.s32 $0x100, s28;
	[sflag:s3] =	ssyncset.done @!p0 $0x0  }
.Ltmp12:
0xc6: {  	_ = 	snop;
	(pc) =	sbr.rel .LBB2_14-.Ltmp12, $1  }
0xc7: {  	_ =	sdelay $0x3  }
.LBB2_19:
.Ltmp13:
0xc8: {  	(pc) =	sbr.rel .LBB2_16-.Ltmp13, $3  }
0xc9: {  	_ = 	snop  }
0xca: {  	[bflag:$0x0] =	sbarrier.arrive $0xFFFF  }
0xcb: {  	[bflag:$0x0] =	sbarrier.arrive $0xFFFF;
	_ =	sdelay $0x1  }
.LBB2_18:
0xcc: {  	_ =	sfence.sel $0x180000  }
0xcd: {  	[bflag:$0x0] =	sbarrier.arrive $0xFFFF  }
0xce: {  	_ =	strace $0x90000050  }
0xcf: {  	s0 =	stileid.u32;
	[bflag:$0x2] =	sbarrier.arrive $0xFFFF  }
0xd0: {  	p0 =	sne.s32 s0, $0x0;
	s0 =	rddreg [dreg:$0x2]  }
0xd1: {  	s0 =	sadd.s32 @!p0 $0x100000, s0  }
0xd2: {  	[sflag:s0] =	ssyncadd.tile.s32 @!p0 $0x1;
	_ =	shalt  }
.Lfunc_end2:
_tile_overlayer_lowered:
.L_overlay_start_2:
0xd3: {  	(tag) =	ssettag $0x2  }
0xd4: {  	s0 =	rddreg [dreg:$0x0];
	s2 =	stileid.u32  }
0xd5: {  	s1 =	rddreg [dreg:$0x1];
	p0 =	sne.s32 s2, $0x0  }
0xd6: {  	s3 =	rddreg [dreg:$0x2];
	[bflag:$0x3] =	sbarrier.arrive $0xFFFF;
	s2 =	simm.s32 @!p0 $0x1C05  }
0xd7: {  	[timem:s3], [sflag:s2] =	dma.local @!p0 [hbm:s0], s1  }
0xd8: {  	s0 =	simm.s32 @!p0 $0x5  }
0xd9: {  	_ =	swait.ge @!p0 [sflag:s0], s1  }
0xda: {  	s1 =	ssub.s32 @!p0 $0x0, s1;
	[sflag:s0] =	ssyncset.done @!p0 $0x0  }
0xdb: {  	[sflag:s0] =	ssyncadd.s32 @!p0 s1  }
0xdc: {  	[bflag:$0x3] =	sbarrier.arrive $0xFFFF  }
0xdd: {  	_ =	shalt  }

// kernel: kernel.28.cloned.1.call-start
scs
__scs_entry_jumppad:
0x0: {  	(pc) =	sbr.rel $0x88, $3  }
0x1: {  	(tag) =	ssettag $0x0;
	lr =	simm.s32 $0x1  }
0x2: {  	[smem:$0x3F8A] =	sst lr;
	_ =	strace $0xD0000000  }
0x3: {  	_ = 	snop  }
0x4: {  	_ = 	snop  }
0x5: {  	_ = 	snop  }
0x6: {  	_ = 	snop  }
0x7: {  	_ = 	snop  }
__scs_overlays_trampoline_lowered:
0x8: {  	[smem:$0x3F99] =	sst s0  }
0x9: {  	[smem:$0x3F9A] =	sst s1  }
0xa: {  	[smem:$0x3F9B] =	sst s2  }
0xb: {  	[smem:$0x3F9C] =	sst s3  }
0xc: {  	[smem:$0x3F9D] =	sst s4  }
0xd: {  	[smem:$0x3F9E] =	sst s5  }
0xe: {  	[smem:$0x3F9F] =	sst s6  }
0xf: {  	[smem:$0x3FA0] =	sst s7  }
0x10: {  	[smem:$0x3FA1] =	sst s8  }
0x11: {  	[smem:$0x3FA2] =	sst s9;
	s0 =	simm.s32 @!p0 $0x0  }
0x12: {  	s1 =	sld [smem:$0x3F88];
	s0 =	simm.s32 @p0 $0x1  }
0x13: {  	[smem:$0x3FA3] =	sst s0;
	s0 =	simm.s32 @!p1 $0x0  }
0x14: {  	s2 =	sld [smem:$0x3F87];
	s0 =	simm.s32 @p1 $0x1  }
0x15: {  	[smem:$0x3FA4] =	sst s0;
	s0 =	simm.s32 @!p2 $0x0  }
0x16: {  	s3 =	sld [smem:$0x3FDB];
	s0 =	simm.s32 @p2 $0x1  }
0x17: {  	s4 =	simm.s32 $0x1BF5;
	[smem:$0x3FA6] =	sst s0  }
0x18: {  	s0 =	sld [smem:$0x3F89];
	_ =	swait.ge [sflag:s4], $0x0  }
0x19: {  	s7 =	sld [smem:$0x3F8A]  }
0x1a: {  	s8 =	sadd.s32 $0xFFFFE003, lr  }
0x1b: {  	s9 =	sadd.s32 $0xFFFFFEF7, lr;
	s5 =	simm.s32 $0xFFFFFFFF;
	p2 =	slt.u32 s8, $0xFFFFF086  }
0x1c: {  	p1 =	slt.u32 s9, $0xF7A;
	s5 =	simm.s32 @!p2 $0x0  }
0x1d: {  	s5 =	simm.s32 @p1 $0x1;
	p0 =	seq.s32 s7, s2  }
0x1e: {  	s7 =	smul.u32 @!p0 $0xF7A, s2;
	p2 =	seq.s32 @!p0 s5, $0x0  }
0x1f: {  	s9 =	smul.u32 $0xF7A, s1;
	s8 =	simm.s32 @!p0 $0x1BF5;
	p2 =	por !p2, p0  }
0x20: {  	[sflag:s8] =	ssyncset.s32 @!p0 $0xFFFFF086;
	s6 =	sadd.s32 @!p0 s3, s7;
	s7 =	simm.s32 @!p0 $0x108  }
0x21: {  	s3 =	sadd.s32 s3, s9;
	s6 =	sadd.s32 @!p0 $0x88, s6;
	s7 =	simm.s32 @p2 $0x1082  }
0x22: {  	[simem:s7], [sflag:s8] =	dma.local @!p0 [hbm:s6], $0xF7A  }
0x23: {  	s9 =	sor.u32 $0xD0000000, s2;
	s6 =	simm.s32 $0x108;
	_ =	swait.ge @!p0 [sflag:s8], $0x0  }
0x24: {  	s3 =	sadd.s32 $0x88, s3;
	s6 =	simm.s32 @!p1 $0x1082;
	[sflag:s4] =	ssyncset.s32 $0xFFFFF086  }
0x25: {  	[simem:s6], [sflag:s4] =	dma.local [hbm:s3], $0xF7A  }
0x26: {  	[smem:$0x3F8A] =	sst s1;
	(tag) =	ssettag s2;
	_ =	strace s9  }
0x27: {  	s1 =	sld [smem:$0x3F9A]  }
0x28: {  	s2 =	sld [smem:$0x3F9B]  }
0x29: {  	s4 =	sld [smem:$0x3F9D]  }
0x2a: {  	p0 =	seq.s32 s5, $0x0;
	s5 =	sld [smem:$0x3F9E]  }
0x2b: {  	s6 =	sld [smem:$0x3F9F]  }
0x2c: {  	s7 =	sld [smem:$0x3FA0]  }
0x2d: {  	s3 =	simm.s32 $0x108;
	s8 =	sld [smem:$0x3FA1]  }
0x2e: {  	s3 =	simm.s32 @!p0 $0x1082;
	s9 =	sld [smem:$0x3FA2]  }
0x2f: {  	lr =	sadd.s32 s0, s3;
	s0 =	sld [smem:$0x3F99]  }
0x30: {  	s3 =	sld [smem:$0x3F9C]  }
0x31: {  	[smem:$0x3FA5] =	sst s10  }
0x32: {  	s10 =	sld [smem:$0x3FA3];
	_ =	sdelay $0x3  }
0x33: {  	p0 =	seq.s32 s10, $0x1;
	s10 =	sld [smem:$0x3FA5];
	_ =	sdelay $0x3  }
0x34: {  	[smem:$0x3FA5] =	sst s10  }
0x35: {  	s10 =	sld [smem:$0x3FA4];
	_ =	sdelay $0x3  }
0x36: {  	p1 =	seq.s32 s10, $0x1;
	s10 =	sld [smem:$0x3FA5];
	_ =	sdelay $0x3  }
0x37: {  	[smem:$0x3FA5] =	sst s10  }
0x38: {  	s10 =	sld [smem:$0x3FA6]  }
0x39: {  	_ = 	snop;
	(pc) =	sbr.ind lr, $3  }
0x3a: {  	_ = 	snop  }
0x3b: {  	_ = 	snop  }
0x3c: {  	p2 =	seq.s32 s10, $0x1;
	s10 =	sld [smem:$0x3FA5]  }
0x3d: {  	_ =	shalt  }
0x3e: {  	_ =	shalt  }
0x3f: {  	_ =	shalt  }
0x40: {  	_ =	shalt  }
0x41: {  	_ =	shalt  }
0x42: {  	_ =	shalt  }
0x43: {  	_ =	shalt  }
0x44: {  	_ =	shalt  }
0x45: {  	_ =	shalt  }
0x46: {  	_ =	shalt  }
0x47: {  	_ =	shalt  }
0x48: {  	_ =	shalt  }
0x49: {  	_ =	shalt  }
0x4a: {  	_ =	shalt  }
0x4b: {  	_ =	shalt  }
0x4c: {  	_ =	shalt  }
0x4d: {  	_ =	shalt  }
0x4e: {  	_ =	shalt  }
0x4f: {  	_ =	shalt  }
0x50: {  	_ =	shalt  }
0x51: {  	_ =	shalt  }
0x52: {  	_ =	shalt  }
0x53: {  	_ =	shalt  }
0x54: {  	_ =	shalt  }
0x55: {  	_ =	shalt  }
0x56: {  	_ =	shalt  }
0x57: {  	_ =	shalt  }
0x58: {  	_ =	shalt  }
0x59: {  	_ =	shalt  }
0x5a: {  	_ =	shalt  }
0x5b: {  	_ =	shalt  }
0x5c: {  	_ =	shalt  }
0x5d: {  	_ =	shalt  }
0x5e: {  	_ =	shalt  }
0x5f: {  	_ =	shalt  }
0x60: {  	_ =	shalt  }
0x61: {  	_ =	shalt  }
0x62: {  	_ =	shalt  }
0x63: {  	_ =	shalt  }
0x64: {  	_ =	shalt  }
0x65: {  	_ =	shalt  }
0x66: {  	_ =	shalt  }
0x67: {  	_ =	shalt  }
0x68: {  	_ =	shalt  }
0x69: {  	_ =	shalt  }
0x6a: {  	_ =	shalt  }
0x6b: {  	_ =	shalt  }
0x6c: {  	_ =	shalt  }
0x6d: {  	_ =	shalt  }
0x6e: {  	_ =	shalt  }
0x6f: {  	_ =	shalt  }
0x70: {  	_ =	shalt  }
0x71: {  	_ =	shalt  }
0x72: {  	_ =	shalt  }
0x73: {  	_ =	shalt  }
0x74: {  	_ =	shalt  }
0x75: {  	_ =	shalt  }
0x76: {  	_ =	shalt  }
0x77: {  	_ =	shalt  }
0x78: {  	_ =	shalt  }
0x79: {  	_ =	shalt  }
0x7a: {  	_ =	shalt  }
0x7b: {  	_ =	shalt  }
0x7c: {  	_ =	shalt  }
0x7d: {  	_ =	shalt  }
0x7e: {  	_ =	shalt  }
0x7f: {  	_ =	shalt  }
0x80: {  	_ =	shalt  }
0x81: {  	_ =	shalt  }
0x82: {  	_ =	shalt  }
0x83: {  	_ =	shalt  }
0x84: {  	_ =	shalt  }
0x85: {  	_ =	shalt  }
0x86: {  	_ =	shalt  }
0x87: {  	_ =	shalt  }
.Lfunc_end0:
.L_simem_size_0:
called_computation.4_lowered:
.L_overlay_start_0:
0x88: {  	s2 =	sld [smem:$0x3FD9]  }
0x89: {  	s3 =	sld [smem:$0x3FFE];
	_ =	sdelay $0x1  }
0x8a: {  	s1 =	srdreg.scid  }
0x8b: {  	s0 =	sand.u32 $0x1, s1  }
0x8c: {  	s16 =	sshll.u32 s0, $0xA;
	s2 =	sadd.s32 s3, s2  }
0x8d: {  	s2 =	sadd.s32 s2, s16  }
0x8e: {  	[smem:$0x3FB1] =	sst s2  }
0x8f: {  	_ = 	snop  }
0x90: {  	(tm) =	ssettm $0x1  }
0x91: {  	s17 =	sld [smem:$0x3FFB];
	_ =	sdelay $0x3  }
0x92: {  	_ =	strace s17  }
0x93: {  	s2 =	sld [smem:$0x3FFC];
	_ =	sdelay $0x3  }
0x94: {  	_ =	strace s2  }
0x95: {  	s2 =	sld [smem:$0x3FFD];
	_ =	sdelay $0x3  }
0x96: {  	_ =	strace s2  }
0x97: {  	_ =	strace $0x8FFFFFFF  }
0x98: {  	s18 =	sld [smem:$0x3FDB];
	_ =	sdelay $0x1  }
0x99: {  	s19 =	simm.s32 $_scs_section_size  }
0x9a: {  	s4 =	simm.s32 $_size__tile_overlayer_lowered;
	s5 =	simm.s32 $_tile_overlayer_lowered  }
0x9b: {  	s22 =	simm.s32 $0x1BFF;
	s21 =	sshll.u32 s5, $0x1;
	s2 =	sadd.s32 s19, s18  }
0x9c: {  	s6 =	simm.s32 $0x0;
	s20 =	sshll.u32 s4, $0x1;
	s4 =	sadd.s32 s21, s2  }
0x9d: {  	[timem:s6], [sflag:s22] =	dma.local [hbm:s4], s20  }
0x9e: {  	_ =	swait.ge [sflag:s22], s20  }
0x9f: {  	s3 =	ssub.s32 $0x0, s20;
	[sflag:s22] =	ssyncset.done $0x0  }
0xa0: {  	[sflag:s22] =	ssyncadd.s32 s3;
	_ =	sdelay $0x1  }
0xa1: {  	s23 =	simm.s32 $0x1B8B  }
0xa2: {  	_ =	swait.ge [sflag:s23], $0x1  }
0xa3: {  	[sflag:s23] =	ssyncset.done $0x0  }
0xa4: {  	s25 =	simm.s32 $0x1B8E;
	s24 =	sld [smem:$0x3FFE];
	[sflag:s23] =	ssyncadd.s32 $0xFFFFFFFF  }
0xa5: {  	s26 =	simm.s32 $execute0_lowered;
	[smem:$0x3FD2] =	sst s25  }
0xa6: {  	s4 =	sshll.u32 s26, $0x1;
	_ =	strace $0x80000052;
	[dreg:$0x1] =	wrdreg $0xFFFFFFFF  }
0xa7: {  	s28 =	simm.s32 $_size_execute0_lowered;
	s2 =	sadd.s32 s2, s4;
	[dreg:$0x0] =	wrdreg $0x0  }
0xa8: {  	s4 =	sshll.u32 s28, $0x1;
	[dreg:$0x2] =	wrdreg s2  }
0xa9: {  	[dreg:$0x3] =	wrdreg s4  }
0xaa: {  	[dreg:$0x4] =	wrdreg $0xC0  }
0xab: {  	_ =	task [dreg:s6], $0x5FFFF  }
0xac: {  	[dreg:$0x1] =	wrdreg $0xFFFFFFFF  }
0xad: {  	[dreg:$0x0] =	wrdreg $0x60  }
0xae: {  	[dreg:$0x2] =	wrdreg s24  }
0xaf: {  	[dreg:$0x3] =	wrdreg $0x0  }
0xb0: {  	[dreg:$0x4] =	wrdreg $0x9  }
0xb1: {  	_ =	task.clear_ibuf [dreg:s6], $0x5FFFF;
	_ =	strace $0x90000052  }
0xb2: {  	s29 =	simm.s32 $0x9;
	_ =	strace $0x80000054  }
0xb3: {  	_ =	swait.ge [sflag:s29], $0x1  }
0xb4: {  	[sflag:s29] =	ssyncadd.s32 $0xFFFFFFFF  }
0xb5: {  	_ =	strace $0x90000054  }
0xb6: {  	_ =	sfence  }
0xb7: {  	s30 =	sld [smem:$0x0];
	_ =	sdelay $0x2  }
0xb8: {  	s31 =	sshll.u32 s1, $0xD;
	s1 =	sshrl.u32 s1, $0x2  }
0xb9: {  	s3 =	sand.u32 $0x4000, s31;
	s1 =	sadd.s32 s1, s30  }
0xba: {  	s0 =	sor.u32 s3, s0;
	s1 =	sshll.u32 s1, $0x11  }
0xbb: {  	s0 =	sor.u32 s1, s0  }
0xbc: {  	s0 =	sadd.s32 $0x8F2B, s0  }
0xbd: {  	[sflag:s0] =	ssyncadd.remote.s32 $0x1  }
0xbe: {  	_ =	sfence.sel $0xFFFF  }
0xbf: {  	[dreg:$0x0] =	wrdreg $0xFFFFFFFF;
	(pc) =	sbr.abs _section_cstart, $3  }
0xc0: {  	[dreg:$0x1] =	wrdreg $0xFFFFFFFF  }
0xc1: {  	_ =	task.clear_ibuf [dreg:s6], $0x2FFFF;
	_ =	strace $0x9FFFFFFF  }
0xc2: {  	(tm) =	ssettm $0x7FFFFFFF  }
0xc3: {  	_ =	shalt  }
tec
execute0_lowered:
.L_overlay_start_1:
0x0: {  	(tag) =	ssettag $0x1  }
0x1: {  	s0 =	rddreg [dreg:$0x0]  }
0x2: {  	s1 =	rddreg [dreg:$0x1];
	s2 =	simm.s32 $0x0;
	s3 =	srdreg.scid  }
0x3: {  	s12 =	stileid.u32;
	s14 =	simm.s32 $0x5;
	s15 =	simm.s32 $0xA140  }
0x4: {  	s16 =	simm.s32 $0xA940;
	s17 =	simm.s32 $0xB140;
	s18 =	simm.s32 $0xC190  }
0x5: {  	s19 =	simm.s32 $0x3;
	s20 =	simm.s32 $0x40;
	s21 =	simm.s32 $0xD250  }
0x6: {  	[smem:$0x7FF] =	sst s2;
	s4 =	sadd.s32 $0x237600, s0;
	s5 =	sand.u32 $0x1, s3  }
0x7: {  	s6 =	sadd.s32 $0x11E600, s0;
	s7 =	sadd.s32 $0x3C00, s0;
	s11 =	smul.u32 $0x28000, s12  }
.Ltmp0:
0x8: {  	s8 =	sadd.s32 $0x4B7600, s0;
	s3 =	ssub.s32 $0x2, s5;
	(pc) =	sbr.rel .LBB2_1-.Ltmp0, $4  }
0x9: {  	s10 =	sshll.u32 s12, $0x7;
	_ =	strace $0x80000053;
	s9 =	sshrl.u32 s3, $0x1  }
0xa: {  	s31 =	sshrl.u32 s11, $0x2;
	s30 =	ssub.s32 s3, s9;
	s9 =	smul.u32 $0xC800, s12  }
0xb: {  	s12 =	sshll.u32 s12, $0x6;
	s3 =	sadd.s32 s31, s1;
	s0 =	smax.u32 s30, $0x1  }
0xc: {  	v0 =	vimm.s32 $0x0;
	v1 =	vimm.s32 $0x800;
	s12 =	sor.u32 $0x1C05, s12;
	s13 =	sshrl.u32 s3, $0x3;
	[dreg:$0x4] =	wrdreg s0  }
.LBB2_17:
0xd: {  	s2 =	rddreg [dreg:$0x3]  }
0xe: {  	s0 =	rddreg [dreg:$0x4];
	s2 =	sadd.s32 $0x1, s2  }
0xf: {  	p0 =	sne.s32 s2, s0  }
.Ltmp1:
0x10: {  	_ = 	snop;
	(pc) =	sbr.rel @!p0 .LBB2_18-.Ltmp1, $1  }
0x11: {  	_ =	sdelay $0x3  }
.LBB2_1:
.Ltmp2:
0x12: {  	(pc) =	sbr.rel .LBB2_2-.Ltmp2, $2  }
0x13: {  	_ =	sdelay $0x2  }
0x14: {  	[dreg:$0x3] =	wrdreg s2;
	s22 =	simm.s32 $0x0  }
.LBB2_14:
0x15: {  	[sflag:s3] =	ssyncadd.s32 @!p0 $0xFFFFB000  }
0x16: {  	[spmem:s1] =	stream.indirect.scatter.add.f32 @!p0 [tilespmem:s0], [sflag:$0x4], $0x140, s26, s31, $0xb8;
	[tilespmem:$0x17250] =	vst v63  }
.LBB2_15:
0x17: {  	p0 =	slt.s32 s24, $0x1  }
0x18: {  	s0 =	simm.s32 @!p0 $0x3  }
0x19: {  	p1 =	seq.s32 @!p0 s24, $0x1;
	_ =	swait.ge @!p0 [sflag:s0], $0x5000  }
0x1a: {  	p1 =	por p1, p0;
	[sflag:s0] =	ssyncset.done @!p0 $0x0  }
0x1b: {  	[sflag:s0] =	ssyncadd.s32 @!p0 $0xFFFFB000;
	s0 =	simm.s32 @!p1 $0x4  }
0x1c: {  	_ =	swait.ge @!p1 [sflag:s0], $0x5000  }
0x1d: {  	[sflag:s0] =	ssyncset.done @!p1 $0x0  }
0x1e: {  	[sflag:s0] =	ssyncadd.s32 @!p1 $0xFFFFB000  }
0x1f: {  	s31 =	sadd.s32 s8, s23;
	[bflag:$0x0] =	sbarrier.arrive $0xFFFF  }
0x20: {  	[hbm:s31], [sflag:s12] =	dma.local [spmem:s13], $0x1400  }
0x21: {  	_ =	swait.ge [sflag:s14], $0x1400  }
0x22: {  	[sflag:s14] =	ssyncset.done $0x0  }
0x23: {  	[sflag:s14] =	ssyncadd.s32 $0xFFFFEC00  }
.LBB2_16:
0x24: {  	s22 =	sadd.s32 $0x1, s22  }
0x25: {  	p0 =	sne.s32 s22, $0x19  }
.Ltmp3:
0x26: {  	_ = 	snop;
	(pc) =	sbr.rel @!p0 .LBB2_17-.Ltmp3, $2  }
0x27: {  	_ =	sdelay $0x1  }
0x28: {  	[bflag:$0x0] =	sbarrier.arrive $0xFFFF;
	_ =	sdelay $0x1  }
.LBB2_2:
0x29: {  	s0 =	sand.u32 $0x1, s22  }
0x2a: {  	p0 =	sne.s32 s0, s5  }
.Ltmp4:
0x2b: {  	_ = 	snop;
	(pc) =	sbr.rel @p0 .LBB2_19-.Ltmp4, $1  }
0x2c: {  	_ =	sdelay $0x3  }
0x2d: {  	s0 =	sshll.u32 s22, $0xB  }
0x2e: {  	s0 =	sor.u32 s10, s0  }
0x2f: {  	s23 =	smul.u32 $0x28, s0;
	_ =	sdelay $0x1  }
0x30: {  	s0 =	sadd.s32 s4, s23  }
0x31: {  	[spmem:s13], [sflag:s12] =	dma.local [hbm:s0], $0x1400  }
0x32: {  	_ =	swait.ge [sflag:s14], $0x1400  }
0x33: {  	[sflag:s14] =	ssyncset.done $0x0  }
0x34: {  	s3 =	simm.s32 $0x40;
	[sflag:s14] =	ssyncadd.s32 $0xFFFFEC00  }
0x35: {  	s24 =	simm.s32 $0x0;
	s0 =	simm.s32 $0x0;
	[bflag:$0x0] =	sbarrier.arrive $0xFFFF  }
.LBB2_4:
0x36: {  	p0 =	seq.s32 s3, $0x4100;
	[tilespmem:s24+$0xB140] =	vst v0;
	s24 =	smov.u32 s3;
	s3 =	sadd.s32 $0x40, s3  }
.Ltmp5:
0x37: {  	(pc) =	sbr.rel @!p0 .LBB2_4-.Ltmp5, $2  }
0x38: {  	_ =	sdelay $0x2  }
0x39: {  	s24 =	sshra.s32 s24, $0x2  }
0x3a: {  	[tilespmem:s24+$0xB140] =	vst v0;
	s3 =	simm.s32 $0x10;
	s0 =	sand.u32 $0x1FF0, s0  }
.LBB2_6:
0x3b: {  	p0 =	seq.s32 s3, $0x10B0;
	[tilespmem:s0+$0xC190] =	vst v1;
	s0 =	smov.u32 s3;
	s3 =	sadd.s32 $0x10, s3  }
.Ltmp6:
0x3c: {  	(pc) =	sbr.rel @!p0 .LBB2_6-.Ltmp6, $2  }
0x3d: {  	_ =	sdelay $0x2  }
0x3e: {  	s0 =	sand.u32 $0x1FF0, s0  }
0x3f: {  	[tilespmem:s0+$0xC190] =	vst v1;
	v2 =	vmov s22;
	s24 =	simm.s32 $0x0;
	s26 =	simm.s32 $0x0;
	s25 =	simm.s32 $0x0  }
.LBB2_8:
0x40: {  	s0 =	sshll.u32 s25, $0xB  }
0x41: {  	s0 =	sadd.s32 s9, s0  }
0x42: {  	s0 =	sshrl.u32 s0, $0x3  }
0x43: {  	s3 =	sadd.s32 s6, s0  }
0x44: {  	[tilespmem:s15], [sflag:$0x5] =	stream.linear.gather [hbm4b:s3+s24], $0x800, $0x38;
	[tilespmem:$0x17250] =	vst v63  }
0x45: {  	_ =	swait.ge [sflag:s14], $0x800  }
0x46: {  	[sflag:s14] =	ssyncset.done $0x0  }
0x47: {  	s0 =	sadd.s32 s7, s0;
	[sflag:s14] =	ssyncadd.s32 $0xFFFFF800  }
0x48: {  	[tilespmem:s16], [sflag:$0x5] =	stream.linear.gather [hbm4b:s0+s24], $0x800, $0x38;
	[tilespmem:$0x17250] =	vst v63  }
0x49: {  	_ =	swait.ge [sflag:s14], $0x800  }
0x4a: {  	[sflag:s14] =	ssyncset.done $0x0  }
0x4b: {  	s31 =	simm.s32 $0x0;
	[sflag:s14] =	ssyncadd.s32 $0xFFFFF800  }
0x4c: {  	v3 =	vld [tilespmem:s31+$0xA940];
	_ =	sdelay $0x4  }
0x4d: {  	v4 =	vshra.s32 v3, $0xB  }
0x4e: {  	vm0 =	veq.s32 v4, v2  }
0x4f: {  	v4 =	vsel vm0, $0x1, v0  }
0x50: {  	(xrf0) =	vadd.scan.msk.s32 $0xffff, v4;
	_ =	sdelay $0x4  }
0x51: {  	v63 =	vsel vm0, $0xFFFFFFFF, v0  }
0x52: {  	v4 =	vadd.s32 s26, v63;
	v5, _, _ =	vpop (xrf0)  }
0x53: {  	v6 =	vld [tilespmem:s31+$0xA140];
	v4 =	vadd.s32 v5, v4;
	(v2sf) =	vpush v5, $0xF;
	_ =	sdelay $0x4  }
0x54: {  	v3 =	vand.u32 $0x7FF, v3;
	[tilespmem:v4+s17+$0x0] =	vst.idx.msk vm0, v6  }
0x55: {  	s28 =	simm.s32 $0x80;
	s0 =	simm.s32 $0x10;
	[tilespmem:v4+s18+$0x0] =	vst.idx.msk vm0, v3  }
.LBB2_9:
0x56: {  	p0 =	sne.s32 s28, $0x1FC0;
	v3 =	vld [tilespmem:s0+$0xA940];
	_ =	sdelay $0x4  }
0x57: {  	v4 =	vshra.s32 v3, $0xB;
	v3 =	vand.u32 $0x7FF, v3  }
0x58: {  	vm0 =	veq.s32 v4, v2  }
0x59: {  	v4 =	vsel vm0, $0xFFFFFFFF, v0;
	v5 =	vsel vm0, $0x1, v0  }
0x5a: {  	(xrf0) =	vadd.scan.msk.s32 $0xffff, v5;
	s3 =	spop (v2sf)  }
0x5b: {  	s26 =	sadd.s32 s26, s3  }
0x5c: {  	p1 =	slt.s32 s26, $0x1000  }
0x5d: {  	s26 =	simm.s32 @!p1 $0x1000  }
0x5e: {  	v4 =	vadd.s32 s26, v4;
	_ =	sdelay $0x1  }
0x5f: {  	v5, _, _ =	vpop (xrf0)  }
0x60: {  	v6 =	vld [tilespmem:s0+$0xA140];
	v4 =	vadd.s32 v5, v4;
	(v2sf) =	vpush v5, $0xF;
	_ =	sdelay $0x1  }
.Ltmp7:
0x61: {  	(pc) =	sbr.rel @p0 .LBB2_9-.Ltmp7, $3  }
0x62: {  	_ =	sdelay $0x1  }
0x63: {  	[tilespmem:v4+s17+$0x0] =	vst.idx.msk vm0, v6  }
0x64: {  	s0 =	sshra.s32 s28, $0x2;
	s28 =	sadd.s32 $0x40, s28;
	[tilespmem:v4+s18+$0x0] =	vst.idx.msk vm0, v3  }
0x65: {  	v3 =	vld [tilespmem:s0+$0xA940];
	_ =	sdelay $0x4  }
0x66: {  	v4 =	vshra.s32 v3, $0xB  }
0x67: {  	vm0 =	veq.s32 v4, v2  }
0x68: {  	v4 =	vsel vm0, $0x1, v0  }
0x69: {  	(xrf0) =	vadd.scan.msk.s32 $0xffff, v4;
	_ =	sdelay $0x5  }
0x6a: {  	v4, _, _ =	vpop (xrf0)  }
0x6b: {  	(v2sf) =	vpush v4, $0xF;
	_ =	sdelay $0x6  }
0x6c: {  	s3 =	spop (v2sf)  }
0x6d: {  	s3 =	sadd.s32 s26, s3  }
0x6e: {  	p0 =	slt.s32 s3, $0x1000  }
0x6f: {  	v5 =	vsel vm0, $0xFFFFFFFF, v0;
	s3 =	simm.s32 @!p0 $0x1000  }
0x70: {  	v5 =	vadd.s32 s3, v5  }
0x71: {  	v6 =	vld [tilespmem:s0+$0xA140];
	s25 =	sadd.s32 $0x1, s25;
	v4 =	vadd.s32 v4, v5  }
0x72: {  	p1 =	sne.s32 s25, $0x19  }
.Ltmp8:
0x73: {  	_ = 	snop;
	(pc) =	sbr.rel @p1 .LBB2_8-.Ltmp8, $4  }
0x74: {  	s31 =	spop (v2sf)  }
0x75: {  	s0 =	sadd.s32 s3, s31  }
0x76: {  	v3 =	vand.u32 $0x7FF, v3;
	[tilespmem:v4+s17+$0x0] =	vst.idx.msk vm0, v6;
	p0 =	slt.s32 s0, $0x1000;
	s26 =	smov.u32 s0  }
0x77: {  	[tilespmem:v4+s18+$0x0] =	vst.idx.msk vm0, v3;
	s26 =	simm.s32 @!p0 $0x1000  }
0x78: {  	s3 =	sadd.s32 $0x3F, s26  }
0x79: {  	s24 =	sand.u32 $0x3F, s3  }
0x7a: {  	p0 =	slt.s32 s0, $0xFFFFFFC2;
	s25 =	sshra.s32 s3, $0x1F;
	p1 =	sne.s32 s24, $0x0  }
0x7b: {  	s29 =	sshrl.u32 s25, $0x1A;
	p0 =	por !p0, !p1  }
0x7c: {  	s0 =	sadd.s32 s29, s3;
	s3 =	simm.s32 $0x1;
	p0 =	por !p0, !p0  }
0x7d: {  	s0 =	sshra.s32 s0, $0x6;
	s3 =	simm.s32 @!p0 $0x0  }
0x7e: {  	s24 =	ssub.s32 s0, s3  }
0x7f: {  	s0 =	sadd.s32 $0x1, s24  }
0x80: {  	s30 =	sand.u32 $0x1, s0  }
0x81: {  	p5 =	slt.s32 s24, $0x0;
	p6 =	seq.s32 s30, $0x1  }
0x82: {  	s31 =	sshrl.u32 s0, $0x1F;
	p0 =	por !p5, !p6  }
0x83: {  	s3 =	simm.s32 $0x1;
	s0 =	sadd.s32 s31, s0;
	p1 =	por !p0, !p0  }
0x84: {  	s25 =	sshra.s32 s0, $0x1;
	s3 =	simm.s32 @!p1 $0x0  }
0x85: {  	s0 =	ssub.s32 s25, s3  }
0x86: {  	p0 =	slt.s32 s0, $0x1  }
0x87: {  	p2 =	sgt.s32 @!p0 s24, $0x1  }
0x88: {  	s3 =	simm.s32 @!p0 $0x40;
	s26 =	simm.s32 @!p0 $0xB140;
	s28 =	simm.s32 @!p0 $0xD250  }
0x89: {  	[tilespmem:s28], [sflag:$0x1] =	stream.indirect.gather @!p0 [hbm4b:s4+s3], $0x140, s26, s3, $0xb8;
	[tilespmem:$0x17250] =	vst v63  }
0x8a: {  	p3 =	por !p2, p0  }
0x8b: {  	s3 =	simm.s32 @!p3 $0x40;
	s26 =	simm.s32 @!p3 $0xB180;
	s28 =	simm.s32 @!p3 $0x12250  }
0x8c: {  	[tilespmem:s28], [sflag:$0x2] =	stream.indirect.gather @!p3 [hbm4b:s4+s3], $0x140, s26, s3, $0xb8;
	[tilespmem:$0x17250] =	vst v63  }
0x8d: {  	s26 =	simm.s32 @!p3 $0x1  }
0x8e: {  	_ =	swait.ge @!p3 [sflag:s26], $0x5000  }
0x8f: {  	[sflag:s26] =	ssyncset.done @!p3 $0x0  }
0x90: {  	s29 =	simm.s32 @!p3 $0xD250;
	[sflag:s26] =	ssyncadd.s32 @!p3 $0xFFFFB000;
	s26 =	simm.s32 @!p3 $0xC190  }
0x91: {  	[spmem:s1] =	stream.indirect.scatter.add.f32 @!p3 [tilespmem:s29], [sflag:$0x3], $0x140, s26, s3, $0xb8;
	[tilespmem:$0x17250] =	vst v63  }
0x92: {  	s26 =	simm.s32 @!p3 $0x2  }
0x93: {  	_ =	swait.ge @!p3 [sflag:s26], $0x5000  }
0x94: {  	[sflag:s26] =	ssyncset.done @!p3 $0x0  }
0x95: {  	p2 =	por p2, p0;
	[sflag:s26] =	ssyncadd.s32 @!p3 $0xFFFFB000;
	s26 =	simm.s32 @!p3 $0xC1D0  }
0x96: {  	[spmem:s1] =	stream.indirect.scatter.add.f32 @!p3 [tilespmem:s28], [sflag:$0x4], $0x140, s26, s3, $0xb8;
	[tilespmem:$0x17250] =	vst v63  }
0x97: {  	s3 =	simm.s32 @!p2 $0x1  }
0x98: {  	_ =	swait.ge @!p2 [sflag:s3], $0x5000  }
0x99: {  	s26 =	simm.s32 @!p2 $0xC190;
	[sflag:s3] =	ssyncset.done @!p2 $0x0  }
0x9a: {  	s28 =	simm.s32 @!p2 $0xD250;
	[sflag:s3] =	ssyncadd.s32 @!p2 $0xFFFFB000;
	s3 =	simm.s32 @!p2 $0x40  }
0x9b: {  	[spmem:s1] =	stream.indirect.scatter.add.f32 @!p2 [tilespmem:s28], [sflag:$0x3], $0x140, s26, s3, $0xb8;
	[tilespmem:$0x17250] =	vst v63  }
0x9c: {  	p2 =	seq.s32 @!p0 s0, $0x1  }
0x9d: {  	p0 =	por p0, p2  }
.Ltmp9:
0x9e: {  	_ = 	snop;
	(pc) =	sbr.rel @p0 .LBB2_15-.Ltmp9, $1  }
0x9f: {  	_ =	sdelay $0x3  }
0xa0: {  	_ =	swait.ge [sflag:s19], $0x5000  }
0xa1: {  	p0 =	sle.s32 s24, $0x3;
	s0 =	simm.s32 $0xB1C0;
	[sflag:s19] =	ssyncset.done $0x0  }
0xa2: {  	s26 =	simm.s32 $0xFFFFFFFF;
	s3 =	simm.s32 @p0 $0x1;
	[sflag:s19] =	ssyncadd.s32 $0xFFFFB000  }
0xa3: {  	[tilespmem:s21], [sflag:$0x1] =	stream.indirect.gather [hbm4b:s4+s20], $0x140, s0, s20, $0xb8;
	[tilespmem:$0x17250] =	vst v63  }
0xa4: {  	s28 =	simm.s32 @p0 $0xC210;
	s26 =	simm.s32 @!p1 $0x0;
	_ =	swait.ge @p0 [sflag:s3], $0x5000  }
0xa5: {  	s29 =	simm.s32 @p0 $0x40;
	s25 =	sadd.s32 s26, s25;
	[sflag:s3] =	ssyncset.done @p0 $0x0  }
0xa6: {  	s0 =	simm.s32 @p0 $0xD250;
	[sflag:s3] =	ssyncadd.s32 @p0 $0xFFFFB000;
	s3 =	simm.s32 @!p0 $0x4  }
0xa7: {  	[spmem:s1] =	stream.indirect.scatter.add.f32 @p0 [tilespmem:s0], [sflag:$0x3], $0x140, s28, s29, $0xb8;
	[tilespmem:$0x17250] =	vst v63  }
0xa8: {  	s31 =	simm.s32 @!p0 $0x40;
	s25 =	sadd.s32 $0xFFFFFFFF, s25;
	_ =	swait.ge @!p0 [sflag:s3], $0x5000  }
0xa9: {  	s25 =	sadd.s32 $0xFFFFFFFF, s25;
	s28 =	simm.s32 $0xB200;
	[sflag:s3] =	ssyncset.done @!p0 $0x0  }
0xaa: {  	s0 =	simm.s32 @!p0 $0x12250;
	[sflag:s3] =	ssyncadd.s32 @!p0 $0xFFFFB000;
	s3 =	simm.s32 @!p0 $0x1  }
0xab: {  	[tilespmem:s0], [sflag:$0x2] =	stream.indirect.gather @!p0 [hbm4b:s4+s31], $0x140, s28, s31, $0xb8;
	[tilespmem:$0x17250] =	vst v63  }
0xac: {  	p1 =	sne.s32 s25, $0x0;
	_ =	swait.ge @!p0 [sflag:s3], $0x5000  }
.Ltmp10:
0xad: {  	s26 =	simm.s32 @!p0 $0xD250;
	[sflag:s3] =	ssyncset.done @!p0 $0x0;
	(pc) =	sbr.rel @!p1 .LBB2_14-.Ltmp10, $4  }
0xae: {  	s28 =	simm.s32 @!p0 $0xC210;
	[sflag:s3] =	ssyncadd.s32 @!p0 $0xFFFFB000;
	s3 =	simm.s32 @!p0 $0x2  }
0xaf: {  	[spmem:s1] =	stream.indirect.scatter.add.f32 @!p0 [tilespmem:s26], [sflag:$0x3], $0x140, s28, s31, $0xb8;
	[tilespmem:$0x17250] =	vst v63  }
0xb0: {  	s30 =	simm.s32 $0xC250;
	s29 =	simm.s32 $0x5;
	_ =	swait.ge @!p0 [sflag:s3], $0x5000  }
0xb1: {  	s26 =	simm.s32 $0xC250;
	s28 =	simm.s32 $0xB280;
	[sflag:s3] =	ssyncset.done @!p0 $0x0  }
.LBB2_13:
0xb2: {  	s25 =	sadd.s32 $0xFFFFFFFF, s25;
	[sflag:s3] =	ssyncadd.s32 @!p0 $0xFFFFB000;
	s30 =	sadd.s32 $0x80, s30  }
0xb3: {  	[spmem:s1] =	stream.indirect.scatter.add.f32 @!p0 [tilespmem:s0], [sflag:$0x4], $0x140, s26, s31, $0xb8;
	[tilespmem:$0x17250] =	vst v63  }
0xb4: {  	p1 =	sne.s32 s25, $0x0;
	s26 =	smov.u32 s30;
	_ =	swait.ge [sflag:s19], $0x5000  }
0xb5: {  	p0 =	sge.s32 s29, s24;
	s0 =	sadd.s32 $0xFFFFFFC0, s28;
	[sflag:s19] =	ssyncset.done $0x0  }
0xb6: {  	s3 =	simm.s32 @p0 $0x1;
	[sflag:s19] =	ssyncadd.s32 $0xFFFFB000  }
0xb7: {  	[tilespmem:s21], [sflag:$0x1] =	stream.indirect.gather [hbm4b:s4+s20], $0x140, s0, s20, $0xb8;
	[tilespmem:$0x17250] =	vst v63  }
0xb8: {  	s0 =	simm.s32 @p0 $0xD250;
	_ =	swait.ge @p0 [sflag:s3], $0x5000  }
0xb9: {  	s31 =	sadd.s32 @p0 $0xFFFFFFC0, s30;
	s11 =	simm.s32 @p0 $0x40;
	[sflag:s3] =	ssyncset.done @p0 $0x0  }
0xba: {  	[sflag:s3] =	ssyncadd.s32 @p0 $0xFFFFB000;
	s3 =	simm.s32 @!p0 $0x4  }
0xbb: {  	[spmem:s1] =	stream.indirect.scatter.add.f32 @p0 [tilespmem:s0], [sflag:$0x3], $0x140, s31, s11, $0xb8;
	[tilespmem:$0x17250] =	vst v63  }
0xbc: {  	_ =	swait.ge @!p0 [sflag:s3], $0x5000  }
0xbd: {  	s31 =	simm.s32 @!p0 $0x40;
	s0 =	simm.s32 @!p0 $0x12250;
	[sflag:s3] =	ssyncset.done @!p0 $0x0  }
0xbe: {  	[sflag:s3] =	ssyncadd.s32 @!p0 $0xFFFFB000;
	s3 =	simm.s32 @!p0 $0x1  }
0xbf: {  	[tilespmem:s0], [sflag:$0x2] =	stream.indirect.gather @!p0 [hbm4b:s4+s31], $0x140, s28, s31, $0xb8;
	[tilespmem:$0x17250] =	vst v63  }
0xc0: {  	s11 =	simm.s32 @!p0 $0xD250;
	_ =	swait.ge @!p0 [sflag:s3], $0x5000  }
.Ltmp11:
0xc1: {  	s2 =	sadd.s32 @!p0 $0xFFFFFFC0, s30;
	[sflag:s3] =	ssyncset.done @!p0 $0x0;
	(pc) =	sbr.rel @p1 .LBB2_13-.Ltmp11, $4  }
0xc2: {  	[sflag:s3] =	ssyncadd.s32 @!p0 $0xFFFFB000;
	s3 =	simm.s32 @!p0 $0x2  }
0xc3: {  	[spmem:s1] =	stream.indirect.scatter.add.f32 @!p0 [tilespmem:s11], [sflag:$0x3], $0x140, s2, s31, $0xb8;
	[tilespmem:$0x17250] =	vst v63  }
0xc4: {  	_ =	swait.ge @!p0 [sflag:s3], $0x5000  }
0xc5: {  	s29 =	sadd.s32 $0x2, s29;
	s28 =	sadd.s32 $0x80, s28;
	[sflag:s3] =	ssyncset.done @!p0 $0x0  }
.Ltmp12:
0xc6: {  	_ = 	snop;
	(pc) =	sbr.rel .LBB2_14-.Ltmp12, $1  }
0xc7: {  	_ =	sdelay $0x3  }
.LBB2_19:
.Ltmp13:
0xc8: {  	(pc) =	sbr.rel .LBB2_16-.Ltmp13, $3  }
0xc9: {  	_ = 	snop  }
0xca: {  	[bflag:$0x0] =	sbarrier.arrive $0xFFFF  }
0xcb: {  	[bflag:$0x0] =	sbarrier.arrive $0xFFFF;
	_ =	sdelay $0x1  }
.LBB2_18:
0xcc: {  	_ =	sfence.sel $0x180000  }
0xcd: {  	[bflag:$0x0] =	sbarrier.arrive $0xFFFF  }
0xce: {  	_ =	strace $0x90000053  }
0xcf: {  	s0 =	stileid.u32;
	[bflag:$0x2] =	sbarrier.arrive $0xFFFF  }
0xd0: {  	p0 =	sne.s32 s0, $0x0;
	s0 =	rddreg [dreg:$0x2]  }
0xd1: {  	s0 =	sadd.s32 @!p0 $0x100000, s0  }
0xd2: {  	[sflag:s0] =	ssyncadd.tile.s32 @!p0 $0x1;
	_ =	shalt  }
.Lfunc_end2:
_tile_overlayer_lowered:
.L_overlay_start_2:
0xd3: {  	(tag) =	ssettag $0x2  }
0xd4: {  	s0 =	rddreg [dreg:$0x0];
	s2 =	stileid.u32  }
0xd5: {  	s1 =	rddreg [dreg:$0x1];
	p0 =	sne.s32 s2, $0x0  }
0xd6: {  	s3 =	rddreg [dreg:$0x2];
	[bflag:$0x3] =	sbarrier.arrive $0xFFFF;
	s2 =	simm.s32 @!p0 $0x1C05  }
0xd7: {  	[timem:s3], [sflag:s2] =	dma.local @!p0 [hbm:s0], s1  }
0xd8: {  	s0 =	simm.s32 @!p0 $0x5  }
0xd9: {  	_ =	swait.ge @!p0 [sflag:s0], s1  }
0xda: {  	s1 =	ssub.s32 @!p0 $0x0, s1;
	[sflag:s0] =	ssyncset.done @!p0 $0x0  }
0xdb: {  	[sflag:s0] =	ssyncadd.s32 @!p0 s1  }
0xdc: {  	[bflag:$0x3] =	sbarrier.arrive $0xFFFF  }
0xdd: {  	_ =	shalt  }

// kernel: kernel.31.cloned.1.call-start
scs
__scs_entry_jumppad:
0x0: {  	(pc) =	sbr.rel $0x88, $3  }
0x1: {  	(tag) =	ssettag $0x0;
	lr =	simm.s32 $0x1  }
0x2: {  	[smem:$0x3F8A] =	sst lr;
	_ =	strace $0xD0000000  }
0x3: {  	_ = 	snop  }
0x4: {  	_ = 	snop  }
0x5: {  	_ = 	snop  }
0x6: {  	_ = 	snop  }
0x7: {  	_ = 	snop  }
__scs_overlays_trampoline_lowered:
0x8: {  	[smem:$0x3F99] =	sst s0  }
0x9: {  	[smem:$0x3F9A] =	sst s1  }
0xa: {  	[smem:$0x3F9B] =	sst s2  }
0xb: {  	[smem:$0x3F9C] =	sst s3  }
0xc: {  	[smem:$0x3F9D] =	sst s4  }
0xd: {  	[smem:$0x3F9E] =	sst s5  }
0xe: {  	[smem:$0x3F9F] =	sst s6  }
0xf: {  	[smem:$0x3FA0] =	sst s7  }
0x10: {  	[smem:$0x3FA1] =	sst s8  }
0x11: {  	[smem:$0x3FA2] =	sst s9;
	s0 =	simm.s32 @!p0 $0x0  }
0x12: {  	s1 =	sld [smem:$0x3F88];
	s0 =	simm.s32 @p0 $0x1  }
0x13: {  	[smem:$0x3FA3] =	sst s0;
	s0 =	simm.s32 @!p1 $0x0  }
0x14: {  	s2 =	sld [smem:$0x3F87];
	s0 =	simm.s32 @p1 $0x1  }
0x15: {  	[smem:$0x3FA4] =	sst s0;
	s0 =	simm.s32 @!p2 $0x0  }
0x16: {  	s3 =	sld [smem:$0x3FDB];
	s0 =	simm.s32 @p2 $0x1  }
0x17: {  	s4 =	simm.s32 $0x1BF5;
	[smem:$0x3FA6] =	sst s0  }
0x18: {  	s0 =	sld [smem:$0x3F89];
	_ =	swait.ge [sflag:s4], $0x0  }
0x19: {  	s7 =	sld [smem:$0x3F8A]  }
0x1a: {  	s8 =	sadd.s32 $0xFFFFE003, lr  }
0x1b: {  	s9 =	sadd.s32 $0xFFFFFEF7, lr;
	s5 =	simm.s32 $0xFFFFFFFF;
	p2 =	slt.u32 s8, $0xFFFFF086  }
0x1c: {  	p1 =	slt.u32 s9, $0xF7A;
	s5 =	simm.s32 @!p2 $0x0  }
0x1d: {  	s5 =	simm.s32 @p1 $0x1;
	p0 =	seq.s32 s7, s2  }
0x1e: {  	s7 =	smul.u32 @!p0 $0xF7A, s2;
	p2 =	seq.s32 @!p0 s5, $0x0  }
0x1f: {  	s9 =	smul.u32 $0xF7A, s1;
	s8 =	simm.s32 @!p0 $0x1BF5;
	p2 =	por !p2, p0  }
0x20: {  	[sflag:s8] =	ssyncset.s32 @!p0 $0xFFFFF086;
	s6 =	sadd.s32 @!p0 s3, s7;
	s7 =	simm.s32 @!p0 $0x108  }
0x21: {  	s3 =	sadd.s32 s3, s9;
	s6 =	sadd.s32 @!p0 $0x88, s6;
	s7 =	simm.s32 @p2 $0x1082  }
0x22: {  	[simem:s7], [sflag:s8] =	dma.local @!p0 [hbm:s6], $0xF7A  }
0x23: {  	s9 =	sor.u32 $0xD0000000, s2;
	s6 =	simm.s32 $0x108;
	_ =	swait.ge @!p0 [sflag:s8], $0x0  }
0x24: {  	s3 =	sadd.s32 $0x88, s3;
	s6 =	simm.s32 @!p1 $0x1082;
	[sflag:s4] =	ssyncset.s32 $0xFFFFF086  }
0x25: {  	[simem:s6], [sflag:s4] =	dma.local [hbm:s3], $0xF7A  }
0x26: {  	[smem:$0x3F8A] =	sst s1;
	(tag) =	ssettag s2;
	_ =	strace s9  }
0x27: {  	s1 =	sld [smem:$0x3F9A]  }
0x28: {  	s2 =	sld [smem:$0x3F9B]  }
0x29: {  	s4 =	sld [smem:$0x3F9D]  }
0x2a: {  	p0 =	seq.s32 s5, $0x0;
	s5 =	sld [smem:$0x3F9E]  }
0x2b: {  	s6 =	sld [smem:$0x3F9F]  }
0x2c: {  	s7 =	sld [smem:$0x3FA0]  }
0x2d: {  	s3 =	simm.s32 $0x108;
	s8 =	sld [smem:$0x3FA1]  }
0x2e: {  	s3 =	simm.s32 @!p0 $0x1082;
	s9 =	sld [smem:$0x3FA2]  }
0x2f: {  	lr =	sadd.s32 s0, s3;
	s0 =	sld [smem:$0x3F99]  }
0x30: {  	s3 =	sld [smem:$0x3F9C]  }
0x31: {  	[smem:$0x3FA5] =	sst s10  }
0x32: {  	s10 =	sld [smem:$0x3FA3];
	_ =	sdelay $0x3  }
0x33: {  	p0 =	seq.s32 s10, $0x1;
	s10 =	sld [smem:$0x3FA5];
	_ =	sdelay $0x3  }
0x34: {  	[smem:$0x3FA5] =	sst s10  }
0x35: {  	s10 =	sld [smem:$0x3FA4];
	_ =	sdelay $0x3  }
0x36: {  	p1 =	seq.s32 s10, $0x1;
	s10 =	sld [smem:$0x3FA5];
	_ =	sdelay $0x3  }
0x37: {  	[smem:$0x3FA5] =	sst s10  }
0x38: {  	s10 =	sld [smem:$0x3FA6]  }
0x39: {  	_ = 	snop;
	(pc) =	sbr.ind lr, $3  }
0x3a: {  	_ = 	snop  }
0x3b: {  	_ = 	snop  }
0x3c: {  	p2 =	seq.s32 s10, $0x1;
	s10 =	sld [smem:$0x3FA5]  }
0x3d: {  	_ =	shalt  }
0x3e: {  	_ =	shalt  }
0x3f: {  	_ =	shalt  }
0x40: {  	_ =	shalt  }
0x41: {  	_ =	shalt  }
0x42: {  	_ =	shalt  }
0x43: {  	_ =	shalt  }
0x44: {  	_ =	shalt  }
0x45: {  	_ =	shalt  }
0x46: {  	_ =	shalt  }
0x47: {  	_ =	shalt  }
0x48: {  	_ =	shalt  }
0x49: {  	_ =	shalt  }
0x4a: {  	_ =	shalt  }
0x4b: {  	_ =	shalt  }
0x4c: {  	_ =	shalt  }
0x4d: {  	_ =	shalt  }
0x4e: {  	_ =	shalt  }
0x4f: {  	_ =	shalt  }
0x50: {  	_ =	shalt  }
0x51: {  	_ =	shalt  }
0x52: {  	_ =	shalt  }
0x53: {  	_ =	shalt  }
0x54: {  	_ =	shalt  }
0x55: {  	_ =	shalt  }
0x56: {  	_ =	shalt  }
0x57: {  	_ =	shalt  }
0x58: {  	_ =	shalt  }
0x59: {  	_ =	shalt  }
0x5a: {  	_ =	shalt  }
0x5b: {  	_ =	shalt  }
0x5c: {  	_ =	shalt  }
0x5d: {  	_ =	shalt  }
0x5e: {  	_ =	shalt  }
0x5f: {  	_ =	shalt  }
0x60: {  	_ =	shalt  }
0x61: {  	_ =	shalt  }
0x62: {  	_ =	shalt  }
0x63: {  	_ =	shalt  }
0x64: {  	_ =	shalt  }
0x65: {  	_ =	shalt  }
0x66: {  	_ =	shalt  }
0x67: {  	_ =	shalt  }
0x68: {  	_ =	shalt  }
0x69: {  	_ =	shalt  }
0x6a: {  	_ =	shalt  }
0x6b: {  	_ =	shalt  }
0x6c: {  	_ =	shalt  }
0x6d: {  	_ =	shalt  }
0x6e: {  	_ =	shalt  }
0x6f: {  	_ =	shalt  }
0x70: {  	_ =	shalt  }
0x71: {  	_ =	shalt  }
0x72: {  	_ =	shalt  }
0x73: {  	_ =	shalt  }
0x74: {  	_ =	shalt  }
0x75: {  	_ =	shalt  }
0x76: {  	_ =	shalt  }
0x77: {  	_ =	shalt  }
0x78: {  	_ =	shalt  }
0x79: {  	_ =	shalt  }
0x7a: {  	_ =	shalt  }
0x7b: {  	_ =	shalt  }
0x7c: {  	_ =	shalt  }
0x7d: {  	_ =	shalt  }
0x7e: {  	_ =	shalt  }
0x7f: {  	_ =	shalt  }
0x80: {  	_ =	shalt  }
0x81: {  	_ =	shalt  }
0x82: {  	_ =	shalt  }
0x83: {  	_ =	shalt  }
0x84: {  	_ =	shalt  }
0x85: {  	_ =	shalt  }
0x86: {  	_ =	shalt  }
0x87: {  	_ =	shalt  }
.Lfunc_end0:
.L_simem_size_0:
called_computation.5_lowered:
.L_overlay_start_0:
0x88: {  	s2 =	sld [smem:$0x3FD9]  }
0x89: {  	s3 =	sld [smem:$0x3FFE];
	_ =	sdelay $0x1  }
0x8a: {  	s1 =	srdreg.scid  }
0x8b: {  	s0 =	sand.u32 $0x1, s1  }
0x8c: {  	s16 =	sshll.u32 s0, $0xA;
	s2 =	sadd.s32 s3, s2  }
0x8d: {  	s2 =	sadd.s32 s2, s16  }
0x8e: {  	[smem:$0x3FB1] =	sst s2  }
0x8f: {  	_ = 	snop  }
0x90: {  	(tm) =	ssettm $0x1  }
0x91: {  	s17 =	sld [smem:$0x3FFB];
	_ =	sdelay $0x3  }
0x92: {  	_ =	strace s17  }
0x93: {  	s2 =	sld [smem:$0x3FFC];
	_ =	sdelay $0x3  }
0x94: {  	_ =	strace s2  }
0x95: {  	s2 =	sld [smem:$0x3FFD];
	_ =	sdelay $0x3  }
0x96: {  	_ =	strace s2  }
0x97: {  	_ =	strace $0x8FFFFFFF  }
0x98: {  	s18 =	sld [smem:$0x3FDB];
	_ =	sdelay $0x1  }
0x99: {  	s19 =	simm.s32 $_scs_section_size  }
0x9a: {  	s4 =	simm.s32 $_size__tile_overlayer_lowered;
	s5 =	simm.s32 $_tile_overlayer_lowered  }
0x9b: {  	s22 =	simm.s32 $0x1BFF;
	s21 =	sshll.u32 s5, $0x1;
	s2 =	sadd.s32 s19, s18  }
0x9c: {  	s6 =	simm.s32 $0x0;
	s20 =	sshll.u32 s4, $0x1;
	s4 =	sadd.s32 s21, s2  }
0x9d: {  	[timem:s6], [sflag:s22] =	dma.local [hbm:s4], s20  }
0x9e: {  	_ =	swait.ge [sflag:s22], s20  }
0x9f: {  	s3 =	ssub.s32 $0x0, s20;
	[sflag:s22] =	ssyncset.done $0x0  }
0xa0: {  	[sflag:s22] =	ssyncadd.s32 s3;
	_ =	sdelay $0x1  }
0xa1: {  	s23 =	simm.s32 $0x1B8B  }
0xa2: {  	_ =	swait.ge [sflag:s23], $0x1  }
0xa3: {  	[sflag:s23] =	ssyncset.done $0x0  }
0xa4: {  	s25 =	simm.s32 $0x1B8E;
	s24 =	sld [smem:$0x3FFE];
	[sflag:s23] =	ssyncadd.s32 $0xFFFFFFFF  }
0xa5: {  	s26 =	simm.s32 $execute0_lowered;
	[smem:$0x3FD2] =	sst s25  }
0xa6: {  	s4 =	sshll.u32 s26, $0x1;
	_ =	strace $0x80000055;
	[dreg:$0x1] =	wrdreg $0xFFFFFFFF  }
0xa7: {  	s28 =	simm.s32 $_size_execute0_lowered;
	s2 =	sadd.s32 s2, s4;
	[dreg:$0x0] =	wrdreg $0x0  }
0xa8: {  	s4 =	sshll.u32 s28, $0x1;
	[dreg:$0x2] =	wrdreg s2  }
0xa9: {  	[dreg:$0x3] =	wrdreg s4  }
0xaa: {  	[dreg:$0x4] =	wrdreg $0xC0  }
0xab: {  	_ =	task [dreg:s6], $0x5FFFF  }
0xac: {  	[dreg:$0x1] =	wrdreg $0xFFFFFFFF  }
0xad: {  	[dreg:$0x0] =	wrdreg $0x60  }
0xae: {  	[dreg:$0x2] =	wrdreg s24  }
0xaf: {  	[dreg:$0x3] =	wrdreg $0x0  }
0xb0: {  	[dreg:$0x4] =	wrdreg $0x9  }
0xb1: {  	_ =	task.clear_ibuf [dreg:s6], $0x5FFFF;
	_ =	strace $0x90000055  }
0xb2: {  	s29 =	simm.s32 $0x9;
	_ =	strace $0x80000057  }
0xb3: {  	_ =	swait.ge [sflag:s29], $0x1  }
0xb4: {  	[sflag:s29] =	ssyncadd.s32 $0xFFFFFFFF  }
0xb5: {  	_ =	strace $0x90000057  }
0xb6: {  	_ =	sfence  }
0xb7: {  	s30 =	sld [smem:$0x0];
	_ =	sdelay $0x2  }
0xb8: {  	s31 =	sshll.u32 s1, $0xD;
	s1 =	sshrl.u32 s1, $0x2  }
0xb9: {  	s3 =	sand.u32 $0x4000, s31;
	s1 =	sadd.s32 s1, s30  }
0xba: {  	s0 =	sor.u32 s3, s0;
	s1 =	sshll.u32 s1, $0x11  }
0xbb: {  	s0 =	sor.u32 s1, s0  }
0xbc: {  	s0 =	sadd.s32 $0x8F2B, s0  }
0xbd: {  	[sflag:s0] =	ssyncadd.remote.s32 $0x1  }
0xbe: {  	_ =	sfence.sel $0xFFFF  }
0xbf: {  	[dreg:$0x0] =	wrdreg $0xFFFFFFFF;
	(pc) =	sbr.abs _section_cstart, $3  }
0xc0: {  	[dreg:$0x1] =	wrdreg $0xFFFFFFFF  }
0xc1: {  	_ =	task.clear_ibuf [dreg:s6], $0x2FFFF;
	_ =	strace $0x9FFFFFFF  }
0xc2: {  	(tm) =	ssettm $0x7FFFFFFF  }
0xc3: {  	_ =	shalt  }
tec
execute0_lowered:
.L_overlay_start_1:
0x0: {  	(tag) =	ssettag $0x1  }
0x1: {  	s0 =	rddreg [dreg:$0x0]  }
0x2: {  	s1 =	rddreg [dreg:$0x1];
	s2 =	simm.s32 $0x0  }
0x3: {  	s3 =	srdreg.scid;
	s10 =	stileid.u32;
	s14 =	simm.s32 $0x5  }
0x4: {  	s15 =	simm.s32 $0x9E70;
	s16 =	simm.s32 $0xA670;
	s17 =	simm.s32 $0xAE70  }
0x5: {  	s18 =	simm.s32 $0xB6C0;
	s19 =	simm.s32 $0x3;
	s20 =	simm.s32 $0x40  }
0x6: {  	s21 =	simm.s32 $0xBF80;
	[smem:$0x7FF] =	sst s2;
	s5 =	sadd.s32 $0x737600, s0  }
0x7: {  	s4 =	sand.u32 $0x1, s3;
	s6 =	sadd.s32 $0x11E600, s0;
	s11 =	smul.u32 $0x27000, s10  }
.Ltmp0:
0x8: {  	s7 =	sadd.s32 $0x3C00, s0;
	s3 =	ssub.s32 $0x2, s4;
	(pc) =	sbr.rel .LBB2_1-.Ltmp0, $4  }
0x9: {  	s8 =	sadd.s32 $0x237600, s0;
	_ =	strace $0x80000056;
	s9 =	sshrl.u32 s3, $0x1  }
0xa: {  	s31 =	sshrl.u32 s11, $0x2;
	s30 =	ssub.s32 s3, s9;
	s9 =	smul.u32 $0xC800, s10  }
0xb: {  	s10 =	sshll.u32 s10, $0x6;
	s3 =	sadd.s32 s31, s1;
	s0 =	smax.u32 s30, $0x1  }
0xc: {  	v0 =	vimm.s32 $0x0;
	v1 =	vimm.s32 $0x400;
	s12 =	sor.u32 $0x1C05, s10;
	s13 =	sshrl.u32 s3, $0x3;
	[dreg:$0x4] =	wrdreg s0  }
.LBB2_17:
0xd: {  	s2 =	rddreg [dreg:$0x3]  }
0xe: {  	s0 =	rddreg [dreg:$0x4];
	s2 =	sadd.s32 $0x1, s2  }
0xf: {  	p0 =	sne.s32 s2, s0  }
.Ltmp1:
0x10: {  	_ = 	snop;
	(pc) =	sbr.rel @!p0 .LBB2_18-.Ltmp1, $1  }
0x11: {  	_ =	sdelay $0x3  }
.LBB2_1:
.Ltmp2:
0x12: {  	(pc) =	sbr.rel .LBB2_2-.Ltmp2, $2  }
0x13: {  	_ =	sdelay $0x2  }
0x14: {  	[dreg:$0x3] =	wrdreg s2;
	s22 =	simm.s32 $0x0  }
.LBB2_14:
0x15: {  	[sflag:s3] =	ssyncadd.s32 @!p0 $0xFFFF6400  }
0x16: {  	[spmem:s1] =	stream.indirect.scatter.add.f32 @!p0 [tilespmem:s0], [sflag:$0x4], $0x270, s26, s31, $0xb8;
	[tilespmem:$0x1F780] =	vst v63  }
.LBB2_15:
0x17: {  	p0 =	slt.s32 s24, $0x1  }
0x18: {  	s0 =	simm.s32 @!p0 $0x3  }
0x19: {  	p1 =	seq.s32 @!p0 s24, $0x1;
	_ =	swait.ge @!p0 [sflag:s0], $0x9C00  }
0x1a: {  	p1 =	por p1, p0;
	[sflag:s0] =	ssyncset.done @!p0 $0x0  }
0x1b: {  	[sflag:s0] =	ssyncadd.s32 @!p0 $0xFFFF6400;
	s0 =	simm.s32 @!p1 $0x4  }
0x1c: {  	_ =	swait.ge @!p1 [sflag:s0], $0x9C00  }
0x1d: {  	[sflag:s0] =	ssyncset.done @!p1 $0x0  }
0x1e: {  	[sflag:s0] =	ssyncadd.s32 @!p1 $0xFFFF6400  }
0x1f: {  	s31 =	sadd.s32 s8, s23;
	[bflag:$0x0] =	sbarrier.arrive $0xFFFF  }
0x20: {  	[hbm:s31], [sflag:s12] =	dma.local [spmem:s13], $0x1380  }
0x21: {  	_ =	swait.ge [sflag:s14], $0x1380  }
0x22: {  	[sflag:s14] =	ssyncset.done $0x0  }
0x23: {  	[sflag:s14] =	ssyncadd.s32 $0xFFFFEC80  }
.LBB2_16:
0x24: {  	s22 =	sadd.s32 $0x1, s22  }
0x25: {  	p0 =	sne.s32 s22, $0x31  }
.Ltmp3:
0x26: {  	_ = 	snop;
	(pc) =	sbr.rel @!p0 .LBB2_17-.Ltmp3, $2  }
0x27: {  	_ =	sdelay $0x1  }
0x28: {  	[bflag:$0x0] =	sbarrier.arrive $0xFFFF;
	_ =	sdelay $0x1  }
.LBB2_2:
0x29: {  	s0 =	sand.u32 $0x1, s22  }
0x2a: {  	p0 =	sne.s32 s0, s4  }
.Ltmp4:
0x2b: {  	_ = 	snop;
	(pc) =	sbr.rel @p0 .LBB2_19-.Ltmp4, $1  }
0x2c: {  	_ =	sdelay $0x3  }
0x2d: {  	s0 =	sshll.u32 s22, $0xA  }
0x2e: {  	s0 =	sor.u32 s10, s0  }
0x2f: {  	s23 =	smul.u32 $0x4E, s0;
	_ =	sdelay $0x1  }
0x30: {  	s0 =	sadd.s32 s5, s23  }
0x31: {  	[spmem:s13], [sflag:s12] =	dma.local [hbm:s0], $0x1380  }
0x32: {  	_ =	swait.ge [sflag:s14], $0x1380  }
0x33: {  	[sflag:s14] =	ssyncset.done $0x0  }
0x34: {  	s3 =	simm.s32 $0x40;
	[sflag:s14] =	ssyncadd.s32 $0xFFFFEC80  }
0x35: {  	s24 =	simm.s32 $0x0;
	s0 =	simm.s32 $0x0;
	[bflag:$0x0] =	sbarrier.arrive $0xFFFF  }
.LBB2_4:
0x36: {  	p0 =	seq.s32 s3, $0x2100;
	[tilespmem:s24+$0xAE70] =	vst v0;
	s24 =	smov.u32 s3;
	s3 =	sadd.s32 $0x40, s3  }
.Ltmp5:
0x37: {  	(pc) =	sbr.rel @!p0 .LBB2_4-.Ltmp5, $2  }
0x38: {  	_ =	sdelay $0x2  }
0x39: {  	s24 =	sshra.s32 s24, $0x2  }
0x3a: {  	[tilespmem:s24+$0xAE70] =	vst v0;
	s3 =	simm.s32 $0x10;
	s0 =	sand.u32 $0xFF0, s0  }
.LBB2_6:
0x3b: {  	p0 =	seq.s32 s3, $0x8B0;
	[tilespmem:s0+$0xB6C0] =	vst v1;
	s0 =	smov.u32 s3;
	s3 =	sadd.s32 $0x10, s3  }
.Ltmp6:
0x3c: {  	(pc) =	sbr.rel @!p0 .LBB2_6-.Ltmp6, $2  }
0x3d: {  	_ =	sdelay $0x2  }
0x3e: {  	s0 =	sand.u32 $0xFF0, s0  }
0x3f: {  	[tilespmem:s0+$0xB6C0] =	vst v1;
	v2 =	vmov s22;
	s24 =	simm.s32 $0x0;
	s26 =	simm.s32 $0x0;
	s25 =	simm.s32 $0x0  }
.LBB2_8:
0x40: {  	s0 =	sshll.u32 s25, $0xB  }
0x41: {  	s0 =	sadd.s32 s9, s0  }
0x42: {  	s0 =	sshrl.u32 s0, $0x3  }
0x43: {  	s3 =	sadd.s32 s6, s0  }
0x44: {  	[tilespmem:s15], [sflag:$0x5] =	stream.linear.gather [hbm4b:s3+s24], $0x800, $0x38;
	[tilespmem:$0x1F780] =	vst v63  }
0x45: {  	_ =	swait.ge [sflag:s14], $0x800  }
0x46: {  	[sflag:s14] =	ssyncset.done $0x0  }
0x47: {  	s0 =	sadd.s32 s7, s0;
	[sflag:s14] =	ssyncadd.s32 $0xFFFFF800  }
0x48: {  	[tilespmem:s16], [sflag:$0x5] =	stream.linear.gather [hbm4b:s0+s24], $0x800, $0x38;
	[tilespmem:$0x1F780] =	vst v63  }
0x49: {  	_ =	swait.ge [sflag:s14], $0x800  }
0x4a: {  	[sflag:s14] =	ssyncset.done $0x0  }
0x4b: {  	s31 =	simm.s32 $0x0;
	[sflag:s14] =	ssyncadd.s32 $0xFFFFF800  }
0x4c: {  	v3 =	vld [tilespmem:s31+$0xA670];
	_ =	sdelay $0x4  }
0x4d: {  	v4 =	vshra.s32 v3, $0xA  }
0x4e: {  	vm0 =	veq.s32 v4, v2  }
0x4f: {  	v4 =	vsel vm0, $0x1, v0  }
0x50: {  	(xrf0) =	vadd.scan.msk.s32 $0xffff, v4;
	_ =	sdelay $0x4  }
0x51: {  	v63 =	vsel vm0, $0xFFFFFFFF, v0  }
0x52: {  	v4 =	vadd.s32 s26, v63;
	v5, _, _ =	vpop (xrf0)  }
0x53: {  	v6 =	vld [tilespmem:s31+$0x9E70];
	v4 =	vadd.s32 v5, v4;
	(v2sf) =	vpush v5, $0xF;
	_ =	sdelay $0x4  }
0x54: {  	v3 =	vand.u32 $0x3FF, v3;
	[tilespmem:v4+s17+$0x0] =	vst.idx.msk vm0, v6  }
0x55: {  	s28 =	simm.s32 $0x80;
	s0 =	simm.s32 $0x10;
	[tilespmem:v4+s18+$0x0] =	vst.idx.msk vm0, v3  }
.LBB2_9:
0x56: {  	p0 =	sne.s32 s28, $0x1FC0;
	v3 =	vld [tilespmem:s0+$0xA670];
	_ =	sdelay $0x4  }
0x57: {  	v4 =	vshra.s32 v3, $0xA;
	v3 =	vand.u32 $0x3FF, v3  }
0x58: {  	vm0 =	veq.s32 v4, v2  }
0x59: {  	v4 =	vsel vm0, $0xFFFFFFFF, v0;
	v5 =	vsel vm0, $0x1, v0  }
0x5a: {  	(xrf0) =	vadd.scan.msk.s32 $0xffff, v5;
	s3 =	spop (v2sf)  }
0x5b: {  	s26 =	sadd.s32 s26, s3  }
0x5c: {  	p1 =	slt.s32 s26, $0x800  }
0x5d: {  	s26 =	simm.s32 @!p1 $0x800  }
0x5e: {  	v4 =	vadd.s32 s26, v4;
	_ =	sdelay $0x1  }
0x5f: {  	v5, _, _ =	vpop (xrf0)  }
0x60: {  	v6 =	vld [tilespmem:s0+$0x9E70];
	v4 =	vadd.s32 v5, v4;
	(v2sf) =	vpush v5, $0xF;
	_ =	sdelay $0x1  }
.Ltmp7:
0x61: {  	(pc) =	sbr.rel @p0 .LBB2_9-.Ltmp7, $3  }
0x62: {  	_ =	sdelay $0x1  }
0x63: {  	[tilespmem:v4+s17+$0x0] =	vst.idx.msk vm0, v6  }
0x64: {  	s0 =	sshra.s32 s28, $0x2;
	s28 =	sadd.s32 $0x40, s28;
	[tilespmem:v4+s18+$0x0] =	vst.idx.msk vm0, v3  }
0x65: {  	v3 =	vld [tilespmem:s0+$0xA670];
	_ =	sdelay $0x4  }
0x66: {  	v4 =	vshra.s32 v3, $0xA  }
0x67: {  	vm0 =	veq.s32 v4, v2  }
0x68: {  	v4 =	vsel vm0, $0x1, v0  }
0x69: {  	(xrf0) =	vadd.scan.msk.s32 $0xffff, v4;
	_ =	sdelay $0x5  }
0x6a: {  	v4, _, _ =	vpop (xrf0)  }
0x6b: {  	(v2sf) =	vpush v4, $0xF;
	_ =	sdelay $0x6  }
0x6c: {  	s3 =	spop (v2sf)  }
0x6d: {  	s3 =	sadd.s32 s26, s3  }
0x6e: {  	p0 =	slt.s32 s3, $0x800  }
0x6f: {  	v5 =	vsel vm0, $0xFFFFFFFF, v0;
	s3 =	simm.s32 @!p0 $0x800  }
0x70: {  	v5 =	vadd.s32 s3, v5  }
0x71: {  	v6 =	vld [tilespmem:s0+$0x9E70];
	s25 =	sadd.s32 $0x1, s25;
	v4 =	vadd.s32 v4, v5  }
0x72: {  	p1 =	sne.s32 s25, $0x19  }
.Ltmp8:
0x73: {  	_ = 	snop;
	(pc) =	sbr.rel @p1 .LBB2_8-.Ltmp8, $4  }
0x74: {  	s31 =	spop (v2sf)  }
0x75: {  	s0 =	sadd.s32 s3, s31  }
0x76: {  	v3 =	vand.u32 $0x3FF, v3;
	[tilespmem:v4+s17+$0x0] =	vst.idx.msk vm0, v6;
	p0 =	slt.s32 s0, $0x800;
	s26 =	smov.u32 s0  }
0x77: {  	[tilespmem:v4+s18+$0x0] =	vst.idx.msk vm0, v3;
	s26 =	simm.s32 @!p0 $0x800  }
0x78: {  	s3 =	sadd.s32 $0x3F, s26  }
0x79: {  	s24 =	sand.u32 $0x3F, s3  }
0x7a: {  	p0 =	slt.s32 s0, $0xFFFFFFC2;
	s25 =	sshra.s32 s3, $0x1F;
	p1 =	sne.s32 s24, $0x0  }
0x7b: {  	s29 =	sshrl.u32 s25, $0x1A;
	p0 =	por !p0, !p1  }
0x7c: {  	s0 =	sadd.s32 s29, s3;
	s3 =	simm.s32 $0x1;
	p0 =	por !p0, !p0  }
0x7d: {  	s0 =	sshra.s32 s0, $0x6;
	s3 =	simm.s32 @!p0 $0x0  }
0x7e: {  	s24 =	ssub.s32 s0, s3  }
0x7f: {  	s0 =	sadd.s32 $0x1, s24  }
0x80: {  	s30 =	sand.u32 $0x1, s0  }
0x81: {  	p5 =	slt.s32 s24, $0x0;
	p6 =	seq.s32 s30, $0x1  }
0x82: {  	s31 =	sshrl.u32 s0, $0x1F;
	p0 =	por !p5, !p6  }
0x83: {  	s3 =	simm.s32 $0x1;
	s0 =	sadd.s32 s31, s0;
	p1 =	por !p0, !p0  }
0x84: {  	s25 =	sshra.s32 s0, $0x1;
	s3 =	simm.s32 @!p1 $0x0  }
0x85: {  	s0 =	ssub.s32 s25, s3  }
0x86: {  	p0 =	slt.s32 s0, $0x1  }
0x87: {  	p2 =	sgt.s32 @!p0 s24, $0x1  }
0x88: {  	s3 =	simm.s32 @!p0 $0x40;
	s26 =	simm.s32 @!p0 $0xAE70;
	s28 =	simm.s32 @!p0 $0xBF80  }
0x89: {  	[tilespmem:s28], [sflag:$0x1] =	stream.indirect.gather @!p0 [hbm4b:s5+s3], $0x270, s26, s3, $0xb8;
	[tilespmem:$0x1F780] =	vst v63  }
0x8a: {  	p3 =	por !p2, p0  }
0x8b: {  	s3 =	simm.s32 @!p3 $0x40;
	s26 =	simm.s32 @!p3 $0xAEB0;
	s28 =	simm.s32 @!p3 $0x15B80  }
0x8c: {  	[tilespmem:s28], [sflag:$0x2] =	stream.indirect.gather @!p3 [hbm4b:s5+s3], $0x270, s26, s3, $0xb8;
	[tilespmem:$0x1F780] =	vst v63  }
0x8d: {  	s26 =	simm.s32 @!p3 $0x1  }
0x8e: {  	_ =	swait.ge @!p3 [sflag:s26], $0x9C00  }
0x8f: {  	[sflag:s26] =	ssyncset.done @!p3 $0x0  }
0x90: {  	s29 =	simm.s32 @!p3 $0xBF80;
	[sflag:s26] =	ssyncadd.s32 @!p3 $0xFFFF6400;
	s26 =	simm.s32 @!p3 $0xB6C0  }
0x91: {  	[spmem:s1] =	stream.indirect.scatter.add.f32 @!p3 [tilespmem:s29], [sflag:$0x3], $0x270, s26, s3, $0xb8;
	[tilespmem:$0x1F780] =	vst v63  }
0x92: {  	s26 =	simm.s32 @!p3 $0x2  }
0x93: {  	_ =	swait.ge @!p3 [sflag:s26], $0x9C00  }
0x94: {  	[sflag:s26] =	ssyncset.done @!p3 $0x0  }
0x95: {  	p2 =	por p2, p0;
	[sflag:s26] =	ssyncadd.s32 @!p3 $0xFFFF6400;
	s26 =	simm.s32 @!p3 $0xB700  }
0x96: {  	[spmem:s1] =	stream.indirect.scatter.add.f32 @!p3 [tilespmem:s28], [sflag:$0x4], $0x270, s26, s3, $0xb8;
	[tilespmem:$0x1F780] =	vst v63  }
0x97: {  	s3 =	simm.s32 @!p2 $0x1  }
0x98: {  	_ =	swait.ge @!p2 [sflag:s3], $0x9C00  }
0x99: {  	s26 =	simm.s32 @!p2 $0xB6C0;
	[sflag:s3] =	ssyncset.done @!p2 $0x0  }
0x9a: {  	s28 =	simm.s32 @!p2 $0xBF80;
	[sflag:s3] =	ssyncadd.s32 @!p2 $0xFFFF6400;
	s3 =	simm.s32 @!p2 $0x40  }
0x9b: {  	[spmem:s1] =	stream.indirect.scatter.add.f32 @!p2 [tilespmem:s28], [sflag:$0x3], $0x270, s26, s3, $0xb8;
	[tilespmem:$0x1F780] =	vst v63  }
0x9c: {  	p2 =	seq.s32 @!p0 s0, $0x1  }
0x9d: {  	p0 =	por p0, p2  }
.Ltmp9:
0x9e: {  	_ = 	snop;
	(pc) =	sbr.rel @p0 .LBB2_15-.Ltmp9, $1  }
0x9f: {  	_ =	sdelay $0x3  }
0xa0: {  	_ =	swait.ge [sflag:s19], $0x9C00  }
0xa1: {  	p0 =	sle.s32 s24, $0x3;
	s0 =	simm.s32 $0xAEF0;
	[sflag:s19] =	ssyncset.done $0x0  }
0xa2: {  	s26 =	simm.s32 $0xFFFFFFFF;
	s3 =	simm.s32 @p0 $0x1;
	[sflag:s19] =	ssyncadd.s32 $0xFFFF6400  }
0xa3: {  	[tilespmem:s21], [sflag:$0x1] =	stream.indirect.gather [hbm4b:s5+s20], $0x270, s0, s20, $0xb8;
	[tilespmem:$0x1F780] =	vst v63  }
0xa4: {  	s28 =	simm.s32 @p0 $0xB740;
	s26 =	simm.s32 @!p1 $0x0;
	_ =	swait.ge @p0 [sflag:s3], $0x9C00  }
0xa5: {  	s29 =	simm.s32 @p0 $0x40;
	s25 =	sadd.s32 s26, s25;
	[sflag:s3] =	ssyncset.done @p0 $0x0  }
0xa6: {  	s0 =	simm.s32 @p0 $0xBF80;
	[sflag:s3] =	ssyncadd.s32 @p0 $0xFFFF6400;
	s3 =	simm.s32 @!p0 $0x4  }
0xa7: {  	[spmem:s1] =	stream.indirect.scatter.add.f32 @p0 [tilespmem:s0], [sflag:$0x3], $0x270, s28, s29, $0xb8;
	[tilespmem:$0x1F780] =	vst v63  }
0xa8: {  	s31 =	simm.s32 @!p0 $0x40;
	s25 =	sadd.s32 $0xFFFFFFFF, s25;
	_ =	swait.ge @!p0 [sflag:s3], $0x9C00  }
0xa9: {  	s25 =	sadd.s32 $0xFFFFFFFF, s25;
	s28 =	simm.s32 $0xAF30;
	[sflag:s3] =	ssyncset.done @!p0 $0x0  }
0xaa: {  	s0 =	simm.s32 @!p0 $0x15B80;
	[sflag:s3] =	ssyncadd.s32 @!p0 $0xFFFF6400;
	s3 =	simm.s32 @!p0 $0x1  }
0xab: {  	[tilespmem:s0], [sflag:$0x2] =	stream.indirect.gather @!p0 [hbm4b:s5+s31], $0x270, s28, s31, $0xb8;
	[tilespmem:$0x1F780] =	vst v63  }
0xac: {  	p1 =	sne.s32 s25, $0x0;
	_ =	swait.ge @!p0 [sflag:s3], $0x9C00  }
.Ltmp10:
0xad: {  	s26 =	simm.s32 @!p0 $0xBF80;
	[sflag:s3] =	ssyncset.done @!p0 $0x0;
	(pc) =	sbr.rel @!p1 .LBB2_14-.Ltmp10, $4  }
0xae: {  	s28 =	simm.s32 @!p0 $0xB740;
	[sflag:s3] =	ssyncadd.s32 @!p0 $0xFFFF6400;
	s3 =	simm.s32 @!p0 $0x2  }
0xaf: {  	[spmem:s1] =	stream.indirect.scatter.add.f32 @!p0 [tilespmem:s26], [sflag:$0x3], $0x270, s28, s31, $0xb8;
	[tilespmem:$0x1F780] =	vst v63  }
0xb0: {  	s30 =	simm.s32 $0xB780;
	s29 =	simm.s32 $0x5;
	_ =	swait.ge @!p0 [sflag:s3], $0x9C00  }
0xb1: {  	s26 =	simm.s32 $0xB780;
	s28 =	simm.s32 $0xAFB0;
	[sflag:s3] =	ssyncset.done @!p0 $0x0  }
.LBB2_13:
0xb2: {  	s25 =	sadd.s32 $0xFFFFFFFF, s25;
	[sflag:s3] =	ssyncadd.s32 @!p0 $0xFFFF6400;
	s30 =	sadd.s32 $0x80, s30  }
0xb3: {  	[spmem:s1] =	stream.indirect.scatter.add.f32 @!p0 [tilespmem:s0], [sflag:$0x4], $0x270, s26, s31, $0xb8;
	[tilespmem:$0x1F780] =	vst v63  }
0xb4: {  	p1 =	sne.s32 s25, $0x0;
	s26 =	smov.u32 s30;
	_ =	swait.ge [sflag:s19], $0x9C00  }
0xb5: {  	p0 =	sge.s32 s29, s24;
	s0 =	sadd.s32 $0xFFFFFFC0, s28;
	[sflag:s19] =	ssyncset.done $0x0  }
0xb6: {  	s3 =	simm.s32 @p0 $0x1;
	[sflag:s19] =	ssyncadd.s32 $0xFFFF6400  }
0xb7: {  	[tilespmem:s21], [sflag:$0x1] =	stream.indirect.gather [hbm4b:s5+s20], $0x270, s0, s20, $0xb8;
	[tilespmem:$0x1F780] =	vst v63  }
0xb8: {  	s0 =	simm.s32 @p0 $0xBF80;
	_ =	swait.ge @p0 [sflag:s3], $0x9C00  }
0xb9: {  	s31 =	sadd.s32 @p0 $0xFFFFFFC0, s30;
	s11 =	simm.s32 @p0 $0x40;
	[sflag:s3] =	ssyncset.done @p0 $0x0  }
0xba: {  	[sflag:s3] =	ssyncadd.s32 @p0 $0xFFFF6400;
	s3 =	simm.s32 @!p0 $0x4  }
0xbb: {  	[spmem:s1] =	stream.indirect.scatter.add.f32 @p0 [tilespmem:s0], [sflag:$0x3], $0x270, s31, s11, $0xb8;
	[tilespmem:$0x1F780] =	vst v63  }
0xbc: {  	_ =	swait.ge @!p0 [sflag:s3], $0x9C00  }
0xbd: {  	s31 =	simm.s32 @!p0 $0x40;
	s0 =	simm.s32 @!p0 $0x15B80;
	[sflag:s3] =	ssyncset.done @!p0 $0x0  }
0xbe: {  	[sflag:s3] =	ssyncadd.s32 @!p0 $0xFFFF6400;
	s3 =	simm.s32 @!p0 $0x1  }
0xbf: {  	[tilespmem:s0], [sflag:$0x2] =	stream.indirect.gather @!p0 [hbm4b:s5+s31], $0x270, s28, s31, $0xb8;
	[tilespmem:$0x1F780] =	vst v63  }
0xc0: {  	s11 =	simm.s32 @!p0 $0xBF80;
	_ =	swait.ge @!p0 [sflag:s3], $0x9C00  }
.Ltmp11:
0xc1: {  	s2 =	sadd.s32 @!p0 $0xFFFFFFC0, s30;
	[sflag:s3] =	ssyncset.done @!p0 $0x0;
	(pc) =	sbr.rel @p1 .LBB2_13-.Ltmp11, $4  }
0xc2: {  	[sflag:s3] =	ssyncadd.s32 @!p0 $0xFFFF6400;
	s3 =	simm.s32 @!p0 $0x2  }
0xc3: {  	[spmem:s1] =	stream.indirect.scatter.add.f32 @!p0 [tilespmem:s11], [sflag:$0x3], $0x270, s2, s31, $0xb8;
	[tilespmem:$0x1F780] =	vst v63  }
0xc4: {  	_ =	swait.ge @!p0 [sflag:s3], $0x9C00  }
0xc5: {  	s29 =	sadd.s32 $0x2, s29;
	s28 =	sadd.s32 $0x80, s28;
	[sflag:s3] =	ssyncset.done @!p0 $0x0  }
.Ltmp12:
0xc6: {  	_ = 	snop;
	(pc) =	sbr.rel .LBB2_14-.Ltmp12, $1  }
0xc7: {  	_ =	sdelay $0x3  }
.LBB2_19:
.Ltmp13:
0xc8: {  	(pc) =	sbr.rel .LBB2_16-.Ltmp13, $3  }
0xc9: {  	_ = 	snop  }
0xca: {  	[bflag:$0x0] =	sbarrier.arrive $0xFFFF  }
0xcb: {  	[bflag:$0x0] =	sbarrier.arrive $0xFFFF;
	_ =	sdelay $0x1  }
.LBB2_18:
0xcc: {  	_ =	sfence.sel $0x180000  }
0xcd: {  	[bflag:$0x0] =	sbarrier.arrive $0xFFFF  }
0xce: {  	_ =	strace $0x90000056  }
0xcf: {  	s0 =	stileid.u32;
	[bflag:$0x2] =	sbarrier.arrive $0xFFFF  }
0xd0: {  	p0 =	sne.s32 s0, $0x0;
	s0 =	rddreg [dreg:$0x2]  }
0xd1: {  	s0 =	sadd.s32 @!p0 $0x100000, s0  }
0xd2: {  	[sflag:s0] =	ssyncadd.tile.s32 @!p0 $0x1;
	_ =	shalt  }
.Lfunc_end2:
_tile_overlayer_lowered:
.L_overlay_start_2:
0xd3: {  	(tag) =	ssettag $0x2  }
0xd4: {  	s0 =	rddreg [dreg:$0x0];
	s2 =	stileid.u32  }
0xd5: {  	s1 =	rddreg [dreg:$0x1];
	p0 =	sne.s32 s2, $0x0  }
0xd6: {  	s3 =	rddreg [dreg:$0x2];
	[bflag:$0x3] =	sbarrier.arrive $0xFFFF;
	s2 =	simm.s32 @!p0 $0x1C05  }
0xd7: {  	[timem:s3], [sflag:s2] =	dma.local @!p0 [hbm:s0], s1  }
0xd8: {  	s0 =	simm.s32 @!p0 $0x5  }
0xd9: {  	_ =	swait.ge @!p0 [sflag:s0], s1  }
0xda: {  	s1 =	ssub.s32 @!p0 $0x0, s1;
	[sflag:s0] =	ssyncset.done @!p0 $0x0  }
0xdb: {  	[sflag:s0] =	ssyncadd.s32 @!p0 s1  }
0xdc: {  	[bflag:$0x3] =	sbarrier.arrive $0xFFFF  }
0xdd: {  	_ =	shalt  }

// kernel: kernel.34.cloned.1.call-start
scs
__scs_entry_jumppad:
0x0: {  	(pc) =	sbr.rel $0x88, $3  }
0x1: {  	(tag) =	ssettag $0x0;
	lr =	simm.s32 $0x1  }
0x2: {  	[smem:$0x3F8A] =	sst lr;
	_ =	strace $0xD0000000  }
0x3: {  	_ = 	snop  }
0x4: {  	_ = 	snop  }
0x5: {  	_ = 	snop  }
0x6: {  	_ = 	snop  }
0x7: {  	_ = 	snop  }
__scs_overlays_trampoline_lowered:
0x8: {  	[smem:$0x3F99] =	sst s0  }
0x9: {  	[smem:$0x3F9A] =	sst s1  }
0xa: {  	[smem:$0x3F9B] =	sst s2  }
0xb: {  	[smem:$0x3F9C] =	sst s3  }
0xc: {  	[smem:$0x3F9D] =	sst s4  }
0xd: {  	[smem:$0x3F9E] =	sst s5  }
0xe: {  	[smem:$0x3F9F] =	sst s6  }
0xf: {  	[smem:$0x3FA0] =	sst s7  }
0x10: {  	[smem:$0x3FA1] =	sst s8  }
0x11: {  	[smem:$0x3FA2] =	sst s9;
	s0 =	simm.s32 @!p0 $0x0  }
0x12: {  	s1 =	sld [smem:$0x3F88];
	s0 =	simm.s32 @p0 $0x1  }
0x13: {  	[smem:$0x3FA3] =	sst s0;
	s0 =	simm.s32 @!p1 $0x0  }
0x14: {  	s2 =	sld [smem:$0x3F87];
	s0 =	simm.s32 @p1 $0x1  }
0x15: {  	[smem:$0x3FA4] =	sst s0;
	s0 =	simm.s32 @!p2 $0x0  }
0x16: {  	s3 =	sld [smem:$0x3FDB];
	s0 =	simm.s32 @p2 $0x1  }
0x17: {  	s4 =	simm.s32 $0x1BF5;
	[smem:$0x3FA6] =	sst s0  }
0x18: {  	s0 =	sld [smem:$0x3F89];
	_ =	swait.ge [sflag:s4], $0x0  }
0x19: {  	s7 =	sld [smem:$0x3F8A]  }
0x1a: {  	s8 =	sadd.s32 $0xFFFFE003, lr  }
0x1b: {  	s9 =	sadd.s32 $0xFFFFFEF7, lr;
	s5 =	simm.s32 $0xFFFFFFFF;
	p2 =	slt.u32 s8, $0xFFFFF086  }
0x1c: {  	p1 =	slt.u32 s9, $0xF7A;
	s5 =	simm.s32 @!p2 $0x0  }
0x1d: {  	s5 =	simm.s32 @p1 $0x1;
	p0 =	seq.s32 s7, s2  }
0x1e: {  	s7 =	smul.u32 @!p0 $0xF7A, s2;
	p2 =	seq.s32 @!p0 s5, $0x0  }
0x1f: {  	s9 =	smul.u32 $0xF7A, s1;
	s8 =	simm.s32 @!p0 $0x1BF5;
	p2 =	por !p2, p0  }
0x20: {  	[sflag:s8] =	ssyncset.s32 @!p0 $0xFFFFF086;
	s6 =	sadd.s32 @!p0 s3, s7;
	s7 =	simm.s32 @!p0 $0x108  }
0x21: {  	s3 =	sadd.s32 s3, s9;
	s6 =	sadd.s32 @!p0 $0x88, s6;
	s7 =	simm.s32 @p2 $0x1082  }
0x22: {  	[simem:s7], [sflag:s8] =	dma.local @!p0 [hbm:s6], $0xF7A  }
0x23: {  	s9 =	sor.u32 $0xD0000000, s2;
	s6 =	simm.s32 $0x108;
	_ =	swait.ge @!p0 [sflag:s8], $0x0  }
0x24: {  	s3 =	sadd.s32 $0x88, s3;
	s6 =	simm.s32 @!p1 $0x1082;
	[sflag:s4] =	ssyncset.s32 $0xFFFFF086  }
0x25: {  	[simem:s6], [sflag:s4] =	dma.local [hbm:s3], $0xF7A  }
0x26: {  	[smem:$0x3F8A] =	sst s1;
	(tag) =	ssettag s2;
	_ =	strace s9  }
0x27: {  	s1 =	sld [smem:$0x3F9A]  }
0x28: {  	s2 =	sld [smem:$0x3F9B]  }
0x29: {  	s4 =	sld [smem:$0x3F9D]  }
0x2a: {  	p0 =	seq.s32 s5, $0x0;
	s5 =	sld [smem:$0x3F9E]  }
0x2b: {  	s6 =	sld [smem:$0x3F9F]  }
0x2c: {  	s7 =	sld [smem:$0x3FA0]  }
0x2d: {  	s3 =	simm.s32 $0x108;
	s8 =	sld [smem:$0x3FA1]  }
0x2e: {  	s3 =	simm.s32 @!p0 $0x1082;
	s9 =	sld [smem:$0x3FA2]  }
0x2f: {  	lr =	sadd.s32 s0, s3;
	s0 =	sld [smem:$0x3F99]  }
0x30: {  	s3 =	sld [smem:$0x3F9C]  }
0x31: {  	[smem:$0x3FA5] =	sst s10  }
0x32: {  	s10 =	sld [smem:$0x3FA3];
	_ =	sdelay $0x3  }
0x33: {  	p0 =	seq.s32 s10, $0x1;
	s10 =	sld [smem:$0x3FA5];
	_ =	sdelay $0x3  }
0x34: {  	[smem:$0x3FA5] =	sst s10  }
0x35: {  	s10 =	sld [smem:$0x3FA4];
	_ =	sdelay $0x3  }
0x36: {  	p1 =	seq.s32 s10, $0x1;
	s10 =	sld [smem:$0x3FA5];
	_ =	sdelay $0x3  }
0x37: {  	[smem:$0x3FA5] =	sst s10  }
0x38: {  	s10 =	sld [smem:$0x3FA6]  }
0x39: {  	_ = 	snop;
	(pc) =	sbr.ind lr, $3  }
0x3a: {  	_ = 	snop  }
0x3b: {  	_ = 	snop  }
0x3c: {  	p2 =	seq.s32 s10, $0x1;
	s10 =	sld [smem:$0x3FA5]  }
0x3d: {  	_ =	shalt  }
0x3e: {  	_ =	shalt  }
0x3f: {  	_ =	shalt  }
0x40: {  	_ =	shalt  }
0x41: {  	_ =	shalt  }
0x42: {  	_ =	shalt  }
0x43: {  	_ =	shalt  }
0x44: {  	_ =	shalt  }
0x45: {  	_ =	shalt  }
0x46: {  	_ =	shalt  }
0x47: {  	_ =	shalt  }
0x48: {  	_ =	shalt  }
0x49: {  	_ =	shalt  }
0x4a: {  	_ =	shalt  }
0x4b: {  	_ =	shalt  }
0x4c: {  	_ =	shalt  }
0x4d: {  	_ =	shalt  }
0x4e: {  	_ =	shalt  }
0x4f: {  	_ =	shalt  }
0x50: {  	_ =	shalt  }
0x51: {  	_ =	shalt  }
0x52: {  	_ =	shalt  }
0x53: {  	_ =	shalt  }
0x54: {  	_ =	shalt  }
0x55: {  	_ =	shalt  }
0x56: {  	_ =	shalt  }
0x57: {  	_ =	shalt  }
0x58: {  	_ =	shalt  }
0x59: {  	_ =	shalt  }
0x5a: {  	_ =	shalt  }
0x5b: {  	_ =	shalt  }
0x5c: {  	_ =	shalt  }
0x5d: {  	_ =	shalt  }
0x5e: {  	_ =	shalt  }
0x5f: {  	_ =	shalt  }
0x60: {  	_ =	shalt  }
0x61: {  	_ =	shalt  }
0x62: {  	_ =	shalt  }
0x63: {  	_ =	shalt  }
0x64: {  	_ =	shalt  }
0x65: {  	_ =	shalt  }
0x66: {  	_ =	shalt  }
0x67: {  	_ =	shalt  }
0x68: {  	_ =	shalt  }
0x69: {  	_ =	shalt  }
0x6a: {  	_ =	shalt  }
0x6b: {  	_ =	shalt  }
0x6c: {  	_ =	shalt  }
0x6d: {  	_ =	shalt  }
0x6e: {  	_ =	shalt  }
0x6f: {  	_ =	shalt  }
0x70: {  	_ =	shalt  }
0x71: {  	_ =	shalt  }
0x72: {  	_ =	shalt  }
0x73: {  	_ =	shalt  }
0x74: {  	_ =	shalt  }
0x75: {  	_ =	shalt  }
0x76: {  	_ =	shalt  }
0x77: {  	_ =	shalt  }
0x78: {  	_ =	shalt  }
0x79: {  	_ =	shalt  }
0x7a: {  	_ =	shalt  }
0x7b: {  	_ =	shalt  }
0x7c: {  	_ =	shalt  }
0x7d: {  	_ =	shalt  }
0x7e: {  	_ =	shalt  }
0x7f: {  	_ =	shalt  }
0x80: {  	_ =	shalt  }
0x81: {  	_ =	shalt  }
0x82: {  	_ =	shalt  }
0x83: {  	_ =	shalt  }
0x84: {  	_ =	shalt  }
0x85: {  	_ =	shalt  }
0x86: {  	_ =	shalt  }
0x87: {  	_ =	shalt  }
.Lfunc_end0:
.L_simem_size_0:
called_computation.6_lowered:
.L_overlay_start_0:
0x88: {  	s2 =	sld [smem:$0x3FD9]  }
0x89: {  	s3 =	sld [smem:$0x3FFE];
	_ =	sdelay $0x1  }
0x8a: {  	s1 =	srdreg.scid  }
0x8b: {  	s0 =	sand.u32 $0x1, s1  }
0x8c: {  	s16 =	sshll.u32 s0, $0xA;
	s2 =	sadd.s32 s3, s2  }
0x8d: {  	s2 =	sadd.s32 s2, s16  }
0x8e: {  	[smem:$0x3FB1] =	sst s2  }
0x8f: {  	_ = 	snop  }
0x90: {  	(tm) =	ssettm $0x1  }
0x91: {  	s17 =	sld [smem:$0x3FFB];
	_ =	sdelay $0x3  }
0x92: {  	_ =	strace s17  }
0x93: {  	s2 =	sld [smem:$0x3FFC];
	_ =	sdelay $0x3  }
0x94: {  	_ =	strace s2  }
0x95: {  	s2 =	sld [smem:$0x3FFD];
	_ =	sdelay $0x3  }
0x96: {  	_ =	strace s2  }
0x97: {  	_ =	strace $0x8FFFFFFF  }
0x98: {  	s18 =	sld [smem:$0x3FDB];
	_ =	sdelay $0x1  }
0x99: {  	s19 =	simm.s32 $_scs_section_size  }
0x9a: {  	s4 =	simm.s32 $_size__tile_overlayer_lowered;
	s5 =	simm.s32 $_tile_overlayer_lowered  }
0x9b: {  	s22 =	simm.s32 $0x1BFF;
	s21 =	sshll.u32 s5, $0x1;
	s2 =	sadd.s32 s19, s18  }
0x9c: {  	s6 =	simm.s32 $0x0;
	s20 =	sshll.u32 s4, $0x1;
	s4 =	sadd.s32 s21, s2  }
0x9d: {  	[timem:s6], [sflag:s22] =	dma.local [hbm:s4], s20  }
0x9e: {  	_ =	swait.ge [sflag:s22], s20  }
0x9f: {  	s3 =	ssub.s32 $0x0, s20;
	[sflag:s22] =	ssyncset.done $0x0  }
0xa0: {  	[sflag:s22] =	ssyncadd.s32 s3;
	_ =	sdelay $0x1  }
0xa1: {  	s23 =	simm.s32 $0x1B8B  }
0xa2: {  	_ =	swait.ge [sflag:s23], $0x1  }
0xa3: {  	[sflag:s23] =	ssyncset.done $0x0  }
0xa4: {  	s25 =	simm.s32 $0x1B8E;
	s24 =	sld [smem:$0x3FFE];
	[sflag:s23] =	ssyncadd.s32 $0xFFFFFFFF  }
0xa5: {  	s26 =	simm.s32 $execute0_lowered;
	[smem:$0x3FD2] =	sst s25  }
0xa6: {  	s4 =	sshll.u32 s26, $0x1;
	_ =	strace $0x80000058;
	[dreg:$0x1] =	wrdreg $0xFFFFFFFF  }
0xa7: {  	s28 =	simm.s32 $_size_execute0_lowered;
	s2 =	sadd.s32 s2, s4;
	[dreg:$0x0] =	wrdreg $0x0  }
0xa8: {  	s4 =	sshll.u32 s28, $0x1;
	[dreg:$0x2] =	wrdreg s2  }
0xa9: {  	[dreg:$0x3] =	wrdreg s4  }
0xaa: {  	[dreg:$0x4] =	wrdreg $0xC0  }
0xab: {  	_ =	task [dreg:s6], $0x5FFFF  }
0xac: {  	[dreg:$0x1] =	wrdreg $0xFFFFFFFF  }
0xad: {  	[dreg:$0x0] =	wrdreg $0x60  }
0xae: {  	[dreg:$0x2] =	wrdreg s24  }
0xaf: {  	[dreg:$0x3] =	wrdreg $0x9  }
0xb0: {  	_ =	task.clear_ibuf [dreg:s6], $0x4FFFF;
	_ =	strace $0x90000058  }
0xb1: {  	s29 =	simm.s32 $0x9;
	_ =	strace $0x8000005A  }
0xb2: {  	_ =	swait.ge [sflag:s29], $0x1  }
0xb3: {  	[sflag:s29] =	ssyncadd.s32 $0xFFFFFFFF  }
0xb4: {  	_ =	strace $0x9000005A  }
0xb5: {  	_ =	sfence  }
0xb6: {  	s30 =	sld [smem:$0x0];
	_ =	sdelay $0x2  }
0xb7: {  	s31 =	sshll.u32 s1, $0xD;
	s1 =	sshrl.u32 s1, $0x2  }
0xb8: {  	s3 =	sand.u32 $0x4000, s31;
	s1 =	sadd.s32 s1, s30  }
0xb9: {  	s0 =	sor.u32 s3, s0;
	s1 =	sshll.u32 s1, $0x11  }
0xba: {  	s0 =	sor.u32 s1, s0  }
0xbb: {  	s0 =	sadd.s32 $0x8F2B, s0  }
0xbc: {  	[sflag:s0] =	ssyncadd.remote.s32 $0x1  }
0xbd: {  	_ =	sfence.sel $0xFFFF  }
0xbe: {  	[dreg:$0x0] =	wrdreg $0xFFFFFFFF;
	(pc) =	sbr.abs _section_cstart, $3  }
0xbf: {  	[dreg:$0x1] =	wrdreg $0xFFFFFFFF  }
0xc0: {  	_ =	task.clear_ibuf [dreg:s6], $0x2FFFF;
	_ =	strace $0x9FFFFFFF  }
0xc1: {  	(tm) =	ssettm $0x7FFFFFFF  }
tec
execute0_lowered:
.L_overlay_start_1:
0x0: {  	(tag) =	ssettag $0x1  }
0x1: {  	s5 =	rddreg [dreg:$0x0]  }
0x2: {  	s0 =	rddreg [dreg:$0x1];
	s1 =	simm.s32 $0x0;
	s2 =	srdreg.scid  }
0x3: {  	s9 =	simm.s32 $0x15F80;
	s10 =	simm.s32 $0x0;
	[smem:$0x7FF] =	sst s1  }
.Ltmp0:
0x4: {  	s6 =	sand.u32 $0x1, s2;
	s3 =	sadd.s32 $0x1619000, s5;
	(pc) =	sbr.rel .LBB2_1-.Ltmp0, $4  }
0x5: {  	s4 =	sadd.s32 $0x717600, s5;
	s2 =	stileid.u32;
	s7 =	ssub.s32 $0x2, s6  }
0x6: {  	s5 =	sadd.s32 $0x3C00, s5;
	_ =	strace $0x80000059;
	s8 =	sshrl.u32 s7, $0x1  }
0x7: {  	s31 =	sshll.u32 s2, $0x5;
	s6 =	sshll.u32 s6, $0x4;
	s7 =	ssub.s32 s7, s8  }
0x8: {  	v0 =	vimm.f32 $-Inf;
	s6 =	sor.u32 s6, s31;
	s8 =	simm.s32 $0x1;
	s7 =	smax.u32 s7, $0x1  }
.LBB2_17:
0x9: {  	s10 =	sadd.s32 $0x1, s10  }
0xa: {  	p0 =	sne.s32 s10, s7  }
.Ltmp1:
0xb: {  	_ = 	snop;
	(pc) =	sbr.rel @!p0 .LBB2_18-.Ltmp1, $1  }
0xc: {  	_ =	sdelay $0x3  }
.LBB2_1:
.Ltmp2:
0xd: {  	(pc) =	sbr.rel .LBB2_2-.Ltmp2, $4  }
0xe: {  	[tilespmem:s1], [sflag:$0x1] =	stream.linear.gather [hbm4b:s4+s1], $0xC380, $0x38;
	[tilespmem:$0x16460] =	vst v63  }
0xf: {  	_ =	swait.ge [sflag:s8], $0xC380  }
0x10: {  	[sflag:s8] =	ssyncset.done $0x0  }
0x11: {  	s11 =	simm.s32 $0x0;
	[sflag:s8] =	ssyncadd.s32 $0xFFFF3C80  }
.LBB2_16:
0x12: {  	s12 =	smul.u32 $0x9C, s12;
	s11 =	sadd.s32 $0x1, s11  }
0x13: {  	p0 =	sne.s32 s11, $0x10  }
.Ltmp3:
0x14: {  	s12 =	sadd.s32 s5, s12;
	(pc) =	sbr.rel @!p0 .LBB2_17-.Ltmp3, $4  }
0x15: {  	[hbm4b:s12+s1] =	stream.linear.scatter [tilespmem:s9], [sflag:$0x1], $0x4E0, $0x38;
	[tilespmem:$0x16460] =	vst v63  }
0x16: {  	_ =	swait.ge [sflag:s8], $0x4E0  }
0x17: {  	[sflag:s8] =	ssyncset.done $0x0  }
0x18: {  	[sflag:s8] =	ssyncadd.s32 $0xFFFFFB20  }
.LBB2_2:
0x19: {  	s12 =	sadd.s32 s6, s11  }
0x1a: {  	s15 =	simm.s32 $0x0;
	s14 =	simm.s32 $0xC350;
	s18 =	simm.s32 $0xC350  }
0x1b: {  	s16 =	simm.s32 $0xF;
	s13 =	simm.s32 $0x0;
	s17 =	simm.s32 $0xC350  }
.LBB2_3:
0x1c: {  	s19 =	smov.u32 s17  }
0x1d: {  	p0 =	sne.s32 s16, $0x1;
	s17 =	sand.u32 $0x1, s18  }
0x1e: {  	p1 =	slt.s32 s18, $0x1;
	p2 =	seq.s32 s17, $0x1  }
0x1f: {  	s17 =	sshrl.u32 s18, $0x1F;
	p1 =	por !p1, !p2  }
0x20: {  	s17 =	sadd.s32 s17, s18;
	s18 =	simm.s32 $0x1;
	p1 =	por !p1, !p1  }
0x21: {  	s17 =	sshra.s32 s17, $0x1;
	s18 =	simm.s32 @!p1 $0x0  }
0x22: {  	s17 =	ssub.s32 s17, s18  }
0x23: {  	v1 =	vld [tilespmem:s17+$0x0];
	_ =	sdelay $0x4  }
0x24: {  	(v2sf) =	vpush v1, $0x0;
	_ =	sdelay $0xd  }
.Ltmp4:
0x25: {  	(pc) =	sbr.rel @p0 .LBB2_3-.Ltmp4, $4  }
0x26: {  	s18 =	spop (v2sf)  }
0x27: {  	p1 =	slt.s32 s18, s12;
	s18 =	sadd.s32 $0x1, s17  }
0x28: {  	s13 =	smov.u32 @p1 s18;
	s17 =	smov.u32 @p1 s19  }
0x29: {  	s16 =	sadd.s32 $0xFFFFFFFF, s16;
	s18 =	sadd.s32 s13, s17  }
0x2a: {  	s16 =	sand.u32 $0x1, s18  }
0x2b: {  	p0 =	slt.s32 s18, $0x1;
	p1 =	seq.s32 s16, $0x1  }
0x2c: {  	s30 =	sshrl.u32 s18, $0x1F;
	p0 =	por !p0, !p1  }
0x2d: {  	s17 =	simm.s32 $0x1;
	s16 =	sadd.s32 s30, s18;
	p0 =	por !p0, !p0  }
0x2e: {  	s16 =	sshra.s32 s16, $0x1;
	s17 =	simm.s32 @!p0 $0x0  }
0x2f: {  	s16 =	ssub.s32 s16, s17  }
0x30: {  	v1 =	vld [tilespmem:s16+$0x0];
	_ =	sdelay $0x4  }
0x31: {  	(v2sf) =	vpush v1, $0x0;
	_ =	sdelay $0xe  }
0x32: {  	s31 =	spop (v2sf)  }
0x33: {  	s16 =	sadd.s32 $0x1, s16;
	p0 =	slt.s32 s31, s12  }
0x34: {  	s17 =	simm.s32 $0xC350;
	s13 =	smov.u32 @p0 s16;
	s16 =	simm.s32 $0xF  }
.LBB2_5:
0x35: {  	s18 =	smov.u32 s15  }
0x36: {  	p0 =	sne.s32 s16, $0x1;
	s15 =	sand.u32 $0x1, s17  }
0x37: {  	p1 =	slt.s32 s17, $0x1;
	p2 =	seq.s32 s15, $0x1  }
0x38: {  	s15 =	sshrl.u32 s17, $0x1F;
	p1 =	por !p1, !p2  }
0x39: {  	s15 =	sadd.s32 s15, s17;
	s17 =	simm.s32 $0x1;
	p1 =	por !p1, !p1  }
0x3a: {  	s15 =	sshra.s32 s15, $0x1;
	s17 =	simm.s32 @!p1 $0x0  }
0x3b: {  	s17 =	ssub.s32 s15, s17  }
0x3c: {  	v1 =	vld [tilespmem:s17+$0x0];
	_ =	sdelay $0x4  }
0x3d: {  	(v2sf) =	vpush v1, $0x0;
	_ =	sdelay $0xd  }
.Ltmp5:
0x3e: {  	(pc) =	sbr.rel @p0 .LBB2_5-.Ltmp5, $4  }
0x3f: {  	s15 =	spop (v2sf)  }
0x40: {  	p1 =	sgt.s32 s15, s12;
	s15 =	sadd.s32 $0x1, s17  }
0x41: {  	s15 =	smov.u32 @p1 s18;
	s14 =	smov.u32 @p1 s17  }
0x42: {  	s16 =	sadd.s32 $0xFFFFFFFF, s16;
	s17 =	sadd.s32 s15, s14  }
0x43: {  	s14 =	sand.u32 $0x1, s17  }
0x44: {  	p0 =	slt.s32 s17, $0x1;
	p1 =	seq.s32 s14, $0x1  }
0x45: {  	s30 =	sshrl.u32 s17, $0x1F;
	p0 =	por !p0, !p1  }
0x46: {  	s16 =	simm.s32 $0x1;
	s14 =	sadd.s32 s30, s17;
	p0 =	por !p0, !p0  }
0x47: {  	s14 =	sshra.s32 s14, $0x1;
	s16 =	simm.s32 @!p0 $0x0  }
0x48: {  	s14 =	ssub.s32 s14, s16  }
0x49: {  	v1 =	vld [tilespmem:s14+$0x0];
	_ =	sdelay $0x4  }
0x4a: {  	(v2sf) =	vpush v1, $0x0;
	_ =	sdelay $0xe  }
0x4b: {  	s31 =	spop (v2sf)  }
0x4c: {  	s14 =	sadd.s32 $0x1, s14;
	p0 =	sgt.s32 s31, s12  }
0x4d: {  	s16 =	simm.s32 $0x0;
	s14 =	smov.u32 @p0 s15;
	s15 =	simm.s32 $0x40  }
.LBB2_7:
0x4e: {  	p0 =	sne.s32 s15, $0x1340;
	[tilespmem:s16+$0x15F80] =	vst v0;
	s16 =	smov.u32 s15;
	s15 =	sadd.s32 $0x40, s15  }
.Ltmp6:
0x4f: {  	(pc) =	sbr.rel @p0 .LBB2_7-.Ltmp6, $2  }
0x50: {  	_ =	sdelay $0x2  }
0x51: {  	s16 =	sshra.s32 s16, $0x2  }
0x52: {  	s15 =	ssub.s32 s14, s13  }
0x53: {  	s15 =	sadd.s32 $0x1F, s15  }
0x54: {  	s17 =	sand.u32 $0x1F, s15  }
0x55: {  	s31 =	sshra.s32 s15, $0x1F;
	p1 =	slt.s32 s15, $0x1;
	p0 =	sne.s32 s17, $0x0  }
0x56: {  	s17 =	sshrl.u32 s31, $0x1B;
	p0 =	por !p1, !p0  }
0x57: {  	s15 =	sadd.s32 s17, s15;
	s17 =	simm.s32 $0x1;
	p0 =	por !p0, !p0  }
0x58: {  	s15 =	sshra.s32 s15, $0x5;
	s17 =	simm.s32 @!p0 $0x0  }
0x59: {  	s15 =	ssub.s32 s15, s17  }
0x5a: {  	p0 =	slt.s32 s15, $0x1  }
.Ltmp7:
0x5b: {  	_ = 	snop;
	(pc) =	sbr.rel @!p0 .LBB2_9-.Ltmp7, $4  }
.Ltmp8:
0x5c: {  	_ = 	snop;
	(pc) =	sbr.rel @p0 .LBB2_16-.Ltmp8, $4  }
0x5d: {  	_ = 	snop  }
0x5e: {  	_ = 	snop  }
0x5f: {  	[tilespmem:s16+$0x15F80] =	vst v0;
	s16 =	simm.s32 $0x0;
	s17 =	simm.s32 $0x0  }
0x60: {  	_ = 	snop  }
.LBB2_15:
0x61: {  	s17 =	sadd.s32 $0x1, s17  }
0x62: {  	p0 =	sne.s32 s17, s15  }
.Ltmp9:
0x63: {  	_ = 	snop;
	(pc) =	sbr.rel @!p0 .LBB2_16-.Ltmp9, $1  }
0x64: {  	_ =	sdelay $0x3  }
.LBB2_9:
0x65: {  	s18 =	sshll.u32 s17, $0x5  }
0x66: {  	s18 =	sadd.s32 s13, s18  }
0x67: {  	s19 =	smul.u32 $0x4E0, s18;
	_ =	sdelay $0x1  }
0x68: {  	s19 =	sshrl.u32 s19, $0x3  }
.Ltmp10:
0x69: {  	s20 =	sadd.s32 s3, s19;
	s19 =	simm.s32 $0xC380;
	(pc) =	sbr.rel .LBB2_10-.Ltmp10, $4  }
0x6a: {  	[tilespmem:s19], [sflag:$0x1] =	stream.linear.gather [hbm4b:s20+s16], $0x9C00, $0x38;
	[tilespmem:$0x16460] =	vst v63  }
0x6b: {  	_ =	swait.ge [sflag:s8], $0x9C00  }
0x6c: {  	[sflag:s8] =	ssyncset.done $0x0  }
0x6d: {  	s20 =	simm.s32 $0x0;
	[sflag:s8] =	ssyncadd.s32 $0xFFFF6400  }
.LBB2_14:
0x6e: {  	s20 =	sadd.s32 $0x1, s20  }
0x6f: {  	p0 =	sne.s32 s20, $0x20  }
.Ltmp11:
0x70: {  	_ = 	snop;
	(pc) =	sbr.rel @!p0 .LBB2_15-.Ltmp11, $2  }
0x71: {  	_ =	sdelay $0x2  }
0x72: {  	s19 =	sadd.s32 $0x4E0, s19  }
.LBB2_10:
0x73: {  	s21 =	sadd.s32 s18, s20  }
0x74: {  	p0 =	sge.s32 s21, s14  }
.Ltmp12:
0x75: {  	_ = 	snop;
	(pc) =	sbr.rel @p0 .LBB2_14-.Ltmp12, $1  }
0x76: {  	_ =	sdelay $0x3  }
0x77: {  	s21 =	simm.s32 $0x0;
	s23 =	sadd.s32 $0x0, s19;
	s22 =	simm.s32 $0x40  }
.LBB2_12:
0x78: {  	p0 =	sne.s32 s22, $0x1340;
	v1 =	vld [tilespmem:s23+$0x0]  }
0x79: {  	v2 =	vld [tilespmem:s21+$0x15F80];
	_ =	sdelay $0x1  }
.Ltmp13:
0x7a: {  	(pc) =	sbr.rel @p0 .LBB2_12-.Ltmp13, $3  }
0x7b: {  	_ =	sdelay $0x1  }
0x7c: {  	s24 =	sshra.s32 s22, $0x2;
	v1 =	vmax.f32 v2, v1  }
0x7d: {  	s22 =	sadd.s32 $0x40, s22;
	s23 =	sadd.s32 s24, s19;
	[tilespmem:s21+$0x15F80] =	vst v1;
	s21 =	smov.u32 s24  }
0x7e: {  	v1 =	vld [tilespmem:s23+$0x0]  }
0x7f: {  	v2 =	vld [tilespmem:s21+$0x15F80];
	_ =	sdelay $0x1  }
.Ltmp14:
0x80: {  	_ = 	snop;
	(pc) =	sbr.rel .LBB2_14-.Ltmp14, $3  }
0x81: {  	_ =	sdelay $0x1  }
0x82: {  	v1 =	vmax.f32 v2, v1  }
0x83: {  	[tilespmem:s21+$0x15F80] =	vst v1  }
.LBB2_18:
0x84: {  	_ =	sfence.sel $0x180000  }
0x85: {  	[bflag:$0x0] =	sbarrier.arrive $0xFFFF  }
0x86: {  	p0 =	sne.s32 s2, $0x0;
	_ =	strace $0x90000059  }
0x87: {  	s0 =	sadd.s32 @!p0 $0x100000, s0;
	[bflag:$0x2] =	sbarrier.arrive $0xFFFF  }
0x88: {  	[sflag:s0] =	ssyncadd.tile.s32 @!p0 $0x1;
	_ =	shalt  }
.Lfunc_end2:
_tile_overlayer_lowered:
.L_overlay_start_2:
0x89: {  	(tag) =	ssettag $0x2  }
0x8a: {  	s0 =	rddreg [dreg:$0x0];
	s2 =	stileid.u32  }
0x8b: {  	s1 =	rddreg [dreg:$0x1];
	p0 =	sne.s32 s2, $0x0  }
0x8c: {  	s3 =	rddreg [dreg:$0x2];
	[bflag:$0x3] =	sbarrier.arrive $0xFFFF;
	s2 =	simm.s32 @!p0 $0x1C01  }
0x8d: {  	[timem:s3], [sflag:s2] =	dma.local @!p0 [hbm:s0], s1  }
0x8e: {  	s0 =	simm.s32 @!p0 $0x1  }
0x8f: {  	_ =	swait.ge @!p0 [sflag:s0], s1  }
0x90: {  	s1 =	ssub.s32 @!p0 $0x0, s1;
	[sflag:s0] =	ssyncset.done @!p0 $0x0  }
0x91: {  	[sflag:s0] =	ssyncadd.s32 @!p0 s1  }
0x92: {  	[bflag:$0x3] =	sbarrier.arrive $0xFFFF  }
0x93: {  	_ =	shalt  }

</sc_bundles>
